<compile_context>
chip_gen: v7x
topology: tpu7x:2x2x1
jax: 0.10.2.dev20260603
libtpu: 0.0.44.dev20260713+nightly
codegen_flags: <defaults>
</compile_context>

<pallas_src>
import functools

import jax
import jax.numpy as jnp
import numpy as np
from jax import lax
from jax.experimental import pallas as pl
from jax.experimental.pallas import tpu as pltpu
from jax.experimental.pallas import tpu_sc as plsc

D = 256
NL = 4
NH = 8
NP = 4
DH = 32
LQ = 4096
LEN = 16384
NROWS = LEN * NH
NTERM = NL * NP * 4
NWK = 32
RPT = NROWS // NWK
G = 16
CH = G * NTERM
NIT = RPT // G



def _mm_body(x_ref, w_ref, b_ref, o_ref):
    o_ref[...] = jnp.dot(x_ref[...], w_ref[...],
                         preferred_element_type=jnp.float32) + b_ref[...]


def _mm(x, w_t, b, bm=2048):
    m, k = x.shape
    n = w_t.shape[1]
    return pl.pallas_call(
        _mm_body,
        grid=(m // bm,),
        in_specs=[pl.BlockSpec((bm, k), lambda i: (i, 0)),
                  pl.BlockSpec((k, n), lambda i: (0, 0)),
                  pl.BlockSpec((1, n), lambda i: (0, 0))],
        out_specs=pl.BlockSpec((bm, n), lambda i: (i, 0)),
        out_shape=jax.ShapeDtypeStruct((m, n), jnp.float32),
    )(x, w_t, b[None])


def _proj_body(q_ref, w_ref, b_ref, o_ref):
    o_ref[0] = jnp.dot(q_ref[0], w_ref[0],
                       preferred_element_type=jnp.float32) + b_ref[0]


def _proj(q, w_t, b, bm=2048):
    p = w_t.shape[2]
    return pl.pallas_call(
        _proj_body,
        grid=(NL, LEN // bm),
        in_specs=[pl.BlockSpec((1, bm, D), lambda i, m: (i, m, 0)),
                  pl.BlockSpec((1, D, p), lambda i, m: (i, 0, 0)),
                  pl.BlockSpec((1, 1, p), lambda i, m: (i, 0, 0))],
        out_specs=pl.BlockSpec((1, bm, p), lambda i, m: (i, m, 0)),
        out_shape=jax.ShapeDtypeStruct((NL, LEN, p), jnp.float32),
    )(q, w_t, b)



def _idxw_body(offx_ref, offy_ref, attl_ref, rpx_ref, rpy_ref,
               i00_ref, i01_ref, i10_ref, i11_ref,
               w00_ref, w01_ref, w10_ref, w11_ref):
    f32 = jnp.float32
    x = rpx_ref[...] * 64.0 + offx_ref[...] - 0.5
    y = rpy_ref[...] * 64.0 + offy_ref[...] - 0.5
    x0f = jnp.floor(x)
    y0f = jnp.floor(y)
    fx = x - x0f
    fy = y - y0f
    x0 = x0f.astype(jnp.int32)
    y0 = y0f.astype(jnp.int32)
    x1 = x0 + 1
    y1 = y0 + 1
    vx0 = ((x0 >= 0) & (x0 < 64)).astype(f32)
    vx1 = ((x1 >= 0) & (x1 < 64)).astype(f32)
    vy0 = ((y0 >= 0) & (y0 < 64)).astype(f32)
    vy1 = ((y1 >= 0) & (y1 < 64)).astype(f32)
    xc0 = jnp.clip(x0, 0, 63)
    xc1 = jnp.clip(x1, 0, 63)
    yc0 = jnp.clip(y0, 0, 63)
    yc1 = jnp.clip(y1, 0, 63)
    a = attl_ref[...]
    bm = a.shape[0]
    a3 = a.reshape(bm, NH, NL * NP)
    mx = jnp.max(a3, axis=-1, keepdims=True)
    e = jnp.exp(a3 - mx)
    s = jnp.sum(e, axis=-1, keepdims=True)
    aw = (e / s).reshape(bm, 128)
    col = lax.broadcasted_iota(jnp.int32, (bm, 128), 1)
    hh = col // 16
    jj = (col // 4) % 4
    base = jj * 4096
    n = bm * 128
    i00_ref[...] = ((base + yc0 * 64 + xc0) * 8 + hh).reshape(n)
    i01_ref[...] = ((base + yc0 * 64 + xc1) * 8 + hh).reshape(n)
    i10_ref[...] = ((base + yc1 * 64 + xc0) * 8 + hh).reshape(n)
    i11_ref[...] = ((base + yc1 * 64 + xc1) * 8 + hh).reshape(n)
    wx0 = (1.0 - fx) * vx0
    wx1 = fx * vx1
    wy0 = (1.0 - fy) * vy0
    wy1 = fy * vy1
    w00_ref[...] = (aw * wy0 * wx0).reshape(n)
    w01_ref[...] = (aw * wy0 * wx1).reshape(n)
    w10_ref[...] = (aw * wy1 * wx0).reshape(n)
    w11_ref[...] = (aw * wy1 * wx1).reshape(n)


def _idxw(offx, offy, attl, rpx, rpy, bm=1024):
    spec = pl.BlockSpec((bm, 128), lambda i: (i, 0))
    ospec = pl.BlockSpec((bm * 128,), lambda i: (i,))
    shp_i = jax.ShapeDtypeStruct((LEN * 128,), jnp.int32)
    shp_f = jax.ShapeDtypeStruct((LEN * 128,), jnp.float32)
    return pl.pallas_call(
        _idxw_body,
        grid=(LEN // bm,),
        in_specs=[spec] * 5,
        out_specs=[ospec] * 8,
        out_shape=[shp_i] * 4 + [shp_f] * 4,
    )(offx, offy, attl, rpx, rpy)



SEG = G * 16


def _sc_body(refs):
    (i00, i01, i10, i11, w00, w01, w10, w11, tab_hbm, out_hbm,
     idx_v, w_v, g_v, o_v, lsem, gsem, osem) = refs
    idx_hbms = (i00, i01, i10, i11)
    w_hbms = (w00, w01, w10, w11)
    wid = lax.axis_index("s") * 2 + lax.axis_index("c")

    def clampit(it):
        return jnp.minimum(it, NIT - 1)

    def load_cps(it, s):
        off = (wid * RPT + clampit(it) * G) * 16
        cps = []
        for c in range(4):
            cps.append(pltpu.make_async_copy(
                idx_hbms[c].at[pl.ds(off, SEG)],
                idx_v[s].at[pl.ds(c * SEG, SEG)], lsem[s]))
            cps.append(pltpu.make_async_copy(
                w_hbms[c].at[pl.ds(off, SEG)],
                w_v[s].at[pl.ds(c * SEG, SEG)], lsem[s]))
        return cps

    def gather_cps(s):
        return [pltpu.make_async_copy(
            tab_hbm.at[idx_v[s].at[pl.ds(k * 128, 128)]],
            g_v[s].at[pl.ds(k * 128, 128)], gsem[s]) for k in range(CH // 128)]

    def out_cp(it, s):
        return pltpu.make_async_copy(
            o_v[s], out_hbm.at[pl.ds(wid * RPT + clampit(it) * G, G)], osem[s])

    def compute(s):
        def row_body(g, carry2):
            acc0 = jnp.zeros((16,), jnp.float32)
            acc1 = jnp.zeros((16,), jnp.float32)
            for c in range(4):
                base = c * SEG + g * 16
                wch = w_v[s][pl.ds(base, 16)]
                for u in range(16):
                    r = base + u
                    wv = jnp.full((16,), wch[u], jnp.float32)
                    ga, gb = plsc.unpack(g_v[s][r, :],
                                         format=plsc.PackFormat.INTERLEAVED,
                                         preferred_element_type=jnp.float32)
                    acc0 = acc0 + wv * ga
                    acc1 = acc1 + wv * gb
            o_v[s][g, pl.ds(0, 16)] = acc0
            o_v[s][g, pl.ds(16, 16)] = acc1
            return carry2

        lax.fori_loop(0, G, row_body, 0, unroll=False)

    for cp in load_cps(0, 0):
        cp.start()
    for cp in load_cps(1, 1):
        cp.start()
    for cp in load_cps(0, 0):
        cp.wait()
    for cp in gather_cps(0):
        cp.start()

    def step(it, b):
        nb = 1 - b
        for cp in load_cps(it + 1, nb):
            cp.wait()
        for cp in gather_cps(nb):
            cp.start()
        for cp in gather_cps(b):
            cp.wait()

        @pl.when(it >= 2)
        def _():
            out_cp(it - 2, b).wait()

        compute(b)
        for cp in load_cps(it + 2, b):
            cp.start()
        out_cp(it, b).start()

    def steady(ii, carry):
        step(ii * 2, 0)
        step(ii * 2 + 1, 1)
        return carry

    lax.fori_loop(0, NIT // 2, steady, 0, unroll=False)

    for cp in load_cps(NIT + 1, 1):
        cp.wait()
    for cp in gather_cps(0):
        cp.wait()
    out_cp(NIT - 2, 0).wait()
    out_cp(NIT - 1, 1).wait()


@functools.partial(
    pl.kernel,
    out_type=jax.ShapeDtypeStruct((NROWS, DH), jnp.float32),
    mesh=plsc.VectorSubcoreMesh(core_axis_name="c", subcore_axis_name="s"),
    compiler_params=pltpu.CompilerParams(use_tc_tiling_on_sc=False,
                                         needs_layout_passes=False),
    scratch_types=(
        [pltpu.VMEM((CH,), jnp.int32)] * 2
        + [pltpu.VMEM((CH,), jnp.float32)] * 2
        + [pltpu.VMEM((CH, DH), jnp.bfloat16)] * 2
        + [pltpu.VMEM((G, DH), jnp.float32)] * 2
        + [pltpu.SemaphoreType.DMA] * 6
    ),
)
def _sc_gather(*refs):
    _sc_body(refs[:10] + tuple(refs[10 + 2 * k:12 + 2 * k] for k in range(7)))



def kernel(seq_query, reference_points, input_flatten, input_spatial_shapes,
           input_level_start_index, samp_w, samp_b, attn_w, attn_b,
           value_w, value_b, out_w, out_b):
    del input_spatial_shapes, input_level_start_index
    value = _mm(input_flatten[0], value_w.T, value_b)
    q_all = seq_query.reshape(NL, LEN, D)
    w_proj = jnp.concatenate([samp_w, attn_w], axis=1)
    b_proj = jnp.concatenate([samp_b, attn_b], axis=1)[:, None, :]
    proj = _proj(q_all, jnp.swapaxes(w_proj, 1, 2), b_proj)

    offs = proj[:, :, :64].reshape(NL, NL, LQ, NH, NP, 2)
    offs = offs.transpose(0, 2, 3, 1, 4, 5)
    offx = offs[..., 0].reshape(LEN, 128)
    offy = offs[..., 1].reshape(LEN, 128)
    attl = (proj[:, :, 64:].reshape(NL, NL, LQ, NH, NP)
            .transpose(0, 2, 3, 1, 4).reshape(LEN, 128))
    rp = reference_points[0]
    rpx = jnp.broadcast_to(rp[:, None, :, None, 0],
                           (LEN, NH, NL, NP)).reshape(LEN, 128)
    rpy = jnp.broadcast_to(rp[:, None, :, None, 1],
                           (LEN, NH, NL, NP)).reshape(LEN, 128)

    iw = _idxw(offx, offy, attl, rpx, rpy)

    table = value.reshape(NROWS, DH).astype(jnp.bfloat16)
    sampled = _sc_gather(*iw, table)

    perm = np.concatenate(
        [h * DH + np.concatenate([np.arange(16) * 2, np.arange(16) * 2 + 1])
         for h in range(NH)])
    out = _mm(sampled.reshape(LEN, D), out_w.T[perm], out_b)
    return out[None]

# --- scband reference (transcript-rebuilt; emitter-appended) ---
"""Pipeline reference for scband-msdeform-attn-statrans-v2-51582557225487 (READ-ONLY COPY).

The authoritative reference and input builder live on the scoring server;
editing this copy changes nothing except your own understanding.
"""

import jax, jax.numpy as jnp
import numpy as np

D_MODEL = 256
N_LEVELS = 4
N_HEADS = 8
N_POINTS = 4
DH = D_MODEL // N_HEADS
N = 1
H = 64
W = 64
LQ = H * W
LEN_IN = LQ * N_LEVELS


def setup_inputs(seed: int = 0):
    key = jax.random.key(seed)
    ks = jax.random.split(key, 16)
    inp = {}
    inp['seq_query'] = jax.random.normal(ks[0], (N_LEVELS, N_LEVELS, N, LQ, D_MODEL), dtype=jnp.float32)
    inp['reference_points'] = jax.random.uniform(ks[1], (N, LEN_IN, N_LEVELS, 2), dtype=jnp.float32)
    inp['input_flatten'] = jax.random.normal(ks[2], (N, LEN_IN, D_MODEL), dtype=jnp.float32)
    inp['input_spatial_shapes'] = jnp.full((N_LEVELS, 2), H, dtype=jnp.int32)
    sizes = np.full((N_LEVELS,), LQ, dtype=np.int64)
    inp['input_level_start_index'] = jnp.asarray(np.concatenate([[0], np.cumsum(sizes)[:-1]]), dtype=jnp.int32)
    inp['samp_w'] = jax.random.normal(ks[3], (N_LEVELS, N_HEADS * N_POINTS * 2, D_MODEL), dtype=jnp.float32) * 0.01
    thetas = jnp.arange(N_HEADS, dtype=jnp.float32) * (2.0 * np.pi / N_HEADS)
    grid = jnp.stack([jnp.cos(thetas), jnp.sin(thetas)], -1)
    grid = grid / jnp.max(jnp.abs(grid), axis=-1, keepdims=True)
    grid = jnp.tile(grid[:, None, None, :], (1, 1, N_POINTS, 1)) * (jnp.arange(N_POINTS, dtype=jnp.float32) + 1.0)[None, None, :, None]
    inp['samp_b'] = jnp.tile(grid.reshape(1, -1), (N_LEVELS, 1))
    inp['attn_w'] = jax.random.normal(ks[4], (N_LEVELS, N_HEADS * N_POINTS, D_MODEL), dtype=jnp.float32) * 0.01
    inp['attn_b'] = jnp.zeros((N_LEVELS, N_HEADS * N_POINTS), dtype=jnp.float32)
    inp['value_w'] = jax.random.normal(ks[5], (D_MODEL, D_MODEL), dtype=jnp.float32) * (1.0 / np.sqrt(D_MODEL))
    inp['value_b'] = jnp.zeros((D_MODEL,), dtype=jnp.float32)
    inp['out_w'] = jax.random.normal(ks[6], (D_MODEL, D_MODEL), dtype=jnp.float32) * (1.0 / np.sqrt(D_MODEL))
    inp['out_b'] = jnp.zeros((D_MODEL,), dtype=jnp.float32)
    return inp


def _ms_deform_attn_core(value, shapes, sampling_locations, attention_weights):
    N_, Len_in, nH, Dh = value.shape
    n_levels = shapes.shape[0]
    level_size = Len_in // n_levels
    splits = [level_size * k for k in range(1, n_levels)]
    value_list = jnp.split(value, splits, axis=1)
    Lq = sampling_locations.shape[1]
    out = jnp.zeros((N_, Lq, nH, Dh), dtype=value.dtype)
    for lid in range(n_levels):
        Hl = shapes[lid, 0]
        Wl = shapes[lid, 1]
        Hl_f = Hl.astype(value.dtype)
        Wl_f = Wl.astype(value.dtype)
        v = value_list[lid].reshape(N_, level_size, nH, Dh).transpose(0, 2, 1, 3)
        loc = sampling_locations[:, :, :, lid]
        x = loc[..., 0] * Wl_f - 0.5
        y = loc[..., 1] * Hl_f - 0.5
        x0 = jnp.floor(x)
        y0 = jnp.floor(y)
        P = loc.shape[3]

        def gather(xi, yi):
            xi_i = xi.astype(jnp.int32)
            yi_i = yi.astype(jnp.int32)
            valid = ((xi_i >= 0) & (xi_i < Wl) & (yi_i >= 0) & (yi_i < Hl)).astype(value.dtype)
            xc = jnp.clip(xi_i, 0, Wl - 1)
            yc = jnp.clip(yi_i, 0, Hl - 1)
            idx = (yc * Wl + xc).transpose(0, 2, 1, 3).reshape(N_, nH, Lq * P)
            g = jnp.take_along_axis(v, idx[..., None], axis=2)
            g = g.reshape(N_, nH, Lq, P, Dh).transpose(0, 2, 1, 3, 4)
            return g * valid[..., None]

        wx1 = (x - x0)[..., None]
        wx0 = 1.0 - wx1
        wy1 = (y - y0)[..., None]
        wy0 = 1.0 - wy1
        sampled = (gather(x0, y0) * wy0 * wx0 + gather(x0 + 1.0, y0) * wy0 * wx1
                   + gather(x0, y0 + 1.0) * wy1 * wx0 + gather(x0 + 1.0, y0 + 1.0) * wy1 * wx1)
        out = out + (sampled * attention_weights[:, :, :, lid, :, None]).sum(axis=3)
    return out.reshape(N_, Lq, nH * Dh)


def _forward(seq_query, reference_points, input_flatten, shapes,
             samp_w, samp_b, attn_w, attn_b, value_w, value_b, out_w, out_b):
    N_, Len_in, _ = input_flatten.shape
    Len_q = Len_in // N_LEVELS
    value = input_flatten @ value_w.T + value_b
    value = value.reshape(N_, Len_in, N_HEADS, D_MODEL // N_HEADS)
    off_list = []
    aw_list = []
    for i in range(N_LEVELS):
        so = []
        mk = []
        for j in range(N_LEVELS):
            q = seq_query[i, j]
            so.append((q @ samp_w[i].T + samp_b[i]).reshape(N_, Len_q, N_HEADS, 1, N_POINTS, 2))
            mk.append((q @ attn_w[i].T + attn_b[i]).reshape(N_, Len_q, N_HEADS, N_POINTS))
        off_list.append(jnp.concatenate(so, axis=-3))
        aw_list.append(jnp.concatenate(mk, axis=-1))
    sampling_offsets = jnp.concatenate(off_list, axis=1)
    attention_weights = jnp.concatenate(aw_list, axis=1)
    attention_weights = jax.nn.softmax(attention_weights, axis=-1).reshape(N_, Len_in, N_HEADS, N_LEVELS, N_POINTS)
    offset_normalizer = jnp.stack([shapes[:, 1], shapes[:, 0]], -1).astype(jnp.float32)
    sampling_locations = reference_points[:, :, None, :, None, :] + sampling_offsets / offset_normalizer[None, None, None, :, None, :]
    output = _ms_deform_attn_core(value, shapes, sampling_locations, attention_weights)
    return output @ out_w.T + out_b


def reference(seq_query, reference_points, input_flatten, input_spatial_shapes, input_level_start_index,
              samp_w, samp_b, attn_w, attn_b, value_w, value_b, out_w, out_b):
    del input_level_start_index
    return _forward(seq_query, reference_points, input_flatten, input_spatial_shapes,
                    samp_w, samp_b, attn_w, attn_b, value_w, value_b, out_w, out_b)

if __name__ == "__main__":
    import jax
    _d = setup_inputs()
    print(jax.jit(kernel)(*tuple(_d.values())))

</pallas_src>

<mosaic_0001>
#map = affine_map<(d0, d1) -> (0)>
#map1 = affine_map<(d0, d1) -> (0, 0)>
module attributes {stable_mosaic.version = 14 : i64} {
  func.func @_sc_gather(%arg0: i32, %arg1: i32, %arg2: memref<2097152xi32, #tpu.memory_space<hbm>>, %arg3: memref<2097152xi32, #tpu.memory_space<hbm>>, %arg4: memref<2097152xi32, #tpu.memory_space<hbm>>, %arg5: memref<2097152xi32, #tpu.memory_space<hbm>>, %arg6: memref<2097152xf32, #tpu.memory_space<hbm>>, %arg7: memref<2097152xf32, #tpu.memory_space<hbm>>, %arg8: memref<2097152xf32, #tpu.memory_space<hbm>>, %arg9: memref<2097152xf32, #tpu.memory_space<hbm>>, %arg10: memref<131072x32xbf16, #tpu.memory_space<hbm>>, %arg11: memref<131072x32xf32, #tpu.memory_space<hbm>>, %arg12: memref<1024xi32, #tpu.memory_space<vmem>>, %arg13: memref<1024xi32, #tpu.memory_space<vmem>>, %arg14: memref<1024xf32, #tpu.memory_space<vmem>>, %arg15: memref<1024xf32, #tpu.memory_space<vmem>>, %arg16: memref<1024x32xbf16, #tpu.memory_space<vmem>>, %arg17: memref<1024x32xbf16, #tpu.memory_space<vmem>>, %arg18: memref<16x32xf32, #tpu.memory_space<vmem>>, %arg19: memref<16x32xf32, #tpu.memory_space<vmem>>, %arg20: memref<!tpu.dma_semaphore, #tpu.memory_space<semaphore_mem>>, %arg21: memref<!tpu.dma_semaphore, #tpu.memory_space<semaphore_mem>>, %arg22: memref<!tpu.dma_semaphore, #tpu.memory_space<semaphore_mem>>, %arg23: memref<!tpu.dma_semaphore, #tpu.memory_space<semaphore_mem>>, %arg24: memref<!tpu.dma_semaphore, #tpu.memory_space<semaphore_mem>>, %arg25: memref<!tpu.dma_semaphore, #tpu.memory_space<semaphore_mem>>) attributes {dimension_semantics = [#tpu.dimension_semantics<core_parallel>, #tpu.dimension_semantics<subcore_parallel>], iteration_bounds = array<i64: 2, 16>, scalar_prefetch = 0 : i64, scratch_operands = 14 : i64, tpu.core_type = #tpu.core_type<sc_vector_subcore>, window_params = [{transform_indices = #map}, {transform_indices = #map}, {transform_indices = #map}, {transform_indices = #map}, {transform_indices = #map}, {transform_indices = #map}, {transform_indices = #map}, {transform_indices = #map}, {transform_indices = #map1}, {transform_indices = #map1}]} {
    %mul3A = arith.constant 2 : i32
    %mul3A_0 = arith.muli %arg1, %mul3A : i32
    %add3A = arith.addi %mul3A_0, %arg0 : i32
    %mul3A_1 = arith.constant 4096 : i32
    %mul3A_2 = arith.muli %add3A, %mul3A_1 : i32
    %min3A = arith.constant 0 : i32
    %min3A_3 = arith.constant 255 : i32
    %min3A_4 = arith.minsi %min3A, %min3A_3 : i32
    %mul3A_5 = arith.constant 16 : i32
    %mul3A_6 = arith.muli %min3A_4, %mul3A_5 : i32
    %add3A_7 = arith.addi %mul3A_2, %mul3A_6 : i32
    %mul3A_8 = arith.constant 16 : i32
    %mul3A_9 = arith.muli %add3A_7, %mul3A_8 : i32
    %dma_start3A = arith.constant 0 : i32
    %dma_start3A_10 = tpu.memref_slice %arg12[%dma_start3A] : memref<1024xi32, #tpu.memory_space<vmem>> -> memref<256xi32, #tpu.memory_space<vmem>>
    %dma_start3A_11 = tpu.memref_slice %arg2[%mul3A_9] : memref<2097152xi32, #tpu.memory_space<hbm>> -> memref<256xi32, #tpu.memory_space<hbm>>
    %dma_start3A_12 = arith.constant 0 : i32
    %dma_start3A_13 = tpu.memref_slice %arg12[%dma_start3A_12] : memref<1024xi32, #tpu.memory_space<vmem>> -> memref<256xi32, #tpu.memory_space<vmem>>
    %dma_start3A_14 = tpu.memref_slice %arg2[%mul3A_9] : memref<2097152xi32, #tpu.memory_space<hbm>> -> memref<256xi32, #tpu.memory_space<hbm>>
    tpu.enqueue_dma source(%dma_start3A_14 : memref<256xi32, #tpu.memory_space<hbm>>) target(%dma_start3A_13 : memref<256xi32, #tpu.memory_space<vmem>>) target_semaphore(%arg20 : memref<!tpu.dma_semaphore, #tpu.memory_space<semaphore_mem>>)
    %dma_start3A_15 = arith.constant 0 : i32
    %dma_start3A_16 = tpu.memref_slice %arg14[%dma_start3A_15] : memref<1024xf32, #tpu.memory_space<vmem>> -> memref<256xf32, #tpu.memory_space<vmem>>
    %dma_start3A_17 = tpu.memref_slice %arg6[%mul3A_9] : memref<2097152xf32, #tpu.memory_space<hbm>> -> memref<256xf32, #tpu.memory_space<hbm>>
    %dma_start3A_18 = arith.constant 0 : i32
    %dma_start3A_19 = tpu.memref_slice %arg14[%dma_start3A_18] : memref<1024xf32, #tpu.memory_space<vmem>> -> memref<256xf32, #tpu.memory_space<vmem>>
    %dma_start3A_20 = tpu.memref_slice %arg6[%mul3A_9] : memref<2097152xf32, #tpu.memory_space<hbm>> -> memref<256xf32, #tpu.memory_space<hbm>>
    tpu.enqueue_dma source(%dma_start3A_20 : memref<256xf32, #tpu.memory_space<hbm>>) target(%dma_start3A_19 : memref<256xf32, #tpu.memory_space<vmem>>) target_semaphore(%arg20 : memref<!tpu.dma_semaphore, #tpu.memory_space<semaphore_mem>>)
    %dma_start3A_21 = arith.constant 256 : i32
    %dma_start3A_22 = tpu.memref_slice %arg12[%dma_start3A_21] : memref<1024xi32, #tpu.memory_space<vmem>> -> memref<256xi32, #tpu.memory_space<vmem>>
    %dma_start3A_23 = tpu.memref_slice %arg3[%mul3A_9] : memref<2097152xi32, #tpu.memory_space<hbm>> -> memref<256xi32, #tpu.memory_space<hbm>>
    %dma_start3A_24 = arith.constant 256 : i32
    %dma_start3A_25 = tpu.memref_slice %arg12[%dma_start3A_24] : memref<1024xi32, #tpu.memory_space<vmem>> -> memref<256xi32, #tpu.memory_space<vmem>>
    %dma_start3A_26 = tpu.memref_slice %arg3[%mul3A_9] : memref<2097152xi32, #tpu.memory_space<hbm>> -> memref<256xi32, #tpu.memory_space<hbm>>
    tpu.enqueue_dma source(%dma_start3A_26 : memref<256xi32, #tpu.memory_space<hbm>>) target(%dma_start3A_25 : memref<256xi32, #tpu.memory_space<vmem>>) target_semaphore(%arg20 : memref<!tpu.dma_semaphore, #tpu.memory_space<semaphore_mem>>)
    %dma_start3A_27 = arith.constant 256 : i32
    %dma_start3A_28 = tpu.memref_slice %arg14[%dma_start3A_27] : memref<1024xf32, #tpu.memory_space<vmem>> -> memref<256xf32, #tpu.memory_space<vmem>>
    %dma_start3A_29 = tpu.memref_slice %arg7[%mul3A_9] : memref<2097152xf32, #tpu.memory_space<hbm>> -> memref<256xf32, #tpu.memory_space<hbm>>
    %dma_start3A_30 = arith.constant 256 : i32
    %dma_start3A_31 = tpu.memref_slice %arg14[%dma_start3A_30] : memref<1024xf32, #tpu.memory_space<vmem>> -> memref<256xf32, #tpu.memory_space<vmem>>
    %dma_start3A_32 = tpu.memref_slice %arg7[%mul3A_9] : memref<2097152xf32, #tpu.memory_space<hbm>> -> memref<256xf32, #tpu.memory_space<hbm>>
    tpu.enqueue_dma source(%dma_start3A_32 : memref<256xf32, #tpu.memory_space<hbm>>) target(%dma_start3A_31 : memref<256xf32, #tpu.memory_space<vmem>>) target_semaphore(%arg20 : memref<!tpu.dma_semaphore, #tpu.memory_space<semaphore_mem>>)
    %dma_start3A_33 = arith.constant 512 : i32
    %dma_start3A_34 = tpu.memref_slice %arg12[%dma_start3A_33] : memref<1024xi32, #tpu.memory_space<vmem>> -> memref<256xi32, #tpu.memory_space<vmem>>
    %dma_start3A_35 = tpu.memref_slice %arg4[%mul3A_9] : memref<2097152xi32, #tpu.memory_space<hbm>> -> memref<256xi32, #tpu.memory_space<hbm>>
    %dma_start3A_36 = arith.constant 512 : i32
    %dma_start3A_37 = tpu.memref_slice %arg12[%dma_start3A_36] : memref<1024xi32, #tpu.memory_space<vmem>> -> memref<256xi32, #tpu.memory_space<vmem>>
    %dma_start3A_38 = tpu.memref_slice %arg4[%mul3A_9] : memref<2097152xi32, #tpu.memory_space<hbm>> -> memref<256xi32, #tpu.memory_space<hbm>>
    tpu.enqueue_dma source(%dma_start3A_38 : memref<256xi32, #tpu.memory_space<hbm>>) target(%dma_start3A_37 : memref<256xi32, #tpu.memory_space<vmem>>) target_semaphore(%arg20 : memref<!tpu.dma_semaphore, #tpu.memory_space<semaphore_mem>>)
    %dma_start3A_39 = arith.constant 512 : i32
    %dma_start3A_40 = tpu.memref_slice %arg14[%dma_start3A_39] : memref<1024xf32, #tpu.memory_space<vmem>> -> memref<256xf32, #tpu.memory_space<vmem>>
    %dma_start3A_41 = tpu.memref_slice %arg8[%mul3A_9] : memref<2097152xf32, #tpu.memory_space<hbm>> -> memref<256xf32, #tpu.memory_space<hbm>>
    %dma_start3A_42 = arith.constant 512 : i32
    %dma_start3A_43 = tpu.memref_slice %arg14[%dma_start3A_42] : memref<1024xf32, #tpu.memory_space<vmem>> -> memref<256xf32, #tpu.memory_space<vmem>>
    %dma_start3A_44 = tpu.memref_slice %arg8[%mul3A_9] : memref<2097152xf32, #tpu.memory_space<hbm>> -> memref<256xf32, #tpu.memory_space<hbm>>
    tpu.enqueue_dma source(%dma_start3A_44 : memref<256xf32, #tpu.memory_space<hbm>>) target(%dma_start3A_43 : memref<256xf32, #tpu.memory_space<vmem>>) target_semaphore(%arg20 : memref<!tpu.dma_semaphore, #tpu.memory_space<semaphore_mem>>)
    %dma_start3A_45 = arith.constant 768 : i32
    %dma_start3A_46 = tpu.memref_slice %arg12[%dma_start3A_45] : memref<1024xi32, #tpu.memory_space<vmem>> -> memref<256xi32, #tpu.memory_space<vmem>>
    %dma_start3A_47 = tpu.memref_slice %arg5[%mul3A_9] : memref<2097152xi32, #tpu.memory_space<hbm>> -> memref<256xi32, #tpu.memory_space<hbm>>
    %dma_start3A_48 = arith.constant 768 : i32
    %dma_start3A_49 = tpu.memref_slice %arg12[%dma_start3A_48] : memref<1024xi32, #tpu.memory_space<vmem>> -> memref<256xi32, #tpu.memory_space<vmem>>
    %dma_start3A_50 = tpu.memref_slice %arg5[%mul3A_9] : memref<2097152xi32, #tpu.memory_space<hbm>> -> memref<256xi32, #tpu.memory_space<hbm>>
    tpu.enqueue_dma source(%dma_start3A_50 : memref<256xi32, #tpu.memory_space<hbm>>) target(%dma_start3A_49 : memref<256xi32, #tpu.memory_space<vmem>>) target_semaphore(%arg20 : memref<!tpu.dma_semaphore, #tpu.memory_space<semaphore_mem>>)
    %dma_start3A_51 = arith.constant 768 : i32
    %dma_start3A_52 = tpu.memref_slice %arg14[%dma_start3A_51] : memref<1024xf32, #tpu.memory_space<vmem>> -> memref<256xf32, #tpu.memory_space<vmem>>
    %dma_start3A_53 = tpu.memref_slice %arg9[%mul3A_9] : memref<2097152xf32, #tpu.memory_space<hbm>> -> memref<256xf32, #tpu.memory_space<hbm>>
    %dma_start3A_54 = arith.constant 768 : i32
    %dma_start3A_55 = tpu.memref_slice %arg14[%dma_start3A_54] : memref<1024xf32, #tpu.memory_space<vmem>> -> memref<256xf32, #tpu.memory_space<vmem>>
    %dma_start3A_56 = tpu.memref_slice %arg9[%mul3A_9] : memref<2097152xf32, #tpu.memory_space<hbm>> -> memref<256xf32, #tpu.memory_space<hbm>>
    tpu.enqueue_dma source(%dma_start3A_56 : memref<256xf32, #tpu.memory_space<hbm>>) target(%dma_start3A_55 : memref<256xf32, #tpu.memory_space<vmem>>) target_semaphore(%arg20 : memref<!tpu.dma_semaphore, #tpu.memory_space<semaphore_mem>>)
    %mul3A_57 = arith.constant 4096 : i32
    %mul3A_58 = arith.muli %add3A, %mul3A_57 : i32
    %min3A_59 = arith.constant 1 : i32
    %min3A_60 = arith.constant 255 : i32
    %min3A_61 = arith.minsi %min3A_59, %min3A_60 : i32
    %mul3A_62 = arith.constant 16 : i32
    %mul3A_63 = arith.muli %min3A_61, %mul3A_62 : i32
    %add3A_64 = arith.addi %mul3A_58, %mul3A_63 : i32
    %mul3A_65 = arith.constant 16 : i32
    %mul3A_66 = arith.muli %add3A_64, %mul3A_65 : i32
    %dma_start3A_67 = arith.constant 0 : i32
    %dma_start3A_68 = tpu.memref_slice %arg13[%dma_start3A_67] : memref<1024xi32, #tpu.memory_space<vmem>> -> memref<256xi32, #tpu.memory_space<vmem>>
    %dma_start3A_69 = tpu.memref_slice %arg2[%mul3A_66] : memref<2097152xi32, #tpu.memory_space<hbm>> -> memref<256xi32, #tpu.memory_space<hbm>>
    %dma_start3A_70 = arith.constant 0 : i32
    %dma_start3A_71 = tpu.memref_slice %arg13[%dma_start3A_70] : memref<1024xi32, #tpu.memory_space<vmem>> -> memref<256xi32, #tpu.memory_space<vmem>>
    %dma_start3A_72 = tpu.memref_slice %arg2[%mul3A_66] : memref<2097152xi32, #tpu.memory_space<hbm>> -> memref<256xi32, #tpu.memory_space<hbm>>
    tpu.enqueue_dma source(%dma_start3A_72 : memref<256xi32, #tpu.memory_space<hbm>>) target(%dma_start3A_71 : memref<256xi32, #tpu.memory_space<vmem>>) target_semaphore(%arg21 : memref<!tpu.dma_semaphore, #tpu.memory_space<semaphore_mem>>)
    %dma_start3A_73 = arith.constant 0 : i32
    %dma_start3A_74 = tpu.memref_slice %arg15[%dma_start3A_73] : memref<1024xf32, #tpu.memory_space<vmem>> -> memref<256xf32, #tpu.memory_space<vmem>>
    %dma_start3A_75 = tpu.memref_slice %arg6[%mul3A_66] : memref<2097152xf32, #tpu.memory_space<hbm>> -> memref<256xf32, #tpu.memory_space<hbm>>
    %dma_start3A_76 = arith.constant 0 : i32
    %dma_start3A_77 = tpu.memref_slice %arg15[%dma_start3A_76] : memref<1024xf32, #tpu.memory_space<vmem>> -> memref<256xf32, #tpu.memory_space<vmem>>
    %dma_start3A_78 = tpu.memref_slice %arg6[%mul3A_66] : memref<2097152xf32, #tpu.memory_space<hbm>> -> memref<256xf32, #tpu.memory_space<hbm>>
    tpu.enqueue_dma source(%dma_start3A_78 : memref<256xf32, #tpu.memory_space<hbm>>) target(%dma_start3A_77 : memref<256xf32, #tpu.memory_space<vmem>>) target_semaphore(%arg21 : memref<!tpu.dma_semaphore, #tpu.memory_space<semaphore_mem>>)
    %dma_start3A_79 = arith.constant 256 : i32
    %dma_start3A_80 = tpu.memref_slice %arg13[%dma_start3A_79] : memref<1024xi32, #tpu.memory_space<vmem>> -> memref<256xi32, #tpu.memory_space<vmem>>
    %dma_start3A_81 = tpu.memref_slice %arg3[%mul3A_66] : memref<2097152xi32, #tpu.memory_space<hbm>> -> memref<256xi32, #tpu.memory_space<hbm>>
    %dma_start3A_82 = arith.constant 256 : i32
    %dma_start3A_83 = tpu.memref_slice %arg13[%dma_start3A_82] : memref<1024xi32, #tpu.memory_space<vmem>> -> memref<256xi32, #tpu.memory_space<vmem>>
    %dma_start3A_84 = tpu.memref_slice %arg3[%mul3A_66] : memref<2097152xi32, #tpu.memory_space<hbm>> -> memref<256xi32, #tpu.memory_space<hbm>>
    tpu.enqueue_dma source(%dma_start3A_84 : memref<256xi32, #tpu.memory_space<hbm>>) target(%dma_start3A_83 : memref<256xi32, #tpu.memory_space<vmem>>) target_semaphore(%arg21 : memref<!tpu.dma_semaphore, #tpu.memory_space<semaphore_mem>>)
    %dma_start3A_85 = arith.constant 256 : i32
    %dma_start3A_86 = tpu.memref_slice %arg15[%dma_start3A_85] : memref<1024xf32, #tpu.memory_space<vmem>> -> memref<256xf32, #tpu.memory_space<vmem>>
    %dma_start3A_87 = tpu.memref_slice %arg7[%mul3A_66] : memref<2097152xf32, #tpu.memory_space<hbm>> -> memref<256xf32, #tpu.memory_space<hbm>>
    %dma_start3A_88 = arith.constant 256 : i32
    %dma_start3A_89 = tpu.memref_slice %arg15[%dma_start3A_88] : memref<1024xf32, #tpu.memory_space<vmem>> -> memref<256xf32, #tpu.memory_space<vmem>>
    %dma_start3A_90 = tpu.memref_slice %arg7[%mul3A_66] : memref<2097152xf32, #tpu.memory_space<hbm>> -> memref<256xf32, #tpu.memory_space<hbm>>
    tpu.enqueue_dma source(%dma_start3A_90 : memref<256xf32, #tpu.memory_space<hbm>>) target(%dma_start3A_89 : memref<256xf32, #tpu.memory_space<vmem>>) target_semaphore(%arg21 : memref<!tpu.dma_semaphore, #tpu.memory_space<semaphore_mem>>)
    %dma_start3A_91 = arith.constant 512 : i32
    %dma_start3A_92 = tpu.memref_slice %arg13[%dma_start3A_91] : memref<1024xi32, #tpu.memory_space<vmem>> -> memref<256xi32, #tpu.memory_space<vmem>>
    %dma_start3A_93 = tpu.memref_slice %arg4[%mul3A_66] : memref<2097152xi32, #tpu.memory_space<hbm>> -> memref<256xi32, #tpu.memory_space<hbm>>
    %dma_start3A_94 = arith.constant 512 : i32
    %dma_start3A_95 = tpu.memref_slice %arg13[%dma_start3A_94] : memref<1024xi32, #tpu.memory_space<vmem>> -> memref<256xi32, #tpu.memory_space<vmem>>
    %dma_start3A_96 = tpu.memref_slice %arg4[%mul3A_66] : memref<2097152xi32, #tpu.memory_space<hbm>> -> memref<256xi32, #tpu.memory_space<hbm>>
    tpu.enqueue_dma source(%dma_start3A_96 : memref<256xi32, #tpu.memory_space<hbm>>) target(%dma_start3A_95 : memref<256xi32, #tpu.memory_space<vmem>>) target_semaphore(%arg21 : memref<!tpu.dma_semaphore, #tpu.memory_space<semaphore_mem>>)
    %dma_start3A_97 = arith.constant 512 : i32
    %dma_start3A_98 = tpu.memref_slice %arg15[%dma_start3A_97] : memref<1024xf32, #tpu.memory_space<vmem>> -> memref<256xf32, #tpu.memory_space<vmem>>
    %dma_start3A_99 = tpu.memref_slice %arg8[%mul3A_66] : memref<2097152xf32, #tpu.memory_space<hbm>> -> memref<256xf32, #tpu.memory_space<hbm>>
    %dma_start3A_100 = arith.constant 512 : i32
    %dma_start3A_101 = tpu.memref_slice %arg15[%dma_start3A_100] : memref<1024xf32, #tpu.memory_space<vmem>> -> memref<256xf32, #tpu.memory_space<vmem>>
    %dma_start3A_102 = tpu.memref_slice %arg8[%mul3A_66] : memref<2097152xf32, #tpu.memory_space<hbm>> -> memref<256xf32, #tpu.memory_space<hbm>>
    tpu.enqueue_dma source(%dma_start3A_102 : memref<256xf32, #tpu.memory_space<hbm>>) target(%dma_start3A_101 : memref<256xf32, #tpu.memory_space<vmem>>) target_semaphore(%arg21 : memref<!tpu.dma_semaphore, #tpu.memory_space<semaphore_mem>>)
    %dma_start3A_103 = arith.constant 768 : i32
    %dma_start3A_104 = tpu.memref_slice %arg13[%dma_start3A_103] : memref<1024xi32, #tpu.memory_space<vmem>> -> memref<256xi32, #tpu.memory_space<vmem>>
    %dma_start3A_105 = tpu.memref_slice %arg5[%mul3A_66] : memref<2097152xi32, #tpu.memory_space<hbm>> -> memref<256xi32, #tpu.memory_space<hbm>>
    %dma_start3A_106 = arith.constant 768 : i32
    %dma_start3A_107 = tpu.memref_slice %arg13[%dma_start3A_106] : memref<1024xi32, #tpu.memory_space<vmem>> -> memref<256xi32, #tpu.memory_space<vmem>>
    %dma_start3A_108 = tpu.memref_slice %arg5[%mul3A_66] : memref<2097152xi32, #tpu.memory_space<hbm>> -> memref<256xi32, #tpu.memory_space<hbm>>
    tpu.enqueue_dma source(%dma_start3A_108 : memref<256xi32, #tpu.memory_space<hbm>>) target(%dma_start3A_107 : memref<256xi32, #tpu.memory_space<vmem>>) target_semaphore(%arg21 : memref<!tpu.dma_semaphore, #tpu.memory_space<semaphore_mem>>)
    %dma_start3A_109 = arith.constant 768 : i32
    %dma_start3A_110 = tpu.memref_slice %arg15[%dma_start3A_109] : memref<1024xf32, #tpu.memory_space<vmem>> -> memref<256xf32, #tpu.memory_space<vmem>>
    %dma_start3A_111 = tpu.memref_slice %arg9[%mul3A_66] : memref<2097152xf32, #tpu.memory_space<hbm>> -> memref<256xf32, #tpu.memory_space<hbm>>
    %dma_start3A_112 = arith.constant 768 : i32
    %dma_start3A_113 = tpu.memref_slice %arg15[%dma_start3A_112] : memref<1024xf32, #tpu.memory_space<vmem>> -> memref<256xf32, #tpu.memory_space<vmem>>
    %dma_start3A_114 = tpu.memref_slice %arg9[%mul3A_66] : memref<2097152xf32, #tpu.memory_space<hbm>> -> memref<256xf32, #tpu.memory_space<hbm>>
    tpu.enqueue_dma source(%dma_start3A_114 : memref<256xf32, #tpu.memory_space<hbm>>) target(%dma_start3A_113 : memref<256xf32, #tpu.memory_space<vmem>>) target_semaphore(%arg21 : memref<!tpu.dma_semaphore, #tpu.memory_space<semaphore_mem>>)
    %mul3A_115 = arith.constant 4096 : i32
    %mul3A_116 = arith.muli %add3A, %mul3A_115 : i32
    %min3A_117 = arith.constant 0 : i32
    %min3A_118 = arith.constant 255 : i32
    %min3A_119 = arith.minsi %min3A_117, %min3A_118 : i32
    %mul3A_120 = arith.constant 16 : i32
    %mul3A_121 = arith.muli %min3A_119, %mul3A_120 : i32
    %add3A_122 = arith.addi %mul3A_116, %mul3A_121 : i32
    %mul3A_123 = arith.constant 16 : i32
    %mul3A_124 = arith.muli %add3A_122, %mul3A_123 : i32
    %dma_wait3A = arith.constant 0 : i32
    %dma_wait3A_125 = tpu.memref_slice %arg12[%dma_wait3A] : memref<1024xi32, #tpu.memory_space<vmem>> -> memref<256xi32, #tpu.memory_space<vmem>>
    %dma_wait3A_126 = tpu.memref_slice %arg2[%mul3A_124] : memref<2097152xi32, #tpu.memory_space<hbm>> -> memref<256xi32, #tpu.memory_space<hbm>>
    %dma_wait3A_127 = arith.constant 0 : i32
    %dma_wait3A_128 = tpu.memref_slice %arg12[%dma_wait3A_127] : memref<1024xi32, #tpu.memory_space<vmem>> -> memref<256xi32, #tpu.memory_space<vmem>>
    %dma_wait3A_129 = tpu.memref_slice %arg2[%mul3A_124] : memref<2097152xi32, #tpu.memory_space<hbm>> -> memref<256xi32, #tpu.memory_space<hbm>>
    tpu.wait_dma2 semaphore(%arg20 : memref<!tpu.dma_semaphore, #tpu.memory_space<semaphore_mem>>) src(%dma_wait3A_129 : memref<256xi32, #tpu.memory_space<hbm>>) dst(%dma_wait3A_128 : memref<256xi32, #tpu.memory_space<vmem>>)
    %dma_wait3A_130 = arith.constant 0 : i32
    %dma_wait3A_131 = tpu.memref_slice %arg14[%dma_wait3A_130] : memref<1024xf32, #tpu.memory_space<vmem>> -> memref<256xf32, #tpu.memory_space<vmem>>
    %dma_wait3A_132 = tpu.memref_slice %arg6[%mul3A_124] : memref<2097152xf32, #tpu.memory_space<hbm>> -> memref<256xf32, #tpu.memory_space<hbm>>
    %dma_wait3A_133 = arith.constant 0 : i32
    %dma_wait3A_134 = tpu.memref_slice %arg14[%dma_wait3A_133] : memref<1024xf32, #tpu.memory_space<vmem>> -> memref<256xf32, #tpu.memory_space<vmem>>
    %dma_wait3A_135 = tpu.memref_slice %arg6[%mul3A_124] : memref<2097152xf32, #tpu.memory_space<hbm>> -> memref<256xf32, #tpu.memory_space<hbm>>
    tpu.wait_dma2 semaphore(%arg20 : memref<!tpu.dma_semaphore, #tpu.memory_space<semaphore_mem>>) src(%dma_wait3A_135 : memref<256xf32, #tpu.memory_space<hbm>>) dst(%dma_wait3A_134 : memref<256xf32, #tpu.memory_space<vmem>>)
    %dma_wait3A_136 = arith.constant 256 : i32
    %dma_wait3A_137 = tpu.memref_slice %arg12[%dma_wait3A_136] : memref<1024xi32, #tpu.memory_space<vmem>> -> memref<256xi32, #tpu.memory_space<vmem>>
    %dma_wait3A_138 = tpu.memref_slice %arg3[%mul3A_124] : memref<2097152xi32, #tpu.memory_space<hbm>> -> memref<256xi32, #tpu.memory_space<hbm>>
    %dma_wait3A_139 = arith.constant 256 : i32
    %dma_wait3A_140 = tpu.memref_slice %arg12[%dma_wait3A_139] : memref<1024xi32, #tpu.memory_space<vmem>> -> memref<256xi32, #tpu.memory_space<vmem>>
    %dma_wait3A_141 = tpu.memref_slice %arg3[%mul3A_124] : memref<2097152xi32, #tpu.memory_space<hbm>> -> memref<256xi32, #tpu.memory_space<hbm>>
    tpu.wait_dma2 semaphore(%arg20 : memref<!tpu.dma_semaphore, #tpu.memory_space<semaphore_mem>>) src(%dma_wait3A_141 : memref<256xi32, #tpu.memory_space<hbm>>) dst(%dma_wait3A_140 : memref<256xi32, #tpu.memory_space<vmem>>)
    %dma_wait3A_142 = arith.constant 256 : i32
    %dma_wait3A_143 = tpu.memref_slice %arg14[%dma_wait3A_142] : memref<1024xf32, #tpu.memory_space<vmem>> -> memref<256xf32, #tpu.memory_space<vmem>>
    %dma_wait3A_144 = tpu.memref_slice %arg7[%mul3A_124] : memref<2097152xf32, #tpu.memory_space<hbm>> -> memref<256xf32, #tpu.memory_space<hbm>>
    %dma_wait3A_145 = arith.constant 256 : i32
    %dma_wait3A_146 = tpu.memref_slice %arg14[%dma_wait3A_145] : memref<1024xf32, #tpu.memory_space<vmem>> -> memref<256xf32, #tpu.memory_space<vmem>>
    %dma_wait3A_147 = tpu.memref_slice %arg7[%mul3A_124] : memref<2097152xf32, #tpu.memory_space<hbm>> -> memref<256xf32, #tpu.memory_space<hbm>>
    tpu.wait_dma2 semaphore(%arg20 : memref<!tpu.dma_semaphore, #tpu.memory_space<semaphore_mem>>) src(%dma_wait3A_147 : memref<256xf32, #tpu.memory_space<hbm>>) dst(%dma_wait3A_146 : memref<256xf32, #tpu.memory_space<vmem>>)
    %dma_wait3A_148 = arith.constant 512 : i32
    %dma_wait3A_149 = tpu.memref_slice %arg12[%dma_wait3A_148] : memref<1024xi32, #tpu.memory_space<vmem>> -> memref<256xi32, #tpu.memory_space<vmem>>
    %dma_wait3A_150 = tpu.memref_slice %arg4[%mul3A_124] : memref<2097152xi32, #tpu.memory_space<hbm>> -> memref<256xi32, #tpu.memory_space<hbm>>
    %dma_wait3A_151 = arith.constant 512 : i32
    %dma_wait3A_152 = tpu.memref_slice %arg12[%dma_wait3A_151] : memref<1024xi32, #tpu.memory_space<vmem>> -> memref<256xi32, #tpu.memory_space<vmem>>
    %dma_wait3A_153 = tpu.memref_slice %arg4[%mul3A_124] : memref<2097152xi32, #tpu.memory_space<hbm>> -> memref<256xi32, #tpu.memory_space<hbm>>
    tpu.wait_dma2 semaphore(%arg20 : memref<!tpu.dma_semaphore, #tpu.memory_space<semaphore_mem>>) src(%dma_wait3A_153 : memref<256xi32, #tpu.memory_space<hbm>>) dst(%dma_wait3A_152 : memref<256xi32, #tpu.memory_space<vmem>>)
    %dma_wait3A_154 = arith.constant 512 : i32
    %dma_wait3A_155 = tpu.memref_slice %arg14[%dma_wait3A_154] : memref<1024xf32, #tpu.memory_space<vmem>> -> memref<256xf32, #tpu.memory_space<vmem>>
    %dma_wait3A_156 = tpu.memref_slice %arg8[%mul3A_124] : memref<2097152xf32, #tpu.memory_space<hbm>> -> memref<256xf32, #tpu.memory_space<hbm>>
    %dma_wait3A_157 = arith.constant 512 : i32
    %dma_wait3A_158 = tpu.memref_slice %arg14[%dma_wait3A_157] : memref<1024xf32, #tpu.memory_space<vmem>> -> memref<256xf32, #tpu.memory_space<vmem>>
    %dma_wait3A_159 = tpu.memref_slice %arg8[%mul3A_124] : memref<2097152xf32, #tpu.memory_space<hbm>> -> memref<256xf32, #tpu.memory_space<hbm>>
    tpu.wait_dma2 semaphore(%arg20 : memref<!tpu.dma_semaphore, #tpu.memory_space<semaphore_mem>>) src(%dma_wait3A_159 : memref<256xf32, #tpu.memory_space<hbm>>) dst(%dma_wait3A_158 : memref<256xf32, #tpu.memory_space<vmem>>)
    %dma_wait3A_160 = arith.constant 768 : i32
    %dma_wait3A_161 = tpu.memref_slice %arg12[%dma_wait3A_160] : memref<1024xi32, #tpu.memory_space<vmem>> -> memref<256xi32, #tpu.memory_space<vmem>>
    %dma_wait3A_162 = tpu.memref_slice %arg5[%mul3A_124] : memref<2097152xi32, #tpu.memory_space<hbm>> -> memref<256xi32, #tpu.memory_space<hbm>>
    %dma_wait3A_163 = arith.constant 768 : i32
    %dma_wait3A_164 = tpu.memref_slice %arg12[%dma_wait3A_163] : memref<1024xi32, #tpu.memory_space<vmem>> -> memref<256xi32, #tpu.memory_space<vmem>>
    %dma_wait3A_165 = tpu.memref_slice %arg5[%mul3A_124] : memref<2097152xi32, #tpu.memory_space<hbm>> -> memref<256xi32, #tpu.memory_space<hbm>>
    tpu.wait_dma2 semaphore(%arg20 : memref<!tpu.dma_semaphore, #tpu.memory_space<semaphore_mem>>) src(%dma_wait3A_165 : memref<256xi32, #tpu.memory_space<hbm>>) dst(%dma_wait3A_164 : memref<256xi32, #tpu.memory_space<vmem>>)
    %dma_wait3A_166 = arith.constant 768 : i32
    %dma_wait3A_167 = tpu.memref_slice %arg14[%dma_wait3A_166] : memref<1024xf32, #tpu.memory_space<vmem>> -> memref<256xf32, #tpu.memory_space<vmem>>
    %dma_wait3A_168 = tpu.memref_slice %arg9[%mul3A_124] : memref<2097152xf32, #tpu.memory_space<hbm>> -> memref<256xf32, #tpu.memory_space<hbm>>
    %dma_wait3A_169 = arith.constant 768 : i32
    %dma_wait3A_170 = tpu.memref_slice %arg14[%dma_wait3A_169] : memref<1024xf32, #tpu.memory_space<vmem>> -> memref<256xf32, #tpu.memory_space<vmem>>
    %dma_wait3A_171 = tpu.memref_slice %arg9[%mul3A_124] : memref<2097152xf32, #tpu.memory_space<hbm>> -> memref<256xf32, #tpu.memory_space<hbm>>
    tpu.wait_dma2 semaphore(%arg20 : memref<!tpu.dma_semaphore, #tpu.memory_space<semaphore_mem>>) src(%dma_wait3A_171 : memref<256xf32, #tpu.memory_space<hbm>>) dst(%dma_wait3A_170 : memref<256xf32, #tpu.memory_space<vmem>>)
    %dma_start3A_172 = arith.constant 0 : i32
    %dma_start3A_173 = arith.constant 0 : i32
    %dma_start3A_174 = tpu.memref_slice %arg16[%dma_start3A_172, %dma_start3A_173] : memref<1024x32xbf16, #tpu.memory_space<vmem>> -> memref<128x32xbf16, #tpu.memory_space<vmem>>
    %dma_start3A_175 = arith.constant 0 : i32
    %dma_start3A_176 = tpu.memref_slice %arg12[%dma_start3A_175] : memref<1024xi32, #tpu.memory_space<vmem>> -> memref<128xi32, #tpu.memory_space<vmem>>
    %dma_start3A_177 = arith.constant 0 : i32
    %dma_start3A_178 = arith.constant 0 : i32
    %dma_start3A_179 = tpu.memref_slice %arg10[%dma_start3A_177, %dma_start3A_178] : memref<131072x32xbf16, #tpu.memory_space<hbm>> -> memref<131072x32xbf16, #tpu.memory_space<hbm>>
    tpu.enqueue_indirect_dma source(%dma_start3A_179 : memref<131072x32xbf16, #tpu.memory_space<hbm>>) target(%dma_start3A_174 : memref<128x32xbf16, #tpu.memory_space<vmem>>) offsets(%dma_start3A_176 : memref<128xi32, #tpu.memory_space<vmem>>) semaphore(%arg22 : memref<!tpu.dma_semaphore, #tpu.memory_space<semaphore_mem>>)
    %dma_start3A_180 = arith.constant 128 : i32
    %dma_start3A_181 = arith.constant 0 : i32
    %dma_start3A_182 = tpu.memref_slice %arg16[%dma_start3A_180, %dma_start3A_181] : memref<1024x32xbf16, #tpu.memory_space<vmem>> -> memref<128x32xbf16, #tpu.memory_space<vmem>>
    %dma_start3A_183 = arith.constant 128 : i32
    %dma_start3A_184 = tpu.memref_slice %arg12[%dma_start3A_183] : memref<1024xi32, #tpu.memory_space<vmem>> -> memref<128xi32, #tpu.memory_space<vmem>>
    %dma_start3A_185 = arith.constant 0 : i32
    %dma_start3A_186 = arith.constant 0 : i32
    %dma_start3A_187 = tpu.memref_slice %arg10[%dma_start3A_185, %dma_start3A_186] : memref<131072x32xbf16, #tpu.memory_space<hbm>> -> memref<131072x32xbf16, #tpu.memory_space<hbm>>
    tpu.enqueue_indirect_dma source(%dma_start3A_187 : memref<131072x32xbf16, #tpu.memory_space<hbm>>) target(%dma_start3A_182 : memref<128x32xbf16, #tpu.memory_space<vmem>>) offsets(%dma_start3A_184 : memref<128xi32, #tpu.memory_space<vmem>>) semaphore(%arg22 : memref<!tpu.dma_semaphore, #tpu.memory_space<semaphore_mem>>)
    %dma_start3A_188 = arith.constant 256 : i32
    %dma_start3A_189 = arith.constant 0 : i32
    %dma_start3A_190 = tpu.memref_slice %arg16[%dma_start3A_188, %dma_start3A_189] : memref<1024x32xbf16, #tpu.memory_space<vmem>> -> memref<128x32xbf16, #tpu.memory_space<vmem>>
    %dma_start3A_191 = arith.constant 256 : i32
    %dma_start3A_192 = tpu.memref_slice %arg12[%dma_start3A_191] : memref<1024xi32, #tpu.memory_space<vmem>> -> memref<128xi32, #tpu.memory_space<vmem>>
    %dma_start3A_193 = arith.constant 0 : i32
    %dma_start3A_194 = arith.constant 0 : i32
    %dma_start3A_195 = tpu.memref_slice %arg10[%dma_start3A_193, %dma_start3A_194] : memref<131072x32xbf16, #tpu.memory_space<hbm>> -> memref<131072x32xbf16, #tpu.memory_space<hbm>>
    tpu.enqueue_indirect_dma source(%dma_start3A_195 : memref<131072x32xbf16, #tpu.memory_space<hbm>>) target(%dma_start3A_190 : memref<128x32xbf16, #tpu.memory_space<vmem>>) offsets(%dma_start3A_192 : memref<128xi32, #tpu.memory_space<vmem>>) semaphore(%arg22 : memref<!tpu.dma_semaphore, #tpu.memory_space<semaphore_mem>>)
    %dma_start3A_196 = arith.constant 384 : i32
    %dma_start3A_197 = arith.constant 0 : i32
    %dma_start3A_198 = tpu.memref_slice %arg16[%dma_start3A_196, %dma_start3A_197] : memref<1024x32xbf16, #tpu.memory_space<vmem>> -> memref<128x32xbf16, #tpu.memory_space<vmem>>
    %dma_start3A_199 = arith.constant 384 : i32
    %dma_start3A_200 = tpu.memref_slice %arg12[%dma_start3A_199] : memref<1024xi32, #tpu.memory_space<vmem>> -> memref<128xi32, #tpu.memory_space<vmem>>
    %dma_start3A_201 = arith.constant 0 : i32
    %dma_start3A_202 = arith.constant 0 : i32
    %dma_start3A_203 = tpu.memref_slice %arg10[%dma_start3A_201, %dma_start3A_202] : memref<131072x32xbf16, #tpu.memory_space<hbm>> -> memref<131072x32xbf16, #tpu.memory_space<hbm>>
    tpu.enqueue_indirect_dma source(%dma_start3A_203 : memref<131072x32xbf16, #tpu.memory_space<hbm>>) target(%dma_start3A_198 : memref<128x32xbf16, #tpu.memory_space<vmem>>) offsets(%dma_start3A_200 : memref<128xi32, #tpu.memory_space<vmem>>) semaphore(%arg22 : memref<!tpu.dma_semaphore, #tpu.memory_space<semaphore_mem>>)
    %dma_start3A_204 = arith.constant 512 : i32
    %dma_start3A_205 = arith.constant 0 : i32
    %dma_start3A_206 = tpu.memref_slice %arg16[%dma_start3A_204, %dma_start3A_205] : memref<1024x32xbf16, #tpu.memory_space<vmem>> -> memref<128x32xbf16, #tpu.memory_space<vmem>>
    %dma_start3A_207 = arith.constant 512 : i32
    %dma_start3A_208 = tpu.memref_slice %arg12[%dma_start3A_207] : memref<1024xi32, #tpu.memory_space<vmem>> -> memref<128xi32, #tpu.memory_space<vmem>>
    %dma_start3A_209 = arith.constant 0 : i32
    %dma_start3A_210 = arith.constant 0 : i32
    %dma_start3A_211 = tpu.memref_slice %arg10[%dma_start3A_209, %dma_start3A_210] : memref<131072x32xbf16, #tpu.memory_space<hbm>> -> memref<131072x32xbf16, #tpu.memory_space<hbm>>
    tpu.enqueue_indirect_dma source(%dma_start3A_211 : memref<131072x32xbf16, #tpu.memory_space<hbm>>) target(%dma_start3A_206 : memref<128x32xbf16, #tpu.memory_space<vmem>>) offsets(%dma_start3A_208 : memref<128xi32, #tpu.memory_space<vmem>>) semaphore(%arg22 : memref<!tpu.dma_semaphore, #tpu.memory_space<semaphore_mem>>)
    %dma_start3A_212 = arith.constant 640 : i32
    %dma_start3A_213 = arith.constant 0 : i32
    %dma_start3A_214 = tpu.memref_slice %arg16[%dma_start3A_212, %dma_start3A_213] : memref<1024x32xbf16, #tpu.memory_space<vmem>> -> memref<128x32xbf16, #tpu.memory_space<vmem>>
    %dma_start3A_215 = arith.constant 640 : i32
    %dma_start3A_216 = tpu.memref_slice %arg12[%dma_start3A_215] : memref<1024xi32, #tpu.memory_space<vmem>> -> memref<128xi32, #tpu.memory_space<vmem>>
    %dma_start3A_217 = arith.constant 0 : i32
    %dma_start3A_218 = arith.constant 0 : i32
    %dma_start3A_219 = tpu.memref_slice %arg10[%dma_start3A_217, %dma_start3A_218] : memref<131072x32xbf16, #tpu.memory_space<hbm>> -> memref<131072x32xbf16, #tpu.memory_space<hbm>>
    tpu.enqueue_indirect_dma source(%dma_start3A_219 : memref<131072x32xbf16, #tpu.memory_space<hbm>>) target(%dma_start3A_214 : memref<128x32xbf16, #tpu.memory_space<vmem>>) offsets(%dma_start3A_216 : memref<128xi32, #tpu.memory_space<vmem>>) semaphore(%arg22 : memref<!tpu.dma_semaphore, #tpu.memory_space<semaphore_mem>>)
    %dma_start3A_220 = arith.constant 768 : i32
    %dma_start3A_221 = arith.constant 0 : i32
    %dma_start3A_222 = tpu.memref_slice %arg16[%dma_start3A_220, %dma_start3A_221] : memref<1024x32xbf16, #tpu.memory_space<vmem>> -> memref<128x32xbf16, #tpu.memory_space<vmem>>
    %dma_start3A_223 = arith.constant 768 : i32
    %dma_start3A_224 = tpu.memref_slice %arg12[%dma_start3A_223] : memref<1024xi32, #tpu.memory_space<vmem>> -> memref<128xi32, #tpu.memory_space<vmem>>
    %dma_start3A_225 = arith.constant 0 : i32
    %dma_start3A_226 = arith.constant 0 : i32
    %dma_start3A_227 = tpu.memref_slice %arg10[%dma_start3A_225, %dma_start3A_226] : memref<131072x32xbf16, #tpu.memory_space<hbm>> -> memref<131072x32xbf16, #tpu.memory_space<hbm>>
    tpu.enqueue_indirect_dma source(%dma_start3A_227 : memref<131072x32xbf16, #tpu.memory_space<hbm>>) target(%dma_start3A_222 : memref<128x32xbf16, #tpu.memory_space<vmem>>) offsets(%dma_start3A_224 : memref<128xi32, #tpu.memory_space<vmem>>) semaphore(%arg22 : memref<!tpu.dma_semaphore, #tpu.memory_space<semaphore_mem>>)
    %dma_start3A_228 = arith.constant 896 : i32
    %dma_start3A_229 = arith.constant 0 : i32
    %dma_start3A_230 = tpu.memref_slice %arg16[%dma_start3A_228, %dma_start3A_229] : memref<1024x32xbf16, #tpu.memory_space<vmem>> -> memref<128x32xbf16, #tpu.memory_space<vmem>>
    %dma_start3A_231 = arith.constant 896 : i32
    %dma_start3A_232 = tpu.memref_slice %arg12[%dma_start3A_231] : memref<1024xi32, #tpu.memory_space<vmem>> -> memref<128xi32, #tpu.memory_space<vmem>>
    %dma_start3A_233 = arith.constant 0 : i32
    %dma_start3A_234 = arith.constant 0 : i32
    %dma_start3A_235 = tpu.memref_slice %arg10[%dma_start3A_233, %dma_start3A_234] : memref<131072x32xbf16, #tpu.memory_space<hbm>> -> memref<131072x32xbf16, #tpu.memory_space<hbm>>
    tpu.enqueue_indirect_dma source(%dma_start3A_235 : memref<131072x32xbf16, #tpu.memory_space<hbm>>) target(%dma_start3A_230 : memref<128x32xbf16, #tpu.memory_space<vmem>>) offsets(%dma_start3A_232 : memref<128xi32, #tpu.memory_space<vmem>>) semaphore(%arg22 : memref<!tpu.dma_semaphore, #tpu.memory_space<semaphore_mem>>)
    %scan3A = arith.constant 0 : i32
    %scan3A_236 = arith.constant 0 : i32
    %scan3A_237 = arith.constant 128 : i32
    %scan3A_238 = arith.addi %scan3A_236, %scan3A_237 : i32
    %scan3A_239 = arith.constant 1 : i32
    scf.for %scan3A_387 = %scan3A_236 to %scan3A_238 step %scan3A_239  : i32 {
      %mul3A_388 = arith.constant 2 : i32
      %mul3A_389 = arith.muli %scan3A_387, %mul3A_388 : i32
      %add3A_390 = arith.constant 1 : i32
      %add3A_391 = arith.addi %mul3A_389, %add3A_390 : i32
      %mul3A_392 = arith.constant 4096 : i32
      %mul3A_393 = arith.muli %add3A, %mul3A_392 : i32
      %min3A_394 = arith.constant 255 : i32
      %min3A_395 = arith.minsi %add3A_391, %min3A_394 : i32
      %mul3A_396 = arith.constant 16 : i32
      %mul3A_397 = arith.muli %min3A_395, %mul3A_396 : i32
      %add3A_398 = arith.addi %mul3A_393, %mul3A_397 : i32
      %mul3A_399 = arith.constant 16 : i32
      %mul3A_400 = arith.muli %add3A_398, %mul3A_399 : i32
      %dma_wait3A_401 = arith.constant 0 : i32
      %dma_wait3A_402 = tpu.memref_slice %arg13[%dma_wait3A_401] : memref<1024xi32, #tpu.memory_space<vmem>> -> memref<256xi32, #tpu.memory_space<vmem>>
      %dma_wait3A_403 = tpu.memref_slice %arg2[%mul3A_400] : memref<2097152xi32, #tpu.memory_space<hbm>> -> memref<256xi32, #tpu.memory_space<hbm>>
      %dma_wait3A_404 = arith.constant 0 : i32
      %dma_wait3A_405 = tpu.memref_slice %arg13[%dma_wait3A_404] : memref<1024xi32, #tpu.memory_space<vmem>> -> memref<256xi32, #tpu.memory_space<vmem>>
      %dma_wait3A_406 = tpu.memref_slice %arg2[%mul3A_400] : memref<2097152xi32, #tpu.memory_space<hbm>> -> memref<256xi32, #tpu.memory_space<hbm>>
      tpu.wait_dma2 semaphore(%arg21 : memref<!tpu.dma_semaphore, #tpu.memory_space<semaphore_mem>>) src(%dma_wait3A_406 : memref<256xi32, #tpu.memory_space<hbm>>) dst(%dma_wait3A_405 : memref<256xi32, #tpu.memory_space<vmem>>)
      %dma_wait3A_407 = arith.constant 0 : i32
      %dma_wait3A_408 = tpu.memref_slice %arg15[%dma_wait3A_407] : memref<1024xf32, #tpu.memory_space<vmem>> -> memref<256xf32, #tpu.memory_space<vmem>>
      %dma_wait3A_409 = tpu.memref_slice %arg6[%mul3A_400] : memref<2097152xf32, #tpu.memory_space<hbm>> -> memref<256xf32, #tpu.memory_space<hbm>>
      %dma_wait3A_410 = arith.constant 0 : i32
      %dma_wait3A_411 = tpu.memref_slice %arg15[%dma_wait3A_410] : memref<1024xf32, #tpu.memory_space<vmem>> -> memref<256xf32, #tpu.memory_space<vmem>>
      %dma_wait3A_412 = tpu.memref_slice %arg6[%mul3A_400] : memref<2097152xf32, #tpu.memory_space<hbm>> -> memref<256xf32, #tpu.memory_space<hbm>>
      tpu.wait_dma2 semaphore(%arg21 : memref<!tpu.dma_semaphore, #tpu.memory_space<semaphore_mem>>) src(%dma_wait3A_412 : memref<256xf32, #tpu.memory_space<hbm>>) dst(%dma_wait3A_411 : memref<256xf32, #tpu.memory_space<vmem>>)
      %dma_wait3A_413 = arith.constant 256 : i32
      %dma_wait3A_414 = tpu.memref_slice %arg13[%dma_wait3A_413] : memref<1024xi32, #tpu.memory_space<vmem>> -> memref<256xi32, #tpu.memory_space<vmem>>
      %dma_wait3A_415 = tpu.memref_slice %arg3[%mul3A_400] : memref<2097152xi32, #tpu.memory_space<hbm>> -> memref<256xi32, #tpu.memory_space<hbm>>
      %dma_wait3A_416 = arith.constant 256 : i32
      %dma_wait3A_417 = tpu.memref_slice %arg13[%dma_wait3A_416] : memref<1024xi32, #tpu.memory_space<vmem>> -> memref<256xi32, #tpu.memory_space<vmem>>
      %dma_wait3A_418 = tpu.memref_slice %arg3[%mul3A_400] : memref<2097152xi32, #tpu.memory_space<hbm>> -> memref<256xi32, #tpu.memory_space<hbm>>
      tpu.wait_dma2 semaphore(%arg21 : memref<!tpu.dma_semaphore, #tpu.memory_space<semaphore_mem>>) src(%dma_wait3A_418 : memref<256xi32, #tpu.memory_space<hbm>>) dst(%dma_wait3A_417 : memref<256xi32, #tpu.memory_space<vmem>>)
      %dma_wait3A_419 = arith.constant 256 : i32
      %dma_wait3A_420 = tpu.memref_slice %arg15[%dma_wait3A_419] : memref<1024xf32, #tpu.memory_space<vmem>> -> memref<256xf32, #tpu.memory_space<vmem>>
      %dma_wait3A_421 = tpu.memref_slice %arg7[%mul3A_400] : memref<2097152xf32, #tpu.memory_space<hbm>> -> memref<256xf32, #tpu.memory_space<hbm>>
      %dma_wait3A_422 = arith.constant 256 : i32
      %dma_wait3A_423 = tpu.memref_slice %arg15[%dma_wait3A_422] : memref<1024xf32, #tpu.memory_space<vmem>> -> memref<256xf32, #tpu.memory_space<vmem>>
      %dma_wait3A_424 = tpu.memref_slice %arg7[%mul3A_400] : memref<2097152xf32, #tpu.memory_space<hbm>> -> memref<256xf32, #tpu.memory_space<hbm>>
      tpu.wait_dma2 semaphore(%arg21 : memref<!tpu.dma_semaphore, #tpu.memory_space<semaphore_mem>>) src(%dma_wait3A_424 : memref<256xf32, #tpu.memory_space<hbm>>) dst(%dma_wait3A_423 : memref<256xf32, #tpu.memory_space<vmem>>)
      %dma_wait3A_425 = arith.constant 512 : i32
      %dma_wait3A_426 = tpu.memref_slice %arg13[%dma_wait3A_425] : memref<1024xi32, #tpu.memory_space<vmem>> -> memref<256xi32, #tpu.memory_space<vmem>>
      %dma_wait3A_427 = tpu.memref_slice %arg4[%mul3A_400] : memref<2097152xi32, #tpu.memory_space<hbm>> -> memref<256xi32, #tpu.memory_space<hbm>>
      %dma_wait3A_428 = arith.constant 512 : i32
      %dma_wait3A_429 = tpu.memref_slice %arg13[%dma_wait3A_428] : memref<1024xi32, #tpu.memory_space<vmem>> -> memref<256xi32, #tpu.memory_space<vmem>>
      %dma_wait3A_430 = tpu.memref_slice %arg4[%mul3A_400] : memref<2097152xi32, #tpu.memory_space<hbm>> -> memref<256xi32, #tpu.memory_space<hbm>>
      tpu.wait_dma2 semaphore(%arg21 : memref<!tpu.dma_semaphore, #tpu.memory_space<semaphore_mem>>) src(%dma_wait3A_430 : memref<256xi32, #tpu.memory_space<hbm>>) dst(%dma_wait3A_429 : memref<256xi32, #tpu.memory_space<vmem>>)
      %dma_wait3A_431 = arith.constant 512 : i32
      %dma_wait3A_432 = tpu.memref_slice %arg15[%dma_wait3A_431] : memref<1024xf32, #tpu.memory_space<vmem>> -> memref<256xf32, #tpu.memory_space<vmem>>
      %dma_wait3A_433 = tpu.memref_slice %arg8[%mul3A_400] : memref<2097152xf32, #tpu.memory_space<hbm>> -> memref<256xf32, #tpu.memory_space<hbm>>
      %dma_wait3A_434 = arith.constant 512 : i32
      %dma_wait3A_435 = tpu.memref_slice %arg15[%dma_wait3A_434] : memref<1024xf32, #tpu.memory_space<vmem>> -> memref<256xf32, #tpu.memory_space<vmem>>
      %dma_wait3A_436 = tpu.memref_slice %arg8[%mul3A_400] : memref<2097152xf32, #tpu.memory_space<hbm>> -> memref<256xf32, #tpu.memory_space<hbm>>
      tpu.wait_dma2 semaphore(%arg21 : memref<!tpu.dma_semaphore, #tpu.memory_space<semaphore_mem>>) src(%dma_wait3A_436 : memref<256xf32, #tpu.memory_space<hbm>>) dst(%dma_wait3A_435 : memref<256xf32, #tpu.memory_space<vmem>>)
      %dma_wait3A_437 = arith.constant 768 : i32
      %dma_wait3A_438 = tpu.memref_slice %arg13[%dma_wait3A_437] : memref<1024xi32, #tpu.memory_space<vmem>> -> memref<256xi32, #tpu.memory_space<vmem>>
      %dma_wait3A_439 = tpu.memref_slice %arg5[%mul3A_400] : memref<2097152xi32, #tpu.memory_space<hbm>> -> memref<256xi32, #tpu.memory_space<hbm>>
      %dma_wait3A_440 = arith.constant 768 : i32
      %dma_wait3A_441 = tpu.memref_slice %arg13[%dma_wait3A_440] : memref<1024xi32, #tpu.memory_space<vmem>> -> memref<256xi32, #tpu.memory_space<vmem>>
      %dma_wait3A_442 = tpu.memref_slice %arg5[%mul3A_400] : memref<2097152xi32, #tpu.memory_space<hbm>> -> memref<256xi32, #tpu.memory_space<hbm>>
      tpu.wait_dma2 semaphore(%arg21 : memref<!tpu.dma_semaphore, #tpu.memory_space<semaphore_mem>>) src(%dma_wait3A_442 : memref<256xi32, #tpu.memory_space<hbm>>) dst(%dma_wait3A_441 : memref<256xi32, #tpu.memory_space<vmem>>)
      %dma_wait3A_443 = arith.constant 768 : i32
      %dma_wait3A_444 = tpu.memref_slice %arg15[%dma_wait3A_443] : memref<1024xf32, #tpu.memory_space<vmem>> -> memref<256xf32, #tpu.memory_space<vmem>>
      %dma_wait3A_445 = tpu.memref_slice %arg9[%mul3A_400] : memref<2097152xf32, #tpu.memory_space<hbm>> -> memref<256xf32, #tpu.memory_space<hbm>>
      %dma_wait3A_446 = arith.constant 768 : i32
      %dma_wait3A_447 = tpu.memref_slice %arg15[%dma_wait3A_446] : memref<1024xf32, #tpu.memory_space<vmem>> -> memref<256xf32, #tpu.memory_space<vmem>>
      %dma_wait3A_448 = tpu.memref_slice %arg9[%mul3A_400] : memref<2097152xf32, #tpu.memory_space<hbm>> -> memref<256xf32, #tpu.memory_space<hbm>>
      tpu.wait_dma2 semaphore(%arg21 : memref<!tpu.dma_semaphore, #tpu.memory_space<semaphore_mem>>) src(%dma_wait3A_448 : memref<256xf32, #tpu.memory_space<hbm>>) dst(%dma_wait3A_447 : memref<256xf32, #tpu.memory_space<vmem>>)
      %dma_start3A_449 = arith.constant 0 : i32
      %dma_start3A_450 = arith.constant 0 : i32
      %dma_start3A_451 = tpu.memref_slice %arg17[%dma_start3A_449, %dma_start3A_450] : memref<1024x32xbf16, #tpu.memory_space<vmem>> -> memref<128x32xbf16, #tpu.memory_space<vmem>>
      %dma_start3A_452 = arith.constant 0 : i32
      %dma_start3A_453 = tpu.memref_slice %arg13[%dma_start3A_452] : memref<1024xi32, #tpu.memory_space<vmem>> -> memref<128xi32, #tpu.memory_space<vmem>>
      %dma_start3A_454 = arith.constant 0 : i32
      %dma_start3A_455 = arith.constant 0 : i32
      %dma_start3A_456 = tpu.memref_slice %arg10[%dma_start3A_454, %dma_start3A_455] : memref<131072x32xbf16, #tpu.memory_space<hbm>> -> memref<131072x32xbf16, #tpu.memory_space<hbm>>
      tpu.enqueue_indirect_dma source(%dma_start3A_456 : memref<131072x32xbf16, #tpu.memory_space<hbm>>) target(%dma_start3A_451 : memref<128x32xbf16, #tpu.memory_space<vmem>>) offsets(%dma_start3A_453 : memref<128xi32, #tpu.memory_space<vmem>>) semaphore(%arg23 : memref<!tpu.dma_semaphore, #tpu.memory_space<semaphore_mem>>)
      %dma_start3A_457 = arith.constant 128 : i32
      %dma_start3A_458 = arith.constant 0 : i32
      %dma_start3A_459 = tpu.memref_slice %arg17[%dma_start3A_457, %dma_start3A_458] : memref<1024x32xbf16, #tpu.memory_space<vmem>> -> memref<128x32xbf16, #tpu.memory_space<vmem>>
      %dma_start3A_460 = arith.constant 128 : i32
      %dma_start3A_461 = tpu.memref_slice %arg13[%dma_start3A_460] : memref<1024xi32, #tpu.memory_space<vmem>> -> memref<128xi32, #tpu.memory_space<vmem>>
      %dma_start3A_462 = arith.constant 0 : i32
      %dma_start3A_463 = arith.constant 0 : i32
      %dma_start3A_464 = tpu.memref_slice %arg10[%dma_start3A_462, %dma_start3A_463] : memref<131072x32xbf16, #tpu.memory_space<hbm>> -> memref<131072x32xbf16, #tpu.memory_space<hbm>>
      tpu.enqueue_indirect_dma source(%dma_start3A_464 : memref<131072x32xbf16, #tpu.memory_space<hbm>>) target(%dma_start3A_459 : memref<128x32xbf16, #tpu.memory_space<vmem>>) offsets(%dma_start3A_461 : memref<128xi32, #tpu.memory_space<vmem>>) semaphore(%arg23 : memref<!tpu.dma_semaphore, #tpu.memory_space<semaphore_mem>>)
      %dma_start3A_465 = arith.constant 256 : i32
      %dma_start3A_466 = arith.constant 0 : i32
      %dma_start3A_467 = tpu.memref_slice %arg17[%dma_start3A_465, %dma_start3A_466] : memref<1024x32xbf16, #tpu.memory_space<vmem>> -> memref<128x32xbf16, #tpu.memory_space<vmem>>
      %dma_start3A_468 = arith.constant 256 : i32
      %dma_start3A_469 = tpu.memref_slice %arg13[%dma_start3A_468] : memref<1024xi32, #tpu.memory_space<vmem>> -> memref<128xi32, #tpu.memory_space<vmem>>
      %dma_start3A_470 = arith.constant 0 : i32
      %dma_start3A_471 = arith.constant 0 : i32
      %dma_start3A_472 = tpu.memref_slice %arg10[%dma_start3A_470, %dma_start3A_471] : memref<131072x32xbf16, #tpu.memory_space<hbm>> -> memref<131072x32xbf16, #tpu.memory_space<hbm>>
      tpu.enqueue_indirect_dma source(%dma_start3A_472 : memref<131072x32xbf16, #tpu.memory_space<hbm>>) target(%dma_start3A_467 : memref<128x32xbf16, #tpu.memory_space<vmem>>) offsets(%dma_start3A_469 : memref<128xi32, #tpu.memory_space<vmem>>) semaphore(%arg23 : memref<!tpu.dma_semaphore, #tpu.memory_space<semaphore_mem>>)
      %dma_start3A_473 = arith.constant 384 : i32
      %dma_start3A_474 = arith.constant 0 : i32
      %dma_start3A_475 = tpu.memref_slice %arg17[%dma_start3A_473, %dma_start3A_474] : memref<1024x32xbf16, #tpu.memory_space<vmem>> -> memref<128x32xbf16, #tpu.memory_space<vmem>>
      %dma_start3A_476 = arith.constant 384 : i32
      %dma_start3A_477 = tpu.memref_slice %arg13[%dma_start3A_476] : memref<1024xi32, #tpu.memory_space<vmem>> -> memref<128xi32, #tpu.memory_space<vmem>>
      %dma_start3A_478 = arith.constant 0 : i32
      %dma_start3A_479 = arith.constant 0 : i32
      %dma_start3A_480 = tpu.memref_slice %arg10[%dma_start3A_478, %dma_start3A_479] : memref<131072x32xbf16, #tpu.memory_space<hbm>> -> memref<131072x32xbf16, #tpu.memory_space<hbm>>
      tpu.enqueue_indirect_dma source(%dma_start3A_480 : memref<131072x32xbf16, #tpu.memory_space<hbm>>) target(%dma_start3A_475 : memref<128x32xbf16, #tpu.memory_space<vmem>>) offsets(%dma_start3A_477 : memref<128xi32, #tpu.memory_space<vmem>>) semaphore(%arg23 : memref<!tpu.dma_semaphore, #tpu.memory_space<semaphore_mem>>)
      %dma_start3A_481 = arith.constant 512 : i32
      %dma_start3A_482 = arith.constant 0 : i32
      %dma_start3A_483 = tpu.memref_slice %arg17[%dma_start3A_481, %dma_start3A_482] : memref<1024x32xbf16, #tpu.memory_space<vmem>> -> memref<128x32xbf16, #tpu.memory_space<vmem>>
      %dma_start3A_484 = arith.constant 512 : i32
      %dma_start3A_485 = tpu.memref_slice %arg13[%dma_start3A_484] : memref<1024xi32, #tpu.memory_space<vmem>> -> memref<128xi32, #tpu.memory_space<vmem>>
      %dma_start3A_486 = arith.constant 0 : i32
      %dma_start3A_487 = arith.constant 0 : i32
      %dma_start3A_488 = tpu.memref_slice %arg10[%dma_start3A_486, %dma_start3A_487] : memref<131072x32xbf16, #tpu.memory_space<hbm>> -> memref<131072x32xbf16, #tpu.memory_space<hbm>>
      tpu.enqueue_indirect_dma source(%dma_start3A_488 : memref<131072x32xbf16, #tpu.memory_space<hbm>>) target(%dma_start3A_483 : memref<128x32xbf16, #tpu.memory_space<vmem>>) offsets(%dma_start3A_485 : memref<128xi32, #tpu.memory_space<vmem>>) semaphore(%arg23 : memref<!tpu.dma_semaphore, #tpu.memory_space<semaphore_mem>>)
      %dma_start3A_489 = arith.constant 640 : i32
      %dma_start3A_490 = arith.constant 0 : i32
      %dma_start3A_491 = tpu.memref_slice %arg17[%dma_start3A_489, %dma_start3A_490] : memref<1024x32xbf16, #tpu.memory_space<vmem>> -> memref<128x32xbf16, #tpu.memory_space<vmem>>
      %dma_start3A_492 = arith.constant 640 : i32
      %dma_start3A_493 = tpu.memref_slice %arg13[%dma_start3A_492] : memref<1024xi32, #tpu.memory_space<vmem>> -> memref<128xi32, #tpu.memory_space<vmem>>
      %dma_start3A_494 = arith.constant 0 : i32
      %dma_start3A_495 = arith.constant 0 : i32
      %dma_start3A_496 = tpu.memref_slice %arg10[%dma_start3A_494, %dma_start3A_495] : memref<131072x32xbf16, #tpu.memory_space<hbm>> -> memref<131072x32xbf16, #tpu.memory_space<hbm>>
      tpu.enqueue_indirect_dma source(%dma_start3A_496 : memref<131072x32xbf16, #tpu.memory_space<hbm>>) target(%dma_start3A_491 : memref<128x32xbf16, #tpu.memory_space<vmem>>) offsets(%dma_start3A_493 : memref<128xi32, #tpu.memory_space<vmem>>) semaphore(%arg23 : memref<!tpu.dma_semaphore, #tpu.memory_space<semaphore_mem>>)
      %dma_start3A_497 = arith.constant 768 : i32
      %dma_start3A_498 = arith.constant 0 : i32
      %dma_start3A_499 = tpu.memref_slice %arg17[%dma_start3A_497, %dma_start3A_498] : memref<1024x32xbf16, #tpu.memory_space<vmem>> -> memref<128x32xbf16, #tpu.memory_space<vmem>>
      %dma_start3A_500 = arith.constant 768 : i32
      %dma_start3A_501 = tpu.memref_slice %arg13[%dma_start3A_500] : memref<1024xi32, #tpu.memory_space<vmem>> -> memref<128xi32, #tpu.memory_space<vmem>>
      %dma_start3A_502 = arith.constant 0 : i32
      %dma_start3A_503 = arith.constant 0 : i32
      %dma_start3A_504 = tpu.memref_slice %arg10[%dma_start3A_502, %dma_start3A_503] : memref<131072x32xbf16, #tpu.memory_space<hbm>> -> memref<131072x32xbf16, #tpu.memory_space<hbm>>
      tpu.enqueue_indirect_dma source(%dma_start3A_504 : memref<131072x32xbf16, #tpu.memory_space<hbm>>) target(%dma_start3A_499 : memref<128x32xbf16, #tpu.memory_space<vmem>>) offsets(%dma_start3A_501 : memref<128xi32, #tpu.memory_space<vmem>>) semaphore(%arg23 : memref<!tpu.dma_semaphore, #tpu.memory_space<semaphore_mem>>)
      %dma_start3A_505 = arith.constant 896 : i32
      %dma_start3A_506 = arith.constant 0 : i32
      %dma_start3A_507 = tpu.memref_slice %arg17[%dma_start3A_505, %dma_start3A_506] : memref<1024x32xbf16, #tpu.memory_space<vmem>> -> memref<128x32xbf16, #tpu.memory_space<vmem>>
      %dma_start3A_508 = arith.constant 896 : i32
      %dma_start3A_509 = tpu.memref_slice %arg13[%dma_start3A_508] : memref<1024xi32, #tpu.memory_space<vmem>> -> memref<128xi32, #tpu.memory_space<vmem>>
      %dma_start3A_510 = arith.constant 0 : i32
      %dma_start3A_511 = arith.constant 0 : i32
      %dma_start3A_512 = tpu.memref_slice %arg10[%dma_start3A_510, %dma_start3A_511] : memref<131072x32xbf16, #tpu.memory_space<hbm>> -> memref<131072x32xbf16, #tpu.memory_space<hbm>>
      tpu.enqueue_indirect_dma source(%dma_start3A_512 : memref<131072x32xbf16, #tpu.memory_space<hbm>>) target(%dma_start3A_507 : memref<128x32xbf16, #tpu.memory_space<vmem>>) offsets(%dma_start3A_509 : memref<128xi32, #tpu.memory_space<vmem>>) semaphore(%arg23 : memref<!tpu.dma_semaphore, #tpu.memory_space<semaphore_mem>>)
      %dma_wait3A_513 = arith.constant 0 : i32
      %dma_wait3A_514 = arith.constant 0 : i32
      %dma_wait3A_515 = tpu.memref_slice %arg16[%dma_wait3A_513, %dma_wait3A_514] : memref<1024x32xbf16, #tpu.memory_space<vmem>> -> memref<128x32xbf16, #tpu.memory_space<vmem>>
      %dma_wait3A_516 = arith.constant 0 : i32
      %dma_wait3A_517 = tpu.memref_slice %arg12[%dma_wait3A_516] : memref<1024xi32, #tpu.memory_space<vmem>> -> memref<128xi32, #tpu.memory_space<vmem>>
      %dma_wait3A_518 = arith.constant 0 : i32
      %dma_wait3A_519 = arith.constant 0 : i32
      %dma_wait3A_520 = tpu.memref_slice %arg10[%dma_wait3A_518, %dma_wait3A_519] : memref<131072x32xbf16, #tpu.memory_space<hbm>> -> memref<131072x32xbf16, #tpu.memory_space<hbm>>
      tpu.wait_indirect_dma semaphore(%arg22 : memref<!tpu.dma_semaphore, #tpu.memory_space<semaphore_mem>>) src(%dma_wait3A_520 : memref<131072x32xbf16, #tpu.memory_space<hbm>>) dst(%dma_wait3A_515 : memref<128x32xbf16, #tpu.memory_space<vmem>>)
      %dma_wait3A_521 = arith.constant 128 : i32
      %dma_wait3A_522 = arith.constant 0 : i32
      %dma_wait3A_523 = tpu.memref_slice %arg16[%dma_wait3A_521, %dma_wait3A_522] : memref<1024x32xbf16, #tpu.memory_space<vmem>> -> memref<128x32xbf16, #tpu.memory_space<vmem>>
      %dma_wait3A_524 = arith.constant 128 : i32
      %dma_wait3A_525 = tpu.memref_slice %arg12[%dma_wait3A_524] : memref<1024xi32, #tpu.memory_space<vmem>> -> memref<128xi32, #tpu.memory_space<vmem>>
      %dma_wait3A_526 = arith.constant 0 : i32
      %dma_wait3A_527 = arith.constant 0 : i32
      %dma_wait3A_528 = tpu.memref_slice %arg10[%dma_wait3A_526, %dma_wait3A_527] : memref<131072x32xbf16, #tpu.memory_space<hbm>> -> memref<131072x32xbf16, #tpu.memory_space<hbm>>
      tpu.wait_indirect_dma semaphore(%arg22 : memref<!tpu.dma_semaphore, #tpu.memory_space<semaphore_mem>>) src(%dma_wait3A_528 : memref<131072x32xbf16, #tpu.memory_space<hbm>>) dst(%dma_wait3A_523 : memref<128x32xbf16, #tpu.memory_space<vmem>>)
      %dma_wait3A_529 = arith.constant 256 : i32
      %dma_wait3A_530 = arith.constant 0 : i32
      %dma_wait3A_531 = tpu.memref_slice %arg16[%dma_wait3A_529, %dma_wait3A_530] : memref<1024x32xbf16, #tpu.memory_space<vmem>> -> memref<128x32xbf16, #tpu.memory_space<vmem>>
      %dma_wait3A_532 = arith.constant 256 : i32
      %dma_wait3A_533 = tpu.memref_slice %arg12[%dma_wait3A_532] : memref<1024xi32, #tpu.memory_space<vmem>> -> memref<128xi32, #tpu.memory_space<vmem>>
      %dma_wait3A_534 = arith.constant 0 : i32
      %dma_wait3A_535 = arith.constant 0 : i32
      %dma_wait3A_536 = tpu.memref_slice %arg10[%dma_wait3A_534, %dma_wait3A_535] : memref<131072x32xbf16, #tpu.memory_space<hbm>> -> memref<131072x32xbf16, #tpu.memory_space<hbm>>
      tpu.wait_indirect_dma semaphore(%arg22 : memref<!tpu.dma_semaphore, #tpu.memory_space<semaphore_mem>>) src(%dma_wait3A_536 : memref<131072x32xbf16, #tpu.memory_space<hbm>>) dst(%dma_wait3A_531 : memref<128x32xbf16, #tpu.memory_space<vmem>>)
      %dma_wait3A_537 = arith.constant 384 : i32
      %dma_wait3A_538 = arith.constant 0 : i32
      %dma_wait3A_539 = tpu.memref_slice %arg16[%dma_wait3A_537, %dma_wait3A_538] : memref<1024x32xbf16, #tpu.memory_space<vmem>> -> memref<128x32xbf16, #tpu.memory_space<vmem>>
      %dma_wait3A_540 = arith.constant 384 : i32
      %dma_wait3A_541 = tpu.memref_slice %arg12[%dma_wait3A_540] : memref<1024xi32, #tpu.memory_space<vmem>> -> memref<128xi32, #tpu.memory_space<vmem>>
      %dma_wait3A_542 = arith.constant 0 : i32
      %dma_wait3A_543 = arith.constant 0 : i32
      %dma_wait3A_544 = tpu.memref_slice %arg10[%dma_wait3A_542, %dma_wait3A_543] : memref<131072x32xbf16, #tpu.memory_space<hbm>> -> memref<131072x32xbf16, #tpu.memory_space<hbm>>
      tpu.wait_indirect_dma semaphore(%arg22 : memref<!tpu.dma_semaphore, #tpu.memory_space<semaphore_mem>>) src(%dma_wait3A_544 : memref<131072x32xbf16, #tpu.memory_space<hbm>>) dst(%dma_wait3A_539 : memref<128x32xbf16, #tpu.memory_space<vmem>>)
      %dma_wait3A_545 = arith.constant 512 : i32
      %dma_wait3A_546 = arith.constant 0 : i32
      %dma_wait3A_547 = tpu.memref_slice %arg16[%dma_wait3A_545, %dma_wait3A_546] : memref<1024x32xbf16, #tpu.memory_space<vmem>> -> memref<128x32xbf16, #tpu.memory_space<vmem>>
      %dma_wait3A_548 = arith.constant 512 : i32
      %dma_wait3A_549 = tpu.memref_slice %arg12[%dma_wait3A_548] : memref<1024xi32, #tpu.memory_space<vmem>> -> memref<128xi32, #tpu.memory_space<vmem>>
      %dma_wait3A_550 = arith.constant 0 : i32
      %dma_wait3A_551 = arith.constant 0 : i32
      %dma_wait3A_552 = tpu.memref_slice %arg10[%dma_wait3A_550, %dma_wait3A_551] : memref<131072x32xbf16, #tpu.memory_space<hbm>> -> memref<131072x32xbf16, #tpu.memory_space<hbm>>
      tpu.wait_indirect_dma semaphore(%arg22 : memref<!tpu.dma_semaphore, #tpu.memory_space<semaphore_mem>>) src(%dma_wait3A_552 : memref<131072x32xbf16, #tpu.memory_space<hbm>>) dst(%dma_wait3A_547 : memref<128x32xbf16, #tpu.memory_space<vmem>>)
      %dma_wait3A_553 = arith.constant 640 : i32
      %dma_wait3A_554 = arith.constant 0 : i32
      %dma_wait3A_555 = tpu.memref_slice %arg16[%dma_wait3A_553, %dma_wait3A_554] : memref<1024x32xbf16, #tpu.memory_space<vmem>> -> memref<128x32xbf16, #tpu.memory_space<vmem>>
      %dma_wait3A_556 = arith.constant 640 : i32
      %dma_wait3A_557 = tpu.memref_slice %arg12[%dma_wait3A_556] : memref<1024xi32, #tpu.memory_space<vmem>> -> memref<128xi32, #tpu.memory_space<vmem>>
      %dma_wait3A_558 = arith.constant 0 : i32
      %dma_wait3A_559 = arith.constant 0 : i32
      %dma_wait3A_560 = tpu.memref_slice %arg10[%dma_wait3A_558, %dma_wait3A_559] : memref<131072x32xbf16, #tpu.memory_space<hbm>> -> memref<131072x32xbf16, #tpu.memory_space<hbm>>
      tpu.wait_indirect_dma semaphore(%arg22 : memref<!tpu.dma_semaphore, #tpu.memory_space<semaphore_mem>>) src(%dma_wait3A_560 : memref<131072x32xbf16, #tpu.memory_space<hbm>>) dst(%dma_wait3A_555 : memref<128x32xbf16, #tpu.memory_space<vmem>>)
      %dma_wait3A_561 = arith.constant 768 : i32
      %dma_wait3A_562 = arith.constant 0 : i32
      %dma_wait3A_563 = tpu.memref_slice %arg16[%dma_wait3A_561, %dma_wait3A_562] : memref<1024x32xbf16, #tpu.memory_space<vmem>> -> memref<128x32xbf16, #tpu.memory_space<vmem>>
      %dma_wait3A_564 = arith.constant 768 : i32
      %dma_wait3A_565 = tpu.memref_slice %arg12[%dma_wait3A_564] : memref<1024xi32, #tpu.memory_space<vmem>> -> memref<128xi32, #tpu.memory_space<vmem>>
      %dma_wait3A_566 = arith.constant 0 : i32
      %dma_wait3A_567 = arith.constant 0 : i32
      %dma_wait3A_568 = tpu.memref_slice %arg10[%dma_wait3A_566, %dma_wait3A_567] : memref<131072x32xbf16, #tpu.memory_space<hbm>> -> memref<131072x32xbf16, #tpu.memory_space<hbm>>
      tpu.wait_indirect_dma semaphore(%arg22 : memref<!tpu.dma_semaphore, #tpu.memory_space<semaphore_mem>>) src(%dma_wait3A_568 : memref<131072x32xbf16, #tpu.memory_space<hbm>>) dst(%dma_wait3A_563 : memref<128x32xbf16, #tpu.memory_space<vmem>>)
      %dma_wait3A_569 = arith.constant 896 : i32
      %dma_wait3A_570 = arith.constant 0 : i32
      %dma_wait3A_571 = tpu.memref_slice %arg16[%dma_wait3A_569, %dma_wait3A_570] : memref<1024x32xbf16, #tpu.memory_space<vmem>> -> memref<128x32xbf16, #tpu.memory_space<vmem>>
      %dma_wait3A_572 = arith.constant 896 : i32
      %dma_wait3A_573 = tpu.memref_slice %arg12[%dma_wait3A_572] : memref<1024xi32, #tpu.memory_space<vmem>> -> memref<128xi32, #tpu.memory_space<vmem>>
      %dma_wait3A_574 = arith.constant 0 : i32
      %dma_wait3A_575 = arith.constant 0 : i32
      %dma_wait3A_576 = tpu.memref_slice %arg10[%dma_wait3A_574, %dma_wait3A_575] : memref<131072x32xbf16, #tpu.memory_space<hbm>> -> memref<131072x32xbf16, #tpu.memory_space<hbm>>
      tpu.wait_indirect_dma semaphore(%arg22 : memref<!tpu.dma_semaphore, #tpu.memory_space<semaphore_mem>>) src(%dma_wait3A_576 : memref<131072x32xbf16, #tpu.memory_space<hbm>>) dst(%dma_wait3A_571 : memref<128x32xbf16, #tpu.memory_space<vmem>>)
      %ge3A = arith.constant 2 : i32
      %ge3A_577 = arith.cmpi sge, %mul3A_389, %ge3A : i32
      %convert_element_type3A = arith.extui %ge3A_577 : i1 to i32
      %cond3A = arith.constant 0 : i32
      %cond3A_578 = arith.cmpi ne, %convert_element_type3A, %cond3A : i32
      scf.if %cond3A_578 {
        %sub3A = arith.constant 2 : i32
        %sub3A_927 = arith.subi %mul3A_389, %sub3A : i32
        %mul3A_928 = arith.constant 4096 : i32
        %mul3A_929 = arith.muli %add3A, %mul3A_928 : i32
        %min3A_930 = arith.constant 255 : i32
        %min3A_931 = arith.minsi %sub3A_927, %min3A_930 : i32
        %mul3A_932 = arith.constant 16 : i32
        %mul3A_933 = arith.muli %min3A_931, %mul3A_932 : i32
        %add3A_934 = arith.addi %mul3A_929, %mul3A_933 : i32
        %dma_wait3A_935 = arith.constant 0 : i32
        %dma_wait3A_936 = tpu.memref_slice %arg11[%add3A_934, %dma_wait3A_935] : memref<131072x32xf32, #tpu.memory_space<hbm>> -> memref<16x32xf32, #tpu.memory_space<hbm>>
        %dma_wait3A_937 = arith.constant 0 : i32
        %dma_wait3A_938 = tpu.memref_slice %arg11[%add3A_934, %dma_wait3A_937] : memref<131072x32xf32, #tpu.memory_space<hbm>> -> memref<16x32xf32, #tpu.memory_space<hbm>>
        tpu.wait_dma2 semaphore(%arg24 : memref<!tpu.dma_semaphore, #tpu.memory_space<semaphore_mem>>) src(%arg18 : memref<16x32xf32, #tpu.memory_space<vmem>>) dst(%dma_wait3A_938 : memref<16x32xf32, #tpu.memory_space<hbm>>)
      } else {
      }
      %scan3A_579 = arith.constant 0 : i32
      %scan3A_580 = arith.constant 0 : i32
      %scan3A_581 = arith.constant 16 : i32
      %scan3A_582 = arith.addi %scan3A_580, %scan3A_581 : i32
      %scan3A_583 = arith.constant 1 : i32
      scf.for %scan3A_927 = %scan3A_580 to %scan3A_582 step %scan3A_583  : i32 {
        %broadcast_in_dim3A = arith.constant 0.000000e+00 : f32
        %broadcast_in_dim3A_928 = vector.broadcast %broadcast_in_dim3A : f32 to vector<16xf32>
        %broadcast_in_dim3A_929 = arith.constant 0.000000e+00 : f32
        %broadcast_in_dim3A_930 = vector.broadcast %broadcast_in_dim3A_929 : f32 to vector<16xf32>
        %mul3A_931 = arith.constant 16 : i32
        %mul3A_932 = arith.muli %scan3A_927, %mul3A_931 : i32
        %add3A_933 = arith.constant 0 : i32
        %add3A_934 = arith.addi %add3A_933, %mul3A_932 : i32
        %get3A = arith.index_cast %add3A_934 : i32 to index
        %get3A_935 = tpu.vector_load %arg14[%get3A] {strides = array<i32>} : memref<1024xf32, #tpu.memory_space<vmem>>, vector<16xf32>,
        %add3A_936 = arith.constant 0 : i32
        %add3A_937 = arith.addi %add3A_934, %add3A_936 : i32
        %slice3A = vector.extract_strided_slice %get3A_935 {offsets = [0], sizes = [1], strides = [1]} : vector<16xf32> to vector<1xf32>
        %squeeze3A = vector.extract %slice3A[0] : f32 from vector<1xf32>
        %broadcast_in_dim3A_938 = vector.broadcast %squeeze3A : f32 to vector<16xf32>
        %get3A_939 = arith.index_cast %add3A_937 : i32 to index
        %get3A_940 = arith.constant 0 : index
        %get3A_941 = tpu.vector_load %arg16[%get3A_939, %get3A_940] {strides = array<i32>} : memref<1024x32xbf16, #tpu.memory_space<vmem>>, vector<32xbf16>,
        %unpack3A = tpu.unpack_subelements %get3A_941, 0 {pack_format = #tpu.pack_format<interleaved>} : vector<32xbf16> -> vector<16xf32>
        %unpack3A_942 = tpu.unpack_subelements %get3A_941, 1 {pack_format = #tpu.pack_format<interleaved>} : vector<32xbf16> -> vector<16xf32>
        %mul3A_943 = arith.mulf %broadcast_in_dim3A_938, %unpack3A : vector<16xf32>
        %add3A_944 = arith.addf %broadcast_in_dim3A_928, %mul3A_943 : vector<16xf32>
        %mul3A_945 = arith.mulf %broadcast_in_dim3A_938, %unpack3A_942 : vector<16xf32>
        %add3A_946 = arith.addf %broadcast_in_dim3A_930, %mul3A_945 : vector<16xf32>
        %add3A_947 = arith.constant 1 : i32
        %add3A_948 = arith.addi %add3A_934, %add3A_947 : i32
        %slice3A_949 = vector.extract_strided_slice %get3A_935 {offsets = [1], sizes = [1], strides = [1]} : vector<16xf32> to vector<1xf32>
        %squeeze3A_950 = vector.extract %slice3A_949[0] : f32 from vector<1xf32>
        %broadcast_in_dim3A_951 = vector.broadcast %squeeze3A_950 : f32 to vector<16xf32>
        %get3A_952 = arith.index_cast %add3A_948 : i32 to index
        %get3A_953 = arith.constant 0 : index
        %get3A_954 = tpu.vector_load %arg16[%get3A_952, %get3A_953] {strides = array<i32>} : memref<1024x32xbf16, #tpu.memory_space<vmem>>, vector<32xbf16>,
        %unpack3A_955 = tpu.unpack_subelements %get3A_954, 0 {pack_format = #tpu.pack_format<interleaved>} : vector<32xbf16> -> vector<16xf32>
        %unpack3A_956 = tpu.unpack_subelements %get3A_954, 1 {pack_format = #tpu.pack_format<interleaved>} : vector<32xbf16> -> vector<16xf32>
        %mul3A_957 = arith.mulf %broadcast_in_dim3A_951, %unpack3A_955 : vector<16xf32>
        %add3A_958 = arith.addf %add3A_944, %mul3A_957 : vector<16xf32>
        %mul3A_959 = arith.mulf %broadcast_in_dim3A_951, %unpack3A_956 : vector<16xf32>
        %add3A_960 = arith.addf %add3A_946, %mul3A_959 : vector<16xf32>
        %add3A_961 = arith.constant 2 : i32
        %add3A_962 = arith.addi %add3A_934, %add3A_961 : i32
        %slice3A_963 = vector.extract_strided_slice %get3A_935 {offsets = [2], sizes = [1], strides = [1]} : vector<16xf32> to vector<1xf32>
        %squeeze3A_964 = vector.extract %slice3A_963[0] : f32 from vector<1xf32>
        %broadcast_in_dim3A_965 = vector.broadcast %squeeze3A_964 : f32 to vector<16xf32>
        %get3A_966 = arith.index_cast %add3A_962 : i32 to index
        %get3A_967 = arith.constant 0 : index
        %get3A_968 = tpu.vector_load %arg16[%get3A_966, %get3A_967] {strides = array<i32>} : memref<1024x32xbf16, #tpu.memory_space<vmem>>, vector<32xbf16>,
        %unpack3A_969 = tpu.unpack_subelements %get3A_968, 0 {pack_format = #tpu.pack_format<interleaved>} : vector<32xbf16> -> vector<16xf32>
        %unpack3A_970 = tpu.unpack_subelements %get3A_968, 1 {pack_format = #tpu.pack_format<interleaved>} : vector<32xbf16> -> vector<16xf32>
        %mul3A_971 = arith.mulf %broadcast_in_dim3A_965, %unpack3A_969 : vector<16xf32>
        %add3A_972 = arith.addf %add3A_958, %mul3A_971 : vector<16xf32>
        %mul3A_973 = arith.mulf %broadcast_in_dim3A_965, %unpack3A_970 : vector<16xf32>
        %add3A_974 = arith.addf %add3A_960, %mul3A_973 : vector<16xf32>
        %add3A_975 = arith.constant 3 : i32
        %add3A_976 = arith.addi %add3A_934, %add3A_975 : i32
        %slice3A_977 = vector.extract_strided_slice %get3A_935 {offsets = [3], sizes = [1], strides = [1]} : vector<16xf32> to vector<1xf32>
        %squeeze3A_978 = vector.extract %slice3A_977[0] : f32 from vector<1xf32>
        %broadcast_in_dim3A_979 = vector.broadcast %squeeze3A_978 : f32 to vector<16xf32>
        %get3A_980 = arith.index_cast %add3A_976 : i32 to index
        %get3A_981 = arith.constant 0 : index
        %get3A_982 = tpu.vector_load %arg16[%get3A_980, %get3A_981] {strides = array<i32>} : memref<1024x32xbf16, #tpu.memory_space<vmem>>, vector<32xbf16>,
        %unpack3A_983 = tpu.unpack_subelements %get3A_982, 0 {pack_format = #tpu.pack_format<interleaved>} : vector<32xbf16> -> vector<16xf32>
        %unpack3A_984 = tpu.unpack_subelements %get3A_982, 1 {pack_format = #tpu.pack_format<interleaved>} : vector<32xbf16> -> vector<16xf32>
        %mul3A_985 = arith.mulf %broadcast_in_dim3A_979, %unpack3A_983 : vector<16xf32>
        %add3A_986 = arith.addf %add3A_972, %mul3A_985 : vector<16xf32>
        %mul3A_987 = arith.mulf %broadcast_in_dim3A_979, %unpack3A_984 : vector<16xf32>
        %add3A_988 = arith.addf %add3A_974, %mul3A_987 : vector<16xf32>
        %add3A_989 = arith.constant 4 : i32
        %add3A_990 = arith.addi %add3A_934, %add3A_989 : i32
        %slice3A_991 = vector.extract_strided_slice %get3A_935 {offsets = [4], sizes = [1], strides = [1]} : vector<16xf32> to vector<1xf32>
        %squeeze3A_992 = vector.extract %slice3A_991[0] : f32 from vector<1xf32>
        %broadcast_in_dim3A_993 = vector.broadcast %squeeze3A_992 : f32 to vector<16xf32>
        %get3A_994 = arith.index_cast %add3A_990 : i32 to index
        %get3A_995 = arith.constant 0 : index
        %get3A_996 = tpu.vector_load %arg16[%get3A_994, %get3A_995] {strides = array<i32>} : memref<1024x32xbf16, #tpu.memory_space<vmem>>, vector<32xbf16>,
        %unpack3A_997 = tpu.unpack_subelements %get3A_996, 0 {pack_format = #tpu.pack_format<interleaved>} : vector<32xbf16> -> vector<16xf32>
        %unpack3A_998 = tpu.unpack_subelements %get3A_996, 1 {pack_format = #tpu.pack_format<interleaved>} : vector<32xbf16> -> vector<16xf32>
        %mul3A_999 = arith.mulf %broadcast_in_dim3A_993, %unpack3A_997 : vector<16xf32>
        %add3A_1000 = arith.addf %add3A_986, %mul3A_999 : vector<16xf32>
        %mul3A_1001 = arith.mulf %broadcast_in_dim3A_993, %unpack3A_998 : vector<16xf32>
        %add3A_1002 = arith.addf %add3A_988, %mul3A_1001 : vector<16xf32>
        %add3A_1003 = arith.constant 5 : i32
        %add3A_1004 = arith.addi %add3A_934, %add3A_1003 : i32
        %slice3A_1005 = vector.extract_strided_slice %get3A_935 {offsets = [5], sizes = [1], strides = [1]} : vector<16xf32> to vector<1xf32>
        %squeeze3A_1006 = vector.extract %slice3A_1005[0] : f32 from vector<1xf32>
        %broadcast_in_dim3A_1007 = vector.broadcast %squeeze3A_1006 : f32 to vector<16xf32>
        %get3A_1008 = arith.index_cast %add3A_1004 : i32 to index
        %get3A_1009 = arith.constant 0 : index
        %get3A_1010 = tpu.vector_load %arg16[%get3A_1008, %get3A_1009] {strides = array<i32>} : memref<1024x32xbf16, #tpu.memory_space<vmem>>, vector<32xbf16>,
        %unpack3A_1011 = tpu.unpack_subelements %get3A_1010, 0 {pack_format = #tpu.pack_format<interleaved>} : vector<32xbf16> -> vector<16xf32>
        %unpack3A_1012 = tpu.unpack_subelements %get3A_1010, 1 {pack_format = #tpu.pack_format<interleaved>} : vector<32xbf16> -> vector<16xf32>
        %mul3A_1013 = arith.mulf %broadcast_in_dim3A_1007, %unpack3A_1011 : vector<16xf32>
        %add3A_1014 = arith.addf %add3A_1000, %mul3A_1013 : vector<16xf32>
        %mul3A_1015 = arith.mulf %broadcast_in_dim3A_1007, %unpack3A_1012 : vector<16xf32>
        %add3A_1016 = arith.addf %add3A_1002, %mul3A_1015 : vector<16xf32>
        %add3A_1017 = arith.constant 6 : i32
        %add3A_1018 = arith.addi %add3A_934, %add3A_1017 : i32
        %slice3A_1019 = vector.extract_strided_slice %get3A_935 {offsets = [6], sizes = [1], strides = [1]} : vector<16xf32> to vector<1xf32>
        %squeeze3A_1020 = vector.extract %slice3A_1019[0] : f32 from vector<1xf32>
        %broadcast_in_dim3A_1021 = vector.broadcast %squeeze3A_1020 : f32 to vector<16xf32>
        %get3A_1022 = arith.index_cast %add3A_1018 : i32 to index
        %get3A_1023 = arith.constant 0 : index
        %get3A_1024 = tpu.vector_load %arg16[%get3A_1022, %get3A_1023] {strides = array<i32>} : memref<1024x32xbf16, #tpu.memory_space<vmem>>, vector<32xbf16>,
        %unpack3A_1025 = tpu.unpack_subelements %get3A_1024, 0 {pack_format = #tpu.pack_format<interleaved>} : vector<32xbf16> -> vector<16xf32>
        %unpack3A_1026 = tpu.unpack_subelements %get3A_1024, 1 {pack_format = #tpu.pack_format<interleaved>} : vector<32xbf16> -> vector<16xf32>
        %mul3A_1027 = arith.mulf %broadcast_in_dim3A_1021, %unpack3A_1025 : vector<16xf32>
        %add3A_1028 = arith.addf %add3A_1014, %mul3A_1027 : vector<16xf32>
        %mul3A_1029 = arith.mulf %broadcast_in_dim3A_1021, %unpack3A_1026 : vector<16xf32>
        %add3A_1030 = arith.addf %add3A_1016, %mul3A_1029 : vector<16xf32>
        %add3A_1031 = arith.constant 7 : i32
        %add3A_1032 = arith.addi %add3A_934, %add3A_1031 : i32
        %slice3A_1033 = vector.extract_strided_slice %get3A_935 {offsets = [7], sizes = [1], strides = [1]} : vector<16xf32> to vector<1xf32>
        %squeeze3A_1034 = vector.extract %slice3A_1033[0] : f32 from vector<1xf32>
        %broadcast_in_dim3A_1035 = vector.broadcast %squeeze3A_1034 : f32 to vector<16xf32>
        %get3A_1036 = arith.index_cast %add3A_1032 : i32 to index
        %get3A_1037 = arith.constant 0 : index
        %get3A_1038 = tpu.vector_load %arg16[%get3A_1036, %get3A_1037] {strides = array<i32>} : memref<1024x32xbf16, #tpu.memory_space<vmem>>, vector<32xbf16>,
        %unpack3A_1039 = tpu.unpack_subelements %get3A_1038, 0 {pack_format = #tpu.pack_format<interleaved>} : vector<32xbf16> -> vector<16xf32>
        %unpack3A_1040 = tpu.unpack_subelements %get3A_1038, 1 {pack_format = #tpu.pack_format<interleaved>} : vector<32xbf16> -> vector<16xf32>
        %mul3A_1041 = arith.mulf %broadcast_in_dim3A_1035, %unpack3A_1039 : vector<16xf32>
        %add3A_1042 = arith.addf %add3A_1028, %mul3A_1041 : vector<16xf32>
        %mul3A_1043 = arith.mulf %broadcast_in_dim3A_1035, %unpack3A_1040 : vector<16xf32>
        %add3A_1044 = arith.addf %add3A_1030, %mul3A_1043 : vector<16xf32>
        %add3A_1045 = arith.constant 8 : i32
        %add3A_1046 = arith.addi %add3A_934, %add3A_1045 : i32
        %slice3A_1047 = vector.extract_strided_slice %get3A_935 {offsets = [8], sizes = [1], strides = [1]} : vector<16xf32> to vector<1xf32>
        %squeeze3A_1048 = vector.extract %slice3A_1047[0] : f32 from vector<1xf32>
        %broadcast_in_dim3A_1049 = vector.broadcast %squeeze3A_1048 : f32 to vector<16xf32>
        %get3A_1050 = arith.index_cast %add3A_1046 : i32 to index
        %get3A_1051 = arith.constant 0 : index
        %get3A_1052 = tpu.vector_load %arg16[%get3A_1050, %get3A_1051] {strides = array<i32>} : memref<1024x32xbf16, #tpu.memory_space<vmem>>, vector<32xbf16>,
        %unpack3A_1053 = tpu.unpack_subelements %get3A_1052, 0 {pack_format = #tpu.pack_format<interleaved>} : vector<32xbf16> -> vector<16xf32>
        %unpack3A_1054 = tpu.unpack_subelements %get3A_1052, 1 {pack_format = #tpu.pack_format<interleaved>} : vector<32xbf16> -> vector<16xf32>
        %mul3A_1055 = arith.mulf %broadcast_in_dim3A_1049, %unpack3A_1053 : vector<16xf32>
        %add3A_1056 = arith.addf %add3A_1042, %mul3A_1055 : vector<16xf32>
        %mul3A_1057 = arith.mulf %broadcast_in_dim3A_1049, %unpack3A_1054 : vector<16xf32>
        %add3A_1058 = arith.addf %add3A_1044, %mul3A_1057 : vector<16xf32>
        %add3A_1059 = arith.constant 9 : i32
        %add3A_1060 = arith.addi %add3A_934, %add3A_1059 : i32
        %slice3A_1061 = vector.extract_strided_slice %get3A_935 {offsets = [9], sizes = [1], strides = [1]} : vector<16xf32> to vector<1xf32>
        %squeeze3A_1062 = vector.extract %slice3A_1061[0] : f32 from vector<1xf32>
        %broadcast_in_dim3A_1063 = vector.broadcast %squeeze3A_1062 : f32 to vector<16xf32>
        %get3A_1064 = arith.index_cast %add3A_1060 : i32 to index
        %get3A_1065 = arith.constant 0 : index
        %get3A_1066 = tpu.vector_load %arg16[%get3A_1064, %get3A_1065] {strides = array<i32>} : memref<1024x32xbf16, #tpu.memory_space<vmem>>, vector<32xbf16>,
        %unpack3A_1067 = tpu.unpack_subelements %get3A_1066, 0 {pack_format = #tpu.pack_format<interleaved>} : vector<32xbf16> -> vector<16xf32>
        %unpack3A_1068 = tpu.unpack_subelements %get3A_1066, 1 {pack_format = #tpu.pack_format<interleaved>} : vector<32xbf16> -> vector<16xf32>
        %mul3A_1069 = arith.mulf %broadcast_in_dim3A_1063, %unpack3A_1067 : vector<16xf32>
        %add3A_1070 = arith.addf %add3A_1056, %mul3A_1069 : vector<16xf32>
        %mul3A_1071 = arith.mulf %broadcast_in_dim3A_1063, %unpack3A_1068 : vector<16xf32>
        %add3A_1072 = arith.addf %add3A_1058, %mul3A_1071 : vector<16xf32>
        %add3A_1073 = arith.constant 10 : i32
        %add3A_1074 = arith.addi %add3A_934, %add3A_1073 : i32
        %slice3A_1075 = vector.extract_strided_slice %get3A_935 {offsets = [10], sizes = [1], strides = [1]} : vector<16xf32> to vector<1xf32>
        %squeeze3A_1076 = vector.extract %slice3A_1075[0] : f32 from vector<1xf32>
        %broadcast_in_dim3A_1077 = vector.broadcast %squeeze3A_1076 : f32 to vector<16xf32>
        %get3A_1078 = arith.index_cast %add3A_1074 : i32 to index
        %get3A_1079 = arith.constant 0 : index
        %get3A_1080 = tpu.vector_load %arg16[%get3A_1078, %get3A_1079] {strides = array<i32>} : memref<1024x32xbf16, #tpu.memory_space<vmem>>, vector<32xbf16>,
        %unpack3A_1081 = tpu.unpack_subelements %get3A_1080, 0 {pack_format = #tpu.pack_format<interleaved>} : vector<32xbf16> -> vector<16xf32>
        %unpack3A_1082 = tpu.unpack_subelements %get3A_1080, 1 {pack_format = #tpu.pack_format<interleaved>} : vector<32xbf16> -> vector<16xf32>
        %mul3A_1083 = arith.mulf %broadcast_in_dim3A_1077, %unpack3A_1081 : vector<16xf32>
        %add3A_1084 = arith.addf %add3A_1070, %mul3A_1083 : vector<16xf32>
        %mul3A_1085 = arith.mulf %broadcast_in_dim3A_1077, %unpack3A_1082 : vector<16xf32>
        %add3A_1086 = arith.addf %add3A_1072, %mul3A_1085 : vector<16xf32>
        %add3A_1087 = arith.constant 11 : i32
        %add3A_1088 = arith.addi %add3A_934, %add3A_1087 : i32
        %slice3A_1089 = vector.extract_strided_slice %get3A_935 {offsets = [11], sizes = [1], strides = [1]} : vector<16xf32> to vector<1xf32>
        %squeeze3A_1090 = vector.extract %slice3A_1089[0] : f32 from vector<1xf32>
        %broadcast_in_dim3A_1091 = vector.broadcast %squeeze3A_1090 : f32 to vector<16xf32>
        %get3A_1092 = arith.index_cast %add3A_1088 : i32 to index
        %get3A_1093 = arith.constant 0 : index
        %get3A_1094 = tpu.vector_load %arg16[%get3A_1092, %get3A_1093] {strides = array<i32>} : memref<1024x32xbf16, #tpu.memory_space<vmem>>, vector<32xbf16>,
        %unpack3A_1095 = tpu.unpack_subelements %get3A_1094, 0 {pack_format = #tpu.pack_format<interleaved>} : vector<32xbf16> -> vector<16xf32>
        %unpack3A_1096 = tpu.unpack_subelements %get3A_1094, 1 {pack_format = #tpu.pack_format<interleaved>} : vector<32xbf16> -> vector<16xf32>
        %mul3A_1097 = arith.mulf %broadcast_in_dim3A_1091, %unpack3A_1095 : vector<16xf32>
        %add3A_1098 = arith.addf %add3A_1084, %mul3A_1097 : vector<16xf32>
        %mul3A_1099 = arith.mulf %broadcast_in_dim3A_1091, %unpack3A_1096 : vector<16xf32>
        %add3A_1100 = arith.addf %add3A_1086, %mul3A_1099 : vector<16xf32>
        %add3A_1101 = arith.constant 12 : i32
        %add3A_1102 = arith.addi %add3A_934, %add3A_1101 : i32
        %slice3A_1103 = vector.extract_strided_slice %get3A_935 {offsets = [12], sizes = [1], strides = [1]} : vector<16xf32> to vector<1xf32>
        %squeeze3A_1104 = vector.extract %slice3A_1103[0] : f32 from vector<1xf32>
        %broadcast_in_dim3A_1105 = vector.broadcast %squeeze3A_1104 : f32 to vector<16xf32>
        %get3A_1106 = arith.index_cast %add3A_1102 : i32 to index
        %get3A_1107 = arith.constant 0 : index
        %get3A_1108 = tpu.vector_load %arg16[%get3A_1106, %get3A_1107] {strides = array<i32>} : memref<1024x32xbf16, #tpu.memory_space<vmem>>, vector<32xbf16>,
        %unpack3A_1109 = tpu.unpack_subelements %get3A_1108, 0 {pack_format = #tpu.pack_format<interleaved>} : vector<32xbf16> -> vector<16xf32>
        %unpack3A_1110 = tpu.unpack_subelements %get3A_1108, 1 {pack_format = #tpu.pack_format<interleaved>} : vector<32xbf16> -> vector<16xf32>
        %mul3A_1111 = arith.mulf %broadcast_in_dim3A_1105, %unpack3A_1109 : vector<16xf32>
        %add3A_1112 = arith.addf %add3A_1098, %mul3A_1111 : vector<16xf32>
        %mul3A_1113 = arith.mulf %broadcast_in_dim3A_1105, %unpack3A_1110 : vector<16xf32>
        %add3A_1114 = arith.addf %add3A_1100, %mul3A_1113 : vector<16xf32>
        %add3A_1115 = arith.constant 13 : i32
        %add3A_1116 = arith.addi %add3A_934, %add3A_1115 : i32
        %slice3A_1117 = vector.extract_strided_slice %get3A_935 {offsets = [13], sizes = [1], strides = [1]} : vector<16xf32> to vector<1xf32>
        %squeeze3A_1118 = vector.extract %slice3A_1117[0] : f32 from vector<1xf32>
        %broadcast_in_dim3A_1119 = vector.broadcast %squeeze3A_1118 : f32 to vector<16xf32>
        %get3A_1120 = arith.index_cast %add3A_1116 : i32 to index
        %get3A_1121 = arith.constant 0 : index
        %get3A_1122 = tpu.vector_load %arg16[%get3A_1120, %get3A_1121] {strides = array<i32>} : memref<1024x32xbf16, #tpu.memory_space<vmem>>, vector<32xbf16>,
        %unpack3A_1123 = tpu.unpack_subelements %get3A_1122, 0 {pack_format = #tpu.pack_format<interleaved>} : vector<32xbf16> -> vector<16xf32>
        %unpack3A_1124 = tpu.unpack_subelements %get3A_1122, 1 {pack_format = #tpu.pack_format<interleaved>} : vector<32xbf16> -> vector<16xf32>
        %mul3A_1125 = arith.mulf %broadcast_in_dim3A_1119, %unpack3A_1123 : vector<16xf32>
        %add3A_1126 = arith.addf %add3A_1112, %mul3A_1125 : vector<16xf32>
        %mul3A_1127 = arith.mulf %broadcast_in_dim3A_1119, %unpack3A_1124 : vector<16xf32>
        %add3A_1128 = arith.addf %add3A_1114, %mul3A_1127 : vector<16xf32>
        %add3A_1129 = arith.constant 14 : i32
        %add3A_1130 = arith.addi %add3A_934, %add3A_1129 : i32
        %slice3A_1131 = vector.extract_strided_slice %get3A_935 {offsets = [14], sizes = [1], strides = [1]} : vector<16xf32> to vector<1xf32>
        %squeeze3A_1132 = vector.extract %slice3A_1131[0] : f32 from vector<1xf32>
        %broadcast_in_dim3A_1133 = vector.broadcast %squeeze3A_1132 : f32 to vector<16xf32>
        %get3A_1134 = arith.index_cast %add3A_1130 : i32 to index
        %get3A_1135 = arith.constant 0 : index
        %get3A_1136 = tpu.vector_load %arg16[%get3A_1134, %get3A_1135] {strides = array<i32>} : memref<1024x32xbf16, #tpu.memory_space<vmem>>, vector<32xbf16>,
        %unpack3A_1137 = tpu.unpack_subelements %get3A_1136, 0 {pack_format = #tpu.pack_format<interleaved>} : vector<32xbf16> -> vector<16xf32>
        %unpack3A_1138 = tpu.unpack_subelements %get3A_1136, 1 {pack_format = #tpu.pack_format<interleaved>} : vector<32xbf16> -> vector<16xf32>
        %mul3A_1139 = arith.mulf %broadcast_in_dim3A_1133, %unpack3A_1137 : vector<16xf32>
        %add3A_1140 = arith.addf %add3A_1126, %mul3A_1139 : vector<16xf32>
        %mul3A_1141 = arith.mulf %broadcast_in_dim3A_1133, %unpack3A_1138 : vector<16xf32>
        %add3A_1142 = arith.addf %add3A_1128, %mul3A_1141 : vector<16xf32>
        %add3A_1143 = arith.constant 15 : i32
        %add3A_1144 = arith.addi %add3A_934, %add3A_1143 : i32
        %slice3A_1145 = vector.extract_strided_slice %get3A_935 {offsets = [15], sizes = [1], strides = [1]} : vector<16xf32> to vector<1xf32>
        %squeeze3A_1146 = vector.extract %slice3A_1145[0] : f32 from vector<1xf32>
        %broadcast_in_dim3A_1147 = vector.broadcast %squeeze3A_1146 : f32 to vector<16xf32>
        %get3A_1148 = arith.index_cast %add3A_1144 : i32 to index
        %get3A_1149 = arith.constant 0 : index
        %get3A_1150 = tpu.vector_load %arg16[%get3A_1148, %get3A_1149] {strides = array<i32>} : memref<1024x32xbf16, #tpu.memory_space<vmem>>, vector<32xbf16>,
        %unpack3A_1151 = tpu.unpack_subelements %get3A_1150, 0 {pack_format = #tpu.pack_format<interleaved>} : vector<32xbf16> -> vector<16xf32>
        %unpack3A_1152 = tpu.unpack_subelements %get3A_1150, 1 {pack_format = #tpu.pack_format<interleaved>} : vector<32xbf16> -> vector<16xf32>
        %mul3A_1153 = arith.mulf %broadcast_in_dim3A_1147, %unpack3A_1151 : vector<16xf32>
        %add3A_1154 = arith.addf %add3A_1140, %mul3A_1153 : vector<16xf32>
        %mul3A_1155 = arith.mulf %broadcast_in_dim3A_1147, %unpack3A_1152 : vector<16xf32>
        %add3A_1156 = arith.addf %add3A_1142, %mul3A_1155 : vector<16xf32>
        %mul3A_1157 = arith.constant 16 : i32
        %mul3A_1158 = arith.muli %scan3A_927, %mul3A_1157 : i32
        %add3A_1159 = arith.constant 256 : i32
        %add3A_1160 = arith.addi %add3A_1159, %mul3A_1158 : i32
        %get3A_1161 = arith.index_cast %add3A_1160 : i32 to index
        %get3A_1162 = tpu.vector_load %arg14[%get3A_1161] {strides = array<i32>} : memref<1024xf32, #tpu.memory_space<vmem>>, vector<16xf32>,
        %add3A_1163 = arith.constant 0 : i32
        %add3A_1164 = arith.addi %add3A_1160, %add3A_1163 : i32
        %slice3A_1165 = vector.extract_strided_slice %get3A_1162 {offsets = [0], sizes = [1], strides = [1]} : vector<16xf32> to vector<1xf32>
        %squeeze3A_1166 = vector.extract %slice3A_1165[0] : f32 from vector<1xf32>
        %broadcast_in_dim3A_1167 = vector.broadcast %squeeze3A_1166 : f32 to vector<16xf32>
        %get3A_1168 = arith.index_cast %add3A_1164 : i32 to index
        %get3A_1169 = arith.constant 0 : index
        %get3A_1170 = tpu.vector_load %arg16[%get3A_1168, %get3A_1169] {strides = array<i32>} : memref<1024x32xbf16, #tpu.memory_space<vmem>>, vector<32xbf16>,
        %unpack3A_1171 = tpu.unpack_subelements %get3A_1170, 0 {pack_format = #tpu.pack_format<interleaved>} : vector<32xbf16> -> vector<16xf32>
        %unpack3A_1172 = tpu.unpack_subelements %get3A_1170, 1 {pack_format = #tpu.pack_format<interleaved>} : vector<32xbf16> -> vector<16xf32>
        %mul3A_1173 = arith.mulf %broadcast_in_dim3A_1167, %unpack3A_1171 : vector<16xf32>
        %add3A_1174 = arith.addf %add3A_1154, %mul3A_1173 : vector<16xf32>
        %mul3A_1175 = arith.mulf %broadcast_in_dim3A_1167, %unpack3A_1172 : vector<16xf32>
        %add3A_1176 = arith.addf %add3A_1156, %mul3A_1175 : vector<16xf32>
        %add3A_1177 = arith.constant 1 : i32
        %add3A_1178 = arith.addi %add3A_1160, %add3A_1177 : i32
        %slice3A_1179 = vector.extract_strided_slice %get3A_1162 {offsets = [1], sizes = [1], strides = [1]} : vector<16xf32> to vector<1xf32>
        %squeeze3A_1180 = vector.extract %slice3A_1179[0] : f32 from vector<1xf32>
        %broadcast_in_dim3A_1181 = vector.broadcast %squeeze3A_1180 : f32 to vector<16xf32>
        %get3A_1182 = arith.index_cast %add3A_1178 : i32 to index
        %get3A_1183 = arith.constant 0 : index
        %get3A_1184 = tpu.vector_load %arg16[%get3A_1182, %get3A_1183] {strides = array<i32>} : memref<1024x32xbf16, #tpu.memory_space<vmem>>, vector<32xbf16>,
        %unpack3A_1185 = tpu.unpack_subelements %get3A_1184, 0 {pack_format = #tpu.pack_format<interleaved>} : vector<32xbf16> -> vector<16xf32>
        %unpack3A_1186 = tpu.unpack_subelements %get3A_1184, 1 {pack_format = #tpu.pack_format<interleaved>} : vector<32xbf16> -> vector<16xf32>
        %mul3A_1187 = arith.mulf %broadcast_in_dim3A_1181, %unpack3A_1185 : vector<16xf32>
        %add3A_1188 = arith.addf %add3A_1174, %mul3A_1187 : vector<16xf32>
        %mul3A_1189 = arith.mulf %broadcast_in_dim3A_1181, %unpack3A_1186 : vector<16xf32>
        %add3A_1190 = arith.addf %add3A_1176, %mul3A_1189 : vector<16xf32>
        %add3A_1191 = arith.constant 2 : i32
        %add3A_1192 = arith.addi %add3A_1160, %add3A_1191 : i32
        %slice3A_1193 = vector.extract_strided_slice %get3A_1162 {offsets = [2], sizes = [1], strides = [1]} : vector<16xf32> to vector<1xf32>
        %squeeze3A_1194 = vector.extract %slice3A_1193[0] : f32 from vector<1xf32>
        %broadcast_in_dim3A_1195 = vector.broadcast %squeeze3A_1194 : f32 to vector<16xf32>
        %get3A_1196 = arith.index_cast %add3A_1192 : i32 to index
        %get3A_1197 = arith.constant 0 : index
        %get3A_1198 = tpu.vector_load %arg16[%get3A_1196, %get3A_1197] {strides = array<i32>} : memref<1024x32xbf16, #tpu.memory_space<vmem>>, vector<32xbf16>,
        %unpack3A_1199 = tpu.unpack_subelements %get3A_1198, 0 {pack_format = #tpu.pack_format<interleaved>} : vector<32xbf16> -> vector<16xf32>
        %unpack3A_1200 = tpu.unpack_subelements %get3A_1198, 1 {pack_format = #tpu.pack_format<interleaved>} : vector<32xbf16> -> vector<16xf32>
        %mul3A_1201 = arith.mulf %broadcast_in_dim3A_1195, %unpack3A_1199 : vector<16xf32>
        %add3A_1202 = arith.addf %add3A_1188, %mul3A_1201 : vector<16xf32>
        %mul3A_1203 = arith.mulf %broadcast_in_dim3A_1195, %unpack3A_1200 : vector<16xf32>
        %add3A_1204 = arith.addf %add3A_1190, %mul3A_1203 : vector<16xf32>
        %add3A_1205 = arith.constant 3 : i32
        %add3A_1206 = arith.addi %add3A_1160, %add3A_1205 : i32
        %slice3A_1207 = vector.extract_strided_slice %get3A_1162 {offsets = [3], sizes = [1], strides = [1]} : vector<16xf32> to vector<1xf32>
        %squeeze3A_1208 = vector.extract %slice3A_1207[0] : f32 from vector<1xf32>
        %broadcast_in_dim3A_1209 = vector.broadcast %squeeze3A_1208 : f32 to vector<16xf32>
        %get3A_1210 = arith.index_cast %add3A_1206 : i32 to index
        %get3A_1211 = arith.constant 0 : index
        %get3A_1212 = tpu.vector_load %arg16[%get3A_1210, %get3A_1211] {strides = array<i32>} : memref<1024x32xbf16, #tpu.memory_space<vmem>>, vector<32xbf16>,
        %unpack3A_1213 = tpu.unpack_subelements %get3A_1212, 0 {pack_format = #tpu.pack_format<interleaved>} : vector<32xbf16> -> vector<16xf32>
        %unpack3A_1214 = tpu.unpack_subelements %get3A_1212, 1 {pack_format = #tpu.pack_format<interleaved>} : vector<32xbf16> -> vector<16xf32>
        %mul3A_1215 = arith.mulf %broadcast_in_dim3A_1209, %unpack3A_1213 : vector<16xf32>
        %add3A_1216 = arith.addf %add3A_1202, %mul3A_1215 : vector<16xf32>
        %mul3A_1217 = arith.mulf %broadcast_in_dim3A_1209, %unpack3A_1214 : vector<16xf32>
        %add3A_1218 = arith.addf %add3A_1204, %mul3A_1217 : vector<16xf32>
        %add3A_1219 = arith.constant 4 : i32
        %add3A_1220 = arith.addi %add3A_1160, %add3A_1219 : i32
        %slice3A_1221 = vector.extract_strided_slice %get3A_1162 {offsets = [4], sizes = [1], strides = [1]} : vector<16xf32> to vector<1xf32>
        %squeeze3A_1222 = vector.extract %slice3A_1221[0] : f32 from vector<1xf32>
        %broadcast_in_dim3A_1223 = vector.broadcast %squeeze3A_1222 : f32 to vector<16xf32>
        %get3A_1224 = arith.index_cast %add3A_1220 : i32 to index
        %get3A_1225 = arith.constant 0 : index
        %get3A_1226 = tpu.vector_load %arg16[%get3A_1224, %get3A_1225] {strides = array<i32>} : memref<1024x32xbf16, #tpu.memory_space<vmem>>, vector<32xbf16>,
        %unpack3A_1227 = tpu.unpack_subelements %get3A_1226, 0 {pack_format = #tpu.pack_format<interleaved>} : vector<32xbf16> -> vector<16xf32>
        %unpack3A_1228 = tpu.unpack_subelements %get3A_1226, 1 {pack_format = #tpu.pack_format<interleaved>} : vector<32xbf16> -> vector<16xf32>
        %mul3A_1229 = arith.mulf %broadcast_in_dim3A_1223, %unpack3A_1227 : vector<16xf32>
        %add3A_1230 = arith.addf %add3A_1216, %mul3A_1229 : vector<16xf32>
        %mul3A_1231 = arith.mulf %broadcast_in_dim3A_1223, %unpack3A_1228 : vector<16xf32>
        %add3A_1232 = arith.addf %add3A_1218, %mul3A_1231 : vector<16xf32>
        %add3A_1233 = arith.constant 5 : i32
        %add3A_1234 = arith.addi %add3A_1160, %add3A_1233 : i32
        %slice3A_1235 = vector.extract_strided_slice %get3A_1162 {offsets = [5], sizes = [1], strides = [1]} : vector<16xf32> to vector<1xf32>
        %squeeze3A_1236 = vector.extract %slice3A_1235[0] : f32 from vector<1xf32>
        %broadcast_in_dim3A_1237 = vector.broadcast %squeeze3A_1236 : f32 to vector<16xf32>
        %get3A_1238 = arith.index_cast %add3A_1234 : i32 to index
        %get3A_1239 = arith.constant 0 : index
        %get3A_1240 = tpu.vector_load %arg16[%get3A_1238, %get3A_1239] {strides = array<i32>} : memref<1024x32xbf16, #tpu.memory_space<vmem>>, vector<32xbf16>,
        %unpack3A_1241 = tpu.unpack_subelements %get3A_1240, 0 {pack_format = #tpu.pack_format<interleaved>} : vector<32xbf16> -> vector<16xf32>
        %unpack3A_1242 = tpu.unpack_subelements %get3A_1240, 1 {pack_format = #tpu.pack_format<interleaved>} : vector<32xbf16> -> vector<16xf32>
        %mul3A_1243 = arith.mulf %broadcast_in_dim3A_1237, %unpack3A_1241 : vector<16xf32>
        %add3A_1244 = arith.addf %add3A_1230, %mul3A_1243 : vector<16xf32>
        %mul3A_1245 = arith.mulf %broadcast_in_dim3A_1237, %unpack3A_1242 : vector<16xf32>
        %add3A_1246 = arith.addf %add3A_1232, %mul3A_1245 : vector<16xf32>
        %add3A_1247 = arith.constant 6 : i32
        %add3A_1248 = arith.addi %add3A_1160, %add3A_1247 : i32
        %slice3A_1249 = vector.extract_strided_slice %get3A_1162 {offsets = [6], sizes = [1], strides = [1]} : vector<16xf32> to vector<1xf32>
        %squeeze3A_1250 = vector.extract %slice3A_1249[0] : f32 from vector<1xf32>
        %broadcast_in_dim3A_1251 = vector.broadcast %squeeze3A_1250 : f32 to vector<16xf32>
        %get3A_1252 = arith.index_cast %add3A_1248 : i32 to index
        %get3A_1253 = arith.constant 0 : index
        %get3A_1254 = tpu.vector_load %arg16[%get3A_1252, %get3A_1253] {strides = array<i32>} : memref<1024x32xbf16, #tpu.memory_space<vmem>>, vector<32xbf16>,
        %unpack3A_1255 = tpu.unpack_subelements %get3A_1254, 0 {pack_format = #tpu.pack_format<interleaved>} : vector<32xbf16> -> vector<16xf32>
        %unpack3A_1256 = tpu.unpack_subelements %get3A_1254, 1 {pack_format = #tpu.pack_format<interleaved>} : vector<32xbf16> -> vector<16xf32>
        %mul3A_1257 = arith.mulf %broadcast_in_dim3A_1251, %unpack3A_1255 : vector<16xf32>
        %add3A_1258 = arith.addf %add3A_1244, %mul3A_1257 : vector<16xf32>
        %mul3A_1259 = arith.mulf %broadcast_in_dim3A_1251, %unpack3A_1256 : vector<16xf32>
        %add3A_1260 = arith.addf %add3A_1246, %mul3A_1259 : vector<16xf32>
        %add3A_1261 = arith.constant 7 : i32
        %add3A_1262 = arith.addi %add3A_1160, %add3A_1261 : i32
        %slice3A_1263 = vector.extract_strided_slice %get3A_1162 {offsets = [7], sizes = [1], strides = [1]} : vector<16xf32> to vector<1xf32>
        %squeeze3A_1264 = vector.extract %slice3A_1263[0] : f32 from vector<1xf32>
        %broadcast_in_dim3A_1265 = vector.broadcast %squeeze3A_1264 : f32 to vector<16xf32>
        %get3A_1266 = arith.index_cast %add3A_1262 : i32 to index
        %get3A_1267 = arith.constant 0 : index
        %get3A_1268 = tpu.vector_load %arg16[%get3A_1266, %get3A_1267] {strides = array<i32>} : memref<1024x32xbf16, #tpu.memory_space<vmem>>, vector<32xbf16>,
        %unpack3A_1269 = tpu.unpack_subelements %get3A_1268, 0 {pack_format = #tpu.pack_format<interleaved>} : vector<32xbf16> -> vector<16xf32>
        %unpack3A_1270 = tpu.unpack_subelements %get3A_1268, 1 {pack_format = #tpu.pack_format<interleaved>} : vector<32xbf16> -> vector<16xf32>
        %mul3A_1271 = arith.mulf %broadcast_in_dim3A_1265, %unpack3A_1269 : vector<16xf32>
        %add3A_1272 = arith.addf %add3A_1258, %mul3A_1271 : vector<16xf32>
        %mul3A_1273 = arith.mulf %broadcast_in_dim3A_1265, %unpack3A_1270 : vector<16xf32>
        %add3A_1274 = arith.addf %add3A_1260, %mul3A_1273 : vector<16xf32>
        %add3A_1275 = arith.constant 8 : i32
        %add3A_1276 = arith.addi %add3A_1160, %add3A_1275 : i32
        %slice3A_1277 = vector.extract_strided_slice %get3A_1162 {offsets = [8], sizes = [1], strides = [1]} : vector<16xf32> to vector<1xf32>
        %squeeze3A_1278 = vector.extract %slice3A_1277[0] : f32 from vector<1xf32>
        %broadcast_in_dim3A_1279 = vector.broadcast %squeeze3A_1278 : f32 to vector<16xf32>
        %get3A_1280 = arith.index_cast %add3A_1276 : i32 to index
        %get3A_1281 = arith.constant 0 : index
        %get3A_1282 = tpu.vector_load %arg16[%get3A_1280, %get3A_1281] {strides = array<i32>} : memref<1024x32xbf16, #tpu.memory_space<vmem>>, vector<32xbf16>,
        %unpack3A_1283 = tpu.unpack_subelements %get3A_1282, 0 {pack_format = #tpu.pack_format<interleaved>} : vector<32xbf16> -> vector<16xf32>
        %unpack3A_1284 = tpu.unpack_subelements %get3A_1282, 1 {pack_format = #tpu.pack_format<interleaved>} : vector<32xbf16> -> vector<16xf32>
        %mul3A_1285 = arith.mulf %broadcast_in_dim3A_1279, %unpack3A_1283 : vector<16xf32>
        %add3A_1286 = arith.addf %add3A_1272, %mul3A_1285 : vector<16xf32>
        %mul3A_1287 = arith.mulf %broadcast_in_dim3A_1279, %unpack3A_1284 : vector<16xf32>
        %add3A_1288 = arith.addf %add3A_1274, %mul3A_1287 : vector<16xf32>
        %add3A_1289 = arith.constant 9 : i32
        %add3A_1290 = arith.addi %add3A_1160, %add3A_1289 : i32
        %slice3A_1291 = vector.extract_strided_slice %get3A_1162 {offsets = [9], sizes = [1], strides = [1]} : vector<16xf32> to vector<1xf32>
        %squeeze3A_1292 = vector.extract %slice3A_1291[0] : f32 from vector<1xf32>
        %broadcast_in_dim3A_1293 = vector.broadcast %squeeze3A_1292 : f32 to vector<16xf32>
        %get3A_1294 = arith.index_cast %add3A_1290 : i32 to index
        %get3A_1295 = arith.constant 0 : index
        %get3A_1296 = tpu.vector_load %arg16[%get3A_1294, %get3A_1295] {strides = array<i32>} : memref<1024x32xbf16, #tpu.memory_space<vmem>>, vector<32xbf16>,
        %unpack3A_1297 = tpu.unpack_subelements %get3A_1296, 0 {pack_format = #tpu.pack_format<interleaved>} : vector<32xbf16> -> vector<16xf32>
        %unpack3A_1298 = tpu.unpack_subelements %get3A_1296, 1 {pack_format = #tpu.pack_format<interleaved>} : vector<32xbf16> -> vector<16xf32>
        %mul3A_1299 = arith.mulf %broadcast_in_dim3A_1293, %unpack3A_1297 : vector<16xf32>
        %add3A_1300 = arith.addf %add3A_1286, %mul3A_1299 : vector<16xf32>
        %mul3A_1301 = arith.mulf %broadcast_in_dim3A_1293, %unpack3A_1298 : vector<16xf32>
        %add3A_1302 = arith.addf %add3A_1288, %mul3A_1301 : vector<16xf32>
        %add3A_1303 = arith.constant 10 : i32
        %add3A_1304 = arith.addi %add3A_1160, %add3A_1303 : i32
        %slice3A_1305 = vector.extract_strided_slice %get3A_1162 {offsets = [10], sizes = [1], strides = [1]} : vector<16xf32> to vector<1xf32>
        %squeeze3A_1306 = vector.extract %slice3A_1305[0] : f32 from vector<1xf32>
        %broadcast_in_dim3A_1307 = vector.broadcast %squeeze3A_1306 : f32 to vector<16xf32>
        %get3A_1308 = arith.index_cast %add3A_1304 : i32 to index
        %get3A_1309 = arith.constant 0 : index
        %get3A_1310 = tpu.vector_load %arg16[%get3A_1308, %get3A_1309] {strides = array<i32>} : memref<1024x32xbf16, #tpu.memory_space<vmem>>, vector<32xbf16>,
        %unpack3A_1311 = tpu.unpack_subelements %get3A_1310, 0 {pack_format = #tpu.pack_format<interleaved>} : vector<32xbf16> -> vector<16xf32>
        %unpack3A_1312 = tpu.unpack_subelements %get3A_1310, 1 {pack_format = #tpu.pack_format<interleaved>} : vector<32xbf16> -> vector<16xf32>
        %mul3A_1313 = arith.mulf %broadcast_in_dim3A_1307, %unpack3A_1311 : vector<16xf32>
        %add3A_1314 = arith.addf %add3A_1300, %mul3A_1313 : vector<16xf32>
        %mul3A_1315 = arith.mulf %broadcast_in_dim3A_1307, %unpack3A_1312 : vector<16xf32>
        %add3A_1316 = arith.addf %add3A_1302, %mul3A_1315 : vector<16xf32>
        %add3A_1317 = arith.constant 11 : i32
        %add3A_1318 = arith.addi %add3A_1160, %add3A_1317 : i32
        %slice3A_1319 = vector.extract_strided_slice %get3A_1162 {offsets = [11], sizes = [1], strides = [1]} : vector<16xf32> to vector<1xf32>
        %squeeze3A_1320 = vector.extract %slice3A_1319[0] : f32 from vector<1xf32>
        %broadcast_in_dim3A_1321 = vector.broadcast %squeeze3A_1320 : f32 to vector<16xf32>
        %get3A_1322 = arith.index_cast %add3A_1318 : i32 to index
        %get3A_1323 = arith.constant 0 : index
        %get3A_1324 = tpu.vector_load %arg16[%get3A_1322, %get3A_1323] {strides = array<i32>} : memref<1024x32xbf16, #tpu.memory_space<vmem>>, vector<32xbf16>,
        %unpack3A_1325 = tpu.unpack_subelements %get3A_1324, 0 {pack_format = #tpu.pack_format<interleaved>} : vector<32xbf16> -> vector<16xf32>
        %unpack3A_1326 = tpu.unpack_subelements %get3A_1324, 1 {pack_format = #tpu.pack_format<interleaved>} : vector<32xbf16> -> vector<16xf32>
        %mul3A_1327 = arith.mulf %broadcast_in_dim3A_1321, %unpack3A_1325 : vector<16xf32>
        %add3A_1328 = arith.addf %add3A_1314, %mul3A_1327 : vector<16xf32>
        %mul3A_1329 = arith.mulf %broadcast_in_dim3A_1321, %unpack3A_1326 : vector<16xf32>
        %add3A_1330 = arith.addf %add3A_1316, %mul3A_1329 : vector<16xf32>
        %add3A_1331 = arith.constant 12 : i32
        %add3A_1332 = arith.addi %add3A_1160, %add3A_1331 : i32
        %slice3A_1333 = vector.extract_strided_slice %get3A_1162 {offsets = [12], sizes = [1], strides = [1]} : vector<16xf32> to vector<1xf32>
        %squeeze3A_1334 = vector.extract %slice3A_1333[0] : f32 from vector<1xf32>
        %broadcast_in_dim3A_1335 = vector.broadcast %squeeze3A_1334 : f32 to vector<16xf32>
        %get3A_1336 = arith.index_cast %add3A_1332 : i32 to index
        %get3A_1337 = arith.constant 0 : index
        %get3A_1338 = tpu.vector_load %arg16[%get3A_1336, %get3A_1337] {strides = array<i32>} : memref<1024x32xbf16, #tpu.memory_space<vmem>>, vector<32xbf16>,
        %unpack3A_1339 = tpu.unpack_subelements %get3A_1338, 0 {pack_format = #tpu.pack_format<interleaved>} : vector<32xbf16> -> vector<16xf32>
        %unpack3A_1340 = tpu.unpack_subelements %get3A_1338, 1 {pack_format = #tpu.pack_format<interleaved>} : vector<32xbf16> -> vector<16xf32>
        %mul3A_1341 = arith.mulf %broadcast_in_dim3A_1335, %unpack3A_1339 : vector<16xf32>
        %add3A_1342 = arith.addf %add3A_1328, %mul3A_1341 : vector<16xf32>
        %mul3A_1343 = arith.mulf %broadcast_in_dim3A_1335, %unpack3A_1340 : vector<16xf32>
        %add3A_1344 = arith.addf %add3A_1330, %mul3A_1343 : vector<16xf32>
        %add3A_1345 = arith.constant 13 : i32
        %add3A_1346 = arith.addi %add3A_1160, %add3A_1345 : i32
        %slice3A_1347 = vector.extract_strided_slice %get3A_1162 {offsets = [13], sizes = [1], strides = [1]} : vector<16xf32> to vector<1xf32>
        %squeeze3A_1348 = vector.extract %slice3A_1347[0] : f32 from vector<1xf32>
        %broadcast_in_dim3A_1349 = vector.broadcast %squeeze3A_1348 : f32 to vector<16xf32>
        %get3A_1350 = arith.index_cast %add3A_1346 : i32 to index
        %get3A_1351 = arith.constant 0 : index
        %get3A_1352 = tpu.vector_load %arg16[%get3A_1350, %get3A_1351] {strides = array<i32>} : memref<1024x32xbf16, #tpu.memory_space<vmem>>, vector<32xbf16>,
        %unpack3A_1353 = tpu.unpack_subelements %get3A_1352, 0 {pack_format = #tpu.pack_format<interleaved>} : vector<32xbf16> -> vector<16xf32>
        %unpack3A_1354 = tpu.unpack_subelements %get3A_1352, 1 {pack_format = #tpu.pack_format<interleaved>} : vector<32xbf16> -> vector<16xf32>
        %mul3A_1355 = arith.mulf %broadcast_in_dim3A_1349, %unpack3A_1353 : vector<16xf32>
        %add3A_1356 = arith.addf %add3A_1342, %mul3A_1355 : vector<16xf32>
        %mul3A_1357 = arith.mulf %broadcast_in_dim3A_1349, %unpack3A_1354 : vector<16xf32>
        %add3A_1358 = arith.addf %add3A_1344, %mul3A_1357 : vector<16xf32>
        %add3A_1359 = arith.constant 14 : i32
        %add3A_1360 = arith.addi %add3A_1160, %add3A_1359 : i32
        %slice3A_1361 = vector.extract_strided_slice %get3A_1162 {offsets = [14], sizes = [1], strides = [1]} : vector<16xf32> to vector<1xf32>
        %squeeze3A_1362 = vector.extract %slice3A_1361[0] : f32 from vector<1xf32>
        %broadcast_in_dim3A_1363 = vector.broadcast %squeeze3A_1362 : f32 to vector<16xf32>
        %get3A_1364 = arith.index_cast %add3A_1360 : i32 to index
        %get3A_1365 = arith.constant 0 : index
        %get3A_1366 = tpu.vector_load %arg16[%get3A_1364, %get3A_1365] {strides = array<i32>} : memref<1024x32xbf16, #tpu.memory_space<vmem>>, vector<32xbf16>,
        %unpack3A_1367 = tpu.unpack_subelements %get3A_1366, 0 {pack_format = #tpu.pack_format<interleaved>} : vector<32xbf16> -> vector<16xf32>
        %unpack3A_1368 = tpu.unpack_subelements %get3A_1366, 1 {pack_format = #tpu.pack_format<interleaved>} : vector<32xbf16> -> vector<16xf32>
        %mul3A_1369 = arith.mulf %broadcast_in_dim3A_1363, %unpack3A_1367 : vector<16xf32>
        %add3A_1370 = arith.addf %add3A_1356, %mul3A_1369 : vector<16xf32>
        %mul3A_1371 = arith.mulf %broadcast_in_dim3A_1363, %unpack3A_1368 : vector<16xf32>
        %add3A_1372 = arith.addf %add3A_1358, %mul3A_1371 : vector<16xf32>
        %add3A_1373 = arith.constant 15 : i32
        %add3A_1374 = arith.addi %add3A_1160, %add3A_1373 : i32
        %slice3A_1375 = vector.extract_strided_slice %get3A_1162 {offsets = [15], sizes = [1], strides = [1]} : vector<16xf32> to vector<1xf32>
        %squeeze3A_1376 = vector.extract %slice3A_1375[0] : f32 from vector<1xf32>
        %broadcast_in_dim3A_1377 = vector.broadcast %squeeze3A_1376 : f32 to vector<16xf32>
        %get3A_1378 = arith.index_cast %add3A_1374 : i32 to index
        %get3A_1379 = arith.constant 0 : index
        %get3A_1380 = tpu.vector_load %arg16[%get3A_1378, %get3A_1379] {strides = array<i32>} : memref<1024x32xbf16, #tpu.memory_space<vmem>>, vector<32xbf16>,
        %unpack3A_1381 = tpu.unpack_subelements %get3A_1380, 0 {pack_format = #tpu.pack_format<interleaved>} : vector<32xbf16> -> vector<16xf32>
        %unpack3A_1382 = tpu.unpack_subelements %get3A_1380, 1 {pack_format = #tpu.pack_format<interleaved>} : vector<32xbf16> -> vector<16xf32>
        %mul3A_1383 = arith.mulf %broadcast_in_dim3A_1377, %unpack3A_1381 : vector<16xf32>
        %add3A_1384 = arith.addf %add3A_1370, %mul3A_1383 : vector<16xf32>
        %mul3A_1385 = arith.mulf %broadcast_in_dim3A_1377, %unpack3A_1382 : vector<16xf32>
        %add3A_1386 = arith.addf %add3A_1372, %mul3A_1385 : vector<16xf32>
        %mul3A_1387 = arith.constant 16 : i32
        %mul3A_1388 = arith.muli %scan3A_927, %mul3A_1387 : i32
        %add3A_1389 = arith.constant 512 : i32
        %add3A_1390 = arith.addi %add3A_1389, %mul3A_1388 : i32
        %get3A_1391 = arith.index_cast %add3A_1390 : i32 to index
        %get3A_1392 = tpu.vector_load %arg14[%get3A_1391] {strides = array<i32>} : memref<1024xf32, #tpu.memory_space<vmem>>, vector<16xf32>,
        %add3A_1393 = arith.constant 0 : i32
        %add3A_1394 = arith.addi %add3A_1390, %add3A_1393 : i32
        %slice3A_1395 = vector.extract_strided_slice %get3A_1392 {offsets = [0], sizes = [1], strides = [1]} : vector<16xf32> to vector<1xf32>
        %squeeze3A_1396 = vector.extract %slice3A_1395[0] : f32 from vector<1xf32>
        %broadcast_in_dim3A_1397 = vector.broadcast %squeeze3A_1396 : f32 to vector<16xf32>
        %get3A_1398 = arith.index_cast %add3A_1394 : i32 to index
        %get3A_1399 = arith.constant 0 : index
        %get3A_1400 = tpu.vector_load %arg16[%get3A_1398, %get3A_1399] {strides = array<i32>} : memref<1024x32xbf16, #tpu.memory_space<vmem>>, vector<32xbf16>,
        %unpack3A_1401 = tpu.unpack_subelements %get3A_1400, 0 {pack_format = #tpu.pack_format<interleaved>} : vector<32xbf16> -> vector<16xf32>
        %unpack3A_1402 = tpu.unpack_subelements %get3A_1400, 1 {pack_format = #tpu.pack_format<interleaved>} : vector<32xbf16> -> vector<16xf32>
        %mul3A_1403 = arith.mulf %broadcast_in_dim3A_1397, %unpack3A_1401 : vector<16xf32>
        %add3A_1404 = arith.addf %add3A_1384, %mul3A_1403 : vector<16xf32>
        %mul3A_1405 = arith.mulf %broadcast_in_dim3A_1397, %unpack3A_1402 : vector<16xf32>
        %add3A_1406 = arith.addf %add3A_1386, %mul3A_1405 : vector<16xf32>
        %add3A_1407 = arith.constant 1 : i32
        %add3A_1408 = arith.addi %add3A_1390, %add3A_1407 : i32
        %slice3A_1409 = vector.extract_strided_slice %get3A_1392 {offsets = [1], sizes = [1], strides = [1]} : vector<16xf32> to vector<1xf32>
        %squeeze3A_1410 = vector.extract %slice3A_1409[0] : f32 from vector<1xf32>
        %broadcast_in_dim3A_1411 = vector.broadcast %squeeze3A_1410 : f32 to vector<16xf32>
        %get3A_1412 = arith.index_cast %add3A_1408 : i32 to index
        %get3A_1413 = arith.constant 0 : index
        %get3A_1414 = tpu.vector_load %arg16[%get3A_1412, %get3A_1413] {strides = array<i32>} : memref<1024x32xbf16, #tpu.memory_space<vmem>>, vector<32xbf16>,
        %unpack3A_1415 = tpu.unpack_subelements %get3A_1414, 0 {pack_format = #tpu.pack_format<interleaved>} : vector<32xbf16> -> vector<16xf32>
        %unpack3A_1416 = tpu.unpack_subelements %get3A_1414, 1 {pack_format = #tpu.pack_format<interleaved>} : vector<32xbf16> -> vector<16xf32>
        %mul3A_1417 = arith.mulf %broadcast_in_dim3A_1411, %unpack3A_1415 : vector<16xf32>
        %add3A_1418 = arith.addf %add3A_1404, %mul3A_1417 : vector<16xf32>
        %mul3A_1419 = arith.mulf %broadcast_in_dim3A_1411, %unpack3A_1416 : vector<16xf32>
        %add3A_1420 = arith.addf %add3A_1406, %mul3A_1419 : vector<16xf32>
        %add3A_1421 = arith.constant 2 : i32
        %add3A_1422 = arith.addi %add3A_1390, %add3A_1421 : i32
        %slice3A_1423 = vector.extract_strided_slice %get3A_1392 {offsets = [2], sizes = [1], strides = [1]} : vector<16xf32> to vector<1xf32>
        %squeeze3A_1424 = vector.extract %slice3A_1423[0] : f32 from vector<1xf32>
        %broadcast_in_dim3A_1425 = vector.broadcast %squeeze3A_1424 : f32 to vector<16xf32>
        %get3A_1426 = arith.index_cast %add3A_1422 : i32 to index
        %get3A_1427 = arith.constant 0 : index
        %get3A_1428 = tpu.vector_load %arg16[%get3A_1426, %get3A_1427] {strides = array<i32>} : memref<1024x32xbf16, #tpu.memory_space<vmem>>, vector<32xbf16>,
        %unpack3A_1429 = tpu.unpack_subelements %get3A_1428, 0 {pack_format = #tpu.pack_format<interleaved>} : vector<32xbf16> -> vector<16xf32>
        %unpack3A_1430 = tpu.unpack_subelements %get3A_1428, 1 {pack_format = #tpu.pack_format<interleaved>} : vector<32xbf16> -> vector<16xf32>
        %mul3A_1431 = arith.mulf %broadcast_in_dim3A_1425, %unpack3A_1429 : vector<16xf32>
        %add3A_1432 = arith.addf %add3A_1418, %mul3A_1431 : vector<16xf32>
        %mul3A_1433 = arith.mulf %broadcast_in_dim3A_1425, %unpack3A_1430 : vector<16xf32>
        %add3A_1434 = arith.addf %add3A_1420, %mul3A_1433 : vector<16xf32>
        %add3A_1435 = arith.constant 3 : i32
        %add3A_1436 = arith.addi %add3A_1390, %add3A_1435 : i32
        %slice3A_1437 = vector.extract_strided_slice %get3A_1392 {offsets = [3], sizes = [1], strides = [1]} : vector<16xf32> to vector<1xf32>
        %squeeze3A_1438 = vector.extract %slice3A_1437[0] : f32 from vector<1xf32>
        %broadcast_in_dim3A_1439 = vector.broadcast %squeeze3A_1438 : f32 to vector<16xf32>
        %get3A_1440 = arith.index_cast %add3A_1436 : i32 to index
        %get3A_1441 = arith.constant 0 : index
        %get3A_1442 = tpu.vector_load %arg16[%get3A_1440, %get3A_1441] {strides = array<i32>} : memref<1024x32xbf16, #tpu.memory_space<vmem>>, vector<32xbf16>,
        %unpack3A_1443 = tpu.unpack_subelements %get3A_1442, 0 {pack_format = #tpu.pack_format<interleaved>} : vector<32xbf16> -> vector<16xf32>
        %unpack3A_1444 = tpu.unpack_subelements %get3A_1442, 1 {pack_format = #tpu.pack_format<interleaved>} : vector<32xbf16> -> vector<16xf32>
        %mul3A_1445 = arith.mulf %broadcast_in_dim3A_1439, %unpack3A_1443 : vector<16xf32>
        %add3A_1446 = arith.addf %add3A_1432, %mul3A_1445 : vector<16xf32>
        %mul3A_1447 = arith.mulf %broadcast_in_dim3A_1439, %unpack3A_1444 : vector<16xf32>
        %add3A_1448 = arith.addf %add3A_1434, %mul3A_1447 : vector<16xf32>
        %add3A_1449 = arith.constant 4 : i32
        %add3A_1450 = arith.addi %add3A_1390, %add3A_1449 : i32
        %slice3A_1451 = vector.extract_strided_slice %get3A_1392 {offsets = [4], sizes = [1], strides = [1]} : vector<16xf32> to vector<1xf32>
        %squeeze3A_1452 = vector.extract %slice3A_1451[0] : f32 from vector<1xf32>
        %broadcast_in_dim3A_1453 = vector.broadcast %squeeze3A_1452 : f32 to vector<16xf32>
        %get3A_1454 = arith.index_cast %add3A_1450 : i32 to index
        %get3A_1455 = arith.constant 0 : index
        %get3A_1456 = tpu.vector_load %arg16[%get3A_1454, %get3A_1455] {strides = array<i32>} : memref<1024x32xbf16, #tpu.memory_space<vmem>>, vector<32xbf16>,
        %unpack3A_1457 = tpu.unpack_subelements %get3A_1456, 0 {pack_format = #tpu.pack_format<interleaved>} : vector<32xbf16> -> vector<16xf32>
        %unpack3A_1458 = tpu.unpack_subelements %get3A_1456, 1 {pack_format = #tpu.pack_format<interleaved>} : vector<32xbf16> -> vector<16xf32>
        %mul3A_1459 = arith.mulf %broadcast_in_dim3A_1453, %unpack3A_1457 : vector<16xf32>
        %add3A_1460 = arith.addf %add3A_1446, %mul3A_1459 : vector<16xf32>
        %mul3A_1461 = arith.mulf %broadcast_in_dim3A_1453, %unpack3A_1458 : vector<16xf32>
        %add3A_1462 = arith.addf %add3A_1448, %mul3A_1461 : vector<16xf32>
        %add3A_1463 = arith.constant 5 : i32
        %add3A_1464 = arith.addi %add3A_1390, %add3A_1463 : i32
        %slice3A_1465 = vector.extract_strided_slice %get3A_1392 {offsets = [5], sizes = [1], strides = [1]} : vector<16xf32> to vector<1xf32>
        %squeeze3A_1466 = vector.extract %slice3A_1465[0] : f32 from vector<1xf32>
        %broadcast_in_dim3A_1467 = vector.broadcast %squeeze3A_1466 : f32 to vector<16xf32>
        %get3A_1468 = arith.index_cast %add3A_1464 : i32 to index
        %get3A_1469 = arith.constant 0 : index
        %get3A_1470 = tpu.vector_load %arg16[%get3A_1468, %get3A_1469] {strides = array<i32>} : memref<1024x32xbf16, #tpu.memory_space<vmem>>, vector<32xbf16>,
        %unpack3A_1471 = tpu.unpack_subelements %get3A_1470, 0 {pack_format = #tpu.pack_format<interleaved>} : vector<32xbf16> -> vector<16xf32>
        %unpack3A_1472 = tpu.unpack_subelements %get3A_1470, 1 {pack_format = #tpu.pack_format<interleaved>} : vector<32xbf16> -> vector<16xf32>
        %mul3A_1473 = arith.mulf %broadcast_in_dim3A_1467, %unpack3A_1471 : vector<16xf32>
        %add3A_1474 = arith.addf %add3A_1460, %mul3A_1473 : vector<16xf32>
        %mul3A_1475 = arith.mulf %broadcast_in_dim3A_1467, %unpack3A_1472 : vector<16xf32>
        %add3A_1476 = arith.addf %add3A_1462, %mul3A_1475 : vector<16xf32>
        %add3A_1477 = arith.constant 6 : i32
        %add3A_1478 = arith.addi %add3A_1390, %add3A_1477 : i32
        %slice3A_1479 = vector.extract_strided_slice %get3A_1392 {offsets = [6], sizes = [1], strides = [1]} : vector<16xf32> to vector<1xf32>
        %squeeze3A_1480 = vector.extract %slice3A_1479[0] : f32 from vector<1xf32>
        %broadcast_in_dim3A_1481 = vector.broadcast %squeeze3A_1480 : f32 to vector<16xf32>
        %get3A_1482 = arith.index_cast %add3A_1478 : i32 to index
        %get3A_1483 = arith.constant 0 : index
        %get3A_1484 = tpu.vector_load %arg16[%get3A_1482, %get3A_1483] {strides = array<i32>} : memref<1024x32xbf16, #tpu.memory_space<vmem>>, vector<32xbf16>,
        %unpack3A_1485 = tpu.unpack_subelements %get3A_1484, 0 {pack_format = #tpu.pack_format<interleaved>} : vector<32xbf16> -> vector<16xf32>
        %unpack3A_1486 = tpu.unpack_subelements %get3A_1484, 1 {pack_format = #tpu.pack_format<interleaved>} : vector<32xbf16> -> vector<16xf32>
        %mul3A_1487 = arith.mulf %broadcast_in_dim3A_1481, %unpack3A_1485 : vector<16xf32>
        %add3A_1488 = arith.addf %add3A_1474, %mul3A_1487 : vector<16xf32>
        %mul3A_1489 = arith.mulf %broadcast_in_dim3A_1481, %unpack3A_1486 : vector<16xf32>
        %add3A_1490 = arith.addf %add3A_1476, %mul3A_1489 : vector<16xf32>
        %add3A_1491 = arith.constant 7 : i32
        %add3A_1492 = arith.addi %add3A_1390, %add3A_1491 : i32
        %slice3A_1493 = vector.extract_strided_slice %get3A_1392 {offsets = [7], sizes = [1], strides = [1]} : vector<16xf32> to vector<1xf32>
        %squeeze3A_1494 = vector.extract %slice3A_1493[0] : f32 from vector<1xf32>
        %broadcast_in_dim3A_1495 = vector.broadcast %squeeze3A_1494 : f32 to vector<16xf32>
        %get3A_1496 = arith.index_cast %add3A_1492 : i32 to index
        %get3A_1497 = arith.constant 0 : index
        %get3A_1498 = tpu.vector_load %arg16[%get3A_1496, %get3A_1497] {strides = array<i32>} : memref<1024x32xbf16, #tpu.memory_space<vmem>>, vector<32xbf16>,
        %unpack3A_1499 = tpu.unpack_subelements %get3A_1498, 0 {pack_format = #tpu.pack_format<interleaved>} : vector<32xbf16> -> vector<16xf32>
        %unpack3A_1500 = tpu.unpack_subelements %get3A_1498, 1 {pack_format = #tpu.pack_format<interleaved>} : vector<32xbf16> -> vector<16xf32>
        %mul3A_1501 = arith.mulf %broadcast_in_dim3A_1495, %unpack3A_1499 : vector<16xf32>
        %add3A_1502 = arith.addf %add3A_1488, %mul3A_1501 : vector<16xf32>
        %mul3A_1503 = arith.mulf %broadcast_in_dim3A_1495, %unpack3A_1500 : vector<16xf32>
        %add3A_1504 = arith.addf %add3A_1490, %mul3A_1503 : vector<16xf32>
        %add3A_1505 = arith.constant 8 : i32
        %add3A_1506 = arith.addi %add3A_1390, %add3A_1505 : i32
        %slice3A_1507 = vector.extract_strided_slice %get3A_1392 {offsets = [8], sizes = [1], strides = [1]} : vector<16xf32> to vector<1xf32>
        %squeeze3A_1508 = vector.extract %slice3A_1507[0] : f32 from vector<1xf32>
        %broadcast_in_dim3A_1509 = vector.broadcast %squeeze3A_1508 : f32 to vector<16xf32>
        %get3A_1510 = arith.index_cast %add3A_1506 : i32 to index
        %get3A_1511 = arith.constant 0 : index
        %get3A_1512 = tpu.vector_load %arg16[%get3A_1510, %get3A_1511] {strides = array<i32>} : memref<1024x32xbf16, #tpu.memory_space<vmem>>, vector<32xbf16>,
        %unpack3A_1513 = tpu.unpack_subelements %get3A_1512, 0 {pack_format = #tpu.pack_format<interleaved>} : vector<32xbf16> -> vector<16xf32>
        %unpack3A_1514 = tpu.unpack_subelements %get3A_1512, 1 {pack_format = #tpu.pack_format<interleaved>} : vector<32xbf16> -> vector<16xf32>
        %mul3A_1515 = arith.mulf %broadcast_in_dim3A_1509, %unpack3A_1513 : vector<16xf32>
        %add3A_1516 = arith.addf %add3A_1502, %mul3A_1515 : vector<16xf32>
        %mul3A_1517 = arith.mulf %broadcast_in_dim3A_1509, %unpack3A_1514 : vector<16xf32>
        %add3A_1518 = arith.addf %add3A_1504, %mul3A_1517 : vector<16xf32>
        %add3A_1519 = arith.constant 9 : i32
        %add3A_1520 = arith.addi %add3A_1390, %add3A_1519 : i32
        %slice3A_1521 = vector.extract_strided_slice %get3A_1392 {offsets = [9], sizes = [1], strides = [1]} : vector<16xf32> to vector<1xf32>
        %squeeze3A_1522 = vector.extract %slice3A_1521[0] : f32 from vector<1xf32>
        %broadcast_in_dim3A_1523 = vector.broadcast %squeeze3A_1522 : f32 to vector<16xf32>
        %get3A_1524 = arith.index_cast %add3A_1520 : i32 to index
        %get3A_1525 = arith.constant 0 : index
        %get3A_1526 = tpu.vector_load %arg16[%get3A_1524, %get3A_1525] {strides = array<i32>} : memref<1024x32xbf16, #tpu.memory_space<vmem>>, vector<32xbf16>,
        %unpack3A_1527 = tpu.unpack_subelements %get3A_1526, 0 {pack_format = #tpu.pack_format<interleaved>} : vector<32xbf16> -> vector<16xf32>
        %unpack3A_1528 = tpu.unpack_subelements %get3A_1526, 1 {pack_format = #tpu.pack_format<interleaved>} : vector<32xbf16> -> vector<16xf32>
        %mul3A_1529 = arith.mulf %broadcast_in_dim3A_1523, %unpack3A_1527 : vector<16xf32>
        %add3A_1530 = arith.addf %add3A_1516, %mul3A_1529 : vector<16xf32>
        %mul3A_1531 = arith.mulf %broadcast_in_dim3A_1523, %unpack3A_1528 : vector<16xf32>
        %add3A_1532 = arith.addf %add3A_1518, %mul3A_1531 : vector<16xf32>
        %add3A_1533 = arith.constant 10 : i32
        %add3A_1534 = arith.addi %add3A_1390, %add3A_1533 : i32
        %slice3A_1535 = vector.extract_strided_slice %get3A_1392 {offsets = [10], sizes = [1], strides = [1]} : vector<16xf32> to vector<1xf32>
        %squeeze3A_1536 = vector.extract %slice3A_1535[0] : f32 from vector<1xf32>
        %broadcast_in_dim3A_1537 = vector.broadcast %squeeze3A_1536 : f32 to vector<16xf32>
        %get3A_1538 = arith.index_cast %add3A_1534 : i32 to index
        %get3A_1539 = arith.constant 0 : index
        %get3A_1540 = tpu.vector_load %arg16[%get3A_1538, %get3A_1539] {strides = array<i32>} : memref<1024x32xbf16, #tpu.memory_space<vmem>>, vector<32xbf16>,
        %unpack3A_1541 = tpu.unpack_subelements %get3A_1540, 0 {pack_format = #tpu.pack_format<interleaved>} : vector<32xbf16> -> vector<16xf32>
        %unpack3A_1542 = tpu.unpack_subelements %get3A_1540, 1 {pack_format = #tpu.pack_format<interleaved>} : vector<32xbf16> -> vector<16xf32>
        %mul3A_1543 = arith.mulf %broadcast_in_dim3A_1537, %unpack3A_1541 : vector<16xf32>
        %add3A_1544 = arith.addf %add3A_1530, %mul3A_1543 : vector<16xf32>
        %mul3A_1545 = arith.mulf %broadcast_in_dim3A_1537, %unpack3A_1542 : vector<16xf32>
        %add3A_1546 = arith.addf %add3A_1532, %mul3A_1545 : vector<16xf32>
        %add3A_1547 = arith.constant 11 : i32
        %add3A_1548 = arith.addi %add3A_1390, %add3A_1547 : i32
        %slice3A_1549 = vector.extract_strided_slice %get3A_1392 {offsets = [11], sizes = [1], strides = [1]} : vector<16xf32> to vector<1xf32>
        %squeeze3A_1550 = vector.extract %slice3A_1549[0] : f32 from vector<1xf32>
        %broadcast_in_dim3A_1551 = vector.broadcast %squeeze3A_1550 : f32 to vector<16xf32>
        %get3A_1552 = arith.index_cast %add3A_1548 : i32 to index
        %get3A_1553 = arith.constant 0 : index
        %get3A_1554 = tpu.vector_load %arg16[%get3A_1552, %get3A_1553] {strides = array<i32>} : memref<1024x32xbf16, #tpu.memory_space<vmem>>, vector<32xbf16>,
        %unpack3A_1555 = tpu.unpack_subelements %get3A_1554, 0 {pack_format = #tpu.pack_format<interleaved>} : vector<32xbf16> -> vector<16xf32>
        %unpack3A_1556 = tpu.unpack_subelements %get3A_1554, 1 {pack_format = #tpu.pack_format<interleaved>} : vector<32xbf16> -> vector<16xf32>
        %mul3A_1557 = arith.mulf %broadcast_in_dim3A_1551, %unpack3A_1555 : vector<16xf32>
        %add3A_1558 = arith.addf %add3A_1544, %mul3A_1557 : vector<16xf32>
        %mul3A_1559 = arith.mulf %broadcast_in_dim3A_1551, %unpack3A_1556 : vector<16xf32>
        %add3A_1560 = arith.addf %add3A_1546, %mul3A_1559 : vector<16xf32>
        %add3A_1561 = arith.constant 12 : i32
        %add3A_1562 = arith.addi %add3A_1390, %add3A_1561 : i32
        %slice3A_1563 = vector.extract_strided_slice %get3A_1392 {offsets = [12], sizes = [1], strides = [1]} : vector<16xf32> to vector<1xf32>
        %squeeze3A_1564 = vector.extract %slice3A_1563[0] : f32 from vector<1xf32>
        %broadcast_in_dim3A_1565 = vector.broadcast %squeeze3A_1564 : f32 to vector<16xf32>
        %get3A_1566 = arith.index_cast %add3A_1562 : i32 to index
        %get3A_1567 = arith.constant 0 : index
        %get3A_1568 = tpu.vector_load %arg16[%get3A_1566, %get3A_1567] {strides = array<i32>} : memref<1024x32xbf16, #tpu.memory_space<vmem>>, vector<32xbf16>,
        %unpack3A_1569 = tpu.unpack_subelements %get3A_1568, 0 {pack_format = #tpu.pack_format<interleaved>} : vector<32xbf16> -> vector<16xf32>
        %unpack3A_1570 = tpu.unpack_subelements %get3A_1568, 1 {pack_format = #tpu.pack_format<interleaved>} : vector<32xbf16> -> vector<16xf32>
        %mul3A_1571 = arith.mulf %broadcast_in_dim3A_1565, %unpack3A_1569 : vector<16xf32>
        %add3A_1572 = arith.addf %add3A_1558, %mul3A_1571 : vector<16xf32>
        %mul3A_1573 = arith.mulf %broadcast_in_dim3A_1565, %unpack3A_1570 : vector<16xf32>
        %add3A_1574 = arith.addf %add3A_1560, %mul3A_1573 : vector<16xf32>
        %add3A_1575 = arith.constant 13 : i32
        %add3A_1576 = arith.addi %add3A_1390, %add3A_1575 : i32
        %slice3A_1577 = vector.extract_strided_slice %get3A_1392 {offsets = [13], sizes = [1], strides = [1]} : vector<16xf32> to vector<1xf32>
        %squeeze3A_1578 = vector.extract %slice3A_1577[0] : f32 from vector<1xf32>
        %broadcast_in_dim3A_1579 = vector.broadcast %squeeze3A_1578 : f32 to vector<16xf32>
        %get3A_1580 = arith.index_cast %add3A_1576 : i32 to index
        %get3A_1581 = arith.constant 0 : index
        %get3A_1582 = tpu.vector_load %arg16[%get3A_1580, %get3A_1581] {strides = array<i32>} : memref<1024x32xbf16, #tpu.memory_space<vmem>>, vector<32xbf16>,
        %unpack3A_1583 = tpu.unpack_subelements %get3A_1582, 0 {pack_format = #tpu.pack_format<interleaved>} : vector<32xbf16> -> vector<16xf32>
        %unpack3A_1584 = tpu.unpack_subelements %get3A_1582, 1 {pack_format = #tpu.pack_format<interleaved>} : vector<32xbf16> -> vector<16xf32>
        %mul3A_1585 = arith.mulf %broadcast_in_dim3A_1579, %unpack3A_1583 : vector<16xf32>
        %add3A_1586 = arith.addf %add3A_1572, %mul3A_1585 : vector<16xf32>
        %mul3A_1587 = arith.mulf %broadcast_in_dim3A_1579, %unpack3A_1584 : vector<16xf32>
        %add3A_1588 = arith.addf %add3A_1574, %mul3A_1587 : vector<16xf32>
        %add3A_1589 = arith.constant 14 : i32
        %add3A_1590 = arith.addi %add3A_1390, %add3A_1589 : i32
        %slice3A_1591 = vector.extract_strided_slice %get3A_1392 {offsets = [14], sizes = [1], strides = [1]} : vector<16xf32> to vector<1xf32>
        %squeeze3A_1592 = vector.extract %slice3A_1591[0] : f32 from vector<1xf32>
        %broadcast_in_dim3A_1593 = vector.broadcast %squeeze3A_1592 : f32 to vector<16xf32>
        %get3A_1594 = arith.index_cast %add3A_1590 : i32 to index
        %get3A_1595 = arith.constant 0 : index
        %get3A_1596 = tpu.vector_load %arg16[%get3A_1594, %get3A_1595] {strides = array<i32>} : memref<1024x32xbf16, #tpu.memory_space<vmem>>, vector<32xbf16>,
        %unpack3A_1597 = tpu.unpack_subelements %get3A_1596, 0 {pack_format = #tpu.pack_format<interleaved>} : vector<32xbf16> -> vector<16xf32>
        %unpack3A_1598 = tpu.unpack_subelements %get3A_1596, 1 {pack_format = #tpu.pack_format<interleaved>} : vector<32xbf16> -> vector<16xf32>
        %mul3A_1599 = arith.mulf %broadcast_in_dim3A_1593, %unpack3A_1597 : vector<16xf32>
        %add3A_1600 = arith.addf %add3A_1586, %mul3A_1599 : vector<16xf32>
        %mul3A_1601 = arith.mulf %broadcast_in_dim3A_1593, %unpack3A_1598 : vector<16xf32>
        %add3A_1602 = arith.addf %add3A_1588, %mul3A_1601 : vector<16xf32>
        %add3A_1603 = arith.constant 15 : i32
        %add3A_1604 = arith.addi %add3A_1390, %add3A_1603 : i32
        %slice3A_1605 = vector.extract_strided_slice %get3A_1392 {offsets = [15], sizes = [1], strides = [1]} : vector<16xf32> to vector<1xf32>
        %squeeze3A_1606 = vector.extract %slice3A_1605[0] : f32 from vector<1xf32>
        %broadcast_in_dim3A_1607 = vector.broadcast %squeeze3A_1606 : f32 to vector<16xf32>
        %get3A_1608 = arith.index_cast %add3A_1604 : i32 to index
        %get3A_1609 = arith.constant 0 : index
        %get3A_1610 = tpu.vector_load %arg16[%get3A_1608, %get3A_1609] {strides = array<i32>} : memref<1024x32xbf16, #tpu.memory_space<vmem>>, vector<32xbf16>,
        %unpack3A_1611 = tpu.unpack_subelements %get3A_1610, 0 {pack_format = #tpu.pack_format<interleaved>} : vector<32xbf16> -> vector<16xf32>
        %unpack3A_1612 = tpu.unpack_subelements %get3A_1610, 1 {pack_format = #tpu.pack_format<interleaved>} : vector<32xbf16> -> vector<16xf32>
        %mul3A_1613 = arith.mulf %broadcast_in_dim3A_1607, %unpack3A_1611 : vector<16xf32>
        %add3A_1614 = arith.addf %add3A_1600, %mul3A_1613 : vector<16xf32>
        %mul3A_1615 = arith.mulf %broadcast_in_dim3A_1607, %unpack3A_1612 : vector<16xf32>
        %add3A_1616 = arith.addf %add3A_1602, %mul3A_1615 : vector<16xf32>
        %mul3A_1617 = arith.constant 16 : i32
        %mul3A_1618 = arith.muli %scan3A_927, %mul3A_1617 : i32
        %add3A_1619 = arith.constant 768 : i32
        %add3A_1620 = arith.addi %add3A_1619, %mul3A_1618 : i32
        %get3A_1621 = arith.index_cast %add3A_1620 : i32 to index
        %get3A_1622 = tpu.vector_load %arg14[%get3A_1621] {strides = array<i32>} : memref<1024xf32, #tpu.memory_space<vmem>>, vector<16xf32>,
        %add3A_1623 = arith.constant 0 : i32
        %add3A_1624 = arith.addi %add3A_1620, %add3A_1623 : i32
        %slice3A_1625 = vector.extract_strided_slice %get3A_1622 {offsets = [0], sizes = [1], strides = [1]} : vector<16xf32> to vector<1xf32>
        %squeeze3A_1626 = vector.extract %slice3A_1625[0] : f32 from vector<1xf32>
        %broadcast_in_dim3A_1627 = vector.broadcast %squeeze3A_1626 : f32 to vector<16xf32>
        %get3A_1628 = arith.index_cast %add3A_1624 : i32 to index
        %get3A_1629 = arith.constant 0 : index
        %get3A_1630 = tpu.vector_load %arg16[%get3A_1628, %get3A_1629] {strides = array<i32>} : memref<1024x32xbf16, #tpu.memory_space<vmem>>, vector<32xbf16>,
        %unpack3A_1631 = tpu.unpack_subelements %get3A_1630, 0 {pack_format = #tpu.pack_format<interleaved>} : vector<32xbf16> -> vector<16xf32>
        %unpack3A_1632 = tpu.unpack_subelements %get3A_1630, 1 {pack_format = #tpu.pack_format<interleaved>} : vector<32xbf16> -> vector<16xf32>
        %mul3A_1633 = arith.mulf %broadcast_in_dim3A_1627, %unpack3A_1631 : vector<16xf32>
        %add3A_1634 = arith.addf %add3A_1614, %mul3A_1633 : vector<16xf32>
        %mul3A_1635 = arith.mulf %broadcast_in_dim3A_1627, %unpack3A_1632 : vector<16xf32>
        %add3A_1636 = arith.addf %add3A_1616, %mul3A_1635 : vector<16xf32>
        %add3A_1637 = arith.constant 1 : i32
        %add3A_1638 = arith.addi %add3A_1620, %add3A_1637 : i32
        %slice3A_1639 = vector.extract_strided_slice %get3A_1622 {offsets = [1], sizes = [1], strides = [1]} : vector<16xf32> to vector<1xf32>
        %squeeze3A_1640 = vector.extract %slice3A_1639[0] : f32 from vector<1xf32>
        %broadcast_in_dim3A_1641 = vector.broadcast %squeeze3A_1640 : f32 to vector<16xf32>
        %get3A_1642 = arith.index_cast %add3A_1638 : i32 to index
        %get3A_1643 = arith.constant 0 : index
        %get3A_1644 = tpu.vector_load %arg16[%get3A_1642, %get3A_1643] {strides = array<i32>} : memref<1024x32xbf16, #tpu.memory_space<vmem>>, vector<32xbf16>,
        %unpack3A_1645 = tpu.unpack_subelements %get3A_1644, 0 {pack_format = #tpu.pack_format<interleaved>} : vector<32xbf16> -> vector<16xf32>
        %unpack3A_1646 = tpu.unpack_subelements %get3A_1644, 1 {pack_format = #tpu.pack_format<interleaved>} : vector<32xbf16> -> vector<16xf32>
        %mul3A_1647 = arith.mulf %broadcast_in_dim3A_1641, %unpack3A_1645 : vector<16xf32>
        %add3A_1648 = arith.addf %add3A_1634, %mul3A_1647 : vector<16xf32>
        %mul3A_1649 = arith.mulf %broadcast_in_dim3A_1641, %unpack3A_1646 : vector<16xf32>
        %add3A_1650 = arith.addf %add3A_1636, %mul3A_1649 : vector<16xf32>
        %add3A_1651 = arith.constant 2 : i32
        %add3A_1652 = arith.addi %add3A_1620, %add3A_1651 : i32
        %slice3A_1653 = vector.extract_strided_slice %get3A_1622 {offsets = [2], sizes = [1], strides = [1]} : vector<16xf32> to vector<1xf32>
        %squeeze3A_1654 = vector.extract %slice3A_1653[0] : f32 from vector<1xf32>
        %broadcast_in_dim3A_1655 = vector.broadcast %squeeze3A_1654 : f32 to vector<16xf32>
        %get3A_1656 = arith.index_cast %add3A_1652 : i32 to index
        %get3A_1657 = arith.constant 0 : index
        %get3A_1658 = tpu.vector_load %arg16[%get3A_1656, %get3A_1657] {strides = array<i32>} : memref<1024x32xbf16, #tpu.memory_space<vmem>>, vector<32xbf16>,
        %unpack3A_1659 = tpu.unpack_subelements %get3A_1658, 0 {pack_format = #tpu.pack_format<interleaved>} : vector<32xbf16> -> vector<16xf32>
        %unpack3A_1660 = tpu.unpack_subelements %get3A_1658, 1 {pack_format = #tpu.pack_format<interleaved>} : vector<32xbf16> -> vector<16xf32>
        %mul3A_1661 = arith.mulf %broadcast_in_dim3A_1655, %unpack3A_1659 : vector<16xf32>
        %add3A_1662 = arith.addf %add3A_1648, %mul3A_1661 : vector<16xf32>
        %mul3A_1663 = arith.mulf %broadcast_in_dim3A_1655, %unpack3A_1660 : vector<16xf32>
        %add3A_1664 = arith.addf %add3A_1650, %mul3A_1663 : vector<16xf32>
        %add3A_1665 = arith.constant 3 : i32
        %add3A_1666 = arith.addi %add3A_1620, %add3A_1665 : i32
        %slice3A_1667 = vector.extract_strided_slice %get3A_1622 {offsets = [3], sizes = [1], strides = [1]} : vector<16xf32> to vector<1xf32>
        %squeeze3A_1668 = vector.extract %slice3A_1667[0] : f32 from vector<1xf32>
        %broadcast_in_dim3A_1669 = vector.broadcast %squeeze3A_1668 : f32 to vector<16xf32>
        %get3A_1670 = arith.index_cast %add3A_1666 : i32 to index
        %get3A_1671 = arith.constant 0 : index
        %get3A_1672 = tpu.vector_load %arg16[%get3A_1670, %get3A_1671] {strides = array<i32>} : memref<1024x32xbf16, #tpu.memory_space<vmem>>, vector<32xbf16>,
        %unpack3A_1673 = tpu.unpack_subelements %get3A_1672, 0 {pack_format = #tpu.pack_format<interleaved>} : vector<32xbf16> -> vector<16xf32>
        %unpack3A_1674 = tpu.unpack_subelements %get3A_1672, 1 {pack_format = #tpu.pack_format<interleaved>} : vector<32xbf16> -> vector<16xf32>
        %mul3A_1675 = arith.mulf %broadcast_in_dim3A_1669, %unpack3A_1673 : vector<16xf32>
        %add3A_1676 = arith.addf %add3A_1662, %mul3A_1675 : vector<16xf32>
        %mul3A_1677 = arith.mulf %broadcast_in_dim3A_1669, %unpack3A_1674 : vector<16xf32>
        %add3A_1678 = arith.addf %add3A_1664, %mul3A_1677 : vector<16xf32>
        %add3A_1679 = arith.constant 4 : i32
        %add3A_1680 = arith.addi %add3A_1620, %add3A_1679 : i32
        %slice3A_1681 = vector.extract_strided_slice %get3A_1622 {offsets = [4], sizes = [1], strides = [1]} : vector<16xf32> to vector<1xf32>
        %squeeze3A_1682 = vector.extract %slice3A_1681[0] : f32 from vector<1xf32>
        %broadcast_in_dim3A_1683 = vector.broadcast %squeeze3A_1682 : f32 to vector<16xf32>
        %get3A_1684 = arith.index_cast %add3A_1680 : i32 to index
        %get3A_1685 = arith.constant 0 : index
        %get3A_1686 = tpu.vector_load %arg16[%get3A_1684, %get3A_1685] {strides = array<i32>} : memref<1024x32xbf16, #tpu.memory_space<vmem>>, vector<32xbf16>,
        %unpack3A_1687 = tpu.unpack_subelements %get3A_1686, 0 {pack_format = #tpu.pack_format<interleaved>} : vector<32xbf16> -> vector<16xf32>
        %unpack3A_1688 = tpu.unpack_subelements %get3A_1686, 1 {pack_format = #tpu.pack_format<interleaved>} : vector<32xbf16> -> vector<16xf32>
        %mul3A_1689 = arith.mulf %broadcast_in_dim3A_1683, %unpack3A_1687 : vector<16xf32>
        %add3A_1690 = arith.addf %add3A_1676, %mul3A_1689 : vector<16xf32>
        %mul3A_1691 = arith.mulf %broadcast_in_dim3A_1683, %unpack3A_1688 : vector<16xf32>
        %add3A_1692 = arith.addf %add3A_1678, %mul3A_1691 : vector<16xf32>
        %add3A_1693 = arith.constant 5 : i32
        %add3A_1694 = arith.addi %add3A_1620, %add3A_1693 : i32
        %slice3A_1695 = vector.extract_strided_slice %get3A_1622 {offsets = [5], sizes = [1], strides = [1]} : vector<16xf32> to vector<1xf32>
        %squeeze3A_1696 = vector.extract %slice3A_1695[0] : f32 from vector<1xf32>
        %broadcast_in_dim3A_1697 = vector.broadcast %squeeze3A_1696 : f32 to vector<16xf32>
        %get3A_1698 = arith.index_cast %add3A_1694 : i32 to index
        %get3A_1699 = arith.constant 0 : index
        %get3A_1700 = tpu.vector_load %arg16[%get3A_1698, %get3A_1699] {strides = array<i32>} : memref<1024x32xbf16, #tpu.memory_space<vmem>>, vector<32xbf16>,
        %unpack3A_1701 = tpu.unpack_subelements %get3A_1700, 0 {pack_format = #tpu.pack_format<interleaved>} : vector<32xbf16> -> vector<16xf32>
        %unpack3A_1702 = tpu.unpack_subelements %get3A_1700, 1 {pack_format = #tpu.pack_format<interleaved>} : vector<32xbf16> -> vector<16xf32>
        %mul3A_1703 = arith.mulf %broadcast_in_dim3A_1697, %unpack3A_1701 : vector<16xf32>
        %add3A_1704 = arith.addf %add3A_1690, %mul3A_1703 : vector<16xf32>
        %mul3A_1705 = arith.mulf %broadcast_in_dim3A_1697, %unpack3A_1702 : vector<16xf32>
        %add3A_1706 = arith.addf %add3A_1692, %mul3A_1705 : vector<16xf32>
        %add3A_1707 = arith.constant 6 : i32
        %add3A_1708 = arith.addi %add3A_1620, %add3A_1707 : i32
        %slice3A_1709 = vector.extract_strided_slice %get3A_1622 {offsets = [6], sizes = [1], strides = [1]} : vector<16xf32> to vector<1xf32>
        %squeeze3A_1710 = vector.extract %slice3A_1709[0] : f32 from vector<1xf32>
        %broadcast_in_dim3A_1711 = vector.broadcast %squeeze3A_1710 : f32 to vector<16xf32>
        %get3A_1712 = arith.index_cast %add3A_1708 : i32 to index
        %get3A_1713 = arith.constant 0 : index
        %get3A_1714 = tpu.vector_load %arg16[%get3A_1712, %get3A_1713] {strides = array<i32>} : memref<1024x32xbf16, #tpu.memory_space<vmem>>, vector<32xbf16>,
        %unpack3A_1715 = tpu.unpack_subelements %get3A_1714, 0 {pack_format = #tpu.pack_format<interleaved>} : vector<32xbf16> -> vector<16xf32>
        %unpack3A_1716 = tpu.unpack_subelements %get3A_1714, 1 {pack_format = #tpu.pack_format<interleaved>} : vector<32xbf16> -> vector<16xf32>
        %mul3A_1717 = arith.mulf %broadcast_in_dim3A_1711, %unpack3A_1715 : vector<16xf32>
        %add3A_1718 = arith.addf %add3A_1704, %mul3A_1717 : vector<16xf32>
        %mul3A_1719 = arith.mulf %broadcast_in_dim3A_1711, %unpack3A_1716 : vector<16xf32>
        %add3A_1720 = arith.addf %add3A_1706, %mul3A_1719 : vector<16xf32>
        %add3A_1721 = arith.constant 7 : i32
        %add3A_1722 = arith.addi %add3A_1620, %add3A_1721 : i32
        %slice3A_1723 = vector.extract_strided_slice %get3A_1622 {offsets = [7], sizes = [1], strides = [1]} : vector<16xf32> to vector<1xf32>
        %squeeze3A_1724 = vector.extract %slice3A_1723[0] : f32 from vector<1xf32>
        %broadcast_in_dim3A_1725 = vector.broadcast %squeeze3A_1724 : f32 to vector<16xf32>
        %get3A_1726 = arith.index_cast %add3A_1722 : i32 to index
        %get3A_1727 = arith.constant 0 : index
        %get3A_1728 = tpu.vector_load %arg16[%get3A_1726, %get3A_1727] {strides = array<i32>} : memref<1024x32xbf16, #tpu.memory_space<vmem>>, vector<32xbf16>,
        %unpack3A_1729 = tpu.unpack_subelements %get3A_1728, 0 {pack_format = #tpu.pack_format<interleaved>} : vector<32xbf16> -> vector<16xf32>
        %unpack3A_1730 = tpu.unpack_subelements %get3A_1728, 1 {pack_format = #tpu.pack_format<interleaved>} : vector<32xbf16> -> vector<16xf32>
        %mul3A_1731 = arith.mulf %broadcast_in_dim3A_1725, %unpack3A_1729 : vector<16xf32>
        %add3A_1732 = arith.addf %add3A_1718, %mul3A_1731 : vector<16xf32>
        %mul3A_1733 = arith.mulf %broadcast_in_dim3A_1725, %unpack3A_1730 : vector<16xf32>
        %add3A_1734 = arith.addf %add3A_1720, %mul3A_1733 : vector<16xf32>
        %add3A_1735 = arith.constant 8 : i32
        %add3A_1736 = arith.addi %add3A_1620, %add3A_1735 : i32
        %slice3A_1737 = vector.extract_strided_slice %get3A_1622 {offsets = [8], sizes = [1], strides = [1]} : vector<16xf32> to vector<1xf32>
        %squeeze3A_1738 = vector.extract %slice3A_1737[0] : f32 from vector<1xf32>
        %broadcast_in_dim3A_1739 = vector.broadcast %squeeze3A_1738 : f32 to vector<16xf32>
        %get3A_1740 = arith.index_cast %add3A_1736 : i32 to index
        %get3A_1741 = arith.constant 0 : index
        %get3A_1742 = tpu.vector_load %arg16[%get3A_1740, %get3A_1741] {strides = array<i32>} : memref<1024x32xbf16, #tpu.memory_space<vmem>>, vector<32xbf16>,
        %unpack3A_1743 = tpu.unpack_subelements %get3A_1742, 0 {pack_format = #tpu.pack_format<interleaved>} : vector<32xbf16> -> vector<16xf32>
        %unpack3A_1744 = tpu.unpack_subelements %get3A_1742, 1 {pack_format = #tpu.pack_format<interleaved>} : vector<32xbf16> -> vector<16xf32>
        %mul3A_1745 = arith.mulf %broadcast_in_dim3A_1739, %unpack3A_1743 : vector<16xf32>
        %add3A_1746 = arith.addf %add3A_1732, %mul3A_1745 : vector<16xf32>
        %mul3A_1747 = arith.mulf %broadcast_in_dim3A_1739, %unpack3A_1744 : vector<16xf32>
        %add3A_1748 = arith.addf %add3A_1734, %mul3A_1747 : vector<16xf32>
        %add3A_1749 = arith.constant 9 : i32
        %add3A_1750 = arith.addi %add3A_1620, %add3A_1749 : i32
        %slice3A_1751 = vector.extract_strided_slice %get3A_1622 {offsets = [9], sizes = [1], strides = [1]} : vector<16xf32> to vector<1xf32>
        %squeeze3A_1752 = vector.extract %slice3A_1751[0] : f32 from vector<1xf32>
        %broadcast_in_dim3A_1753 = vector.broadcast %squeeze3A_1752 : f32 to vector<16xf32>
        %get3A_1754 = arith.index_cast %add3A_1750 : i32 to index
        %get3A_1755 = arith.constant 0 : index
        %get3A_1756 = tpu.vector_load %arg16[%get3A_1754, %get3A_1755] {strides = array<i32>} : memref<1024x32xbf16, #tpu.memory_space<vmem>>, vector<32xbf16>,
        %unpack3A_1757 = tpu.unpack_subelements %get3A_1756, 0 {pack_format = #tpu.pack_format<interleaved>} : vector<32xbf16> -> vector<16xf32>
        %unpack3A_1758 = tpu.unpack_subelements %get3A_1756, 1 {pack_format = #tpu.pack_format<interleaved>} : vector<32xbf16> -> vector<16xf32>
        %mul3A_1759 = arith.mulf %broadcast_in_dim3A_1753, %unpack3A_1757 : vector<16xf32>
        %add3A_1760 = arith.addf %add3A_1746, %mul3A_1759 : vector<16xf32>
        %mul3A_1761 = arith.mulf %broadcast_in_dim3A_1753, %unpack3A_1758 : vector<16xf32>
        %add3A_1762 = arith.addf %add3A_1748, %mul3A_1761 : vector<16xf32>
        %add3A_1763 = arith.constant 10 : i32
        %add3A_1764 = arith.addi %add3A_1620, %add3A_1763 : i32
        %slice3A_1765 = vector.extract_strided_slice %get3A_1622 {offsets = [10], sizes = [1], strides = [1]} : vector<16xf32> to vector<1xf32>
        %squeeze3A_1766 = vector.extract %slice3A_1765[0] : f32 from vector<1xf32>
        %broadcast_in_dim3A_1767 = vector.broadcast %squeeze3A_1766 : f32 to vector<16xf32>
        %get3A_1768 = arith.index_cast %add3A_1764 : i32 to index
        %get3A_1769 = arith.constant 0 : index
        %get3A_1770 = tpu.vector_load %arg16[%get3A_1768, %get3A_1769] {strides = array<i32>} : memref<1024x32xbf16, #tpu.memory_space<vmem>>, vector<32xbf16>,
        %unpack3A_1771 = tpu.unpack_subelements %get3A_1770, 0 {pack_format = #tpu.pack_format<interleaved>} : vector<32xbf16> -> vector<16xf32>
        %unpack3A_1772 = tpu.unpack_subelements %get3A_1770, 1 {pack_format = #tpu.pack_format<interleaved>} : vector<32xbf16> -> vector<16xf32>
        %mul3A_1773 = arith.mulf %broadcast_in_dim3A_1767, %unpack3A_1771 : vector<16xf32>
        %add3A_1774 = arith.addf %add3A_1760, %mul3A_1773 : vector<16xf32>
        %mul3A_1775 = arith.mulf %broadcast_in_dim3A_1767, %unpack3A_1772 : vector<16xf32>
        %add3A_1776 = arith.addf %add3A_1762, %mul3A_1775 : vector<16xf32>
        %add3A_1777 = arith.constant 11 : i32
        %add3A_1778 = arith.addi %add3A_1620, %add3A_1777 : i32
        %slice3A_1779 = vector.extract_strided_slice %get3A_1622 {offsets = [11], sizes = [1], strides = [1]} : vector<16xf32> to vector<1xf32>
        %squeeze3A_1780 = vector.extract %slice3A_1779[0] : f32 from vector<1xf32>
        %broadcast_in_dim3A_1781 = vector.broadcast %squeeze3A_1780 : f32 to vector<16xf32>
        %get3A_1782 = arith.index_cast %add3A_1778 : i32 to index
        %get3A_1783 = arith.constant 0 : index
        %get3A_1784 = tpu.vector_load %arg16[%get3A_1782, %get3A_1783] {strides = array<i32>} : memref<1024x32xbf16, #tpu.memory_space<vmem>>, vector<32xbf16>,
        %unpack3A_1785 = tpu.unpack_subelements %get3A_1784, 0 {pack_format = #tpu.pack_format<interleaved>} : vector<32xbf16> -> vector<16xf32>
        %unpack3A_1786 = tpu.unpack_subelements %get3A_1784, 1 {pack_format = #tpu.pack_format<interleaved>} : vector<32xbf16> -> vector<16xf32>
        %mul3A_1787 = arith.mulf %broadcast_in_dim3A_1781, %unpack3A_1785 : vector<16xf32>
        %add3A_1788 = arith.addf %add3A_1774, %mul3A_1787 : vector<16xf32>
        %mul3A_1789 = arith.mulf %broadcast_in_dim3A_1781, %unpack3A_1786 : vector<16xf32>
        %add3A_1790 = arith.addf %add3A_1776, %mul3A_1789 : vector<16xf32>
        %add3A_1791 = arith.constant 12 : i32
        %add3A_1792 = arith.addi %add3A_1620, %add3A_1791 : i32
        %slice3A_1793 = vector.extract_strided_slice %get3A_1622 {offsets = [12], sizes = [1], strides = [1]} : vector<16xf32> to vector<1xf32>
        %squeeze3A_1794 = vector.extract %slice3A_1793[0] : f32 from vector<1xf32>
        %broadcast_in_dim3A_1795 = vector.broadcast %squeeze3A_1794 : f32 to vector<16xf32>
        %get3A_1796 = arith.index_cast %add3A_1792 : i32 to index
        %get3A_1797 = arith.constant 0 : index
        %get3A_1798 = tpu.vector_load %arg16[%get3A_1796, %get3A_1797] {strides = array<i32>} : memref<1024x32xbf16, #tpu.memory_space<vmem>>, vector<32xbf16>,
        %unpack3A_1799 = tpu.unpack_subelements %get3A_1798, 0 {pack_format = #tpu.pack_format<interleaved>} : vector<32xbf16> -> vector<16xf32>
        %unpack3A_1800 = tpu.unpack_subelements %get3A_1798, 1 {pack_format = #tpu.pack_format<interleaved>} : vector<32xbf16> -> vector<16xf32>
        %mul3A_1801 = arith.mulf %broadcast_in_dim3A_1795, %unpack3A_1799 : vector<16xf32>
        %add3A_1802 = arith.addf %add3A_1788, %mul3A_1801 : vector<16xf32>
        %mul3A_1803 = arith.mulf %broadcast_in_dim3A_1795, %unpack3A_1800 : vector<16xf32>
        %add3A_1804 = arith.addf %add3A_1790, %mul3A_1803 : vector<16xf32>
        %add3A_1805 = arith.constant 13 : i32
        %add3A_1806 = arith.addi %add3A_1620, %add3A_1805 : i32
        %slice3A_1807 = vector.extract_strided_slice %get3A_1622 {offsets = [13], sizes = [1], strides = [1]} : vector<16xf32> to vector<1xf32>
        %squeeze3A_1808 = vector.extract %slice3A_1807[0] : f32 from vector<1xf32>
        %broadcast_in_dim3A_1809 = vector.broadcast %squeeze3A_1808 : f32 to vector<16xf32>
        %get3A_1810 = arith.index_cast %add3A_1806 : i32 to index
        %get3A_1811 = arith.constant 0 : index
        %get3A_1812 = tpu.vector_load %arg16[%get3A_1810, %get3A_1811] {strides = array<i32>} : memref<1024x32xbf16, #tpu.memory_space<vmem>>, vector<32xbf16>,
        %unpack3A_1813 = tpu.unpack_subelements %get3A_1812, 0 {pack_format = #tpu.pack_format<interleaved>} : vector<32xbf16> -> vector<16xf32>
        %unpack3A_1814 = tpu.unpack_subelements %get3A_1812, 1 {pack_format = #tpu.pack_format<interleaved>} : vector<32xbf16> -> vector<16xf32>
        %mul3A_1815 = arith.mulf %broadcast_in_dim3A_1809, %unpack3A_1813 : vector<16xf32>
        %add3A_1816 = arith.addf %add3A_1802, %mul3A_1815 : vector<16xf32>
        %mul3A_1817 = arith.mulf %broadcast_in_dim3A_1809, %unpack3A_1814 : vector<16xf32>
        %add3A_1818 = arith.addf %add3A_1804, %mul3A_1817 : vector<16xf32>
        %add3A_1819 = arith.constant 14 : i32
        %add3A_1820 = arith.addi %add3A_1620, %add3A_1819 : i32
        %slice3A_1821 = vector.extract_strided_slice %get3A_1622 {offsets = [14], sizes = [1], strides = [1]} : vector<16xf32> to vector<1xf32>
        %squeeze3A_1822 = vector.extract %slice3A_1821[0] : f32 from vector<1xf32>
        %broadcast_in_dim3A_1823 = vector.broadcast %squeeze3A_1822 : f32 to vector<16xf32>
        %get3A_1824 = arith.index_cast %add3A_1820 : i32 to index
        %get3A_1825 = arith.constant 0 : index
        %get3A_1826 = tpu.vector_load %arg16[%get3A_1824, %get3A_1825] {strides = array<i32>} : memref<1024x32xbf16, #tpu.memory_space<vmem>>, vector<32xbf16>,
        %unpack3A_1827 = tpu.unpack_subelements %get3A_1826, 0 {pack_format = #tpu.pack_format<interleaved>} : vector<32xbf16> -> vector<16xf32>
        %unpack3A_1828 = tpu.unpack_subelements %get3A_1826, 1 {pack_format = #tpu.pack_format<interleaved>} : vector<32xbf16> -> vector<16xf32>
        %mul3A_1829 = arith.mulf %broadcast_in_dim3A_1823, %unpack3A_1827 : vector<16xf32>
        %add3A_1830 = arith.addf %add3A_1816, %mul3A_1829 : vector<16xf32>
        %mul3A_1831 = arith.mulf %broadcast_in_dim3A_1823, %unpack3A_1828 : vector<16xf32>
        %add3A_1832 = arith.addf %add3A_1818, %mul3A_1831 : vector<16xf32>
        %add3A_1833 = arith.constant 15 : i32
        %add3A_1834 = arith.addi %add3A_1620, %add3A_1833 : i32
        %slice3A_1835 = vector.extract_strided_slice %get3A_1622 {offsets = [15], sizes = [1], strides = [1]} : vector<16xf32> to vector<1xf32>
        %squeeze3A_1836 = vector.extract %slice3A_1835[0] : f32 from vector<1xf32>
        %broadcast_in_dim3A_1837 = vector.broadcast %squeeze3A_1836 : f32 to vector<16xf32>
        %get3A_1838 = arith.index_cast %add3A_1834 : i32 to index
        %get3A_1839 = arith.constant 0 : index
        %get3A_1840 = tpu.vector_load %arg16[%get3A_1838, %get3A_1839] {strides = array<i32>} : memref<1024x32xbf16, #tpu.memory_space<vmem>>, vector<32xbf16>,
        %unpack3A_1841 = tpu.unpack_subelements %get3A_1840, 0 {pack_format = #tpu.pack_format<interleaved>} : vector<32xbf16> -> vector<16xf32>
        %unpack3A_1842 = tpu.unpack_subelements %get3A_1840, 1 {pack_format = #tpu.pack_format<interleaved>} : vector<32xbf16> -> vector<16xf32>
        %mul3A_1843 = arith.mulf %broadcast_in_dim3A_1837, %unpack3A_1841 : vector<16xf32>
        %add3A_1844 = arith.addf %add3A_1830, %mul3A_1843 : vector<16xf32>
        %mul3A_1845 = arith.mulf %broadcast_in_dim3A_1837, %unpack3A_1842 : vector<16xf32>
        %add3A_1846 = arith.addf %add3A_1832, %mul3A_1845 : vector<16xf32>
        %swap3A = arith.index_cast %scan3A_927 : i32 to index
        %swap3A_1847 = arith.constant 0 : index
        %swap3A_1848 = tpu.vector_load %arg18[%swap3A, %swap3A_1847] {strides = array<i32>} : memref<16x32xf32, #tpu.memory_space<vmem>>, vector<16xf32>,
        tpu.vector_store %arg18[%swap3A, %swap3A_1847], %add3A_1844 {strides = array<i32>} : memref<16x32xf32, #tpu.memory_space<vmem>>, vector<16xf32>,
        %swap3A_1849 = arith.index_cast %scan3A_927 : i32 to index
        %swap3A_1850 = arith.constant 16 : index
        %swap3A_1851 = tpu.vector_load %arg18[%swap3A_1849, %swap3A_1850] {strides = array<i32>} : memref<16x32xf32, #tpu.memory_space<vmem>>, vector<16xf32>,
        tpu.vector_store %arg18[%swap3A_1849, %swap3A_1850], %add3A_1846 {strides = array<i32>} : memref<16x32xf32, #tpu.memory_space<vmem>>, vector<16xf32>,
      }
      %scan3A_584 = arith.constant 16 : i32
      %add3A_585 = arith.constant 2 : i32
      %add3A_586 = arith.addi %mul3A_389, %add3A_585 : i32
      %mul3A_587 = arith.constant 4096 : i32
      %mul3A_588 = arith.muli %add3A, %mul3A_587 : i32
      %min3A_589 = arith.constant 255 : i32
      %min3A_590 = arith.minsi %add3A_586, %min3A_589 : i32
      %mul3A_591 = arith.constant 16 : i32
      %mul3A_592 = arith.muli %min3A_590, %mul3A_591 : i32
      %add3A_593 = arith.addi %mul3A_588, %mul3A_592 : i32
      %mul3A_594 = arith.constant 16 : i32
      %mul3A_595 = arith.muli %add3A_593, %mul3A_594 : i32
      %dma_start3A_596 = arith.constant 0 : i32
      %dma_start3A_597 = tpu.memref_slice %arg12[%dma_start3A_596] : memref<1024xi32, #tpu.memory_space<vmem>> -> memref<256xi32, #tpu.memory_space<vmem>>
      %dma_start3A_598 = tpu.memref_slice %arg2[%mul3A_595] : memref<2097152xi32, #tpu.memory_space<hbm>> -> memref<256xi32, #tpu.memory_space<hbm>>
      %dma_start3A_599 = arith.constant 0 : i32
      %dma_start3A_600 = tpu.memref_slice %arg12[%dma_start3A_599] : memref<1024xi32, #tpu.memory_space<vmem>> -> memref<256xi32, #tpu.memory_space<vmem>>
      %dma_start3A_601 = tpu.memref_slice %arg2[%mul3A_595] : memref<2097152xi32, #tpu.memory_space<hbm>> -> memref<256xi32, #tpu.memory_space<hbm>>
      tpu.enqueue_dma source(%dma_start3A_601 : memref<256xi32, #tpu.memory_space<hbm>>) target(%dma_start3A_600 : memref<256xi32, #tpu.memory_space<vmem>>) target_semaphore(%arg20 : memref<!tpu.dma_semaphore, #tpu.memory_space<semaphore_mem>>)
      %dma_start3A_602 = arith.constant 0 : i32
      %dma_start3A_603 = tpu.memref_slice %arg14[%dma_start3A_602] : memref<1024xf32, #tpu.memory_space<vmem>> -> memref<256xf32, #tpu.memory_space<vmem>>
      %dma_start3A_604 = tpu.memref_slice %arg6[%mul3A_595] : memref<2097152xf32, #tpu.memory_space<hbm>> -> memref<256xf32, #tpu.memory_space<hbm>>
      %dma_start3A_605 = arith.constant 0 : i32
      %dma_start3A_606 = tpu.memref_slice %arg14[%dma_start3A_605] : memref<1024xf32, #tpu.memory_space<vmem>> -> memref<256xf32, #tpu.memory_space<vmem>>
      %dma_start3A_607 = tpu.memref_slice %arg6[%mul3A_595] : memref<2097152xf32, #tpu.memory_space<hbm>> -> memref<256xf32, #tpu.memory_space<hbm>>
      tpu.enqueue_dma source(%dma_start3A_607 : memref<256xf32, #tpu.memory_space<hbm>>) target(%dma_start3A_606 : memref<256xf32, #tpu.memory_space<vmem>>) target_semaphore(%arg20 : memref<!tpu.dma_semaphore, #tpu.memory_space<semaphore_mem>>)
      %dma_start3A_608 = arith.constant 256 : i32
      %dma_start3A_609 = tpu.memref_slice %arg12[%dma_start3A_608] : memref<1024xi32, #tpu.memory_space<vmem>> -> memref<256xi32, #tpu.memory_space<vmem>>
      %dma_start3A_610 = tpu.memref_slice %arg3[%mul3A_595] : memref<2097152xi32, #tpu.memory_space<hbm>> -> memref<256xi32, #tpu.memory_space<hbm>>
      %dma_start3A_611 = arith.constant 256 : i32
      %dma_start3A_612 = tpu.memref_slice %arg12[%dma_start3A_611] : memref<1024xi32, #tpu.memory_space<vmem>> -> memref<256xi32, #tpu.memory_space<vmem>>
      %dma_start3A_613 = tpu.memref_slice %arg3[%mul3A_595] : memref<2097152xi32, #tpu.memory_space<hbm>> -> memref<256xi32, #tpu.memory_space<hbm>>
      tpu.enqueue_dma source(%dma_start3A_613 : memref<256xi32, #tpu.memory_space<hbm>>) target(%dma_start3A_612 : memref<256xi32, #tpu.memory_space<vmem>>) target_semaphore(%arg20 : memref<!tpu.dma_semaphore, #tpu.memory_space<semaphore_mem>>)
      %dma_start3A_614 = arith.constant 256 : i32
      %dma_start3A_615 = tpu.memref_slice %arg14[%dma_start3A_614] : memref<1024xf32, #tpu.memory_space<vmem>> -> memref<256xf32, #tpu.memory_space<vmem>>
      %dma_start3A_616 = tpu.memref_slice %arg7[%mul3A_595] : memref<2097152xf32, #tpu.memory_space<hbm>> -> memref<256xf32, #tpu.memory_space<hbm>>
      %dma_start3A_617 = arith.constant 256 : i32
      %dma_start3A_618 = tpu.memref_slice %arg14[%dma_start3A_617] : memref<1024xf32, #tpu.memory_space<vmem>> -> memref<256xf32, #tpu.memory_space<vmem>>
      %dma_start3A_619 = tpu.memref_slice %arg7[%mul3A_595] : memref<2097152xf32, #tpu.memory_space<hbm>> -> memref<256xf32, #tpu.memory_space<hbm>>
      tpu.enqueue_dma source(%dma_start3A_619 : memref<256xf32, #tpu.memory_space<hbm>>) target(%dma_start3A_618 : memref<256xf32, #tpu.memory_space<vmem>>) target_semaphore(%arg20 : memref<!tpu.dma_semaphore, #tpu.memory_space<semaphore_mem>>)
      %dma_start3A_620 = arith.constant 512 : i32
      %dma_start3A_621 = tpu.memref_slice %arg12[%dma_start3A_620] : memref<1024xi32, #tpu.memory_space<vmem>> -> memref<256xi32, #tpu.memory_space<vmem>>
      %dma_start3A_622 = tpu.memref_slice %arg4[%mul3A_595] : memref<2097152xi32, #tpu.memory_space<hbm>> -> memref<256xi32, #tpu.memory_space<hbm>>
      %dma_start3A_623 = arith.constant 512 : i32
      %dma_start3A_624 = tpu.memref_slice %arg12[%dma_start3A_623] : memref<1024xi32, #tpu.memory_space<vmem>> -> memref<256xi32, #tpu.memory_space<vmem>>
      %dma_start3A_625 = tpu.memref_slice %arg4[%mul3A_595] : memref<2097152xi32, #tpu.memory_space<hbm>> -> memref<256xi32, #tpu.memory_space<hbm>>
      tpu.enqueue_dma source(%dma_start3A_625 : memref<256xi32, #tpu.memory_space<hbm>>) target(%dma_start3A_624 : memref<256xi32, #tpu.memory_space<vmem>>) target_semaphore(%arg20 : memref<!tpu.dma_semaphore, #tpu.memory_space<semaphore_mem>>)
      %dma_start3A_626 = arith.constant 512 : i32
      %dma_start3A_627 = tpu.memref_slice %arg14[%dma_start3A_626] : memref<1024xf32, #tpu.memory_space<vmem>> -> memref<256xf32, #tpu.memory_space<vmem>>
      %dma_start3A_628 = tpu.memref_slice %arg8[%mul3A_595] : memref<2097152xf32, #tpu.memory_space<hbm>> -> memref<256xf32, #tpu.memory_space<hbm>>
      %dma_start3A_629 = arith.constant 512 : i32
      %dma_start3A_630 = tpu.memref_slice %arg14[%dma_start3A_629] : memref<1024xf32, #tpu.memory_space<vmem>> -> memref<256xf32, #tpu.memory_space<vmem>>
      %dma_start3A_631 = tpu.memref_slice %arg8[%mul3A_595] : memref<2097152xf32, #tpu.memory_space<hbm>> -> memref<256xf32, #tpu.memory_space<hbm>>
      tpu.enqueue_dma source(%dma_start3A_631 : memref<256xf32, #tpu.memory_space<hbm>>) target(%dma_start3A_630 : memref<256xf32, #tpu.memory_space<vmem>>) target_semaphore(%arg20 : memref<!tpu.dma_semaphore, #tpu.memory_space<semaphore_mem>>)
      %dma_start3A_632 = arith.constant 768 : i32
      %dma_start3A_633 = tpu.memref_slice %arg12[%dma_start3A_632] : memref<1024xi32, #tpu.memory_space<vmem>> -> memref<256xi32, #tpu.memory_space<vmem>>
      %dma_start3A_634 = tpu.memref_slice %arg5[%mul3A_595] : memref<2097152xi32, #tpu.memory_space<hbm>> -> memref<256xi32, #tpu.memory_space<hbm>>
      %dma_start3A_635 = arith.constant 768 : i32
      %dma_start3A_636 = tpu.memref_slice %arg12[%dma_start3A_635] : memref<1024xi32, #tpu.memory_space<vmem>> -> memref<256xi32, #tpu.memory_space<vmem>>
      %dma_start3A_637 = tpu.memref_slice %arg5[%mul3A_595] : memref<2097152xi32, #tpu.memory_space<hbm>> -> memref<256xi32, #tpu.memory_space<hbm>>
      tpu.enqueue_dma source(%dma_start3A_637 : memref<256xi32, #tpu.memory_space<hbm>>) target(%dma_start3A_636 : memref<256xi32, #tpu.memory_space<vmem>>) target_semaphore(%arg20 : memref<!tpu.dma_semaphore, #tpu.memory_space<semaphore_mem>>)
      %dma_start3A_638 = arith.constant 768 : i32
      %dma_start3A_639 = tpu.memref_slice %arg14[%dma_start3A_638] : memref<1024xf32, #tpu.memory_space<vmem>> -> memref<256xf32, #tpu.memory_space<vmem>>
      %dma_start3A_640 = tpu.memref_slice %arg9[%mul3A_595] : memref<2097152xf32, #tpu.memory_space<hbm>> -> memref<256xf32, #tpu.memory_space<hbm>>
      %dma_start3A_641 = arith.constant 768 : i32
      %dma_start3A_642 = tpu.memref_slice %arg14[%dma_start3A_641] : memref<1024xf32, #tpu.memory_space<vmem>> -> memref<256xf32, #tpu.memory_space<vmem>>
      %dma_start3A_643 = tpu.memref_slice %arg9[%mul3A_595] : memref<2097152xf32, #tpu.memory_space<hbm>> -> memref<256xf32, #tpu.memory_space<hbm>>
      tpu.enqueue_dma source(%dma_start3A_643 : memref<256xf32, #tpu.memory_space<hbm>>) target(%dma_start3A_642 : memref<256xf32, #tpu.memory_space<vmem>>) target_semaphore(%arg20 : memref<!tpu.dma_semaphore, #tpu.memory_space<semaphore_mem>>)
      %mul3A_644 = arith.constant 4096 : i32
      %mul3A_645 = arith.muli %add3A, %mul3A_644 : i32
      %min3A_646 = arith.constant 255 : i32
      %min3A_647 = arith.minsi %mul3A_389, %min3A_646 : i32
      %mul3A_648 = arith.constant 16 : i32
      %mul3A_649 = arith.muli %min3A_647, %mul3A_648 : i32
      %add3A_650 = arith.addi %mul3A_645, %mul3A_649 : i32
      %dma_start3A_651 = arith.constant 0 : i32
      %dma_start3A_652 = tpu.memref_slice %arg11[%add3A_650, %dma_start3A_651] : memref<131072x32xf32, #tpu.memory_space<hbm>> -> memref<16x32xf32, #tpu.memory_space<hbm>>
      %dma_start3A_653 = arith.constant 0 : i32
      %dma_start3A_654 = tpu.memref_slice %arg11[%add3A_650, %dma_start3A_653] : memref<131072x32xf32, #tpu.memory_space<hbm>> -> memref<16x32xf32, #tpu.memory_space<hbm>>
      tpu.enqueue_dma source(%arg18 : memref<16x32xf32, #tpu.memory_space<vmem>>) target(%dma_start3A_654 : memref<16x32xf32, #tpu.memory_space<hbm>>) target_semaphore(%arg24 : memref<!tpu.dma_semaphore, #tpu.memory_space<semaphore_mem>>)
      %mul3A_655 = arith.constant 2 : i32
      %mul3A_656 = arith.muli %scan3A_387, %mul3A_655 : i32
      %add3A_657 = arith.constant 1 : i32
      %add3A_658 = arith.addi %mul3A_656, %add3A_657 : i32
      %add3A_659 = arith.constant 1 : i32
      %add3A_660 = arith.addi %add3A_658, %add3A_659 : i32
      %mul3A_661 = arith.constant 4096 : i32
      %mul3A_662 = arith.muli %add3A, %mul3A_661 : i32
      %min3A_663 = arith.constant 255 : i32
      %min3A_664 = arith.minsi %add3A_660, %min3A_663 : i32
      %mul3A_665 = arith.constant 16 : i32
      %mul3A_666 = arith.muli %min3A_664, %mul3A_665 : i32
      %add3A_667 = arith.addi %mul3A_662, %mul3A_666 : i32
      %mul3A_668 = arith.constant 16 : i32
      %mul3A_669 = arith.muli %add3A_667, %mul3A_668 : i32
      %dma_wait3A_670 = arith.constant 0 : i32
      %dma_wait3A_671 = tpu.memref_slice %arg12[%dma_wait3A_670] : memref<1024xi32, #tpu.memory_space<vmem>> -> memref<256xi32, #tpu.memory_space<vmem>>
      %dma_wait3A_672 = tpu.memref_slice %arg2[%mul3A_669] : memref<2097152xi32, #tpu.memory_space<hbm>> -> memref<256xi32, #tpu.memory_space<hbm>>
      %dma_wait3A_673 = arith.constant 0 : i32
      %dma_wait3A_674 = tpu.memref_slice %arg12[%dma_wait3A_673] : memref<1024xi32, #tpu.memory_space<vmem>> -> memref<256xi32, #tpu.memory_space<vmem>>
      %dma_wait3A_675 = tpu.memref_slice %arg2[%mul3A_669] : memref<2097152xi32, #tpu.memory_space<hbm>> -> memref<256xi32, #tpu.memory_space<hbm>>
      tpu.wait_dma2 semaphore(%arg20 : memref<!tpu.dma_semaphore, #tpu.memory_space<semaphore_mem>>) src(%dma_wait3A_675 : memref<256xi32, #tpu.memory_space<hbm>>) dst(%dma_wait3A_674 : memref<256xi32, #tpu.memory_space<vmem>>)
      %dma_wait3A_676 = arith.constant 0 : i32
      %dma_wait3A_677 = tpu.memref_slice %arg14[%dma_wait3A_676] : memref<1024xf32, #tpu.memory_space<vmem>> -> memref<256xf32, #tpu.memory_space<vmem>>
      %dma_wait3A_678 = tpu.memref_slice %arg6[%mul3A_669] : memref<2097152xf32, #tpu.memory_space<hbm>> -> memref<256xf32, #tpu.memory_space<hbm>>
      %dma_wait3A_679 = arith.constant 0 : i32
      %dma_wait3A_680 = tpu.memref_slice %arg14[%dma_wait3A_679] : memref<1024xf32, #tpu.memory_space<vmem>> -> memref<256xf32, #tpu.memory_space<vmem>>
      %dma_wait3A_681 = tpu.memref_slice %arg6[%mul3A_669] : memref<2097152xf32, #tpu.memory_space<hbm>> -> memref<256xf32, #tpu.memory_space<hbm>>
      tpu.wait_dma2 semaphore(%arg20 : memref<!tpu.dma_semaphore, #tpu.memory_space<semaphore_mem>>) src(%dma_wait3A_681 : memref<256xf32, #tpu.memory_space<hbm>>) dst(%dma_wait3A_680 : memref<256xf32, #tpu.memory_space<vmem>>)
      %dma_wait3A_682 = arith.constant 256 : i32
      %dma_wait3A_683 = tpu.memref_slice %arg12[%dma_wait3A_682] : memref<1024xi32, #tpu.memory_space<vmem>> -> memref<256xi32, #tpu.memory_space<vmem>>
      %dma_wait3A_684 = tpu.memref_slice %arg3[%mul3A_669] : memref<2097152xi32, #tpu.memory_space<hbm>> -> memref<256xi32, #tpu.memory_space<hbm>>
      %dma_wait3A_685 = arith.constant 256 : i32
      %dma_wait3A_686 = tpu.memref_slice %arg12[%dma_wait3A_685] : memref<1024xi32, #tpu.memory_space<vmem>> -> memref<256xi32, #tpu.memory_space<vmem>>
      %dma_wait3A_687 = tpu.memref_slice %arg3[%mul3A_669] : memref<2097152xi32, #tpu.memory_space<hbm>> -> memref<256xi32, #tpu.memory_space<hbm>>
      tpu.wait_dma2 semaphore(%arg20 : memref<!tpu.dma_semaphore, #tpu.memory_space<semaphore_mem>>) src(%dma_wait3A_687 : memref<256xi32, #tpu.memory_space<hbm>>) dst(%dma_wait3A_686 : memref<256xi32, #tpu.memory_space<vmem>>)
      %dma_wait3A_688 = arith.constant 256 : i32
      %dma_wait3A_689 = tpu.memref_slice %arg14[%dma_wait3A_688] : memref<1024xf32, #tpu.memory_space<vmem>> -> memref<256xf32, #tpu.memory_space<vmem>>
      %dma_wait3A_690 = tpu.memref_slice %arg7[%mul3A_669] : memref<2097152xf32, #tpu.memory_space<hbm>> -> memref<256xf32, #tpu.memory_space<hbm>>
      %dma_wait3A_691 = arith.constant 256 : i32
      %dma_wait3A_692 = tpu.memref_slice %arg14[%dma_wait3A_691] : memref<1024xf32, #tpu.memory_space<vmem>> -> memref<256xf32, #tpu.memory_space<vmem>>
      %dma_wait3A_693 = tpu.memref_slice %arg7[%mul3A_669] : memref<2097152xf32, #tpu.memory_space<hbm>> -> memref<256xf32, #tpu.memory_space<hbm>>
      tpu.wait_dma2 semaphore(%arg20 : memref<!tpu.dma_semaphore, #tpu.memory_space<semaphore_mem>>) src(%dma_wait3A_693 : memref<256xf32, #tpu.memory_space<hbm>>) dst(%dma_wait3A_692 : memref<256xf32, #tpu.memory_space<vmem>>)
      %dma_wait3A_694 = arith.constant 512 : i32
      %dma_wait3A_695 = tpu.memref_slice %arg12[%dma_wait3A_694] : memref<1024xi32, #tpu.memory_space<vmem>> -> memref<256xi32, #tpu.memory_space<vmem>>
      %dma_wait3A_696 = tpu.memref_slice %arg4[%mul3A_669] : memref<2097152xi32, #tpu.memory_space<hbm>> -> memref<256xi32, #tpu.memory_space<hbm>>
      %dma_wait3A_697 = arith.constant 512 : i32
      %dma_wait3A_698 = tpu.memref_slice %arg12[%dma_wait3A_697] : memref<1024xi32, #tpu.memory_space<vmem>> -> memref<256xi32, #tpu.memory_space<vmem>>
      %dma_wait3A_699 = tpu.memref_slice %arg4[%mul3A_669] : memref<2097152xi32, #tpu.memory_space<hbm>> -> memref<256xi32, #tpu.memory_space<hbm>>
      tpu.wait_dma2 semaphore(%arg20 : memref<!tpu.dma_semaphore, #tpu.memory_space<semaphore_mem>>) src(%dma_wait3A_699 : memref<256xi32, #tpu.memory_space<hbm>>) dst(%dma_wait3A_698 : memref<256xi32, #tpu.memory_space<vmem>>)
      %dma_wait3A_700 = arith.constant 512 : i32
      %dma_wait3A_701 = tpu.memref_slice %arg14[%dma_wait3A_700] : memref<1024xf32, #tpu.memory_space<vmem>> -> memref<256xf32, #tpu.memory_space<vmem>>
      %dma_wait3A_702 = tpu.memref_slice %arg8[%mul3A_669] : memref<2097152xf32, #tpu.memory_space<hbm>> -> memref<256xf32, #tpu.memory_space<hbm>>
      %dma_wait3A_703 = arith.constant 512 : i32
      %dma_wait3A_704 = tpu.memref_slice %arg14[%dma_wait3A_703] : memref<1024xf32, #tpu.memory_space<vmem>> -> memref<256xf32, #tpu.memory_space<vmem>>
      %dma_wait3A_705 = tpu.memref_slice %arg8[%mul3A_669] : memref<2097152xf32, #tpu.memory_space<hbm>> -> memref<256xf32, #tpu.memory_space<hbm>>
      tpu.wait_dma2 semaphore(%arg20 : memref<!tpu.dma_semaphore, #tpu.memory_space<semaphore_mem>>) src(%dma_wait3A_705 : memref<256xf32, #tpu.memory_space<hbm>>) dst(%dma_wait3A_704 : memref<256xf32, #tpu.memory_space<vmem>>)
      %dma_wait3A_706 = arith.constant 768 : i32
      %dma_wait3A_707 = tpu.memref_slice %arg12[%dma_wait3A_706] : memref<1024xi32, #tpu.memory_space<vmem>> -> memref<256xi32, #tpu.memory_space<vmem>>
      %dma_wait3A_708 = tpu.memref_slice %arg5[%mul3A_669] : memref<2097152xi32, #tpu.memory_space<hbm>> -> memref<256xi32, #tpu.memory_space<hbm>>
      %dma_wait3A_709 = arith.constant 768 : i32
      %dma_wait3A_710 = tpu.memref_slice %arg12[%dma_wait3A_709] : memref<1024xi32, #tpu.memory_space<vmem>> -> memref<256xi32, #tpu.memory_space<vmem>>
      %dma_wait3A_711 = tpu.memref_slice %arg5[%mul3A_669] : memref<2097152xi32, #tpu.memory_space<hbm>> -> memref<256xi32, #tpu.memory_space<hbm>>
      tpu.wait_dma2 semaphore(%arg20 : memref<!tpu.dma_semaphore, #tpu.memory_space<semaphore_mem>>) src(%dma_wait3A_711 : memref<256xi32, #tpu.memory_space<hbm>>) dst(%dma_wait3A_710 : memref<256xi32, #tpu.memory_space<vmem>>)
      %dma_wait3A_712 = arith.constant 768 : i32
      %dma_wait3A_713 = tpu.memref_slice %arg14[%dma_wait3A_712] : memref<1024xf32, #tpu.memory_space<vmem>> -> memref<256xf32, #tpu.memory_space<vmem>>
      %dma_wait3A_714 = tpu.memref_slice %arg9[%mul3A_669] : memref<2097152xf32, #tpu.memory_space<hbm>> -> memref<256xf32, #tpu.memory_space<hbm>>
      %dma_wait3A_715 = arith.constant 768 : i32
      %dma_wait3A_716 = tpu.memref_slice %arg14[%dma_wait3A_715] : memref<1024xf32, #tpu.memory_space<vmem>> -> memref<256xf32, #tpu.memory_space<vmem>>
      %dma_wait3A_717 = tpu.memref_slice %arg9[%mul3A_669] : memref<2097152xf32, #tpu.memory_space<hbm>> -> memref<256xf32, #tpu.memory_space<hbm>>
      tpu.wait_dma2 semaphore(%arg20 : memref<!tpu.dma_semaphore, #tpu.memory_space<semaphore_mem>>) src(%dma_wait3A_717 : memref<256xf32, #tpu.memory_space<hbm>>) dst(%dma_wait3A_716 : memref<256xf32, #tpu.memory_space<vmem>>)
      %dma_start3A_718 = arith.constant 0 : i32
      %dma_start3A_719 = arith.constant 0 : i32
      %dma_start3A_720 = tpu.memref_slice %arg16[%dma_start3A_718, %dma_start3A_719] : memref<1024x32xbf16, #tpu.memory_space<vmem>> -> memref<128x32xbf16, #tpu.memory_space<vmem>>
      %dma_start3A_721 = arith.constant 0 : i32
      %dma_start3A_722 = tpu.memref_slice %arg12[%dma_start3A_721] : memref<1024xi32, #tpu.memory_space<vmem>> -> memref<128xi32, #tpu.memory_space<vmem>>
      %dma_start3A_723 = arith.constant 0 : i32
      %dma_start3A_724 = arith.constant 0 : i32
      %dma_start3A_725 = tpu.memref_slice %arg10[%dma_start3A_723, %dma_start3A_724] : memref<131072x32xbf16, #tpu.memory_space<hbm>> -> memref<131072x32xbf16, #tpu.memory_space<hbm>>
      tpu.enqueue_indirect_dma source(%dma_start3A_725 : memref<131072x32xbf16, #tpu.memory_space<hbm>>) target(%dma_start3A_720 : memref<128x32xbf16, #tpu.memory_space<vmem>>) offsets(%dma_start3A_722 : memref<128xi32, #tpu.memory_space<vmem>>) semaphore(%arg22 : memref<!tpu.dma_semaphore, #tpu.memory_space<semaphore_mem>>)
      %dma_start3A_726 = arith.constant 128 : i32
      %dma_start3A_727 = arith.constant 0 : i32
      %dma_start3A_728 = tpu.memref_slice %arg16[%dma_start3A_726, %dma_start3A_727] : memref<1024x32xbf16, #tpu.memory_space<vmem>> -> memref<128x32xbf16, #tpu.memory_space<vmem>>
      %dma_start3A_729 = arith.constant 128 : i32
      %dma_start3A_730 = tpu.memref_slice %arg12[%dma_start3A_729] : memref<1024xi32, #tpu.memory_space<vmem>> -> memref<128xi32, #tpu.memory_space<vmem>>
      %dma_start3A_731 = arith.constant 0 : i32
      %dma_start3A_732 = arith.constant 0 : i32
      %dma_start3A_733 = tpu.memref_slice %arg10[%dma_start3A_731, %dma_start3A_732] : memref<131072x32xbf16, #tpu.memory_space<hbm>> -> memref<131072x32xbf16, #tpu.memory_space<hbm>>
      tpu.enqueue_indirect_dma source(%dma_start3A_733 : memref<131072x32xbf16, #tpu.memory_space<hbm>>) target(%dma_start3A_728 : memref<128x32xbf16, #tpu.memory_space<vmem>>) offsets(%dma_start3A_730 : memref<128xi32, #tpu.memory_space<vmem>>) semaphore(%arg22 : memref<!tpu.dma_semaphore, #tpu.memory_space<semaphore_mem>>)
      %dma_start3A_734 = arith.constant 256 : i32
      %dma_start3A_735 = arith.constant 0 : i32
      %dma_start3A_736 = tpu.memref_slice %arg16[%dma_start3A_734, %dma_start3A_735] : memref<1024x32xbf16, #tpu.memory_space<vmem>> -> memref<128x32xbf16, #tpu.memory_space<vmem>>
      %dma_start3A_737 = arith.constant 256 : i32
      %dma_start3A_738 = tpu.memref_slice %arg12[%dma_start3A_737] : memref<1024xi32, #tpu.memory_space<vmem>> -> memref<128xi32, #tpu.memory_space<vmem>>
      %dma_start3A_739 = arith.constant 0 : i32
      %dma_start3A_740 = arith.constant 0 : i32
      %dma_start3A_741 = tpu.memref_slice %arg10[%dma_start3A_739, %dma_start3A_740] : memref<131072x32xbf16, #tpu.memory_space<hbm>> -> memref<131072x32xbf16, #tpu.memory_space<hbm>>
      tpu.enqueue_indirect_dma source(%dma_start3A_741 : memref<131072x32xbf16, #tpu.memory_space<hbm>>) target(%dma_start3A_736 : memref<128x32xbf16, #tpu.memory_space<vmem>>) offsets(%dma_start3A_738 : memref<128xi32, #tpu.memory_space<vmem>>) semaphore(%arg22 : memref<!tpu.dma_semaphore, #tpu.memory_space<semaphore_mem>>)
      %dma_start3A_742 = arith.constant 384 : i32
      %dma_start3A_743 = arith.constant 0 : i32
      %dma_start3A_744 = tpu.memref_slice %arg16[%dma_start3A_742, %dma_start3A_743] : memref<1024x32xbf16, #tpu.memory_space<vmem>> -> memref<128x32xbf16, #tpu.memory_space<vmem>>
      %dma_start3A_745 = arith.constant 384 : i32
      %dma_start3A_746 = tpu.memref_slice %arg12[%dma_start3A_745] : memref<1024xi32, #tpu.memory_space<vmem>> -> memref<128xi32, #tpu.memory_space<vmem>>
      %dma_start3A_747 = arith.constant 0 : i32
      %dma_start3A_748 = arith.constant 0 : i32
      %dma_start3A_749 = tpu.memref_slice %arg10[%dma_start3A_747, %dma_start3A_748] : memref<131072x32xbf16, #tpu.memory_space<hbm>> -> memref<131072x32xbf16, #tpu.memory_space<hbm>>
      tpu.enqueue_indirect_dma source(%dma_start3A_749 : memref<131072x32xbf16, #tpu.memory_space<hbm>>) target(%dma_start3A_744 : memref<128x32xbf16, #tpu.memory_space<vmem>>) offsets(%dma_start3A_746 : memref<128xi32, #tpu.memory_space<vmem>>) semaphore(%arg22 : memref<!tpu.dma_semaphore, #tpu.memory_space<semaphore_mem>>)
      %dma_start3A_750 = arith.constant 512 : i32
      %dma_start3A_751 = arith.constant 0 : i32
      %dma_start3A_752 = tpu.memref_slice %arg16[%dma_start3A_750, %dma_start3A_751] : memref<1024x32xbf16, #tpu.memory_space<vmem>> -> memref<128x32xbf16, #tpu.memory_space<vmem>>
      %dma_start3A_753 = arith.constant 512 : i32
      %dma_start3A_754 = tpu.memref_slice %arg12[%dma_start3A_753] : memref<1024xi32, #tpu.memory_space<vmem>> -> memref<128xi32, #tpu.memory_space<vmem>>
      %dma_start3A_755 = arith.constant 0 : i32
      %dma_start3A_756 = arith.constant 0 : i32
      %dma_start3A_757 = tpu.memref_slice %arg10[%dma_start3A_755, %dma_start3A_756] : memref<131072x32xbf16, #tpu.memory_space<hbm>> -> memref<131072x32xbf16, #tpu.memory_space<hbm>>
      tpu.enqueue_indirect_dma source(%dma_start3A_757 : memref<131072x32xbf16, #tpu.memory_space<hbm>>) target(%dma_start3A_752 : memref<128x32xbf16, #tpu.memory_space<vmem>>) offsets(%dma_start3A_754 : memref<128xi32, #tpu.memory_space<vmem>>) semaphore(%arg22 : memref<!tpu.dma_semaphore, #tpu.memory_space<semaphore_mem>>)
      %dma_start3A_758 = arith.constant 640 : i32
      %dma_start3A_759 = arith.constant 0 : i32
      %dma_start3A_760 = tpu.memref_slice %arg16[%dma_start3A_758, %dma_start3A_759] : memref<1024x32xbf16, #tpu.memory_space<vmem>> -> memref<128x32xbf16, #tpu.memory_space<vmem>>
      %dma_start3A_761 = arith.constant 640 : i32
      %dma_start3A_762 = tpu.memref_slice %arg12[%dma_start3A_761] : memref<1024xi32, #tpu.memory_space<vmem>> -> memref<128xi32, #tpu.memory_space<vmem>>
      %dma_start3A_763 = arith.constant 0 : i32
      %dma_start3A_764 = arith.constant 0 : i32
      %dma_start3A_765 = tpu.memref_slice %arg10[%dma_start3A_763, %dma_start3A_764] : memref<131072x32xbf16, #tpu.memory_space<hbm>> -> memref<131072x32xbf16, #tpu.memory_space<hbm>>
      tpu.enqueue_indirect_dma source(%dma_start3A_765 : memref<131072x32xbf16, #tpu.memory_space<hbm>>) target(%dma_start3A_760 : memref<128x32xbf16, #tpu.memory_space<vmem>>) offsets(%dma_start3A_762 : memref<128xi32, #tpu.memory_space<vmem>>) semaphore(%arg22 : memref<!tpu.dma_semaphore, #tpu.memory_space<semaphore_mem>>)
      %dma_start3A_766 = arith.constant 768 : i32
      %dma_start3A_767 = arith.constant 0 : i32
      %dma_start3A_768 = tpu.memref_slice %arg16[%dma_start3A_766, %dma_start3A_767] : memref<1024x32xbf16, #tpu.memory_space<vmem>> -> memref<128x32xbf16, #tpu.memory_space<vmem>>
      %dma_start3A_769 = arith.constant 768 : i32
      %dma_start3A_770 = tpu.memref_slice %arg12[%dma_start3A_769] : memref<1024xi32, #tpu.memory_space<vmem>> -> memref<128xi32, #tpu.memory_space<vmem>>
      %dma_start3A_771 = arith.constant 0 : i32
      %dma_start3A_772 = arith.constant 0 : i32
      %dma_start3A_773 = tpu.memref_slice %arg10[%dma_start3A_771, %dma_start3A_772] : memref<131072x32xbf16, #tpu.memory_space<hbm>> -> memref<131072x32xbf16, #tpu.memory_space<hbm>>
      tpu.enqueue_indirect_dma source(%dma_start3A_773 : memref<131072x32xbf16, #tpu.memory_space<hbm>>) target(%dma_start3A_768 : memref<128x32xbf16, #tpu.memory_space<vmem>>) offsets(%dma_start3A_770 : memref<128xi32, #tpu.memory_space<vmem>>) semaphore(%arg22 : memref<!tpu.dma_semaphore, #tpu.memory_space<semaphore_mem>>)
      %dma_start3A_774 = arith.constant 896 : i32
      %dma_start3A_775 = arith.constant 0 : i32
      %dma_start3A_776 = tpu.memref_slice %arg16[%dma_start3A_774, %dma_start3A_775] : memref<1024x32xbf16, #tpu.memory_space<vmem>> -> memref<128x32xbf16, #tpu.memory_space<vmem>>
      %dma_start3A_777 = arith.constant 896 : i32
      %dma_start3A_778 = tpu.memref_slice %arg12[%dma_start3A_777] : memref<1024xi32, #tpu.memory_space<vmem>> -> memref<128xi32, #tpu.memory_space<vmem>>
      %dma_start3A_779 = arith.constant 0 : i32
      %dma_start3A_780 = arith.constant 0 : i32
      %dma_start3A_781 = tpu.memref_slice %arg10[%dma_start3A_779, %dma_start3A_780] : memref<131072x32xbf16, #tpu.memory_space<hbm>> -> memref<131072x32xbf16, #tpu.memory_space<hbm>>
      tpu.enqueue_indirect_dma source(%dma_start3A_781 : memref<131072x32xbf16, #tpu.memory_space<hbm>>) target(%dma_start3A_776 : memref<128x32xbf16, #tpu.memory_space<vmem>>) offsets(%dma_start3A_778 : memref<128xi32, #tpu.memory_space<vmem>>) semaphore(%arg22 : memref<!tpu.dma_semaphore, #tpu.memory_space<semaphore_mem>>)
      %dma_wait3A_782 = arith.constant 0 : i32
      %dma_wait3A_783 = arith.constant 0 : i32
      %dma_wait3A_784 = tpu.memref_slice %arg17[%dma_wait3A_782, %dma_wait3A_783] : memref<1024x32xbf16, #tpu.memory_space<vmem>> -> memref<128x32xbf16, #tpu.memory_space<vmem>>
      %dma_wait3A_785 = arith.constant 0 : i32
      %dma_wait3A_786 = tpu.memref_slice %arg13[%dma_wait3A_785] : memref<1024xi32, #tpu.memory_space<vmem>> -> memref<128xi32, #tpu.memory_space<vmem>>
      %dma_wait3A_787 = arith.constant 0 : i32
      %dma_wait3A_788 = arith.constant 0 : i32
      %dma_wait3A_789 = tpu.memref_slice %arg10[%dma_wait3A_787, %dma_wait3A_788] : memref<131072x32xbf16, #tpu.memory_space<hbm>> -> memref<131072x32xbf16, #tpu.memory_space<hbm>>
      tpu.wait_indirect_dma semaphore(%arg23 : memref<!tpu.dma_semaphore, #tpu.memory_space<semaphore_mem>>) src(%dma_wait3A_789 : memref<131072x32xbf16, #tpu.memory_space<hbm>>) dst(%dma_wait3A_784 : memref<128x32xbf16, #tpu.memory_space<vmem>>)
      %dma_wait3A_790 = arith.constant 128 : i32
      %dma_wait3A_791 = arith.constant 0 : i32
      %dma_wait3A_792 = tpu.memref_slice %arg17[%dma_wait3A_790, %dma_wait3A_791] : memref<1024x32xbf16, #tpu.memory_space<vmem>> -> memref<128x32xbf16, #tpu.memory_space<vmem>>
      %dma_wait3A_793 = arith.constant 128 : i32
      %dma_wait3A_794 = tpu.memref_slice %arg13[%dma_wait3A_793] : memref<1024xi32, #tpu.memory_space<vmem>> -> memref<128xi32, #tpu.memory_space<vmem>>
      %dma_wait3A_795 = arith.constant 0 : i32
      %dma_wait3A_796 = arith.constant 0 : i32
      %dma_wait3A_797 = tpu.memref_slice %arg10[%dma_wait3A_795, %dma_wait3A_796] : memref<131072x32xbf16, #tpu.memory_space<hbm>> -> memref<131072x32xbf16, #tpu.memory_space<hbm>>
      tpu.wait_indirect_dma semaphore(%arg23 : memref<!tpu.dma_semaphore, #tpu.memory_space<semaphore_mem>>) src(%dma_wait3A_797 : memref<131072x32xbf16, #tpu.memory_space<hbm>>) dst(%dma_wait3A_792 : memref<128x32xbf16, #tpu.memory_space<vmem>>)
      %dma_wait3A_798 = arith.constant 256 : i32
      %dma_wait3A_799 = arith.constant 0 : i32
      %dma_wait3A_800 = tpu.memref_slice %arg17[%dma_wait3A_798, %dma_wait3A_799] : memref<1024x32xbf16, #tpu.memory_space<vmem>> -> memref<128x32xbf16, #tpu.memory_space<vmem>>
      %dma_wait3A_801 = arith.constant 256 : i32
      %dma_wait3A_802 = tpu.memref_slice %arg13[%dma_wait3A_801] : memref<1024xi32, #tpu.memory_space<vmem>> -> memref<128xi32, #tpu.memory_space<vmem>>
      %dma_wait3A_803 = arith.constant 0 : i32
      %dma_wait3A_804 = arith.constant 0 : i32
      %dma_wait3A_805 = tpu.memref_slice %arg10[%dma_wait3A_803, %dma_wait3A_804] : memref<131072x32xbf16, #tpu.memory_space<hbm>> -> memref<131072x32xbf16, #tpu.memory_space<hbm>>
      tpu.wait_indirect_dma semaphore(%arg23 : memref<!tpu.dma_semaphore, #tpu.memory_space<semaphore_mem>>) src(%dma_wait3A_805 : memref<131072x32xbf16, #tpu.memory_space<hbm>>) dst(%dma_wait3A_800 : memref<128x32xbf16, #tpu.memory_space<vmem>>)
      %dma_wait3A_806 = arith.constant 384 : i32
      %dma_wait3A_807 = arith.constant 0 : i32
      %dma_wait3A_808 = tpu.memref_slice %arg17[%dma_wait3A_806, %dma_wait3A_807] : memref<1024x32xbf16, #tpu.memory_space<vmem>> -> memref<128x32xbf16, #tpu.memory_space<vmem>>
      %dma_wait3A_809 = arith.constant 384 : i32
      %dma_wait3A_810 = tpu.memref_slice %arg13[%dma_wait3A_809] : memref<1024xi32, #tpu.memory_space<vmem>> -> memref<128xi32, #tpu.memory_space<vmem>>
      %dma_wait3A_811 = arith.constant 0 : i32
      %dma_wait3A_812 = arith.constant 0 : i32
      %dma_wait3A_813 = tpu.memref_slice %arg10[%dma_wait3A_811, %dma_wait3A_812] : memref<131072x32xbf16, #tpu.memory_space<hbm>> -> memref<131072x32xbf16, #tpu.memory_space<hbm>>
      tpu.wait_indirect_dma semaphore(%arg23 : memref<!tpu.dma_semaphore, #tpu.memory_space<semaphore_mem>>) src(%dma_wait3A_813 : memref<131072x32xbf16, #tpu.memory_space<hbm>>) dst(%dma_wait3A_808 : memref<128x32xbf16, #tpu.memory_space<vmem>>)
      %dma_wait3A_814 = arith.constant 512 : i32
      %dma_wait3A_815 = arith.constant 0 : i32
      %dma_wait3A_816 = tpu.memref_slice %arg17[%dma_wait3A_814, %dma_wait3A_815] : memref<1024x32xbf16, #tpu.memory_space<vmem>> -> memref<128x32xbf16, #tpu.memory_space<vmem>>
      %dma_wait3A_817 = arith.constant 512 : i32
      %dma_wait3A_818 = tpu.memref_slice %arg13[%dma_wait3A_817] : memref<1024xi32, #tpu.memory_space<vmem>> -> memref<128xi32, #tpu.memory_space<vmem>>
      %dma_wait3A_819 = arith.constant 0 : i32
      %dma_wait3A_820 = arith.constant 0 : i32
      %dma_wait3A_821 = tpu.memref_slice %arg10[%dma_wait3A_819, %dma_wait3A_820] : memref<131072x32xbf16, #tpu.memory_space<hbm>> -> memref<131072x32xbf16, #tpu.memory_space<hbm>>
      tpu.wait_indirect_dma semaphore(%arg23 : memref<!tpu.dma_semaphore, #tpu.memory_space<semaphore_mem>>) src(%dma_wait3A_821 : memref<131072x32xbf16, #tpu.memory_space<hbm>>) dst(%dma_wait3A_816 : memref<128x32xbf16, #tpu.memory_space<vmem>>)
      %dma_wait3A_822 = arith.constant 640 : i32
      %dma_wait3A_823 = arith.constant 0 : i32
      %dma_wait3A_824 = tpu.memref_slice %arg17[%dma_wait3A_822, %dma_wait3A_823] : memref<1024x32xbf16, #tpu.memory_space<vmem>> -> memref<128x32xbf16, #tpu.memory_space<vmem>>
      %dma_wait3A_825 = arith.constant 640 : i32
      %dma_wait3A_826 = tpu.memref_slice %arg13[%dma_wait3A_825] : memref<1024xi32, #tpu.memory_space<vmem>> -> memref<128xi32, #tpu.memory_space<vmem>>
      %dma_wait3A_827 = arith.constant 0 : i32
      %dma_wait3A_828 = arith.constant 0 : i32
      %dma_wait3A_829 = tpu.memref_slice %arg10[%dma_wait3A_827, %dma_wait3A_828] : memref<131072x32xbf16, #tpu.memory_space<hbm>> -> memref<131072x32xbf16, #tpu.memory_space<hbm>>
      tpu.wait_indirect_dma semaphore(%arg23 : memref<!tpu.dma_semaphore, #tpu.memory_space<semaphore_mem>>) src(%dma_wait3A_829 : memref<131072x32xbf16, #tpu.memory_space<hbm>>) dst(%dma_wait3A_824 : memref<128x32xbf16, #tpu.memory_space<vmem>>)
      %dma_wait3A_830 = arith.constant 768 : i32
      %dma_wait3A_831 = arith.constant 0 : i32
      %dma_wait3A_832 = tpu.memref_slice %arg17[%dma_wait3A_830, %dma_wait3A_831] : memref<1024x32xbf16, #tpu.memory_space<vmem>> -> memref<128x32xbf16, #tpu.memory_space<vmem>>
      %dma_wait3A_833 = arith.constant 768 : i32
      %dma_wait3A_834 = tpu.memref_slice %arg13[%dma_wait3A_833] : memref<1024xi32, #tpu.memory_space<vmem>> -> memref<128xi32, #tpu.memory_space<vmem>>
      %dma_wait3A_835 = arith.constant 0 : i32
      %dma_wait3A_836 = arith.constant 0 : i32
      %dma_wait3A_837 = tpu.memref_slice %arg10[%dma_wait3A_835, %dma_wait3A_836] : memref<131072x32xbf16, #tpu.memory_space<hbm>> -> memref<131072x32xbf16, #tpu.memory_space<hbm>>
      tpu.wait_indirect_dma semaphore(%arg23 : memref<!tpu.dma_semaphore, #tpu.memory_space<semaphore_mem>>) src(%dma_wait3A_837 : memref<131072x32xbf16, #tpu.memory_space<hbm>>) dst(%dma_wait3A_832 : memref<128x32xbf16, #tpu.memory_space<vmem>>)
      %dma_wait3A_838 = arith.constant 896 : i32
      %dma_wait3A_839 = arith.constant 0 : i32
      %dma_wait3A_840 = tpu.memref_slice %arg17[%dma_wait3A_838, %dma_wait3A_839] : memref<1024x32xbf16, #tpu.memory_space<vmem>> -> memref<128x32xbf16, #tpu.memory_space<vmem>>
      %dma_wait3A_841 = arith.constant 896 : i32
      %dma_wait3A_842 = tpu.memref_slice %arg13[%dma_wait3A_841] : memref<1024xi32, #tpu.memory_space<vmem>> -> memref<128xi32, #tpu.memory_space<vmem>>
      %dma_wait3A_843 = arith.constant 0 : i32
      %dma_wait3A_844 = arith.constant 0 : i32
      %dma_wait3A_845 = tpu.memref_slice %arg10[%dma_wait3A_843, %dma_wait3A_844] : memref<131072x32xbf16, #tpu.memory_space<hbm>> -> memref<131072x32xbf16, #tpu.memory_space<hbm>>
      tpu.wait_indirect_dma semaphore(%arg23 : memref<!tpu.dma_semaphore, #tpu.memory_space<semaphore_mem>>) src(%dma_wait3A_845 : memref<131072x32xbf16, #tpu.memory_space<hbm>>) dst(%dma_wait3A_840 : memref<128x32xbf16, #tpu.memory_space<vmem>>)
      %ge3A_846 = arith.constant 2 : i32
      %ge3A_847 = arith.cmpi sge, %add3A_658, %ge3A_846 : i32
      %convert_element_type3A_848 = arith.extui %ge3A_847 : i1 to i32
      %cond3A_849 = arith.constant 0 : i32
      %cond3A_850 = arith.cmpi ne, %convert_element_type3A_848, %cond3A_849 : i32
      scf.if %cond3A_850 {
        %sub3A = arith.constant 2 : i32
        %sub3A_927 = arith.subi %add3A_658, %sub3A : i32
        %mul3A_928 = arith.constant 4096 : i32
        %mul3A_929 = arith.muli %add3A, %mul3A_928 : i32
        %min3A_930 = arith.constant 255 : i32
        %min3A_931 = arith.minsi %sub3A_927, %min3A_930 : i32
        %mul3A_932 = arith.constant 16 : i32
        %mul3A_933 = arith.muli %min3A_931, %mul3A_932 : i32
        %add3A_934 = arith.addi %mul3A_929, %mul3A_933 : i32
        %dma_wait3A_935 = arith.constant 0 : i32
        %dma_wait3A_936 = tpu.memref_slice %arg11[%add3A_934, %dma_wait3A_935] : memref<131072x32xf32, #tpu.memory_space<hbm>> -> memref<16x32xf32, #tpu.memory_space<hbm>>
        %dma_wait3A_937 = arith.constant 0 : i32
        %dma_wait3A_938 = tpu.memref_slice %arg11[%add3A_934, %dma_wait3A_937] : memref<131072x32xf32, #tpu.memory_space<hbm>> -> memref<16x32xf32, #tpu.memory_space<hbm>>
        tpu.wait_dma2 semaphore(%arg25 : memref<!tpu.dma_semaphore, #tpu.memory_space<semaphore_mem>>) src(%arg19 : memref<16x32xf32, #tpu.memory_space<vmem>>) dst(%dma_wait3A_938 : memref<16x32xf32, #tpu.memory_space<hbm>>)
      } else {
      }
      %scan3A_851 = arith.constant 0 : i32
      %scan3A_852 = arith.constant 0 : i32
      %scan3A_853 = arith.constant 16 : i32
      %scan3A_854 = arith.addi %scan3A_852, %scan3A_853 : i32
      %scan3A_855 = arith.constant 1 : i32
      scf.for %scan3A_927 = %scan3A_852 to %scan3A_854 step %scan3A_855  : i32 {
        %broadcast_in_dim3A = arith.constant 0.000000e+00 : f32
        %broadcast_in_dim3A_928 = vector.broadcast %broadcast_in_dim3A : f32 to vector<16xf32>
        %broadcast_in_dim3A_929 = arith.constant 0.000000e+00 : f32
        %broadcast_in_dim3A_930 = vector.broadcast %broadcast_in_dim3A_929 : f32 to vector<16xf32>
        %mul3A_931 = arith.constant 16 : i32
        %mul3A_932 = arith.muli %scan3A_927, %mul3A_931 : i32
        %add3A_933 = arith.constant 0 : i32
        %add3A_934 = arith.addi %add3A_933, %mul3A_932 : i32
        %get3A = arith.index_cast %add3A_934 : i32 to index
        %get3A_935 = tpu.vector_load %arg15[%get3A] {strides = array<i32>} : memref<1024xf32, #tpu.memory_space<vmem>>, vector<16xf32>,
        %add3A_936 = arith.constant 0 : i32
        %add3A_937 = arith.addi %add3A_934, %add3A_936 : i32
        %slice3A = vector.extract_strided_slice %get3A_935 {offsets = [0], sizes = [1], strides = [1]} : vector<16xf32> to vector<1xf32>
        %squeeze3A = vector.extract %slice3A[0] : f32 from vector<1xf32>
        %broadcast_in_dim3A_938 = vector.broadcast %squeeze3A : f32 to vector<16xf32>
        %get3A_939 = arith.index_cast %add3A_937 : i32 to index
        %get3A_940 = arith.constant 0 : index
        %get3A_941 = tpu.vector_load %arg17[%get3A_939, %get3A_940] {strides = array<i32>} : memref<1024x32xbf16, #tpu.memory_space<vmem>>, vector<32xbf16>,
        %unpack3A = tpu.unpack_subelements %get3A_941, 0 {pack_format = #tpu.pack_format<interleaved>} : vector<32xbf16> -> vector<16xf32>
        %unpack3A_942 = tpu.unpack_subelements %get3A_941, 1 {pack_format = #tpu.pack_format<interleaved>} : vector<32xbf16> -> vector<16xf32>
        %mul3A_943 = arith.mulf %broadcast_in_dim3A_938, %unpack3A : vector<16xf32>
        %add3A_944 = arith.addf %broadcast_in_dim3A_928, %mul3A_943 : vector<16xf32>
        %mul3A_945 = arith.mulf %broadcast_in_dim3A_938, %unpack3A_942 : vector<16xf32>
        %add3A_946 = arith.addf %broadcast_in_dim3A_930, %mul3A_945 : vector<16xf32>
        %add3A_947 = arith.constant 1 : i32
        %add3A_948 = arith.addi %add3A_934, %add3A_947 : i32
        %slice3A_949 = vector.extract_strided_slice %get3A_935 {offsets = [1], sizes = [1], strides = [1]} : vector<16xf32> to vector<1xf32>
        %squeeze3A_950 = vector.extract %slice3A_949[0] : f32 from vector<1xf32>
        %broadcast_in_dim3A_951 = vector.broadcast %squeeze3A_950 : f32 to vector<16xf32>
        %get3A_952 = arith.index_cast %add3A_948 : i32 to index
        %get3A_953 = arith.constant 0 : index
        %get3A_954 = tpu.vector_load %arg17[%get3A_952, %get3A_953] {strides = array<i32>} : memref<1024x32xbf16, #tpu.memory_space<vmem>>, vector<32xbf16>,
        %unpack3A_955 = tpu.unpack_subelements %get3A_954, 0 {pack_format = #tpu.pack_format<interleaved>} : vector<32xbf16> -> vector<16xf32>
        %unpack3A_956 = tpu.unpack_subelements %get3A_954, 1 {pack_format = #tpu.pack_format<interleaved>} : vector<32xbf16> -> vector<16xf32>
        %mul3A_957 = arith.mulf %broadcast_in_dim3A_951, %unpack3A_955 : vector<16xf32>
        %add3A_958 = arith.addf %add3A_944, %mul3A_957 : vector<16xf32>
        %mul3A_959 = arith.mulf %broadcast_in_dim3A_951, %unpack3A_956 : vector<16xf32>
        %add3A_960 = arith.addf %add3A_946, %mul3A_959 : vector<16xf32>
        %add3A_961 = arith.constant 2 : i32
        %add3A_962 = arith.addi %add3A_934, %add3A_961 : i32
        %slice3A_963 = vector.extract_strided_slice %get3A_935 {offsets = [2], sizes = [1], strides = [1]} : vector<16xf32> to vector<1xf32>
        %squeeze3A_964 = vector.extract %slice3A_963[0] : f32 from vector<1xf32>
        %broadcast_in_dim3A_965 = vector.broadcast %squeeze3A_964 : f32 to vector<16xf32>
        %get3A_966 = arith.index_cast %add3A_962 : i32 to index
        %get3A_967 = arith.constant 0 : index
        %get3A_968 = tpu.vector_load %arg17[%get3A_966, %get3A_967] {strides = array<i32>} : memref<1024x32xbf16, #tpu.memory_space<vmem>>, vector<32xbf16>,
        %unpack3A_969 = tpu.unpack_subelements %get3A_968, 0 {pack_format = #tpu.pack_format<interleaved>} : vector<32xbf16> -> vector<16xf32>
        %unpack3A_970 = tpu.unpack_subelements %get3A_968, 1 {pack_format = #tpu.pack_format<interleaved>} : vector<32xbf16> -> vector<16xf32>
        %mul3A_971 = arith.mulf %broadcast_in_dim3A_965, %unpack3A_969 : vector<16xf32>
        %add3A_972 = arith.addf %add3A_958, %mul3A_971 : vector<16xf32>
        %mul3A_973 = arith.mulf %broadcast_in_dim3A_965, %unpack3A_970 : vector<16xf32>
        %add3A_974 = arith.addf %add3A_960, %mul3A_973 : vector<16xf32>
        %add3A_975 = arith.constant 3 : i32
        %add3A_976 = arith.addi %add3A_934, %add3A_975 : i32
        %slice3A_977 = vector.extract_strided_slice %get3A_935 {offsets = [3], sizes = [1], strides = [1]} : vector<16xf32> to vector<1xf32>
        %squeeze3A_978 = vector.extract %slice3A_977[0] : f32 from vector<1xf32>
        %broadcast_in_dim3A_979 = vector.broadcast %squeeze3A_978 : f32 to vector<16xf32>
        %get3A_980 = arith.index_cast %add3A_976 : i32 to index
        %get3A_981 = arith.constant 0 : index
        %get3A_982 = tpu.vector_load %arg17[%get3A_980, %get3A_981] {strides = array<i32>} : memref<1024x32xbf16, #tpu.memory_space<vmem>>, vector<32xbf16>,
        %unpack3A_983 = tpu.unpack_subelements %get3A_982, 0 {pack_format = #tpu.pack_format<interleaved>} : vector<32xbf16> -> vector<16xf32>
        %unpack3A_984 = tpu.unpack_subelements %get3A_982, 1 {pack_format = #tpu.pack_format<interleaved>} : vector<32xbf16> -> vector<16xf32>
        %mul3A_985 = arith.mulf %broadcast_in_dim3A_979, %unpack3A_983 : vector<16xf32>
        %add3A_986 = arith.addf %add3A_972, %mul3A_985 : vector<16xf32>
        %mul3A_987 = arith.mulf %broadcast_in_dim3A_979, %unpack3A_984 : vector<16xf32>
        %add3A_988 = arith.addf %add3A_974, %mul3A_987 : vector<16xf32>
        %add3A_989 = arith.constant 4 : i32
        %add3A_990 = arith.addi %add3A_934, %add3A_989 : i32
        %slice3A_991 = vector.extract_strided_slice %get3A_935 {offsets = [4], sizes = [1], strides = [1]} : vector<16xf32> to vector<1xf32>
        %squeeze3A_992 = vector.extract %slice3A_991[0] : f32 from vector<1xf32>
        %broadcast_in_dim3A_993 = vector.broadcast %squeeze3A_992 : f32 to vector<16xf32>
        %get3A_994 = arith.index_cast %add3A_990 : i32 to index
        %get3A_995 = arith.constant 0 : index
        %get3A_996 = tpu.vector_load %arg17[%get3A_994, %get3A_995] {strides = array<i32>} : memref<1024x32xbf16, #tpu.memory_space<vmem>>, vector<32xbf16>,
        %unpack3A_997 = tpu.unpack_subelements %get3A_996, 0 {pack_format = #tpu.pack_format<interleaved>} : vector<32xbf16> -> vector<16xf32>
        %unpack3A_998 = tpu.unpack_subelements %get3A_996, 1 {pack_format = #tpu.pack_format<interleaved>} : vector<32xbf16> -> vector<16xf32>
        %mul3A_999 = arith.mulf %broadcast_in_dim3A_993, %unpack3A_997 : vector<16xf32>
        %add3A_1000 = arith.addf %add3A_986, %mul3A_999 : vector<16xf32>
        %mul3A_1001 = arith.mulf %broadcast_in_dim3A_993, %unpack3A_998 : vector<16xf32>
        %add3A_1002 = arith.addf %add3A_988, %mul3A_1001 : vector<16xf32>
        %add3A_1003 = arith.constant 5 : i32
        %add3A_1004 = arith.addi %add3A_934, %add3A_1003 : i32
        %slice3A_1005 = vector.extract_strided_slice %get3A_935 {offsets = [5], sizes = [1], strides = [1]} : vector<16xf32> to vector<1xf32>
        %squeeze3A_1006 = vector.extract %slice3A_1005[0] : f32 from vector<1xf32>
        %broadcast_in_dim3A_1007 = vector.broadcast %squeeze3A_1006 : f32 to vector<16xf32>
        %get3A_1008 = arith.index_cast %add3A_1004 : i32 to index
        %get3A_1009 = arith.constant 0 : index
        %get3A_1010 = tpu.vector_load %arg17[%get3A_1008, %get3A_1009] {strides = array<i32>} : memref<1024x32xbf16, #tpu.memory_space<vmem>>, vector<32xbf16>,
        %unpack3A_1011 = tpu.unpack_subelements %get3A_1010, 0 {pack_format = #tpu.pack_format<interleaved>} : vector<32xbf16> -> vector<16xf32>
        %unpack3A_1012 = tpu.unpack_subelements %get3A_1010, 1 {pack_format = #tpu.pack_format<interleaved>} : vector<32xbf16> -> vector<16xf32>
        %mul3A_1013 = arith.mulf %broadcast_in_dim3A_1007, %unpack3A_1011 : vector<16xf32>
        %add3A_1014 = arith.addf %add3A_1000, %mul3A_1013 : vector<16xf32>
        %mul3A_1015 = arith.mulf %broadcast_in_dim3A_1007, %unpack3A_1012 : vector<16xf32>
        %add3A_1016 = arith.addf %add3A_1002, %mul3A_1015 : vector<16xf32>
        %add3A_1017 = arith.constant 6 : i32
        %add3A_1018 = arith.addi %add3A_934, %add3A_1017 : i32
        %slice3A_1019 = vector.extract_strided_slice %get3A_935 {offsets = [6], sizes = [1], strides = [1]} : vector<16xf32> to vector<1xf32>
        %squeeze3A_1020 = vector.extract %slice3A_1019[0] : f32 from vector<1xf32>
        %broadcast_in_dim3A_1021 = vector.broadcast %squeeze3A_1020 : f32 to vector<16xf32>
        %get3A_1022 = arith.index_cast %add3A_1018 : i32 to index
        %get3A_1023 = arith.constant 0 : index
        %get3A_1024 = tpu.vector_load %arg17[%get3A_1022, %get3A_1023] {strides = array<i32>} : memref<1024x32xbf16, #tpu.memory_space<vmem>>, vector<32xbf16>,
        %unpack3A_1025 = tpu.unpack_subelements %get3A_1024, 0 {pack_format = #tpu.pack_format<interleaved>} : vector<32xbf16> -> vector<16xf32>
        %unpack3A_1026 = tpu.unpack_subelements %get3A_1024, 1 {pack_format = #tpu.pack_format<interleaved>} : vector<32xbf16> -> vector<16xf32>
        %mul3A_1027 = arith.mulf %broadcast_in_dim3A_1021, %unpack3A_1025 : vector<16xf32>
        %add3A_1028 = arith.addf %add3A_1014, %mul3A_1027 : vector<16xf32>
        %mul3A_1029 = arith.mulf %broadcast_in_dim3A_1021, %unpack3A_1026 : vector<16xf32>
        %add3A_1030 = arith.addf %add3A_1016, %mul3A_1029 : vector<16xf32>
        %add3A_1031 = arith.constant 7 : i32
        %add3A_1032 = arith.addi %add3A_934, %add3A_1031 : i32
        %slice3A_1033 = vector.extract_strided_slice %get3A_935 {offsets = [7], sizes = [1], strides = [1]} : vector<16xf32> to vector<1xf32>
        %squeeze3A_1034 = vector.extract %slice3A_1033[0] : f32 from vector<1xf32>
        %broadcast_in_dim3A_1035 = vector.broadcast %squeeze3A_1034 : f32 to vector<16xf32>
        %get3A_1036 = arith.index_cast %add3A_1032 : i32 to index
        %get3A_1037 = arith.constant 0 : index
        %get3A_1038 = tpu.vector_load %arg17[%get3A_1036, %get3A_1037] {strides = array<i32>} : memref<1024x32xbf16, #tpu.memory_space<vmem>>, vector<32xbf16>,
        %unpack3A_1039 = tpu.unpack_subelements %get3A_1038, 0 {pack_format = #tpu.pack_format<interleaved>} : vector<32xbf16> -> vector<16xf32>
        %unpack3A_1040 = tpu.unpack_subelements %get3A_1038, 1 {pack_format = #tpu.pack_format<interleaved>} : vector<32xbf16> -> vector<16xf32>
        %mul3A_1041 = arith.mulf %broadcast_in_dim3A_1035, %unpack3A_1039 : vector<16xf32>
        %add3A_1042 = arith.addf %add3A_1028, %mul3A_1041 : vector<16xf32>
        %mul3A_1043 = arith.mulf %broadcast_in_dim3A_1035, %unpack3A_1040 : vector<16xf32>
        %add3A_1044 = arith.addf %add3A_1030, %mul3A_1043 : vector<16xf32>
        %add3A_1045 = arith.constant 8 : i32
        %add3A_1046 = arith.addi %add3A_934, %add3A_1045 : i32
        %slice3A_1047 = vector.extract_strided_slice %get3A_935 {offsets = [8], sizes = [1], strides = [1]} : vector<16xf32> to vector<1xf32>
        %squeeze3A_1048 = vector.extract %slice3A_1047[0] : f32 from vector<1xf32>
        %broadcast_in_dim3A_1049 = vector.broadcast %squeeze3A_1048 : f32 to vector<16xf32>
        %get3A_1050 = arith.index_cast %add3A_1046 : i32 to index
        %get3A_1051 = arith.constant 0 : index
        %get3A_1052 = tpu.vector_load %arg17[%get3A_1050, %get3A_1051] {strides = array<i32>} : memref<1024x32xbf16, #tpu.memory_space<vmem>>, vector<32xbf16>,
        %unpack3A_1053 = tpu.unpack_subelements %get3A_1052, 0 {pack_format = #tpu.pack_format<interleaved>} : vector<32xbf16> -> vector<16xf32>
        %unpack3A_1054 = tpu.unpack_subelements %get3A_1052, 1 {pack_format = #tpu.pack_format<interleaved>} : vector<32xbf16> -> vector<16xf32>
        %mul3A_1055 = arith.mulf %broadcast_in_dim3A_1049, %unpack3A_1053 : vector<16xf32>
        %add3A_1056 = arith.addf %add3A_1042, %mul3A_1055 : vector<16xf32>
        %mul3A_1057 = arith.mulf %broadcast_in_dim3A_1049, %unpack3A_1054 : vector<16xf32>
        %add3A_1058 = arith.addf %add3A_1044, %mul3A_1057 : vector<16xf32>
        %add3A_1059 = arith.constant 9 : i32
        %add3A_1060 = arith.addi %add3A_934, %add3A_1059 : i32
        %slice3A_1061 = vector.extract_strided_slice %get3A_935 {offsets = [9], sizes = [1], strides = [1]} : vector<16xf32> to vector<1xf32>
        %squeeze3A_1062 = vector.extract %slice3A_1061[0] : f32 from vector<1xf32>
        %broadcast_in_dim3A_1063 = vector.broadcast %squeeze3A_1062 : f32 to vector<16xf32>
        %get3A_1064 = arith.index_cast %add3A_1060 : i32 to index
        %get3A_1065 = arith.constant 0 : index
        %get3A_1066 = tpu.vector_load %arg17[%get3A_1064, %get3A_1065] {strides = array<i32>} : memref<1024x32xbf16, #tpu.memory_space<vmem>>, vector<32xbf16>,
        %unpack3A_1067 = tpu.unpack_subelements %get3A_1066, 0 {pack_format = #tpu.pack_format<interleaved>} : vector<32xbf16> -> vector<16xf32>
        %unpack3A_1068 = tpu.unpack_subelements %get3A_1066, 1 {pack_format = #tpu.pack_format<interleaved>} : vector<32xbf16> -> vector<16xf32>
        %mul3A_1069 = arith.mulf %broadcast_in_dim3A_1063, %unpack3A_1067 : vector<16xf32>
        %add3A_1070 = arith.addf %add3A_1056, %mul3A_1069 : vector<16xf32>
        %mul3A_1071 = arith.mulf %broadcast_in_dim3A_1063, %unpack3A_1068 : vector<16xf32>
        %add3A_1072 = arith.addf %add3A_1058, %mul3A_1071 : vector<16xf32>
        %add3A_1073 = arith.constant 10 : i32
        %add3A_1074 = arith.addi %add3A_934, %add3A_1073 : i32
        %slice3A_1075 = vector.extract_strided_slice %get3A_935 {offsets = [10], sizes = [1], strides = [1]} : vector<16xf32> to vector<1xf32>
        %squeeze3A_1076 = vector.extract %slice3A_1075[0] : f32 from vector<1xf32>
        %broadcast_in_dim3A_1077 = vector.broadcast %squeeze3A_1076 : f32 to vector<16xf32>
        %get3A_1078 = arith.index_cast %add3A_1074 : i32 to index
        %get3A_1079 = arith.constant 0 : index
        %get3A_1080 = tpu.vector_load %arg17[%get3A_1078, %get3A_1079] {strides = array<i32>} : memref<1024x32xbf16, #tpu.memory_space<vmem>>, vector<32xbf16>,
        %unpack3A_1081 = tpu.unpack_subelements %get3A_1080, 0 {pack_format = #tpu.pack_format<interleaved>} : vector<32xbf16> -> vector<16xf32>
        %unpack3A_1082 = tpu.unpack_subelements %get3A_1080, 1 {pack_format = #tpu.pack_format<interleaved>} : vector<32xbf16> -> vector<16xf32>
        %mul3A_1083 = arith.mulf %broadcast_in_dim3A_1077, %unpack3A_1081 : vector<16xf32>
        %add3A_1084 = arith.addf %add3A_1070, %mul3A_1083 : vector<16xf32>
        %mul3A_1085 = arith.mulf %broadcast_in_dim3A_1077, %unpack3A_1082 : vector<16xf32>
        %add3A_1086 = arith.addf %add3A_1072, %mul3A_1085 : vector<16xf32>
        %add3A_1087 = arith.constant 11 : i32
        %add3A_1088 = arith.addi %add3A_934, %add3A_1087 : i32
        %slice3A_1089 = vector.extract_strided_slice %get3A_935 {offsets = [11], sizes = [1], strides = [1]} : vector<16xf32> to vector<1xf32>
        %squeeze3A_1090 = vector.extract %slice3A_1089[0] : f32 from vector<1xf32>
        %broadcast_in_dim3A_1091 = vector.broadcast %squeeze3A_1090 : f32 to vector<16xf32>
        %get3A_1092 = arith.index_cast %add3A_1088 : i32 to index
        %get3A_1093 = arith.constant 0 : index
        %get3A_1094 = tpu.vector_load %arg17[%get3A_1092, %get3A_1093] {strides = array<i32>} : memref<1024x32xbf16, #tpu.memory_space<vmem>>, vector<32xbf16>,
        %unpack3A_1095 = tpu.unpack_subelements %get3A_1094, 0 {pack_format = #tpu.pack_format<interleaved>} : vector<32xbf16> -> vector<16xf32>
        %unpack3A_1096 = tpu.unpack_subelements %get3A_1094, 1 {pack_format = #tpu.pack_format<interleaved>} : vector<32xbf16> -> vector<16xf32>
        %mul3A_1097 = arith.mulf %broadcast_in_dim3A_1091, %unpack3A_1095 : vector<16xf32>
        %add3A_1098 = arith.addf %add3A_1084, %mul3A_1097 : vector<16xf32>
        %mul3A_1099 = arith.mulf %broadcast_in_dim3A_1091, %unpack3A_1096 : vector<16xf32>
        %add3A_1100 = arith.addf %add3A_1086, %mul3A_1099 : vector<16xf32>
        %add3A_1101 = arith.constant 12 : i32
        %add3A_1102 = arith.addi %add3A_934, %add3A_1101 : i32
        %slice3A_1103 = vector.extract_strided_slice %get3A_935 {offsets = [12], sizes = [1], strides = [1]} : vector<16xf32> to vector<1xf32>
        %squeeze3A_1104 = vector.extract %slice3A_1103[0] : f32 from vector<1xf32>
        %broadcast_in_dim3A_1105 = vector.broadcast %squeeze3A_1104 : f32 to vector<16xf32>
        %get3A_1106 = arith.index_cast %add3A_1102 : i32 to index
        %get3A_1107 = arith.constant 0 : index
        %get3A_1108 = tpu.vector_load %arg17[%get3A_1106, %get3A_1107] {strides = array<i32>} : memref<1024x32xbf16, #tpu.memory_space<vmem>>, vector<32xbf16>,
        %unpack3A_1109 = tpu.unpack_subelements %get3A_1108, 0 {pack_format = #tpu.pack_format<interleaved>} : vector<32xbf16> -> vector<16xf32>
        %unpack3A_1110 = tpu.unpack_subelements %get3A_1108, 1 {pack_format = #tpu.pack_format<interleaved>} : vector<32xbf16> -> vector<16xf32>
        %mul3A_1111 = arith.mulf %broadcast_in_dim3A_1105, %unpack3A_1109 : vector<16xf32>
        %add3A_1112 = arith.addf %add3A_1098, %mul3A_1111 : vector<16xf32>
        %mul3A_1113 = arith.mulf %broadcast_in_dim3A_1105, %unpack3A_1110 : vector<16xf32>
        %add3A_1114 = arith.addf %add3A_1100, %mul3A_1113 : vector<16xf32>
        %add3A_1115 = arith.constant 13 : i32
        %add3A_1116 = arith.addi %add3A_934, %add3A_1115 : i32
        %slice3A_1117 = vector.extract_strided_slice %get3A_935 {offsets = [13], sizes = [1], strides = [1]} : vector<16xf32> to vector<1xf32>
        %squeeze3A_1118 = vector.extract %slice3A_1117[0] : f32 from vector<1xf32>
        %broadcast_in_dim3A_1119 = vector.broadcast %squeeze3A_1118 : f32 to vector<16xf32>
        %get3A_1120 = arith.index_cast %add3A_1116 : i32 to index
        %get3A_1121 = arith.constant 0 : index
        %get3A_1122 = tpu.vector_load %arg17[%get3A_1120, %get3A_1121] {strides = array<i32>} : memref<1024x32xbf16, #tpu.memory_space<vmem>>, vector<32xbf16>,
        %unpack3A_1123 = tpu.unpack_subelements %get3A_1122, 0 {pack_format = #tpu.pack_format<interleaved>} : vector<32xbf16> -> vector<16xf32>
        %unpack3A_1124 = tpu.unpack_subelements %get3A_1122, 1 {pack_format = #tpu.pack_format<interleaved>} : vector<32xbf16> -> vector<16xf32>
        %mul3A_1125 = arith.mulf %broadcast_in_dim3A_1119, %unpack3A_1123 : vector<16xf32>
        %add3A_1126 = arith.addf %add3A_1112, %mul3A_1125 : vector<16xf32>
        %mul3A_1127 = arith.mulf %broadcast_in_dim3A_1119, %unpack3A_1124 : vector<16xf32>
        %add3A_1128 = arith.addf %add3A_1114, %mul3A_1127 : vector<16xf32>
        %add3A_1129 = arith.constant 14 : i32
        %add3A_1130 = arith.addi %add3A_934, %add3A_1129 : i32
        %slice3A_1131 = vector.extract_strided_slice %get3A_935 {offsets = [14], sizes = [1], strides = [1]} : vector<16xf32> to vector<1xf32>
        %squeeze3A_1132 = vector.extract %slice3A_1131[0] : f32 from vector<1xf32>
        %broadcast_in_dim3A_1133 = vector.broadcast %squeeze3A_1132 : f32 to vector<16xf32>
        %get3A_1134 = arith.index_cast %add3A_1130 : i32 to index
        %get3A_1135 = arith.constant 0 : index
        %get3A_1136 = tpu.vector_load %arg17[%get3A_1134, %get3A_1135] {strides = array<i32>} : memref<1024x32xbf16, #tpu.memory_space<vmem>>, vector<32xbf16>,
        %unpack3A_1137 = tpu.unpack_subelements %get3A_1136, 0 {pack_format = #tpu.pack_format<interleaved>} : vector<32xbf16> -> vector<16xf32>
        %unpack3A_1138 = tpu.unpack_subelements %get3A_1136, 1 {pack_format = #tpu.pack_format<interleaved>} : vector<32xbf16> -> vector<16xf32>
        %mul3A_1139 = arith.mulf %broadcast_in_dim3A_1133, %unpack3A_1137 : vector<16xf32>
        %add3A_1140 = arith.addf %add3A_1126, %mul3A_1139 : vector<16xf32>
        %mul3A_1141 = arith.mulf %broadcast_in_dim3A_1133, %unpack3A_1138 : vector<16xf32>
        %add3A_1142 = arith.addf %add3A_1128, %mul3A_1141 : vector<16xf32>
        %add3A_1143 = arith.constant 15 : i32
        %add3A_1144 = arith.addi %add3A_934, %add3A_1143 : i32
        %slice3A_1145 = vector.extract_strided_slice %get3A_935 {offsets = [15], sizes = [1], strides = [1]} : vector<16xf32> to vector<1xf32>
        %squeeze3A_1146 = vector.extract %slice3A_1145[0] : f32 from vector<1xf32>
        %broadcast_in_dim3A_1147 = vector.broadcast %squeeze3A_1146 : f32 to vector<16xf32>
        %get3A_1148 = arith.index_cast %add3A_1144 : i32 to index
        %get3A_1149 = arith.constant 0 : index
        %get3A_1150 = tpu.vector_load %arg17[%get3A_1148, %get3A_1149] {strides = array<i32>} : memref<1024x32xbf16, #tpu.memory_space<vmem>>, vector<32xbf16>,
        %unpack3A_1151 = tpu.unpack_subelements %get3A_1150, 0 {pack_format = #tpu.pack_format<interleaved>} : vector<32xbf16> -> vector<16xf32>
        %unpack3A_1152 = tpu.unpack_subelements %get3A_1150, 1 {pack_format = #tpu.pack_format<interleaved>} : vector<32xbf16> -> vector<16xf32>
        %mul3A_1153 = arith.mulf %broadcast_in_dim3A_1147, %unpack3A_1151 : vector<16xf32>
        %add3A_1154 = arith.addf %add3A_1140, %mul3A_1153 : vector<16xf32>
        %mul3A_1155 = arith.mulf %broadcast_in_dim3A_1147, %unpack3A_1152 : vector<16xf32>
        %add3A_1156 = arith.addf %add3A_1142, %mul3A_1155 : vector<16xf32>
        %mul3A_1157 = arith.constant 16 : i32
        %mul3A_1158 = arith.muli %scan3A_927, %mul3A_1157 : i32
        %add3A_1159 = arith.constant 256 : i32
        %add3A_1160 = arith.addi %add3A_1159, %mul3A_1158 : i32
        %get3A_1161 = arith.index_cast %add3A_1160 : i32 to index
        %get3A_1162 = tpu.vector_load %arg15[%get3A_1161] {strides = array<i32>} : memref<1024xf32, #tpu.memory_space<vmem>>, vector<16xf32>,
        %add3A_1163 = arith.constant 0 : i32
        %add3A_1164 = arith.addi %add3A_1160, %add3A_1163 : i32
        %slice3A_1165 = vector.extract_strided_slice %get3A_1162 {offsets = [0], sizes = [1], strides = [1]} : vector<16xf32> to vector<1xf32>
        %squeeze3A_1166 = vector.extract %slice3A_1165[0] : f32 from vector<1xf32>
        %broadcast_in_dim3A_1167 = vector.broadcast %squeeze3A_1166 : f32 to vector<16xf32>
        %get3A_1168 = arith.index_cast %add3A_1164 : i32 to index
        %get3A_1169 = arith.constant 0 : index
        %get3A_1170 = tpu.vector_load %arg17[%get3A_1168, %get3A_1169] {strides = array<i32>} : memref<1024x32xbf16, #tpu.memory_space<vmem>>, vector<32xbf16>,
        %unpack3A_1171 = tpu.unpack_subelements %get3A_1170, 0 {pack_format = #tpu.pack_format<interleaved>} : vector<32xbf16> -> vector<16xf32>
        %unpack3A_1172 = tpu.unpack_subelements %get3A_1170, 1 {pack_format = #tpu.pack_format<interleaved>} : vector<32xbf16> -> vector<16xf32>
        %mul3A_1173 = arith.mulf %broadcast_in_dim3A_1167, %unpack3A_1171 : vector<16xf32>
        %add3A_1174 = arith.addf %add3A_1154, %mul3A_1173 : vector<16xf32>
        %mul3A_1175 = arith.mulf %broadcast_in_dim3A_1167, %unpack3A_1172 : vector<16xf32>
        %add3A_1176 = arith.addf %add3A_1156, %mul3A_1175 : vector<16xf32>
        %add3A_1177 = arith.constant 1 : i32
        %add3A_1178 = arith.addi %add3A_1160, %add3A_1177 : i32
        %slice3A_1179 = vector.extract_strided_slice %get3A_1162 {offsets = [1], sizes = [1], strides = [1]} : vector<16xf32> to vector<1xf32>
        %squeeze3A_1180 = vector.extract %slice3A_1179[0] : f32 from vector<1xf32>
        %broadcast_in_dim3A_1181 = vector.broadcast %squeeze3A_1180 : f32 to vector<16xf32>
        %get3A_1182 = arith.index_cast %add3A_1178 : i32 to index
        %get3A_1183 = arith.constant 0 : index
        %get3A_1184 = tpu.vector_load %arg17[%get3A_1182, %get3A_1183] {strides = array<i32>} : memref<1024x32xbf16, #tpu.memory_space<vmem>>, vector<32xbf16>,
        %unpack3A_1185 = tpu.unpack_subelements %get3A_1184, 0 {pack_format = #tpu.pack_format<interleaved>} : vector<32xbf16> -> vector<16xf32>
        %unpack3A_1186 = tpu.unpack_subelements %get3A_1184, 1 {pack_format = #tpu.pack_format<interleaved>} : vector<32xbf16> -> vector<16xf32>
        %mul3A_1187 = arith.mulf %broadcast_in_dim3A_1181, %unpack3A_1185 : vector<16xf32>
        %add3A_1188 = arith.addf %add3A_1174, %mul3A_1187 : vector<16xf32>
        %mul3A_1189 = arith.mulf %broadcast_in_dim3A_1181, %unpack3A_1186 : vector<16xf32>
        %add3A_1190 = arith.addf %add3A_1176, %mul3A_1189 : vector<16xf32>
        %add3A_1191 = arith.constant 2 : i32
        %add3A_1192 = arith.addi %add3A_1160, %add3A_1191 : i32
        %slice3A_1193 = vector.extract_strided_slice %get3A_1162 {offsets = [2], sizes = [1], strides = [1]} : vector<16xf32> to vector<1xf32>
        %squeeze3A_1194 = vector.extract %slice3A_1193[0] : f32 from vector<1xf32>
        %broadcast_in_dim3A_1195 = vector.broadcast %squeeze3A_1194 : f32 to vector<16xf32>
        %get3A_1196 = arith.index_cast %add3A_1192 : i32 to index
        %get3A_1197 = arith.constant 0 : index
        %get3A_1198 = tpu.vector_load %arg17[%get3A_1196, %get3A_1197] {strides = array<i32>} : memref<1024x32xbf16, #tpu.memory_space<vmem>>, vector<32xbf16>,
        %unpack3A_1199 = tpu.unpack_subelements %get3A_1198, 0 {pack_format = #tpu.pack_format<interleaved>} : vector<32xbf16> -> vector<16xf32>
        %unpack3A_1200 = tpu.unpack_subelements %get3A_1198, 1 {pack_format = #tpu.pack_format<interleaved>} : vector<32xbf16> -> vector<16xf32>
        %mul3A_1201 = arith.mulf %broadcast_in_dim3A_1195, %unpack3A_1199 : vector<16xf32>
        %add3A_1202 = arith.addf %add3A_1188, %mul3A_1201 : vector<16xf32>
        %mul3A_1203 = arith.mulf %broadcast_in_dim3A_1195, %unpack3A_1200 : vector<16xf32>
        %add3A_1204 = arith.addf %add3A_1190, %mul3A_1203 : vector<16xf32>
        %add3A_1205 = arith.constant 3 : i32
        %add3A_1206 = arith.addi %add3A_1160, %add3A_1205 : i32
        %slice3A_1207 = vector.extract_strided_slice %get3A_1162 {offsets = [3], sizes = [1], strides = [1]} : vector<16xf32> to vector<1xf32>
        %squeeze3A_1208 = vector.extract %slice3A_1207[0] : f32 from vector<1xf32>
        %broadcast_in_dim3A_1209 = vector.broadcast %squeeze3A_1208 : f32 to vector<16xf32>
        %get3A_1210 = arith.index_cast %add3A_1206 : i32 to index
        %get3A_1211 = arith.constant 0 : index
        %get3A_1212 = tpu.vector_load %arg17[%get3A_1210, %get3A_1211] {strides = array<i32>} : memref<1024x32xbf16, #tpu.memory_space<vmem>>, vector<32xbf16>,
        %unpack3A_1213 = tpu.unpack_subelements %get3A_1212, 0 {pack_format = #tpu.pack_format<interleaved>} : vector<32xbf16> -> vector<16xf32>
        %unpack3A_1214 = tpu.unpack_subelements %get3A_1212, 1 {pack_format = #tpu.pack_format<interleaved>} : vector<32xbf16> -> vector<16xf32>
        %mul3A_1215 = arith.mulf %broadcast_in_dim3A_1209, %unpack3A_1213 : vector<16xf32>
        %add3A_1216 = arith.addf %add3A_1202, %mul3A_1215 : vector<16xf32>
        %mul3A_1217 = arith.mulf %broadcast_in_dim3A_1209, %unpack3A_1214 : vector<16xf32>
        %add3A_1218 = arith.addf %add3A_1204, %mul3A_1217 : vector<16xf32>
        %add3A_1219 = arith.constant 4 : i32
        %add3A_1220 = arith.addi %add3A_1160, %add3A_1219 : i32
        %slice3A_1221 = vector.extract_strided_slice %get3A_1162 {offsets = [4], sizes = [1], strides = [1]} : vector<16xf32> to vector<1xf32>
        %squeeze3A_1222 = vector.extract %slice3A_1221[0] : f32 from vector<1xf32>
        %broadcast_in_dim3A_1223 = vector.broadcast %squeeze3A_1222 : f32 to vector<16xf32>
        %get3A_1224 = arith.index_cast %add3A_1220 : i32 to index
        %get3A_1225 = arith.constant 0 : index
        %get3A_1226 = tpu.vector_load %arg17[%get3A_1224, %get3A_1225] {strides = array<i32>} : memref<1024x32xbf16, #tpu.memory_space<vmem>>, vector<32xbf16>,
        %unpack3A_1227 = tpu.unpack_subelements %get3A_1226, 0 {pack_format = #tpu.pack_format<interleaved>} : vector<32xbf16> -> vector<16xf32>
        %unpack3A_1228 = tpu.unpack_subelements %get3A_1226, 1 {pack_format = #tpu.pack_format<interleaved>} : vector<32xbf16> -> vector<16xf32>
        %mul3A_1229 = arith.mulf %broadcast_in_dim3A_1223, %unpack3A_1227 : vector<16xf32>
        %add3A_1230 = arith.addf %add3A_1216, %mul3A_1229 : vector<16xf32>
        %mul3A_1231 = arith.mulf %broadcast_in_dim3A_1223, %unpack3A_1228 : vector<16xf32>
        %add3A_1232 = arith.addf %add3A_1218, %mul3A_1231 : vector<16xf32>
        %add3A_1233 = arith.constant 5 : i32
        %add3A_1234 = arith.addi %add3A_1160, %add3A_1233 : i32
        %slice3A_1235 = vector.extract_strided_slice %get3A_1162 {offsets = [5], sizes = [1], strides = [1]} : vector<16xf32> to vector<1xf32>
        %squeeze3A_1236 = vector.extract %slice3A_1235[0] : f32 from vector<1xf32>
        %broadcast_in_dim3A_1237 = vector.broadcast %squeeze3A_1236 : f32 to vector<16xf32>
        %get3A_1238 = arith.index_cast %add3A_1234 : i32 to index
        %get3A_1239 = arith.constant 0 : index
        %get3A_1240 = tpu.vector_load %arg17[%get3A_1238, %get3A_1239] {strides = array<i32>} : memref<1024x32xbf16, #tpu.memory_space<vmem>>, vector<32xbf16>,
        %unpack3A_1241 = tpu.unpack_subelements %get3A_1240, 0 {pack_format = #tpu.pack_format<interleaved>} : vector<32xbf16> -> vector<16xf32>
        %unpack3A_1242 = tpu.unpack_subelements %get3A_1240, 1 {pack_format = #tpu.pack_format<interleaved>} : vector<32xbf16> -> vector<16xf32>
        %mul3A_1243 = arith.mulf %broadcast_in_dim3A_1237, %unpack3A_1241 : vector<16xf32>
        %add3A_1244 = arith.addf %add3A_1230, %mul3A_1243 : vector<16xf32>
        %mul3A_1245 = arith.mulf %broadcast_in_dim3A_1237, %unpack3A_1242 : vector<16xf32>
        %add3A_1246 = arith.addf %add3A_1232, %mul3A_1245 : vector<16xf32>
        %add3A_1247 = arith.constant 6 : i32
        %add3A_1248 = arith.addi %add3A_1160, %add3A_1247 : i32
        %slice3A_1249 = vector.extract_strided_slice %get3A_1162 {offsets = [6], sizes = [1], strides = [1]} : vector<16xf32> to vector<1xf32>
        %squeeze3A_1250 = vector.extract %slice3A_1249[0] : f32 from vector<1xf32>
        %broadcast_in_dim3A_1251 = vector.broadcast %squeeze3A_1250 : f32 to vector<16xf32>
        %get3A_1252 = arith.index_cast %add3A_1248 : i32 to index
        %get3A_1253 = arith.constant 0 : index
        %get3A_1254 = tpu.vector_load %arg17[%get3A_1252, %get3A_1253] {strides = array<i32>} : memref<1024x32xbf16, #tpu.memory_space<vmem>>, vector<32xbf16>,
        %unpack3A_1255 = tpu.unpack_subelements %get3A_1254, 0 {pack_format = #tpu.pack_format<interleaved>} : vector<32xbf16> -> vector<16xf32>
        %unpack3A_1256 = tpu.unpack_subelements %get3A_1254, 1 {pack_format = #tpu.pack_format<interleaved>} : vector<32xbf16> -> vector<16xf32>
        %mul3A_1257 = arith.mulf %broadcast_in_dim3A_1251, %unpack3A_1255 : vector<16xf32>
        %add3A_1258 = arith.addf %add3A_1244, %mul3A_1257 : vector<16xf32>
        %mul3A_1259 = arith.mulf %broadcast_in_dim3A_1251, %unpack3A_1256 : vector<16xf32>
        %add3A_1260 = arith.addf %add3A_1246, %mul3A_1259 : vector<16xf32>
        %add3A_1261 = arith.constant 7 : i32
        %add3A_1262 = arith.addi %add3A_1160, %add3A_1261 : i32
        %slice3A_1263 = vector.extract_strided_slice %get3A_1162 {offsets = [7], sizes = [1], strides = [1]} : vector<16xf32> to vector<1xf32>
        %squeeze3A_1264 = vector.extract %slice3A_1263[0] : f32 from vector<1xf32>
        %broadcast_in_dim3A_1265 = vector.broadcast %squeeze3A_1264 : f32 to vector<16xf32>
        %get3A_1266 = arith.index_cast %add3A_1262 : i32 to index
        %get3A_1267 = arith.constant 0 : index
        %get3A_1268 = tpu.vector_load %arg17[%get3A_1266, %get3A_1267] {strides = array<i32>} : memref<1024x32xbf16, #tpu.memory_space<vmem>>, vector<32xbf16>,
        %unpack3A_1269 = tpu.unpack_subelements %get3A_1268, 0 {pack_format = #tpu.pack_format<interleaved>} : vector<32xbf16> -> vector<16xf32>
        %unpack3A_1270 = tpu.unpack_subelements %get3A_1268, 1 {pack_format = #tpu.pack_format<interleaved>} : vector<32xbf16> -> vector<16xf32>
        %mul3A_1271 = arith.mulf %broadcast_in_dim3A_1265, %unpack3A_1269 : vector<16xf32>
        %add3A_1272 = arith.addf %add3A_1258, %mul3A_1271 : vector<16xf32>
        %mul3A_1273 = arith.mulf %broadcast_in_dim3A_1265, %unpack3A_1270 : vector<16xf32>
        %add3A_1274 = arith.addf %add3A_1260, %mul3A_1273 : vector<16xf32>
        %add3A_1275 = arith.constant 8 : i32
        %add3A_1276 = arith.addi %add3A_1160, %add3A_1275 : i32
        %slice3A_1277 = vector.extract_strided_slice %get3A_1162 {offsets = [8], sizes = [1], strides = [1]} : vector<16xf32> to vector<1xf32>
        %squeeze3A_1278 = vector.extract %slice3A_1277[0] : f32 from vector<1xf32>
        %broadcast_in_dim3A_1279 = vector.broadcast %squeeze3A_1278 : f32 to vector<16xf32>
        %get3A_1280 = arith.index_cast %add3A_1276 : i32 to index
        %get3A_1281 = arith.constant 0 : index
        %get3A_1282 = tpu.vector_load %arg17[%get3A_1280, %get3A_1281] {strides = array<i32>} : memref<1024x32xbf16, #tpu.memory_space<vmem>>, vector<32xbf16>,
        %unpack3A_1283 = tpu.unpack_subelements %get3A_1282, 0 {pack_format = #tpu.pack_format<interleaved>} : vector<32xbf16> -> vector<16xf32>
        %unpack3A_1284 = tpu.unpack_subelements %get3A_1282, 1 {pack_format = #tpu.pack_format<interleaved>} : vector<32xbf16> -> vector<16xf32>
        %mul3A_1285 = arith.mulf %broadcast_in_dim3A_1279, %unpack3A_1283 : vector<16xf32>
        %add3A_1286 = arith.addf %add3A_1272, %mul3A_1285 : vector<16xf32>
        %mul3A_1287 = arith.mulf %broadcast_in_dim3A_1279, %unpack3A_1284 : vector<16xf32>
        %add3A_1288 = arith.addf %add3A_1274, %mul3A_1287 : vector<16xf32>
        %add3A_1289 = arith.constant 9 : i32
        %add3A_1290 = arith.addi %add3A_1160, %add3A_1289 : i32
        %slice3A_1291 = vector.extract_strided_slice %get3A_1162 {offsets = [9], sizes = [1], strides = [1]} : vector<16xf32> to vector<1xf32>
        %squeeze3A_1292 = vector.extract %slice3A_1291[0] : f32 from vector<1xf32>
        %broadcast_in_dim3A_1293 = vector.broadcast %squeeze3A_1292 : f32 to vector<16xf32>
        %get3A_1294 = arith.index_cast %add3A_1290 : i32 to index
        %get3A_1295 = arith.constant 0 : index
        %get3A_1296 = tpu.vector_load %arg17[%get3A_1294, %get3A_1295] {strides = array<i32>} : memref<1024x32xbf16, #tpu.memory_space<vmem>>, vector<32xbf16>,
        %unpack3A_1297 = tpu.unpack_subelements %get3A_1296, 0 {pack_format = #tpu.pack_format<interleaved>} : vector<32xbf16> -> vector<16xf32>
        %unpack3A_1298 = tpu.unpack_subelements %get3A_1296, 1 {pack_format = #tpu.pack_format<interleaved>} : vector<32xbf16> -> vector<16xf32>
        %mul3A_1299 = arith.mulf %broadcast_in_dim3A_1293, %unpack3A_1297 : vector<16xf32>
        %add3A_1300 = arith.addf %add3A_1286, %mul3A_1299 : vector<16xf32>
        %mul3A_1301 = arith.mulf %broadcast_in_dim3A_1293, %unpack3A_1298 : vector<16xf32>
        %add3A_1302 = arith.addf %add3A_1288, %mul3A_1301 : vector<16xf32>
        %add3A_1303 = arith.constant 10 : i32
        %add3A_1304 = arith.addi %add3A_1160, %add3A_1303 : i32
        %slice3A_1305 = vector.extract_strided_slice %get3A_1162 {offsets = [10], sizes = [1], strides = [1]} : vector<16xf32> to vector<1xf32>
        %squeeze3A_1306 = vector.extract %slice3A_1305[0] : f32 from vector<1xf32>
        %broadcast_in_dim3A_1307 = vector.broadcast %squeeze3A_1306 : f32 to vector<16xf32>
        %get3A_1308 = arith.index_cast %add3A_1304 : i32 to index
        %get3A_1309 = arith.constant 0 : index
        %get3A_1310 = tpu.vector_load %arg17[%get3A_1308, %get3A_1309] {strides = array<i32>} : memref<1024x32xbf16, #tpu.memory_space<vmem>>, vector<32xbf16>,
        %unpack3A_1311 = tpu.unpack_subelements %get3A_1310, 0 {pack_format = #tpu.pack_format<interleaved>} : vector<32xbf16> -> vector<16xf32>
        %unpack3A_1312 = tpu.unpack_subelements %get3A_1310, 1 {pack_format = #tpu.pack_format<interleaved>} : vector<32xbf16> -> vector<16xf32>
        %mul3A_1313 = arith.mulf %broadcast_in_dim3A_1307, %unpack3A_1311 : vector<16xf32>
        %add3A_1314 = arith.addf %add3A_1300, %mul3A_1313 : vector<16xf32>
        %mul3A_1315 = arith.mulf %broadcast_in_dim3A_1307, %unpack3A_1312 : vector<16xf32>
        %add3A_1316 = arith.addf %add3A_1302, %mul3A_1315 : vector<16xf32>
        %add3A_1317 = arith.constant 11 : i32
        %add3A_1318 = arith.addi %add3A_1160, %add3A_1317 : i32
        %slice3A_1319 = vector.extract_strided_slice %get3A_1162 {offsets = [11], sizes = [1], strides = [1]} : vector<16xf32> to vector<1xf32>
        %squeeze3A_1320 = vector.extract %slice3A_1319[0] : f32 from vector<1xf32>
        %broadcast_in_dim3A_1321 = vector.broadcast %squeeze3A_1320 : f32 to vector<16xf32>
        %get3A_1322 = arith.index_cast %add3A_1318 : i32 to index
        %get3A_1323 = arith.constant 0 : index
        %get3A_1324 = tpu.vector_load %arg17[%get3A_1322, %get3A_1323] {strides = array<i32>} : memref<1024x32xbf16, #tpu.memory_space<vmem>>, vector<32xbf16>,
        %unpack3A_1325 = tpu.unpack_subelements %get3A_1324, 0 {pack_format = #tpu.pack_format<interleaved>} : vector<32xbf16> -> vector<16xf32>
        %unpack3A_1326 = tpu.unpack_subelements %get3A_1324, 1 {pack_format = #tpu.pack_format<interleaved>} : vector<32xbf16> -> vector<16xf32>
        %mul3A_1327 = arith.mulf %broadcast_in_dim3A_1321, %unpack3A_1325 : vector<16xf32>
        %add3A_1328 = arith.addf %add3A_1314, %mul3A_1327 : vector<16xf32>
        %mul3A_1329 = arith.mulf %broadcast_in_dim3A_1321, %unpack3A_1326 : vector<16xf32>
        %add3A_1330 = arith.addf %add3A_1316, %mul3A_1329 : vector<16xf32>
        %add3A_1331 = arith.constant 12 : i32
        %add3A_1332 = arith.addi %add3A_1160, %add3A_1331 : i32
        %slice3A_1333 = vector.extract_strided_slice %get3A_1162 {offsets = [12], sizes = [1], strides = [1]} : vector<16xf32> to vector<1xf32>
        %squeeze3A_1334 = vector.extract %slice3A_1333[0] : f32 from vector<1xf32>
        %broadcast_in_dim3A_1335 = vector.broadcast %squeeze3A_1334 : f32 to vector<16xf32>
        %get3A_1336 = arith.index_cast %add3A_1332 : i32 to index
        %get3A_1337 = arith.constant 0 : index
        %get3A_1338 = tpu.vector_load %arg17[%get3A_1336, %get3A_1337] {strides = array<i32>} : memref<1024x32xbf16, #tpu.memory_space<vmem>>, vector<32xbf16>,
        %unpack3A_1339 = tpu.unpack_subelements %get3A_1338, 0 {pack_format = #tpu.pack_format<interleaved>} : vector<32xbf16> -> vector<16xf32>
        %unpack3A_1340 = tpu.unpack_subelements %get3A_1338, 1 {pack_format = #tpu.pack_format<interleaved>} : vector<32xbf16> -> vector<16xf32>
        %mul3A_1341 = arith.mulf %broadcast_in_dim3A_1335, %unpack3A_1339 : vector<16xf32>
        %add3A_1342 = arith.addf %add3A_1328, %mul3A_1341 : vector<16xf32>
        %mul3A_1343 = arith.mulf %broadcast_in_dim3A_1335, %unpack3A_1340 : vector<16xf32>
        %add3A_1344 = arith.addf %add3A_1330, %mul3A_1343 : vector<16xf32>
        %add3A_1345 = arith.constant 13 : i32
        %add3A_1346 = arith.addi %add3A_1160, %add3A_1345 : i32
        %slice3A_1347 = vector.extract_strided_slice %get3A_1162 {offsets = [13], sizes = [1], strides = [1]} : vector<16xf32> to vector<1xf32>
        %squeeze3A_1348 = vector.extract %slice3A_1347[0] : f32 from vector<1xf32>
        %broadcast_in_dim3A_1349 = vector.broadcast %squeeze3A_1348 : f32 to vector<16xf32>
        %get3A_1350 = arith.index_cast %add3A_1346 : i32 to index
        %get3A_1351 = arith.constant 0 : index
        %get3A_1352 = tpu.vector_load %arg17[%get3A_1350, %get3A_1351] {strides = array<i32>} : memref<1024x32xbf16, #tpu.memory_space<vmem>>, vector<32xbf16>,
        %unpack3A_1353 = tpu.unpack_subelements %get3A_1352, 0 {pack_format = #tpu.pack_format<interleaved>} : vector<32xbf16> -> vector<16xf32>
        %unpack3A_1354 = tpu.unpack_subelements %get3A_1352, 1 {pack_format = #tpu.pack_format<interleaved>} : vector<32xbf16> -> vector<16xf32>
        %mul3A_1355 = arith.mulf %broadcast_in_dim3A_1349, %unpack3A_1353 : vector<16xf32>
        %add3A_1356 = arith.addf %add3A_1342, %mul3A_1355 : vector<16xf32>
        %mul3A_1357 = arith.mulf %broadcast_in_dim3A_1349, %unpack3A_1354 : vector<16xf32>
        %add3A_1358 = arith.addf %add3A_1344, %mul3A_1357 : vector<16xf32>
        %add3A_1359 = arith.constant 14 : i32
        %add3A_1360 = arith.addi %add3A_1160, %add3A_1359 : i32
        %slice3A_1361 = vector.extract_strided_slice %get3A_1162 {offsets = [14], sizes = [1], strides = [1]} : vector<16xf32> to vector<1xf32>
        %squeeze3A_1362 = vector.extract %slice3A_1361[0] : f32 from vector<1xf32>
        %broadcast_in_dim3A_1363 = vector.broadcast %squeeze3A_1362 : f32 to vector<16xf32>
        %get3A_1364 = arith.index_cast %add3A_1360 : i32 to index
        %get3A_1365 = arith.constant 0 : index
        %get3A_1366 = tpu.vector_load %arg17[%get3A_1364, %get3A_1365] {strides = array<i32>} : memref<1024x32xbf16, #tpu.memory_space<vmem>>, vector<32xbf16>,
        %unpack3A_1367 = tpu.unpack_subelements %get3A_1366, 0 {pack_format = #tpu.pack_format<interleaved>} : vector<32xbf16> -> vector<16xf32>
        %unpack3A_1368 = tpu.unpack_subelements %get3A_1366, 1 {pack_format = #tpu.pack_format<interleaved>} : vector<32xbf16> -> vector<16xf32>
        %mul3A_1369 = arith.mulf %broadcast_in_dim3A_1363, %unpack3A_1367 : vector<16xf32>
        %add3A_1370 = arith.addf %add3A_1356, %mul3A_1369 : vector<16xf32>
        %mul3A_1371 = arith.mulf %broadcast_in_dim3A_1363, %unpack3A_1368 : vector<16xf32>
        %add3A_1372 = arith.addf %add3A_1358, %mul3A_1371 : vector<16xf32>
        %add3A_1373 = arith.constant 15 : i32
        %add3A_1374 = arith.addi %add3A_1160, %add3A_1373 : i32
        %slice3A_1375 = vector.extract_strided_slice %get3A_1162 {offsets = [15], sizes = [1], strides = [1]} : vector<16xf32> to vector<1xf32>
        %squeeze3A_1376 = vector.extract %slice3A_1375[0] : f32 from vector<1xf32>
        %broadcast_in_dim3A_1377 = vector.broadcast %squeeze3A_1376 : f32 to vector<16xf32>
        %get3A_1378 = arith.index_cast %add3A_1374 : i32 to index
        %get3A_1379 = arith.constant 0 : index
        %get3A_1380 = tpu.vector_load %arg17[%get3A_1378, %get3A_1379] {strides = array<i32>} : memref<1024x32xbf16, #tpu.memory_space<vmem>>, vector<32xbf16>,
        %unpack3A_1381 = tpu.unpack_subelements %get3A_1380, 0 {pack_format = #tpu.pack_format<interleaved>} : vector<32xbf16> -> vector<16xf32>
        %unpack3A_1382 = tpu.unpack_subelements %get3A_1380, 1 {pack_format = #tpu.pack_format<interleaved>} : vector<32xbf16> -> vector<16xf32>
        %mul3A_1383 = arith.mulf %broadcast_in_dim3A_1377, %unpack3A_1381 : vector<16xf32>
        %add3A_1384 = arith.addf %add3A_1370, %mul3A_1383 : vector<16xf32>
        %mul3A_1385 = arith.mulf %broadcast_in_dim3A_1377, %unpack3A_1382 : vector<16xf32>
        %add3A_1386 = arith.addf %add3A_1372, %mul3A_1385 : vector<16xf32>
        %mul3A_1387 = arith.constant 16 : i32
        %mul3A_1388 = arith.muli %scan3A_927, %mul3A_1387 : i32
        %add3A_1389 = arith.constant 512 : i32
        %add3A_1390 = arith.addi %add3A_1389, %mul3A_1388 : i32
        %get3A_1391 = arith.index_cast %add3A_1390 : i32 to index
        %get3A_1392 = tpu.vector_load %arg15[%get3A_1391] {strides = array<i32>} : memref<1024xf32, #tpu.memory_space<vmem>>, vector<16xf32>,
        %add3A_1393 = arith.constant 0 : i32
        %add3A_1394 = arith.addi %add3A_1390, %add3A_1393 : i32
        %slice3A_1395 = vector.extract_strided_slice %get3A_1392 {offsets = [0], sizes = [1], strides = [1]} : vector<16xf32> to vector<1xf32>
        %squeeze3A_1396 = vector.extract %slice3A_1395[0] : f32 from vector<1xf32>
        %broadcast_in_dim3A_1397 = vector.broadcast %squeeze3A_1396 : f32 to vector<16xf32>
        %get3A_1398 = arith.index_cast %add3A_1394 : i32 to index
        %get3A_1399 = arith.constant 0 : index
        %get3A_1400 = tpu.vector_load %arg17[%get3A_1398, %get3A_1399] {strides = array<i32>} : memref<1024x32xbf16, #tpu.memory_space<vmem>>, vector<32xbf16>,
        %unpack3A_1401 = tpu.unpack_subelements %get3A_1400, 0 {pack_format = #tpu.pack_format<interleaved>} : vector<32xbf16> -> vector<16xf32>
        %unpack3A_1402 = tpu.unpack_subelements %get3A_1400, 1 {pack_format = #tpu.pack_format<interleaved>} : vector<32xbf16> -> vector<16xf32>
        %mul3A_1403 = arith.mulf %broadcast_in_dim3A_1397, %unpack3A_1401 : vector<16xf32>
        %add3A_1404 = arith.addf %add3A_1384, %mul3A_1403 : vector<16xf32>
        %mul3A_1405 = arith.mulf %broadcast_in_dim3A_1397, %unpack3A_1402 : vector<16xf32>
        %add3A_1406 = arith.addf %add3A_1386, %mul3A_1405 : vector<16xf32>
        %add3A_1407 = arith.constant 1 : i32
        %add3A_1408 = arith.addi %add3A_1390, %add3A_1407 : i32
        %slice3A_1409 = vector.extract_strided_slice %get3A_1392 {offsets = [1], sizes = [1], strides = [1]} : vector<16xf32> to vector<1xf32>
        %squeeze3A_1410 = vector.extract %slice3A_1409[0] : f32 from vector<1xf32>
        %broadcast_in_dim3A_1411 = vector.broadcast %squeeze3A_1410 : f32 to vector<16xf32>
        %get3A_1412 = arith.index_cast %add3A_1408 : i32 to index
        %get3A_1413 = arith.constant 0 : index
        %get3A_1414 = tpu.vector_load %arg17[%get3A_1412, %get3A_1413] {strides = array<i32>} : memref<1024x32xbf16, #tpu.memory_space<vmem>>, vector<32xbf16>,
        %unpack3A_1415 = tpu.unpack_subelements %get3A_1414, 0 {pack_format = #tpu.pack_format<interleaved>} : vector<32xbf16> -> vector<16xf32>
        %unpack3A_1416 = tpu.unpack_subelements %get3A_1414, 1 {pack_format = #tpu.pack_format<interleaved>} : vector<32xbf16> -> vector<16xf32>
        %mul3A_1417 = arith.mulf %broadcast_in_dim3A_1411, %unpack3A_1415 : vector<16xf32>
        %add3A_1418 = arith.addf %add3A_1404, %mul3A_1417 : vector<16xf32>
        %mul3A_1419 = arith.mulf %broadcast_in_dim3A_1411, %unpack3A_1416 : vector<16xf32>
        %add3A_1420 = arith.addf %add3A_1406, %mul3A_1419 : vector<16xf32>
        %add3A_1421 = arith.constant 2 : i32
        %add3A_1422 = arith.addi %add3A_1390, %add3A_1421 : i32
        %slice3A_1423 = vector.extract_strided_slice %get3A_1392 {offsets = [2], sizes = [1], strides = [1]} : vector<16xf32> to vector<1xf32>
        %squeeze3A_1424 = vector.extract %slice3A_1423[0] : f32 from vector<1xf32>
        %broadcast_in_dim3A_1425 = vector.broadcast %squeeze3A_1424 : f32 to vector<16xf32>
        %get3A_1426 = arith.index_cast %add3A_1422 : i32 to index
        %get3A_1427 = arith.constant 0 : index
        %get3A_1428 = tpu.vector_load %arg17[%get3A_1426, %get3A_1427] {strides = array<i32>} : memref<1024x32xbf16, #tpu.memory_space<vmem>>, vector<32xbf16>,
        %unpack3A_1429 = tpu.unpack_subelements %get3A_1428, 0 {pack_format = #tpu.pack_format<interleaved>} : vector<32xbf16> -> vector<16xf32>
        %unpack3A_1430 = tpu.unpack_subelements %get3A_1428, 1 {pack_format = #tpu.pack_format<interleaved>} : vector<32xbf16> -> vector<16xf32>
        %mul3A_1431 = arith.mulf %broadcast_in_dim3A_1425, %unpack3A_1429 : vector<16xf32>
        %add3A_1432 = arith.addf %add3A_1418, %mul3A_1431 : vector<16xf32>
        %mul3A_1433 = arith.mulf %broadcast_in_dim3A_1425, %unpack3A_1430 : vector<16xf32>
        %add3A_1434 = arith.addf %add3A_1420, %mul3A_1433 : vector<16xf32>
        %add3A_1435 = arith.constant 3 : i32
        %add3A_1436 = arith.addi %add3A_1390, %add3A_1435 : i32
        %slice3A_1437 = vector.extract_strided_slice %get3A_1392 {offsets = [3], sizes = [1], strides = [1]} : vector<16xf32> to vector<1xf32>
        %squeeze3A_1438 = vector.extract %slice3A_1437[0] : f32 from vector<1xf32>
        %broadcast_in_dim3A_1439 = vector.broadcast %squeeze3A_1438 : f32 to vector<16xf32>
        %get3A_1440 = arith.index_cast %add3A_1436 : i32 to index
        %get3A_1441 = arith.constant 0 : index
        %get3A_1442 = tpu.vector_load %arg17[%get3A_1440, %get3A_1441] {strides = array<i32>} : memref<1024x32xbf16, #tpu.memory_space<vmem>>, vector<32xbf16>,
        %unpack3A_1443 = tpu.unpack_subelements %get3A_1442, 0 {pack_format = #tpu.pack_format<interleaved>} : vector<32xbf16> -> vector<16xf32>
        %unpack3A_1444 = tpu.unpack_subelements %get3A_1442, 1 {pack_format = #tpu.pack_format<interleaved>} : vector<32xbf16> -> vector<16xf32>
        %mul3A_1445 = arith.mulf %broadcast_in_dim3A_1439, %unpack3A_1443 : vector<16xf32>
        %add3A_1446 = arith.addf %add3A_1432, %mul3A_1445 : vector<16xf32>
        %mul3A_1447 = arith.mulf %broadcast_in_dim3A_1439, %unpack3A_1444 : vector<16xf32>
        %add3A_1448 = arith.addf %add3A_1434, %mul3A_1447 : vector<16xf32>
        %add3A_1449 = arith.constant 4 : i32
        %add3A_1450 = arith.addi %add3A_1390, %add3A_1449 : i32
        %slice3A_1451 = vector.extract_strided_slice %get3A_1392 {offsets = [4], sizes = [1], strides = [1]} : vector<16xf32> to vector<1xf32>
        %squeeze3A_1452 = vector.extract %slice3A_1451[0] : f32 from vector<1xf32>
        %broadcast_in_dim3A_1453 = vector.broadcast %squeeze3A_1452 : f32 to vector<16xf32>
        %get3A_1454 = arith.index_cast %add3A_1450 : i32 to index
        %get3A_1455 = arith.constant 0 : index
        %get3A_1456 = tpu.vector_load %arg17[%get3A_1454, %get3A_1455] {strides = array<i32>} : memref<1024x32xbf16, #tpu.memory_space<vmem>>, vector<32xbf16>,
        %unpack3A_1457 = tpu.unpack_subelements %get3A_1456, 0 {pack_format = #tpu.pack_format<interleaved>} : vector<32xbf16> -> vector<16xf32>
        %unpack3A_1458 = tpu.unpack_subelements %get3A_1456, 1 {pack_format = #tpu.pack_format<interleaved>} : vector<32xbf16> -> vector<16xf32>
        %mul3A_1459 = arith.mulf %broadcast_in_dim3A_1453, %unpack3A_1457 : vector<16xf32>
        %add3A_1460 = arith.addf %add3A_1446, %mul3A_1459 : vector<16xf32>
        %mul3A_1461 = arith.mulf %broadcast_in_dim3A_1453, %unpack3A_1458 : vector<16xf32>
        %add3A_1462 = arith.addf %add3A_1448, %mul3A_1461 : vector<16xf32>
        %add3A_1463 = arith.constant 5 : i32
        %add3A_1464 = arith.addi %add3A_1390, %add3A_1463 : i32
        %slice3A_1465 = vector.extract_strided_slice %get3A_1392 {offsets = [5], sizes = [1], strides = [1]} : vector<16xf32> to vector<1xf32>
        %squeeze3A_1466 = vector.extract %slice3A_1465[0] : f32 from vector<1xf32>
        %broadcast_in_dim3A_1467 = vector.broadcast %squeeze3A_1466 : f32 to vector<16xf32>
        %get3A_1468 = arith.index_cast %add3A_1464 : i32 to index
        %get3A_1469 = arith.constant 0 : index
        %get3A_1470 = tpu.vector_load %arg17[%get3A_1468, %get3A_1469] {strides = array<i32>} : memref<1024x32xbf16, #tpu.memory_space<vmem>>, vector<32xbf16>,
        %unpack3A_1471 = tpu.unpack_subelements %get3A_1470, 0 {pack_format = #tpu.pack_format<interleaved>} : vector<32xbf16> -> vector<16xf32>
        %unpack3A_1472 = tpu.unpack_subelements %get3A_1470, 1 {pack_format = #tpu.pack_format<interleaved>} : vector<32xbf16> -> vector<16xf32>
        %mul3A_1473 = arith.mulf %broadcast_in_dim3A_1467, %unpack3A_1471 : vector<16xf32>
        %add3A_1474 = arith.addf %add3A_1460, %mul3A_1473 : vector<16xf32>
        %mul3A_1475 = arith.mulf %broadcast_in_dim3A_1467, %unpack3A_1472 : vector<16xf32>
        %add3A_1476 = arith.addf %add3A_1462, %mul3A_1475 : vector<16xf32>
        %add3A_1477 = arith.constant 6 : i32
        %add3A_1478 = arith.addi %add3A_1390, %add3A_1477 : i32
        %slice3A_1479 = vector.extract_strided_slice %get3A_1392 {offsets = [6], sizes = [1], strides = [1]} : vector<16xf32> to vector<1xf32>
        %squeeze3A_1480 = vector.extract %slice3A_1479[0] : f32 from vector<1xf32>
        %broadcast_in_dim3A_1481 = vector.broadcast %squeeze3A_1480 : f32 to vector<16xf32>
        %get3A_1482 = arith.index_cast %add3A_1478 : i32 to index
        %get3A_1483 = arith.constant 0 : index
        %get3A_1484 = tpu.vector_load %arg17[%get3A_1482, %get3A_1483] {strides = array<i32>} : memref<1024x32xbf16, #tpu.memory_space<vmem>>, vector<32xbf16>,
        %unpack3A_1485 = tpu.unpack_subelements %get3A_1484, 0 {pack_format = #tpu.pack_format<interleaved>} : vector<32xbf16> -> vector<16xf32>
        %unpack3A_1486 = tpu.unpack_subelements %get3A_1484, 1 {pack_format = #tpu.pack_format<interleaved>} : vector<32xbf16> -> vector<16xf32>
        %mul3A_1487 = arith.mulf %broadcast_in_dim3A_1481, %unpack3A_1485 : vector<16xf32>
        %add3A_1488 = arith.addf %add3A_1474, %mul3A_1487 : vector<16xf32>
        %mul3A_1489 = arith.mulf %broadcast_in_dim3A_1481, %unpack3A_1486 : vector<16xf32>
        %add3A_1490 = arith.addf %add3A_1476, %mul3A_1489 : vector<16xf32>
        %add3A_1491 = arith.constant 7 : i32
        %add3A_1492 = arith.addi %add3A_1390, %add3A_1491 : i32
        %slice3A_1493 = vector.extract_strided_slice %get3A_1392 {offsets = [7], sizes = [1], strides = [1]} : vector<16xf32> to vector<1xf32>
        %squeeze3A_1494 = vector.extract %slice3A_1493[0] : f32 from vector<1xf32>
        %broadcast_in_dim3A_1495 = vector.broadcast %squeeze3A_1494 : f32 to vector<16xf32>
        %get3A_1496 = arith.index_cast %add3A_1492 : i32 to index
        %get3A_1497 = arith.constant 0 : index
        %get3A_1498 = tpu.vector_load %arg17[%get3A_1496, %get3A_1497] {strides = array<i32>} : memref<1024x32xbf16, #tpu.memory_space<vmem>>, vector<32xbf16>,
        %unpack3A_1499 = tpu.unpack_subelements %get3A_1498, 0 {pack_format = #tpu.pack_format<interleaved>} : vector<32xbf16> -> vector<16xf32>
        %unpack3A_1500 = tpu.unpack_subelements %get3A_1498, 1 {pack_format = #tpu.pack_format<interleaved>} : vector<32xbf16> -> vector<16xf32>
        %mul3A_1501 = arith.mulf %broadcast_in_dim3A_1495, %unpack3A_1499 : vector<16xf32>
        %add3A_1502 = arith.addf %add3A_1488, %mul3A_1501 : vector<16xf32>
        %mul3A_1503 = arith.mulf %broadcast_in_dim3A_1495, %unpack3A_1500 : vector<16xf32>
        %add3A_1504 = arith.addf %add3A_1490, %mul3A_1503 : vector<16xf32>
        %add3A_1505 = arith.constant 8 : i32
        %add3A_1506 = arith.addi %add3A_1390, %add3A_1505 : i32
        %slice3A_1507 = vector.extract_strided_slice %get3A_1392 {offsets = [8], sizes = [1], strides = [1]} : vector<16xf32> to vector<1xf32>
        %squeeze3A_1508 = vector.extract %slice3A_1507[0] : f32 from vector<1xf32>
        %broadcast_in_dim3A_1509 = vector.broadcast %squeeze3A_1508 : f32 to vector<16xf32>
        %get3A_1510 = arith.index_cast %add3A_1506 : i32 to index
        %get3A_1511 = arith.constant 0 : index
        %get3A_1512 = tpu.vector_load %arg17[%get3A_1510, %get3A_1511] {strides = array<i32>} : memref<1024x32xbf16, #tpu.memory_space<vmem>>, vector<32xbf16>,
        %unpack3A_1513 = tpu.unpack_subelements %get3A_1512, 0 {pack_format = #tpu.pack_format<interleaved>} : vector<32xbf16> -> vector<16xf32>
        %unpack3A_1514 = tpu.unpack_subelements %get3A_1512, 1 {pack_format = #tpu.pack_format<interleaved>} : vector<32xbf16> -> vector<16xf32>
        %mul3A_1515 = arith.mulf %broadcast_in_dim3A_1509, %unpack3A_1513 : vector<16xf32>
        %add3A_1516 = arith.addf %add3A_1502, %mul3A_1515 : vector<16xf32>
        %mul3A_1517 = arith.mulf %broadcast_in_dim3A_1509, %unpack3A_1514 : vector<16xf32>
        %add3A_1518 = arith.addf %add3A_1504, %mul3A_1517 : vector<16xf32>
        %add3A_1519 = arith.constant 9 : i32
        %add3A_1520 = arith.addi %add3A_1390, %add3A_1519 : i32
        %slice3A_1521 = vector.extract_strided_slice %get3A_1392 {offsets = [9], sizes = [1], strides = [1]} : vector<16xf32> to vector<1xf32>
        %squeeze3A_1522 = vector.extract %slice3A_1521[0] : f32 from vector<1xf32>
        %broadcast_in_dim3A_1523 = vector.broadcast %squeeze3A_1522 : f32 to vector<16xf32>
        %get3A_1524 = arith.index_cast %add3A_1520 : i32 to index
        %get3A_1525 = arith.constant 0 : index
        %get3A_1526 = tpu.vector_load %arg17[%get3A_1524, %get3A_1525] {strides = array<i32>} : memref<1024x32xbf16, #tpu.memory_space<vmem>>, vector<32xbf16>,
        %unpack3A_1527 = tpu.unpack_subelements %get3A_1526, 0 {pack_format = #tpu.pack_format<interleaved>} : vector<32xbf16> -> vector<16xf32>
        %unpack3A_1528 = tpu.unpack_subelements %get3A_1526, 1 {pack_format = #tpu.pack_format<interleaved>} : vector<32xbf16> -> vector<16xf32>
        %mul3A_1529 = arith.mulf %broadcast_in_dim3A_1523, %unpack3A_1527 : vector<16xf32>
        %add3A_1530 = arith.addf %add3A_1516, %mul3A_1529 : vector<16xf32>
        %mul3A_1531 = arith.mulf %broadcast_in_dim3A_1523, %unpack3A_1528 : vector<16xf32>
        %add3A_1532 = arith.addf %add3A_1518, %mul3A_1531 : vector<16xf32>
        %add3A_1533 = arith.constant 10 : i32
        %add3A_1534 = arith.addi %add3A_1390, %add3A_1533 : i32
        %slice3A_1535 = vector.extract_strided_slice %get3A_1392 {offsets = [10], sizes = [1], strides = [1]} : vector<16xf32> to vector<1xf32>
        %squeeze3A_1536 = vector.extract %slice3A_1535[0] : f32 from vector<1xf32>
        %broadcast_in_dim3A_1537 = vector.broadcast %squeeze3A_1536 : f32 to vector<16xf32>
        %get3A_1538 = arith.index_cast %add3A_1534 : i32 to index
        %get3A_1539 = arith.constant 0 : index
        %get3A_1540 = tpu.vector_load %arg17[%get3A_1538, %get3A_1539] {strides = array<i32>} : memref<1024x32xbf16, #tpu.memory_space<vmem>>, vector<32xbf16>,
        %unpack3A_1541 = tpu.unpack_subelements %get3A_1540, 0 {pack_format = #tpu.pack_format<interleaved>} : vector<32xbf16> -> vector<16xf32>
        %unpack3A_1542 = tpu.unpack_subelements %get3A_1540, 1 {pack_format = #tpu.pack_format<interleaved>} : vector<32xbf16> -> vector<16xf32>
        %mul3A_1543 = arith.mulf %broadcast_in_dim3A_1537, %unpack3A_1541 : vector<16xf32>
        %add3A_1544 = arith.addf %add3A_1530, %mul3A_1543 : vector<16xf32>
        %mul3A_1545 = arith.mulf %broadcast_in_dim3A_1537, %unpack3A_1542 : vector<16xf32>
        %add3A_1546 = arith.addf %add3A_1532, %mul3A_1545 : vector<16xf32>
        %add3A_1547 = arith.constant 11 : i32
        %add3A_1548 = arith.addi %add3A_1390, %add3A_1547 : i32
        %slice3A_1549 = vector.extract_strided_slice %get3A_1392 {offsets = [11], sizes = [1], strides = [1]} : vector<16xf32> to vector<1xf32>
        %squeeze3A_1550 = vector.extract %slice3A_1549[0] : f32 from vector<1xf32>
        %broadcast_in_dim3A_1551 = vector.broadcast %squeeze3A_1550 : f32 to vector<16xf32>
        %get3A_1552 = arith.index_cast %add3A_1548 : i32 to index
        %get3A_1553 = arith.constant 0 : index
        %get3A_1554 = tpu.vector_load %arg17[%get3A_1552, %get3A_1553] {strides = array<i32>} : memref<1024x32xbf16, #tpu.memory_space<vmem>>, vector<32xbf16>,
        %unpack3A_1555 = tpu.unpack_subelements %get3A_1554, 0 {pack_format = #tpu.pack_format<interleaved>} : vector<32xbf16> -> vector<16xf32>
        %unpack3A_1556 = tpu.unpack_subelements %get3A_1554, 1 {pack_format = #tpu.pack_format<interleaved>} : vector<32xbf16> -> vector<16xf32>
        %mul3A_1557 = arith.mulf %broadcast_in_dim3A_1551, %unpack3A_1555 : vector<16xf32>
        %add3A_1558 = arith.addf %add3A_1544, %mul3A_1557 : vector<16xf32>
        %mul3A_1559 = arith.mulf %broadcast_in_dim3A_1551, %unpack3A_1556 : vector<16xf32>
        %add3A_1560 = arith.addf %add3A_1546, %mul3A_1559 : vector<16xf32>
        %add3A_1561 = arith.constant 12 : i32
        %add3A_1562 = arith.addi %add3A_1390, %add3A_1561 : i32
        %slice3A_1563 = vector.extract_strided_slice %get3A_1392 {offsets = [12], sizes = [1], strides = [1]} : vector<16xf32> to vector<1xf32>
        %squeeze3A_1564 = vector.extract %slice3A_1563[0] : f32 from vector<1xf32>
        %broadcast_in_dim3A_1565 = vector.broadcast %squeeze3A_1564 : f32 to vector<16xf32>
        %get3A_1566 = arith.index_cast %add3A_1562 : i32 to index
        %get3A_1567 = arith.constant 0 : index
        %get3A_1568 = tpu.vector_load %arg17[%get3A_1566, %get3A_1567] {strides = array<i32>} : memref<1024x32xbf16, #tpu.memory_space<vmem>>, vector<32xbf16>,
        %unpack3A_1569 = tpu.unpack_subelements %get3A_1568, 0 {pack_format = #tpu.pack_format<interleaved>} : vector<32xbf16> -> vector<16xf32>
        %unpack3A_1570 = tpu.unpack_subelements %get3A_1568, 1 {pack_format = #tpu.pack_format<interleaved>} : vector<32xbf16> -> vector<16xf32>
        %mul3A_1571 = arith.mulf %broadcast_in_dim3A_1565, %unpack3A_1569 : vector<16xf32>
        %add3A_1572 = arith.addf %add3A_1558, %mul3A_1571 : vector<16xf32>
        %mul3A_1573 = arith.mulf %broadcast_in_dim3A_1565, %unpack3A_1570 : vector<16xf32>
        %add3A_1574 = arith.addf %add3A_1560, %mul3A_1573 : vector<16xf32>
        %add3A_1575 = arith.constant 13 : i32
        %add3A_1576 = arith.addi %add3A_1390, %add3A_1575 : i32
        %slice3A_1577 = vector.extract_strided_slice %get3A_1392 {offsets = [13], sizes = [1], strides = [1]} : vector<16xf32> to vector<1xf32>
        %squeeze3A_1578 = vector.extract %slice3A_1577[0] : f32 from vector<1xf32>
        %broadcast_in_dim3A_1579 = vector.broadcast %squeeze3A_1578 : f32 to vector<16xf32>
        %get3A_1580 = arith.index_cast %add3A_1576 : i32 to index
        %get3A_1581 = arith.constant 0 : index
        %get3A_1582 = tpu.vector_load %arg17[%get3A_1580, %get3A_1581] {strides = array<i32>} : memref<1024x32xbf16, #tpu.memory_space<vmem>>, vector<32xbf16>,
        %unpack3A_1583 = tpu.unpack_subelements %get3A_1582, 0 {pack_format = #tpu.pack_format<interleaved>} : vector<32xbf16> -> vector<16xf32>
        %unpack3A_1584 = tpu.unpack_subelements %get3A_1582, 1 {pack_format = #tpu.pack_format<interleaved>} : vector<32xbf16> -> vector<16xf32>
        %mul3A_1585 = arith.mulf %broadcast_in_dim3A_1579, %unpack3A_1583 : vector<16xf32>
        %add3A_1586 = arith.addf %add3A_1572, %mul3A_1585 : vector<16xf32>
        %mul3A_1587 = arith.mulf %broadcast_in_dim3A_1579, %unpack3A_1584 : vector<16xf32>
        %add3A_1588 = arith.addf %add3A_1574, %mul3A_1587 : vector<16xf32>
        %add3A_1589 = arith.constant 14 : i32
        %add3A_1590 = arith.addi %add3A_1390, %add3A_1589 : i32
        %slice3A_1591 = vector.extract_strided_slice %get3A_1392 {offsets = [14], sizes = [1], strides = [1]} : vector<16xf32> to vector<1xf32>
        %squeeze3A_1592 = vector.extract %slice3A_1591[0] : f32 from vector<1xf32>
        %broadcast_in_dim3A_1593 = vector.broadcast %squeeze3A_1592 : f32 to vector<16xf32>
        %get3A_1594 = arith.index_cast %add3A_1590 : i32 to index
        %get3A_1595 = arith.constant 0 : index
        %get3A_1596 = tpu.vector_load %arg17[%get3A_1594, %get3A_1595] {strides = array<i32>} : memref<1024x32xbf16, #tpu.memory_space<vmem>>, vector<32xbf16>,
        %unpack3A_1597 = tpu.unpack_subelements %get3A_1596, 0 {pack_format = #tpu.pack_format<interleaved>} : vector<32xbf16> -> vector<16xf32>
        %unpack3A_1598 = tpu.unpack_subelements %get3A_1596, 1 {pack_format = #tpu.pack_format<interleaved>} : vector<32xbf16> -> vector<16xf32>
        %mul3A_1599 = arith.mulf %broadcast_in_dim3A_1593, %unpack3A_1597 : vector<16xf32>
        %add3A_1600 = arith.addf %add3A_1586, %mul3A_1599 : vector<16xf32>
        %mul3A_1601 = arith.mulf %broadcast_in_dim3A_1593, %unpack3A_1598 : vector<16xf32>
        %add3A_1602 = arith.addf %add3A_1588, %mul3A_1601 : vector<16xf32>
        %add3A_1603 = arith.constant 15 : i32
        %add3A_1604 = arith.addi %add3A_1390, %add3A_1603 : i32
        %slice3A_1605 = vector.extract_strided_slice %get3A_1392 {offsets = [15], sizes = [1], strides = [1]} : vector<16xf32> to vector<1xf32>
        %squeeze3A_1606 = vector.extract %slice3A_1605[0] : f32 from vector<1xf32>
        %broadcast_in_dim3A_1607 = vector.broadcast %squeeze3A_1606 : f32 to vector<16xf32>
        %get3A_1608 = arith.index_cast %add3A_1604 : i32 to index
        %get3A_1609 = arith.constant 0 : index
        %get3A_1610 = tpu.vector_load %arg17[%get3A_1608, %get3A_1609] {strides = array<i32>} : memref<1024x32xbf16, #tpu.memory_space<vmem>>, vector<32xbf16>,
        %unpack3A_1611 = tpu.unpack_subelements %get3A_1610, 0 {pack_format = #tpu.pack_format<interleaved>} : vector<32xbf16> -> vector<16xf32>
        %unpack3A_1612 = tpu.unpack_subelements %get3A_1610, 1 {pack_format = #tpu.pack_format<interleaved>} : vector<32xbf16> -> vector<16xf32>
        %mul3A_1613 = arith.mulf %broadcast_in_dim3A_1607, %unpack3A_1611 : vector<16xf32>
        %add3A_1614 = arith.addf %add3A_1600, %mul3A_1613 : vector<16xf32>
        %mul3A_1615 = arith.mulf %broadcast_in_dim3A_1607, %unpack3A_1612 : vector<16xf32>
        %add3A_1616 = arith.addf %add3A_1602, %mul3A_1615 : vector<16xf32>
        %mul3A_1617 = arith.constant 16 : i32
        %mul3A_1618 = arith.muli %scan3A_927, %mul3A_1617 : i32
        %add3A_1619 = arith.constant 768 : i32
        %add3A_1620 = arith.addi %add3A_1619, %mul3A_1618 : i32
        %get3A_1621 = arith.index_cast %add3A_1620 : i32 to index
        %get3A_1622 = tpu.vector_load %arg15[%get3A_1621] {strides = array<i32>} : memref<1024xf32, #tpu.memory_space<vmem>>, vector<16xf32>,
        %add3A_1623 = arith.constant 0 : i32
        %add3A_1624 = arith.addi %add3A_1620, %add3A_1623 : i32
        %slice3A_1625 = vector.extract_strided_slice %get3A_1622 {offsets = [0], sizes = [1], strides = [1]} : vector<16xf32> to vector<1xf32>
        %squeeze3A_1626 = vector.extract %slice3A_1625[0] : f32 from vector<1xf32>
        %broadcast_in_dim3A_1627 = vector.broadcast %squeeze3A_1626 : f32 to vector<16xf32>
        %get3A_1628 = arith.index_cast %add3A_1624 : i32 to index
        %get3A_1629 = arith.constant 0 : index
        %get3A_1630 = tpu.vector_load %arg17[%get3A_1628, %get3A_1629] {strides = array<i32>} : memref<1024x32xbf16, #tpu.memory_space<vmem>>, vector<32xbf16>,
        %unpack3A_1631 = tpu.unpack_subelements %get3A_1630, 0 {pack_format = #tpu.pack_format<interleaved>} : vector<32xbf16> -> vector<16xf32>
        %unpack3A_1632 = tpu.unpack_subelements %get3A_1630, 1 {pack_format = #tpu.pack_format<interleaved>} : vector<32xbf16> -> vector<16xf32>
        %mul3A_1633 = arith.mulf %broadcast_in_dim3A_1627, %unpack3A_1631 : vector<16xf32>
        %add3A_1634 = arith.addf %add3A_1614, %mul3A_1633 : vector<16xf32>
        %mul3A_1635 = arith.mulf %broadcast_in_dim3A_1627, %unpack3A_1632 : vector<16xf32>
        %add3A_1636 = arith.addf %add3A_1616, %mul3A_1635 : vector<16xf32>
        %add3A_1637 = arith.constant 1 : i32
        %add3A_1638 = arith.addi %add3A_1620, %add3A_1637 : i32
        %slice3A_1639 = vector.extract_strided_slice %get3A_1622 {offsets = [1], sizes = [1], strides = [1]} : vector<16xf32> to vector<1xf32>
        %squeeze3A_1640 = vector.extract %slice3A_1639[0] : f32 from vector<1xf32>
        %broadcast_in_dim3A_1641 = vector.broadcast %squeeze3A_1640 : f32 to vector<16xf32>
        %get3A_1642 = arith.index_cast %add3A_1638 : i32 to index
        %get3A_1643 = arith.constant 0 : index
        %get3A_1644 = tpu.vector_load %arg17[%get3A_1642, %get3A_1643] {strides = array<i32>} : memref<1024x32xbf16, #tpu.memory_space<vmem>>, vector<32xbf16>,
        %unpack3A_1645 = tpu.unpack_subelements %get3A_1644, 0 {pack_format = #tpu.pack_format<interleaved>} : vector<32xbf16> -> vector<16xf32>
        %unpack3A_1646 = tpu.unpack_subelements %get3A_1644, 1 {pack_format = #tpu.pack_format<interleaved>} : vector<32xbf16> -> vector<16xf32>
        %mul3A_1647 = arith.mulf %broadcast_in_dim3A_1641, %unpack3A_1645 : vector<16xf32>
        %add3A_1648 = arith.addf %add3A_1634, %mul3A_1647 : vector<16xf32>
        %mul3A_1649 = arith.mulf %broadcast_in_dim3A_1641, %unpack3A_1646 : vector<16xf32>
        %add3A_1650 = arith.addf %add3A_1636, %mul3A_1649 : vector<16xf32>
        %add3A_1651 = arith.constant 2 : i32
        %add3A_1652 = arith.addi %add3A_1620, %add3A_1651 : i32
        %slice3A_1653 = vector.extract_strided_slice %get3A_1622 {offsets = [2], sizes = [1], strides = [1]} : vector<16xf32> to vector<1xf32>
        %squeeze3A_1654 = vector.extract %slice3A_1653[0] : f32 from vector<1xf32>
        %broadcast_in_dim3A_1655 = vector.broadcast %squeeze3A_1654 : f32 to vector<16xf32>
        %get3A_1656 = arith.index_cast %add3A_1652 : i32 to index
        %get3A_1657 = arith.constant 0 : index
        %get3A_1658 = tpu.vector_load %arg17[%get3A_1656, %get3A_1657] {strides = array<i32>} : memref<1024x32xbf16, #tpu.memory_space<vmem>>, vector<32xbf16>,
        %unpack3A_1659 = tpu.unpack_subelements %get3A_1658, 0 {pack_format = #tpu.pack_format<interleaved>} : vector<32xbf16> -> vector<16xf32>
        %unpack3A_1660 = tpu.unpack_subelements %get3A_1658, 1 {pack_format = #tpu.pack_format<interleaved>} : vector<32xbf16> -> vector<16xf32>
        %mul3A_1661 = arith.mulf %broadcast_in_dim3A_1655, %unpack3A_1659 : vector<16xf32>
        %add3A_1662 = arith.addf %add3A_1648, %mul3A_1661 : vector<16xf32>
        %mul3A_1663 = arith.mulf %broadcast_in_dim3A_1655, %unpack3A_1660 : vector<16xf32>
        %add3A_1664 = arith.addf %add3A_1650, %mul3A_1663 : vector<16xf32>
        %add3A_1665 = arith.constant 3 : i32
        %add3A_1666 = arith.addi %add3A_1620, %add3A_1665 : i32
        %slice3A_1667 = vector.extract_strided_slice %get3A_1622 {offsets = [3], sizes = [1], strides = [1]} : vector<16xf32> to vector<1xf32>
        %squeeze3A_1668 = vector.extract %slice3A_1667[0] : f32 from vector<1xf32>
        %broadcast_in_dim3A_1669 = vector.broadcast %squeeze3A_1668 : f32 to vector<16xf32>
        %get3A_1670 = arith.index_cast %add3A_1666 : i32 to index
        %get3A_1671 = arith.constant 0 : index
        %get3A_1672 = tpu.vector_load %arg17[%get3A_1670, %get3A_1671] {strides = array<i32>} : memref<1024x32xbf16, #tpu.memory_space<vmem>>, vector<32xbf16>,
        %unpack3A_1673 = tpu.unpack_subelements %get3A_1672, 0 {pack_format = #tpu.pack_format<interleaved>} : vector<32xbf16> -> vector<16xf32>
        %unpack3A_1674 = tpu.unpack_subelements %get3A_1672, 1 {pack_format = #tpu.pack_format<interleaved>} : vector<32xbf16> -> vector<16xf32>
        %mul3A_1675 = arith.mulf %broadcast_in_dim3A_1669, %unpack3A_1673 : vector<16xf32>
        %add3A_1676 = arith.addf %add3A_1662, %mul3A_1675 : vector<16xf32>
        %mul3A_1677 = arith.mulf %broadcast_in_dim3A_1669, %unpack3A_1674 : vector<16xf32>
        %add3A_1678 = arith.addf %add3A_1664, %mul3A_1677 : vector<16xf32>
        %add3A_1679 = arith.constant 4 : i32
        %add3A_1680 = arith.addi %add3A_1620, %add3A_1679 : i32
        %slice3A_1681 = vector.extract_strided_slice %get3A_1622 {offsets = [4], sizes = [1], strides = [1]} : vector<16xf32> to vector<1xf32>
        %squeeze3A_1682 = vector.extract %slice3A_1681[0] : f32 from vector<1xf32>
        %broadcast_in_dim3A_1683 = vector.broadcast %squeeze3A_1682 : f32 to vector<16xf32>
        %get3A_1684 = arith.index_cast %add3A_1680 : i32 to index
        %get3A_1685 = arith.constant 0 : index
        %get3A_1686 = tpu.vector_load %arg17[%get3A_1684, %get3A_1685] {strides = array<i32>} : memref<1024x32xbf16, #tpu.memory_space<vmem>>, vector<32xbf16>,
        %unpack3A_1687 = tpu.unpack_subelements %get3A_1686, 0 {pack_format = #tpu.pack_format<interleaved>} : vector<32xbf16> -> vector<16xf32>
        %unpack3A_1688 = tpu.unpack_subelements %get3A_1686, 1 {pack_format = #tpu.pack_format<interleaved>} : vector<32xbf16> -> vector<16xf32>
        %mul3A_1689 = arith.mulf %broadcast_in_dim3A_1683, %unpack3A_1687 : vector<16xf32>
        %add3A_1690 = arith.addf %add3A_1676, %mul3A_1689 : vector<16xf32>
        %mul3A_1691 = arith.mulf %broadcast_in_dim3A_1683, %unpack3A_1688 : vector<16xf32>
        %add3A_1692 = arith.addf %add3A_1678, %mul3A_1691 : vector<16xf32>
        %add3A_1693 = arith.constant 5 : i32
        %add3A_1694 = arith.addi %add3A_1620, %add3A_1693 : i32
        %slice3A_1695 = vector.extract_strided_slice %get3A_1622 {offsets = [5], sizes = [1], strides = [1]} : vector<16xf32> to vector<1xf32>
        %squeeze3A_1696 = vector.extract %slice3A_1695[0] : f32 from vector<1xf32>
        %broadcast_in_dim3A_1697 = vector.broadcast %squeeze3A_1696 : f32 to vector<16xf32>
        %get3A_1698 = arith.index_cast %add3A_1694 : i32 to index
        %get3A_1699 = arith.constant 0 : index
        %get3A_1700 = tpu.vector_load %arg17[%get3A_1698, %get3A_1699] {strides = array<i32>} : memref<1024x32xbf16, #tpu.memory_space<vmem>>, vector<32xbf16>,
        %unpack3A_1701 = tpu.unpack_subelements %get3A_1700, 0 {pack_format = #tpu.pack_format<interleaved>} : vector<32xbf16> -> vector<16xf32>
        %unpack3A_1702 = tpu.unpack_subelements %get3A_1700, 1 {pack_format = #tpu.pack_format<interleaved>} : vector<32xbf16> -> vector<16xf32>
        %mul3A_1703 = arith.mulf %broadcast_in_dim3A_1697, %unpack3A_1701 : vector<16xf32>
        %add3A_1704 = arith.addf %add3A_1690, %mul3A_1703 : vector<16xf32>
        %mul3A_1705 = arith.mulf %broadcast_in_dim3A_1697, %unpack3A_1702 : vector<16xf32>
        %add3A_1706 = arith.addf %add3A_1692, %mul3A_1705 : vector<16xf32>
        %add3A_1707 = arith.constant 6 : i32
        %add3A_1708 = arith.addi %add3A_1620, %add3A_1707 : i32
        %slice3A_1709 = vector.extract_strided_slice %get3A_1622 {offsets = [6], sizes = [1], strides = [1]} : vector<16xf32> to vector<1xf32>
        %squeeze3A_1710 = vector.extract %slice3A_1709[0] : f32 from vector<1xf32>
        %broadcast_in_dim3A_1711 = vector.broadcast %squeeze3A_1710 : f32 to vector<16xf32>
        %get3A_1712 = arith.index_cast %add3A_1708 : i32 to index
        %get3A_1713 = arith.constant 0 : index
        %get3A_1714 = tpu.vector_load %arg17[%get3A_1712, %get3A_1713] {strides = array<i32>} : memref<1024x32xbf16, #tpu.memory_space<vmem>>, vector<32xbf16>,
        %unpack3A_1715 = tpu.unpack_subelements %get3A_1714, 0 {pack_format = #tpu.pack_format<interleaved>} : vector<32xbf16> -> vector<16xf32>
        %unpack3A_1716 = tpu.unpack_subelements %get3A_1714, 1 {pack_format = #tpu.pack_format<interleaved>} : vector<32xbf16> -> vector<16xf32>
        %mul3A_1717 = arith.mulf %broadcast_in_dim3A_1711, %unpack3A_1715 : vector<16xf32>
        %add3A_1718 = arith.addf %add3A_1704, %mul3A_1717 : vector<16xf32>
        %mul3A_1719 = arith.mulf %broadcast_in_dim3A_1711, %unpack3A_1716 : vector<16xf32>
        %add3A_1720 = arith.addf %add3A_1706, %mul3A_1719 : vector<16xf32>
        %add3A_1721 = arith.constant 7 : i32
        %add3A_1722 = arith.addi %add3A_1620, %add3A_1721 : i32
        %slice3A_1723 = vector.extract_strided_slice %get3A_1622 {offsets = [7], sizes = [1], strides = [1]} : vector<16xf32> to vector<1xf32>
        %squeeze3A_1724 = vector.extract %slice3A_1723[0] : f32 from vector<1xf32>
        %broadcast_in_dim3A_1725 = vector.broadcast %squeeze3A_1724 : f32 to vector<16xf32>
        %get3A_1726 = arith.index_cast %add3A_1722 : i32 to index
        %get3A_1727 = arith.constant 0 : index
        %get3A_1728 = tpu.vector_load %arg17[%get3A_1726, %get3A_1727] {strides = array<i32>} : memref<1024x32xbf16, #tpu.memory_space<vmem>>, vector<32xbf16>,
        %unpack3A_1729 = tpu.unpack_subelements %get3A_1728, 0 {pack_format = #tpu.pack_format<interleaved>} : vector<32xbf16> -> vector<16xf32>
        %unpack3A_1730 = tpu.unpack_subelements %get3A_1728, 1 {pack_format = #tpu.pack_format<interleaved>} : vector<32xbf16> -> vector<16xf32>
        %mul3A_1731 = arith.mulf %broadcast_in_dim3A_1725, %unpack3A_1729 : vector<16xf32>
        %add3A_1732 = arith.addf %add3A_1718, %mul3A_1731 : vector<16xf32>
        %mul3A_1733 = arith.mulf %broadcast_in_dim3A_1725, %unpack3A_1730 : vector<16xf32>
        %add3A_1734 = arith.addf %add3A_1720, %mul3A_1733 : vector<16xf32>
        %add3A_1735 = arith.constant 8 : i32
        %add3A_1736 = arith.addi %add3A_1620, %add3A_1735 : i32
        %slice3A_1737 = vector.extract_strided_slice %get3A_1622 {offsets = [8], sizes = [1], strides = [1]} : vector<16xf32> to vector<1xf32>
        %squeeze3A_1738 = vector.extract %slice3A_1737[0] : f32 from vector<1xf32>
        %broadcast_in_dim3A_1739 = vector.broadcast %squeeze3A_1738 : f32 to vector<16xf32>
        %get3A_1740 = arith.index_cast %add3A_1736 : i32 to index
        %get3A_1741 = arith.constant 0 : index
        %get3A_1742 = tpu.vector_load %arg17[%get3A_1740, %get3A_1741] {strides = array<i32>} : memref<1024x32xbf16, #tpu.memory_space<vmem>>, vector<32xbf16>,
        %unpack3A_1743 = tpu.unpack_subelements %get3A_1742, 0 {pack_format = #tpu.pack_format<interleaved>} : vector<32xbf16> -> vector<16xf32>
        %unpack3A_1744 = tpu.unpack_subelements %get3A_1742, 1 {pack_format = #tpu.pack_format<interleaved>} : vector<32xbf16> -> vector<16xf32>
        %mul3A_1745 = arith.mulf %broadcast_in_dim3A_1739, %unpack3A_1743 : vector<16xf32>
        %add3A_1746 = arith.addf %add3A_1732, %mul3A_1745 : vector<16xf32>
        %mul3A_1747 = arith.mulf %broadcast_in_dim3A_1739, %unpack3A_1744 : vector<16xf32>
        %add3A_1748 = arith.addf %add3A_1734, %mul3A_1747 : vector<16xf32>
        %add3A_1749 = arith.constant 9 : i32
        %add3A_1750 = arith.addi %add3A_1620, %add3A_1749 : i32
        %slice3A_1751 = vector.extract_strided_slice %get3A_1622 {offsets = [9], sizes = [1], strides = [1]} : vector<16xf32> to vector<1xf32>
        %squeeze3A_1752 = vector.extract %slice3A_1751[0] : f32 from vector<1xf32>
        %broadcast_in_dim3A_1753 = vector.broadcast %squeeze3A_1752 : f32 to vector<16xf32>
        %get3A_1754 = arith.index_cast %add3A_1750 : i32 to index
        %get3A_1755 = arith.constant 0 : index
        %get3A_1756 = tpu.vector_load %arg17[%get3A_1754, %get3A_1755] {strides = array<i32>} : memref<1024x32xbf16, #tpu.memory_space<vmem>>, vector<32xbf16>,
        %unpack3A_1757 = tpu.unpack_subelements %get3A_1756, 0 {pack_format = #tpu.pack_format<interleaved>} : vector<32xbf16> -> vector<16xf32>
        %unpack3A_1758 = tpu.unpack_subelements %get3A_1756, 1 {pack_format = #tpu.pack_format<interleaved>} : vector<32xbf16> -> vector<16xf32>
        %mul3A_1759 = arith.mulf %broadcast_in_dim3A_1753, %unpack3A_1757 : vector<16xf32>
        %add3A_1760 = arith.addf %add3A_1746, %mul3A_1759 : vector<16xf32>
        %mul3A_1761 = arith.mulf %broadcast_in_dim3A_1753, %unpack3A_1758 : vector<16xf32>
        %add3A_1762 = arith.addf %add3A_1748, %mul3A_1761 : vector<16xf32>
        %add3A_1763 = arith.constant 10 : i32
        %add3A_1764 = arith.addi %add3A_1620, %add3A_1763 : i32
        %slice3A_1765 = vector.extract_strided_slice %get3A_1622 {offsets = [10], sizes = [1], strides = [1]} : vector<16xf32> to vector<1xf32>
        %squeeze3A_1766 = vector.extract %slice3A_1765[0] : f32 from vector<1xf32>
        %broadcast_in_dim3A_1767 = vector.broadcast %squeeze3A_1766 : f32 to vector<16xf32>
        %get3A_1768 = arith.index_cast %add3A_1764 : i32 to index
        %get3A_1769 = arith.constant 0 : index
        %get3A_1770 = tpu.vector_load %arg17[%get3A_1768, %get3A_1769] {strides = array<i32>} : memref<1024x32xbf16, #tpu.memory_space<vmem>>, vector<32xbf16>,
        %unpack3A_1771 = tpu.unpack_subelements %get3A_1770, 0 {pack_format = #tpu.pack_format<interleaved>} : vector<32xbf16> -> vector<16xf32>
        %unpack3A_1772 = tpu.unpack_subelements %get3A_1770, 1 {pack_format = #tpu.pack_format<interleaved>} : vector<32xbf16> -> vector<16xf32>
        %mul3A_1773 = arith.mulf %broadcast_in_dim3A_1767, %unpack3A_1771 : vector<16xf32>
        %add3A_1774 = arith.addf %add3A_1760, %mul3A_1773 : vector<16xf32>
        %mul3A_1775 = arith.mulf %broadcast_in_dim3A_1767, %unpack3A_1772 : vector<16xf32>
        %add3A_1776 = arith.addf %add3A_1762, %mul3A_1775 : vector<16xf32>
        %add3A_1777 = arith.constant 11 : i32
        %add3A_1778 = arith.addi %add3A_1620, %add3A_1777 : i32
        %slice3A_1779 = vector.extract_strided_slice %get3A_1622 {offsets = [11], sizes = [1], strides = [1]} : vector<16xf32> to vector<1xf32>
        %squeeze3A_1780 = vector.extract %slice3A_1779[0] : f32 from vector<1xf32>
        %broadcast_in_dim3A_1781 = vector.broadcast %squeeze3A_1780 : f32 to vector<16xf32>
        %get3A_1782 = arith.index_cast %add3A_1778 : i32 to index
        %get3A_1783 = arith.constant 0 : index
        %get3A_1784 = tpu.vector_load %arg17[%get3A_1782, %get3A_1783] {strides = array<i32>} : memref<1024x32xbf16, #tpu.memory_space<vmem>>, vector<32xbf16>,
        %unpack3A_1785 = tpu.unpack_subelements %get3A_1784, 0 {pack_format = #tpu.pack_format<interleaved>} : vector<32xbf16> -> vector<16xf32>
        %unpack3A_1786 = tpu.unpack_subelements %get3A_1784, 1 {pack_format = #tpu.pack_format<interleaved>} : vector<32xbf16> -> vector<16xf32>
        %mul3A_1787 = arith.mulf %broadcast_in_dim3A_1781, %unpack3A_1785 : vector<16xf32>
        %add3A_1788 = arith.addf %add3A_1774, %mul3A_1787 : vector<16xf32>
        %mul3A_1789 = arith.mulf %broadcast_in_dim3A_1781, %unpack3A_1786 : vector<16xf32>
        %add3A_1790 = arith.addf %add3A_1776, %mul3A_1789 : vector<16xf32>
        %add3A_1791 = arith.constant 12 : i32
        %add3A_1792 = arith.addi %add3A_1620, %add3A_1791 : i32
        %slice3A_1793 = vector.extract_strided_slice %get3A_1622 {offsets = [12], sizes = [1], strides = [1]} : vector<16xf32> to vector<1xf32>
        %squeeze3A_1794 = vector.extract %slice3A_1793[0] : f32 from vector<1xf32>
        %broadcast_in_dim3A_1795 = vector.broadcast %squeeze3A_1794 : f32 to vector<16xf32>
        %get3A_1796 = arith.index_cast %add3A_1792 : i32 to index
        %get3A_1797 = arith.constant 0 : index
        %get3A_1798 = tpu.vector_load %arg17[%get3A_1796, %get3A_1797] {strides = array<i32>} : memref<1024x32xbf16, #tpu.memory_space<vmem>>, vector<32xbf16>,
        %unpack3A_1799 = tpu.unpack_subelements %get3A_1798, 0 {pack_format = #tpu.pack_format<interleaved>} : vector<32xbf16> -> vector<16xf32>
        %unpack3A_1800 = tpu.unpack_subelements %get3A_1798, 1 {pack_format = #tpu.pack_format<interleaved>} : vector<32xbf16> -> vector<16xf32>
        %mul3A_1801 = arith.mulf %broadcast_in_dim3A_1795, %unpack3A_1799 : vector<16xf32>
        %add3A_1802 = arith.addf %add3A_1788, %mul3A_1801 : vector<16xf32>
        %mul3A_1803 = arith.mulf %broadcast_in_dim3A_1795, %unpack3A_1800 : vector<16xf32>
        %add3A_1804 = arith.addf %add3A_1790, %mul3A_1803 : vector<16xf32>
        %add3A_1805 = arith.constant 13 : i32
        %add3A_1806 = arith.addi %add3A_1620, %add3A_1805 : i32
        %slice3A_1807 = vector.extract_strided_slice %get3A_1622 {offsets = [13], sizes = [1], strides = [1]} : vector<16xf32> to vector<1xf32>
        %squeeze3A_1808 = vector.extract %slice3A_1807[0] : f32 from vector<1xf32>
        %broadcast_in_dim3A_1809 = vector.broadcast %squeeze3A_1808 : f32 to vector<16xf32>
        %get3A_1810 = arith.index_cast %add3A_1806 : i32 to index
        %get3A_1811 = arith.constant 0 : index
        %get3A_1812 = tpu.vector_load %arg17[%get3A_1810, %get3A_1811] {strides = array<i32>} : memref<1024x32xbf16, #tpu.memory_space<vmem>>, vector<32xbf16>,
        %unpack3A_1813 = tpu.unpack_subelements %get3A_1812, 0 {pack_format = #tpu.pack_format<interleaved>} : vector<32xbf16> -> vector<16xf32>
        %unpack3A_1814 = tpu.unpack_subelements %get3A_1812, 1 {pack_format = #tpu.pack_format<interleaved>} : vector<32xbf16> -> vector<16xf32>
        %mul3A_1815 = arith.mulf %broadcast_in_dim3A_1809, %unpack3A_1813 : vector<16xf32>
        %add3A_1816 = arith.addf %add3A_1802, %mul3A_1815 : vector<16xf32>
        %mul3A_1817 = arith.mulf %broadcast_in_dim3A_1809, %unpack3A_1814 : vector<16xf32>
        %add3A_1818 = arith.addf %add3A_1804, %mul3A_1817 : vector<16xf32>
        %add3A_1819 = arith.constant 14 : i32
        %add3A_1820 = arith.addi %add3A_1620, %add3A_1819 : i32
        %slice3A_1821 = vector.extract_strided_slice %get3A_1622 {offsets = [14], sizes = [1], strides = [1]} : vector<16xf32> to vector<1xf32>
        %squeeze3A_1822 = vector.extract %slice3A_1821[0] : f32 from vector<1xf32>
        %broadcast_in_dim3A_1823 = vector.broadcast %squeeze3A_1822 : f32 to vector<16xf32>
        %get3A_1824 = arith.index_cast %add3A_1820 : i32 to index
        %get3A_1825 = arith.constant 0 : index
        %get3A_1826 = tpu.vector_load %arg17[%get3A_1824, %get3A_1825] {strides = array<i32>} : memref<1024x32xbf16, #tpu.memory_space<vmem>>, vector<32xbf16>,
        %unpack3A_1827 = tpu.unpack_subelements %get3A_1826, 0 {pack_format = #tpu.pack_format<interleaved>} : vector<32xbf16> -> vector<16xf32>
        %unpack3A_1828 = tpu.unpack_subelements %get3A_1826, 1 {pack_format = #tpu.pack_format<interleaved>} : vector<32xbf16> -> vector<16xf32>
        %mul3A_1829 = arith.mulf %broadcast_in_dim3A_1823, %unpack3A_1827 : vector<16xf32>
        %add3A_1830 = arith.addf %add3A_1816, %mul3A_1829 : vector<16xf32>
        %mul3A_1831 = arith.mulf %broadcast_in_dim3A_1823, %unpack3A_1828 : vector<16xf32>
        %add3A_1832 = arith.addf %add3A_1818, %mul3A_1831 : vector<16xf32>
        %add3A_1833 = arith.constant 15 : i32
        %add3A_1834 = arith.addi %add3A_1620, %add3A_1833 : i32
        %slice3A_1835 = vector.extract_strided_slice %get3A_1622 {offsets = [15], sizes = [1], strides = [1]} : vector<16xf32> to vector<1xf32>
        %squeeze3A_1836 = vector.extract %slice3A_1835[0] : f32 from vector<1xf32>
        %broadcast_in_dim3A_1837 = vector.broadcast %squeeze3A_1836 : f32 to vector<16xf32>
        %get3A_1838 = arith.index_cast %add3A_1834 : i32 to index
        %get3A_1839 = arith.constant 0 : index
        %get3A_1840 = tpu.vector_load %arg17[%get3A_1838, %get3A_1839] {strides = array<i32>} : memref<1024x32xbf16, #tpu.memory_space<vmem>>, vector<32xbf16>,
        %unpack3A_1841 = tpu.unpack_subelements %get3A_1840, 0 {pack_format = #tpu.pack_format<interleaved>} : vector<32xbf16> -> vector<16xf32>
        %unpack3A_1842 = tpu.unpack_subelements %get3A_1840, 1 {pack_format = #tpu.pack_format<interleaved>} : vector<32xbf16> -> vector<16xf32>
        %mul3A_1843 = arith.mulf %broadcast_in_dim3A_1837, %unpack3A_1841 : vector<16xf32>
        %add3A_1844 = arith.addf %add3A_1830, %mul3A_1843 : vector<16xf32>
        %mul3A_1845 = arith.mulf %broadcast_in_dim3A_1837, %unpack3A_1842 : vector<16xf32>
        %add3A_1846 = arith.addf %add3A_1832, %mul3A_1845 : vector<16xf32>
        %swap3A = arith.index_cast %scan3A_927 : i32 to index
        %swap3A_1847 = arith.constant 0 : index
        %swap3A_1848 = tpu.vector_load %arg19[%swap3A, %swap3A_1847] {strides = array<i32>} : memref<16x32xf32, #tpu.memory_space<vmem>>, vector<16xf32>,
        tpu.vector_store %arg19[%swap3A, %swap3A_1847], %add3A_1844 {strides = array<i32>} : memref<16x32xf32, #tpu.memory_space<vmem>>, vector<16xf32>,
        %swap3A_1849 = arith.index_cast %scan3A_927 : i32 to index
        %swap3A_1850 = arith.constant 16 : index
        %swap3A_1851 = tpu.vector_load %arg19[%swap3A_1849, %swap3A_1850] {strides = array<i32>} : memref<16x32xf32, #tpu.memory_space<vmem>>, vector<16xf32>,
        tpu.vector_store %arg19[%swap3A_1849, %swap3A_1850], %add3A_1846 {strides = array<i32>} : memref<16x32xf32, #tpu.memory_space<vmem>>, vector<16xf32>,
      }
      %scan3A_856 = arith.constant 16 : i32
      %add3A_857 = arith.constant 2 : i32
      %add3A_858 = arith.addi %add3A_658, %add3A_857 : i32
      %mul3A_859 = arith.constant 4096 : i32
      %mul3A_860 = arith.muli %add3A, %mul3A_859 : i32
      %min3A_861 = arith.constant 255 : i32
      %min3A_862 = arith.minsi %add3A_858, %min3A_861 : i32
      %mul3A_863 = arith.constant 16 : i32
      %mul3A_864 = arith.muli %min3A_862, %mul3A_863 : i32
      %add3A_865 = arith.addi %mul3A_860, %mul3A_864 : i32
      %mul3A_866 = arith.constant 16 : i32
      %mul3A_867 = arith.muli %add3A_865, %mul3A_866 : i32
      %dma_start3A_868 = arith.constant 0 : i32
      %dma_start3A_869 = tpu.memref_slice %arg13[%dma_start3A_868] : memref<1024xi32, #tpu.memory_space<vmem>> -> memref<256xi32, #tpu.memory_space<vmem>>
      %dma_start3A_870 = tpu.memref_slice %arg2[%mul3A_867] : memref<2097152xi32, #tpu.memory_space<hbm>> -> memref<256xi32, #tpu.memory_space<hbm>>
      %dma_start3A_871 = arith.constant 0 : i32
      %dma_start3A_872 = tpu.memref_slice %arg13[%dma_start3A_871] : memref<1024xi32, #tpu.memory_space<vmem>> -> memref<256xi32, #tpu.memory_space<vmem>>
      %dma_start3A_873 = tpu.memref_slice %arg2[%mul3A_867] : memref<2097152xi32, #tpu.memory_space<hbm>> -> memref<256xi32, #tpu.memory_space<hbm>>
      tpu.enqueue_dma source(%dma_start3A_873 : memref<256xi32, #tpu.memory_space<hbm>>) target(%dma_start3A_872 : memref<256xi32, #tpu.memory_space<vmem>>) target_semaphore(%arg21 : memref<!tpu.dma_semaphore, #tpu.memory_space<semaphore_mem>>)
      %dma_start3A_874 = arith.constant 0 : i32
      %dma_start3A_875 = tpu.memref_slice %arg15[%dma_start3A_874] : memref<1024xf32, #tpu.memory_space<vmem>> -> memref<256xf32, #tpu.memory_space<vmem>>
      %dma_start3A_876 = tpu.memref_slice %arg6[%mul3A_867] : memref<2097152xf32, #tpu.memory_space<hbm>> -> memref<256xf32, #tpu.memory_space<hbm>>
      %dma_start3A_877 = arith.constant 0 : i32
      %dma_start3A_878 = tpu.memref_slice %arg15[%dma_start3A_877] : memref<1024xf32, #tpu.memory_space<vmem>> -> memref<256xf32, #tpu.memory_space<vmem>>
      %dma_start3A_879 = tpu.memref_slice %arg6[%mul3A_867] : memref<2097152xf32, #tpu.memory_space<hbm>> -> memref<256xf32, #tpu.memory_space<hbm>>
      tpu.enqueue_dma source(%dma_start3A_879 : memref<256xf32, #tpu.memory_space<hbm>>) target(%dma_start3A_878 : memref<256xf32, #tpu.memory_space<vmem>>) target_semaphore(%arg21 : memref<!tpu.dma_semaphore, #tpu.memory_space<semaphore_mem>>)
      %dma_start3A_880 = arith.constant 256 : i32
      %dma_start3A_881 = tpu.memref_slice %arg13[%dma_start3A_880] : memref<1024xi32, #tpu.memory_space<vmem>> -> memref<256xi32, #tpu.memory_space<vmem>>
      %dma_start3A_882 = tpu.memref_slice %arg3[%mul3A_867] : memref<2097152xi32, #tpu.memory_space<hbm>> -> memref<256xi32, #tpu.memory_space<hbm>>
      %dma_start3A_883 = arith.constant 256 : i32
      %dma_start3A_884 = tpu.memref_slice %arg13[%dma_start3A_883] : memref<1024xi32, #tpu.memory_space<vmem>> -> memref<256xi32, #tpu.memory_space<vmem>>
      %dma_start3A_885 = tpu.memref_slice %arg3[%mul3A_867] : memref<2097152xi32, #tpu.memory_space<hbm>> -> memref<256xi32, #tpu.memory_space<hbm>>
      tpu.enqueue_dma source(%dma_start3A_885 : memref<256xi32, #tpu.memory_space<hbm>>) target(%dma_start3A_884 : memref<256xi32, #tpu.memory_space<vmem>>) target_semaphore(%arg21 : memref<!tpu.dma_semaphore, #tpu.memory_space<semaphore_mem>>)
      %dma_start3A_886 = arith.constant 256 : i32
      %dma_start3A_887 = tpu.memref_slice %arg15[%dma_start3A_886] : memref<1024xf32, #tpu.memory_space<vmem>> -> memref<256xf32, #tpu.memory_space<vmem>>
      %dma_start3A_888 = tpu.memref_slice %arg7[%mul3A_867] : memref<2097152xf32, #tpu.memory_space<hbm>> -> memref<256xf32, #tpu.memory_space<hbm>>
      %dma_start3A_889 = arith.constant 256 : i32
      %dma_start3A_890 = tpu.memref_slice %arg15[%dma_start3A_889] : memref<1024xf32, #tpu.memory_space<vmem>> -> memref<256xf32, #tpu.memory_space<vmem>>
      %dma_start3A_891 = tpu.memref_slice %arg7[%mul3A_867] : memref<2097152xf32, #tpu.memory_space<hbm>> -> memref<256xf32, #tpu.memory_space<hbm>>
      tpu.enqueue_dma source(%dma_start3A_891 : memref<256xf32, #tpu.memory_space<hbm>>) target(%dma_start3A_890 : memref<256xf32, #tpu.memory_space<vmem>>) target_semaphore(%arg21 : memref<!tpu.dma_semaphore, #tpu.memory_space<semaphore_mem>>)
      %dma_start3A_892 = arith.constant 512 : i32
      %dma_start3A_893 = tpu.memref_slice %arg13[%dma_start3A_892] : memref<1024xi32, #tpu.memory_space<vmem>> -> memref<256xi32, #tpu.memory_space<vmem>>
      %dma_start3A_894 = tpu.memref_slice %arg4[%mul3A_867] : memref<2097152xi32, #tpu.memory_space<hbm>> -> memref<256xi32, #tpu.memory_space<hbm>>
      %dma_start3A_895 = arith.constant 512 : i32
      %dma_start3A_896 = tpu.memref_slice %arg13[%dma_start3A_895] : memref<1024xi32, #tpu.memory_space<vmem>> -> memref<256xi32, #tpu.memory_space<vmem>>
      %dma_start3A_897 = tpu.memref_slice %arg4[%mul3A_867] : memref<2097152xi32, #tpu.memory_space<hbm>> -> memref<256xi32, #tpu.memory_space<hbm>>
      tpu.enqueue_dma source(%dma_start3A_897 : memref<256xi32, #tpu.memory_space<hbm>>) target(%dma_start3A_896 : memref<256xi32, #tpu.memory_space<vmem>>) target_semaphore(%arg21 : memref<!tpu.dma_semaphore, #tpu.memory_space<semaphore_mem>>)
      %dma_start3A_898 = arith.constant 512 : i32
      %dma_start3A_899 = tpu.memref_slice %arg15[%dma_start3A_898] : memref<1024xf32, #tpu.memory_space<vmem>> -> memref<256xf32, #tpu.memory_space<vmem>>
      %dma_start3A_900 = tpu.memref_slice %arg8[%mul3A_867] : memref<2097152xf32, #tpu.memory_space<hbm>> -> memref<256xf32, #tpu.memory_space<hbm>>
      %dma_start3A_901 = arith.constant 512 : i32
      %dma_start3A_902 = tpu.memref_slice %arg15[%dma_start3A_901] : memref<1024xf32, #tpu.memory_space<vmem>> -> memref<256xf32, #tpu.memory_space<vmem>>
      %dma_start3A_903 = tpu.memref_slice %arg8[%mul3A_867] : memref<2097152xf32, #tpu.memory_space<hbm>> -> memref<256xf32, #tpu.memory_space<hbm>>
      tpu.enqueue_dma source(%dma_start3A_903 : memref<256xf32, #tpu.memory_space<hbm>>) target(%dma_start3A_902 : memref<256xf32, #tpu.memory_space<vmem>>) target_semaphore(%arg21 : memref<!tpu.dma_semaphore, #tpu.memory_space<semaphore_mem>>)
      %dma_start3A_904 = arith.constant 768 : i32
      %dma_start3A_905 = tpu.memref_slice %arg13[%dma_start3A_904] : memref<1024xi32, #tpu.memory_space<vmem>> -> memref<256xi32, #tpu.memory_space<vmem>>
      %dma_start3A_906 = tpu.memref_slice %arg5[%mul3A_867] : memref<2097152xi32, #tpu.memory_space<hbm>> -> memref<256xi32, #tpu.memory_space<hbm>>
      %dma_start3A_907 = arith.constant 768 : i32
      %dma_start3A_908 = tpu.memref_slice %arg13[%dma_start3A_907] : memref<1024xi32, #tpu.memory_space<vmem>> -> memref<256xi32, #tpu.memory_space<vmem>>
      %dma_start3A_909 = tpu.memref_slice %arg5[%mul3A_867] : memref<2097152xi32, #tpu.memory_space<hbm>> -> memref<256xi32, #tpu.memory_space<hbm>>
      tpu.enqueue_dma source(%dma_start3A_909 : memref<256xi32, #tpu.memory_space<hbm>>) target(%dma_start3A_908 : memref<256xi32, #tpu.memory_space<vmem>>) target_semaphore(%arg21 : memref<!tpu.dma_semaphore, #tpu.memory_space<semaphore_mem>>)
      %dma_start3A_910 = arith.constant 768 : i32
      %dma_start3A_911 = tpu.memref_slice %arg15[%dma_start3A_910] : memref<1024xf32, #tpu.memory_space<vmem>> -> memref<256xf32, #tpu.memory_space<vmem>>
      %dma_start3A_912 = tpu.memref_slice %arg9[%mul3A_867] : memref<2097152xf32, #tpu.memory_space<hbm>> -> memref<256xf32, #tpu.memory_space<hbm>>
      %dma_start3A_913 = arith.constant 768 : i32
      %dma_start3A_914 = tpu.memref_slice %arg15[%dma_start3A_913] : memref<1024xf32, #tpu.memory_space<vmem>> -> memref<256xf32, #tpu.memory_space<vmem>>
      %dma_start3A_915 = tpu.memref_slice %arg9[%mul3A_867] : memref<2097152xf32, #tpu.memory_space<hbm>> -> memref<256xf32, #tpu.memory_space<hbm>>
      tpu.enqueue_dma source(%dma_start3A_915 : memref<256xf32, #tpu.memory_space<hbm>>) target(%dma_start3A_914 : memref<256xf32, #tpu.memory_space<vmem>>) target_semaphore(%arg21 : memref<!tpu.dma_semaphore, #tpu.memory_space<semaphore_mem>>)
      %mul3A_916 = arith.constant 4096 : i32
      %mul3A_917 = arith.muli %add3A, %mul3A_916 : i32
      %min3A_918 = arith.constant 255 : i32
      %min3A_919 = arith.minsi %add3A_658, %min3A_918 : i32
      %mul3A_920 = arith.constant 16 : i32
      %mul3A_921 = arith.muli %min3A_919, %mul3A_920 : i32
      %add3A_922 = arith.addi %mul3A_917, %mul3A_921 : i32
      %dma_start3A_923 = arith.constant 0 : i32
      %dma_start3A_924 = tpu.memref_slice %arg11[%add3A_922, %dma_start3A_923] : memref<131072x32xf32, #tpu.memory_space<hbm>> -> memref<16x32xf32, #tpu.memory_space<hbm>>
      %dma_start3A_925 = arith.constant 0 : i32
      %dma_start3A_926 = tpu.memref_slice %arg11[%add3A_922, %dma_start3A_925] : memref<131072x32xf32, #tpu.memory_space<hbm>> -> memref<16x32xf32, #tpu.memory_space<hbm>>
      tpu.enqueue_dma source(%arg19 : memref<16x32xf32, #tpu.memory_space<vmem>>) target(%dma_start3A_926 : memref<16x32xf32, #tpu.memory_space<hbm>>) target_semaphore(%arg25 : memref<!tpu.dma_semaphore, #tpu.memory_space<semaphore_mem>>)
    }
    %scan3A_240 = arith.constant 128 : i32
    %mul3A_241 = arith.constant 4096 : i32
    %mul3A_242 = arith.muli %add3A, %mul3A_241 : i32
    %min3A_243 = arith.constant 257 : i32
    %min3A_244 = arith.constant 255 : i32
    %min3A_245 = arith.minsi %min3A_243, %min3A_244 : i32
    %mul3A_246 = arith.constant 16 : i32
    %mul3A_247 = arith.muli %min3A_245, %mul3A_246 : i32
    %add3A_248 = arith.addi %mul3A_242, %mul3A_247 : i32
    %mul3A_249 = arith.constant 16 : i32
    %mul3A_250 = arith.muli %add3A_248, %mul3A_249 : i32
    %dma_wait3A_251 = arith.constant 0 : i32
    %dma_wait3A_252 = tpu.memref_slice %arg13[%dma_wait3A_251] : memref<1024xi32, #tpu.memory_space<vmem>> -> memref<256xi32, #tpu.memory_space<vmem>>
    %dma_wait3A_253 = tpu.memref_slice %arg2[%mul3A_250] : memref<2097152xi32, #tpu.memory_space<hbm>> -> memref<256xi32, #tpu.memory_space<hbm>>
    %dma_wait3A_254 = arith.constant 0 : i32
    %dma_wait3A_255 = tpu.memref_slice %arg13[%dma_wait3A_254] : memref<1024xi32, #tpu.memory_space<vmem>> -> memref<256xi32, #tpu.memory_space<vmem>>
    %dma_wait3A_256 = tpu.memref_slice %arg2[%mul3A_250] : memref<2097152xi32, #tpu.memory_space<hbm>> -> memref<256xi32, #tpu.memory_space<hbm>>
    tpu.wait_dma2 semaphore(%arg21 : memref<!tpu.dma_semaphore, #tpu.memory_space<semaphore_mem>>) src(%dma_wait3A_256 : memref<256xi32, #tpu.memory_space<hbm>>) dst(%dma_wait3A_255 : memref<256xi32, #tpu.memory_space<vmem>>)
    %dma_wait3A_257 = arith.constant 0 : i32
    %dma_wait3A_258 = tpu.memref_slice %arg15[%dma_wait3A_257] : memref<1024xf32, #tpu.memory_space<vmem>> -> memref<256xf32, #tpu.memory_space<vmem>>
    %dma_wait3A_259 = tpu.memref_slice %arg6[%mul3A_250] : memref<2097152xf32, #tpu.memory_space<hbm>> -> memref<256xf32, #tpu.memory_space<hbm>>
    %dma_wait3A_260 = arith.constant 0 : i32
    %dma_wait3A_261 = tpu.memref_slice %arg15[%dma_wait3A_260] : memref<1024xf32, #tpu.memory_space<vmem>> -> memref<256xf32, #tpu.memory_space<vmem>>
    %dma_wait3A_262 = tpu.memref_slice %arg6[%mul3A_250] : memref<2097152xf32, #tpu.memory_space<hbm>> -> memref<256xf32, #tpu.memory_space<hbm>>
    tpu.wait_dma2 semaphore(%arg21 : memref<!tpu.dma_semaphore, #tpu.memory_space<semaphore_mem>>) src(%dma_wait3A_262 : memref<256xf32, #tpu.memory_space<hbm>>) dst(%dma_wait3A_261 : memref<256xf32, #tpu.memory_space<vmem>>)
    %dma_wait3A_263 = arith.constant 256 : i32
    %dma_wait3A_264 = tpu.memref_slice %arg13[%dma_wait3A_263] : memref<1024xi32, #tpu.memory_space<vmem>> -> memref<256xi32, #tpu.memory_space<vmem>>
    %dma_wait3A_265 = tpu.memref_slice %arg3[%mul3A_250] : memref<2097152xi32, #tpu.memory_space<hbm>> -> memref<256xi32, #tpu.memory_space<hbm>>
    %dma_wait3A_266 = arith.constant 256 : i32
    %dma_wait3A_267 = tpu.memref_slice %arg13[%dma_wait3A_266] : memref<1024xi32, #tpu.memory_space<vmem>> -> memref<256xi32, #tpu.memory_space<vmem>>
    %dma_wait3A_268 = tpu.memref_slice %arg3[%mul3A_250] : memref<2097152xi32, #tpu.memory_space<hbm>> -> memref<256xi32, #tpu.memory_space<hbm>>
    tpu.wait_dma2 semaphore(%arg21 : memref<!tpu.dma_semaphore, #tpu.memory_space<semaphore_mem>>) src(%dma_wait3A_268 : memref<256xi32, #tpu.memory_space<hbm>>) dst(%dma_wait3A_267 : memref<256xi32, #tpu.memory_space<vmem>>)
    %dma_wait3A_269 = arith.constant 256 : i32
    %dma_wait3A_270 = tpu.memref_slice %arg15[%dma_wait3A_269] : memref<1024xf32, #tpu.memory_space<vmem>> -> memref<256xf32, #tpu.memory_space<vmem>>
    %dma_wait3A_271 = tpu.memref_slice %arg7[%mul3A_250] : memref<2097152xf32, #tpu.memory_space<hbm>> -> memref<256xf32, #tpu.memory_space<hbm>>
    %dma_wait3A_272 = arith.constant 256 : i32
    %dma_wait3A_273 = tpu.memref_slice %arg15[%dma_wait3A_272] : memref<1024xf32, #tpu.memory_space<vmem>> -> memref<256xf32, #tpu.memory_space<vmem>>
    %dma_wait3A_274 = tpu.memref_slice %arg7[%mul3A_250] : memref<2097152xf32, #tpu.memory_space<hbm>> -> memref<256xf32, #tpu.memory_space<hbm>>
    tpu.wait_dma2 semaphore(%arg21 : memref<!tpu.dma_semaphore, #tpu.memory_space<semaphore_mem>>) src(%dma_wait3A_274 : memref<256xf32, #tpu.memory_space<hbm>>) dst(%dma_wait3A_273 : memref<256xf32, #tpu.memory_space<vmem>>)
    %dma_wait3A_275 = arith.constant 512 : i32
    %dma_wait3A_276 = tpu.memref_slice %arg13[%dma_wait3A_275] : memref<1024xi32, #tpu.memory_space<vmem>> -> memref<256xi32, #tpu.memory_space<vmem>>
    %dma_wait3A_277 = tpu.memref_slice %arg4[%mul3A_250] : memref<2097152xi32, #tpu.memory_space<hbm>> -> memref<256xi32, #tpu.memory_space<hbm>>
    %dma_wait3A_278 = arith.constant 512 : i32
    %dma_wait3A_279 = tpu.memref_slice %arg13[%dma_wait3A_278] : memref<1024xi32, #tpu.memory_space<vmem>> -> memref<256xi32, #tpu.memory_space<vmem>>
    %dma_wait3A_280 = tpu.memref_slice %arg4[%mul3A_250] : memref<2097152xi32, #tpu.memory_space<hbm>> -> memref<256xi32, #tpu.memory_space<hbm>>
    tpu.wait_dma2 semaphore(%arg21 : memref<!tpu.dma_semaphore, #tpu.memory_space<semaphore_mem>>) src(%dma_wait3A_280 : memref<256xi32, #tpu.memory_space<hbm>>) dst(%dma_wait3A_279 : memref<256xi32, #tpu.memory_space<vmem>>)
    %dma_wait3A_281 = arith.constant 512 : i32
    %dma_wait3A_282 = tpu.memref_slice %arg15[%dma_wait3A_281] : memref<1024xf32, #tpu.memory_space<vmem>> -> memref<256xf32, #tpu.memory_space<vmem>>
    %dma_wait3A_283 = tpu.memref_slice %arg8[%mul3A_250] : memref<2097152xf32, #tpu.memory_space<hbm>> -> memref<256xf32, #tpu.memory_space<hbm>>
    %dma_wait3A_284 = arith.constant 512 : i32
    %dma_wait3A_285 = tpu.memref_slice %arg15[%dma_wait3A_284] : memref<1024xf32, #tpu.memory_space<vmem>> -> memref<256xf32, #tpu.memory_space<vmem>>
    %dma_wait3A_286 = tpu.memref_slice %arg8[%mul3A_250] : memref<2097152xf32, #tpu.memory_space<hbm>> -> memref<256xf32, #tpu.memory_space<hbm>>
    tpu.wait_dma2 semaphore(%arg21 : memref<!tpu.dma_semaphore, #tpu.memory_space<semaphore_mem>>) src(%dma_wait3A_286 : memref<256xf32, #tpu.memory_space<hbm>>) dst(%dma_wait3A_285 : memref<256xf32, #tpu.memory_space<vmem>>)
    %dma_wait3A_287 = arith.constant 768 : i32
    %dma_wait3A_288 = tpu.memref_slice %arg13[%dma_wait3A_287] : memref<1024xi32, #tpu.memory_space<vmem>> -> memref<256xi32, #tpu.memory_space<vmem>>
    %dma_wait3A_289 = tpu.memref_slice %arg5[%mul3A_250] : memref<2097152xi32, #tpu.memory_space<hbm>> -> memref<256xi32, #tpu.memory_space<hbm>>
    %dma_wait3A_290 = arith.constant 768 : i32
    %dma_wait3A_291 = tpu.memref_slice %arg13[%dma_wait3A_290] : memref<1024xi32, #tpu.memory_space<vmem>> -> memref<256xi32, #tpu.memory_space<vmem>>
    %dma_wait3A_292 = tpu.memref_slice %arg5[%mul3A_250] : memref<2097152xi32, #tpu.memory_space<hbm>> -> memref<256xi32, #tpu.memory_space<hbm>>
    tpu.wait_dma2 semaphore(%arg21 : memref<!tpu.dma_semaphore, #tpu.memory_space<semaphore_mem>>) src(%dma_wait3A_292 : memref<256xi32, #tpu.memory_space<hbm>>) dst(%dma_wait3A_291 : memref<256xi32, #tpu.memory_space<vmem>>)
    %dma_wait3A_293 = arith.constant 768 : i32
    %dma_wait3A_294 = tpu.memref_slice %arg15[%dma_wait3A_293] : memref<1024xf32, #tpu.memory_space<vmem>> -> memref<256xf32, #tpu.memory_space<vmem>>
    %dma_wait3A_295 = tpu.memref_slice %arg9[%mul3A_250] : memref<2097152xf32, #tpu.memory_space<hbm>> -> memref<256xf32, #tpu.memory_space<hbm>>
    %dma_wait3A_296 = arith.constant 768 : i32
    %dma_wait3A_297 = tpu.memref_slice %arg15[%dma_wait3A_296] : memref<1024xf32, #tpu.memory_space<vmem>> -> memref<256xf32, #tpu.memory_space<vmem>>
    %dma_wait3A_298 = tpu.memref_slice %arg9[%mul3A_250] : memref<2097152xf32, #tpu.memory_space<hbm>> -> memref<256xf32, #tpu.memory_space<hbm>>
    tpu.wait_dma2 semaphore(%arg21 : memref<!tpu.dma_semaphore, #tpu.memory_space<semaphore_mem>>) src(%dma_wait3A_298 : memref<256xf32, #tpu.memory_space<hbm>>) dst(%dma_wait3A_297 : memref<256xf32, #tpu.memory_space<vmem>>)
    %dma_wait3A_299 = arith.constant 0 : i32
    %dma_wait3A_300 = arith.constant 0 : i32
    %dma_wait3A_301 = tpu.memref_slice %arg16[%dma_wait3A_299, %dma_wait3A_300] : memref<1024x32xbf16, #tpu.memory_space<vmem>> -> memref<128x32xbf16, #tpu.memory_space<vmem>>
    %dma_wait3A_302 = arith.constant 0 : i32
    %dma_wait3A_303 = tpu.memref_slice %arg12[%dma_wait3A_302] : memref<1024xi32, #tpu.memory_space<vmem>> -> memref<128xi32, #tpu.memory_space<vmem>>
    %dma_wait3A_304 = arith.constant 0 : i32
    %dma_wait3A_305 = arith.constant 0 : i32
    %dma_wait3A_306 = tpu.memref_slice %arg10[%dma_wait3A_304, %dma_wait3A_305] : memref<131072x32xbf16, #tpu.memory_space<hbm>> -> memref<131072x32xbf16, #tpu.memory_space<hbm>>
    tpu.wait_indirect_dma semaphore(%arg22 : memref<!tpu.dma_semaphore, #tpu.memory_space<semaphore_mem>>) src(%dma_wait3A_306 : memref<131072x32xbf16, #tpu.memory_space<hbm>>) dst(%dma_wait3A_301 : memref<128x32xbf16, #tpu.memory_space<vmem>>)
    %dma_wait3A_307 = arith.constant 128 : i32
    %dma_wait3A_308 = arith.constant 0 : i32
    %dma_wait3A_309 = tpu.memref_slice %arg16[%dma_wait3A_307, %dma_wait3A_308] : memref<1024x32xbf16, #tpu.memory_space<vmem>> -> memref<128x32xbf16, #tpu.memory_space<vmem>>
    %dma_wait3A_310 = arith.constant 128 : i32
    %dma_wait3A_311 = tpu.memref_slice %arg12[%dma_wait3A_310] : memref<1024xi32, #tpu.memory_space<vmem>> -> memref<128xi32, #tpu.memory_space<vmem>>
    %dma_wait3A_312 = arith.constant 0 : i32
    %dma_wait3A_313 = arith.constant 0 : i32
    %dma_wait3A_314 = tpu.memref_slice %arg10[%dma_wait3A_312, %dma_wait3A_313] : memref<131072x32xbf16, #tpu.memory_space<hbm>> -> memref<131072x32xbf16, #tpu.memory_space<hbm>>
    tpu.wait_indirect_dma semaphore(%arg22 : memref<!tpu.dma_semaphore, #tpu.memory_space<semaphore_mem>>) src(%dma_wait3A_314 : memref<131072x32xbf16, #tpu.memory_space<hbm>>) dst(%dma_wait3A_309 : memref<128x32xbf16, #tpu.memory_space<vmem>>)
    %dma_wait3A_315 = arith.constant 256 : i32
    %dma_wait3A_316 = arith.constant 0 : i32
    %dma_wait3A_317 = tpu.memref_slice %arg16[%dma_wait3A_315, %dma_wait3A_316] : memref<1024x32xbf16, #tpu.memory_space<vmem>> -> memref<128x32xbf16, #tpu.memory_space<vmem>>
    %dma_wait3A_318 = arith.constant 256 : i32
    %dma_wait3A_319 = tpu.memref_slice %arg12[%dma_wait3A_318] : memref<1024xi32, #tpu.memory_space<vmem>> -> memref<128xi32, #tpu.memory_space<vmem>>
    %dma_wait3A_320 = arith.constant 0 : i32
    %dma_wait3A_321 = arith.constant 0 : i32
    %dma_wait3A_322 = tpu.memref_slice %arg10[%dma_wait3A_320, %dma_wait3A_321] : memref<131072x32xbf16, #tpu.memory_space<hbm>> -> memref<131072x32xbf16, #tpu.memory_space<hbm>>
    tpu.wait_indirect_dma semaphore(%arg22 : memref<!tpu.dma_semaphore, #tpu.memory_space<semaphore_mem>>) src(%dma_wait3A_322 : memref<131072x32xbf16, #tpu.memory_space<hbm>>) dst(%dma_wait3A_317 : memref<128x32xbf16, #tpu.memory_space<vmem>>)
    %dma_wait3A_323 = arith.constant 384 : i32
    %dma_wait3A_324 = arith.constant 0 : i32
    %dma_wait3A_325 = tpu.memref_slice %arg16[%dma_wait3A_323, %dma_wait3A_324] : memref<1024x32xbf16, #tpu.memory_space<vmem>> -> memref<128x32xbf16, #tpu.memory_space<vmem>>
    %dma_wait3A_326 = arith.constant 384 : i32
    %dma_wait3A_327 = tpu.memref_slice %arg12[%dma_wait3A_326] : memref<1024xi32, #tpu.memory_space<vmem>> -> memref<128xi32, #tpu.memory_space<vmem>>
    %dma_wait3A_328 = arith.constant 0 : i32
    %dma_wait3A_329 = arith.constant 0 : i32
    %dma_wait3A_330 = tpu.memref_slice %arg10[%dma_wait3A_328, %dma_wait3A_329] : memref<131072x32xbf16, #tpu.memory_space<hbm>> -> memref<131072x32xbf16, #tpu.memory_space<hbm>>
    tpu.wait_indirect_dma semaphore(%arg22 : memref<!tpu.dma_semaphore, #tpu.memory_space<semaphore_mem>>) src(%dma_wait3A_330 : memref<131072x32xbf16, #tpu.memory_space<hbm>>) dst(%dma_wait3A_325 : memref<128x32xbf16, #tpu.memory_space<vmem>>)
    %dma_wait3A_331 = arith.constant 512 : i32
    %dma_wait3A_332 = arith.constant 0 : i32
    %dma_wait3A_333 = tpu.memref_slice %arg16[%dma_wait3A_331, %dma_wait3A_332] : memref<1024x32xbf16, #tpu.memory_space<vmem>> -> memref<128x32xbf16, #tpu.memory_space<vmem>>
    %dma_wait3A_334 = arith.constant 512 : i32
    %dma_wait3A_335 = tpu.memref_slice %arg12[%dma_wait3A_334] : memref<1024xi32, #tpu.memory_space<vmem>> -> memref<128xi32, #tpu.memory_space<vmem>>
    %dma_wait3A_336 = arith.constant 0 : i32
    %dma_wait3A_337 = arith.constant 0 : i32
    %dma_wait3A_338 = tpu.memref_slice %arg10[%dma_wait3A_336, %dma_wait3A_337] : memref<131072x32xbf16, #tpu.memory_space<hbm>> -> memref<131072x32xbf16, #tpu.memory_space<hbm>>
    tpu.wait_indirect_dma semaphore(%arg22 : memref<!tpu.dma_semaphore, #tpu.memory_space<semaphore_mem>>) src(%dma_wait3A_338 : memref<131072x32xbf16, #tpu.memory_space<hbm>>) dst(%dma_wait3A_333 : memref<128x32xbf16, #tpu.memory_space<vmem>>)
    %dma_wait3A_339 = arith.constant 640 : i32
    %dma_wait3A_340 = arith.constant 0 : i32
    %dma_wait3A_341 = tpu.memref_slice %arg16[%dma_wait3A_339, %dma_wait3A_340] : memref<1024x32xbf16, #tpu.memory_space<vmem>> -> memref<128x32xbf16, #tpu.memory_space<vmem>>
    %dma_wait3A_342 = arith.constant 640 : i32
    %dma_wait3A_343 = tpu.memref_slice %arg12[%dma_wait3A_342] : memref<1024xi32, #tpu.memory_space<vmem>> -> memref<128xi32, #tpu.memory_space<vmem>>
    %dma_wait3A_344 = arith.constant 0 : i32
    %dma_wait3A_345 = arith.constant 0 : i32
    %dma_wait3A_346 = tpu.memref_slice %arg10[%dma_wait3A_344, %dma_wait3A_345] : memref<131072x32xbf16, #tpu.memory_space<hbm>> -> memref<131072x32xbf16, #tpu.memory_space<hbm>>
    tpu.wait_indirect_dma semaphore(%arg22 : memref<!tpu.dma_semaphore, #tpu.memory_space<semaphore_mem>>) src(%dma_wait3A_346 : memref<131072x32xbf16, #tpu.memory_space<hbm>>) dst(%dma_wait3A_341 : memref<128x32xbf16, #tpu.memory_space<vmem>>)
    %dma_wait3A_347 = arith.constant 768 : i32
    %dma_wait3A_348 = arith.constant 0 : i32
    %dma_wait3A_349 = tpu.memref_slice %arg16[%dma_wait3A_347, %dma_wait3A_348] : memref<1024x32xbf16, #tpu.memory_space<vmem>> -> memref<128x32xbf16, #tpu.memory_space<vmem>>
    %dma_wait3A_350 = arith.constant 768 : i32
    %dma_wait3A_351 = tpu.memref_slice %arg12[%dma_wait3A_350] : memref<1024xi32, #tpu.memory_space<vmem>> -> memref<128xi32, #tpu.memory_space<vmem>>
    %dma_wait3A_352 = arith.constant 0 : i32
    %dma_wait3A_353 = arith.constant 0 : i32
    %dma_wait3A_354 = tpu.memref_slice %arg10[%dma_wait3A_352, %dma_wait3A_353] : memref<131072x32xbf16, #tpu.memory_space<hbm>> -> memref<131072x32xbf16, #tpu.memory_space<hbm>>
    tpu.wait_indirect_dma semaphore(%arg22 : memref<!tpu.dma_semaphore, #tpu.memory_space<semaphore_mem>>) src(%dma_wait3A_354 : memref<131072x32xbf16, #tpu.memory_space<hbm>>) dst(%dma_wait3A_349 : memref<128x32xbf16, #tpu.memory_space<vmem>>)
    %dma_wait3A_355 = arith.constant 896 : i32
    %dma_wait3A_356 = arith.constant 0 : i32
    %dma_wait3A_357 = tpu.memref_slice %arg16[%dma_wait3A_355, %dma_wait3A_356] : memref<1024x32xbf16, #tpu.memory_space<vmem>> -> memref<128x32xbf16, #tpu.memory_space<vmem>>
    %dma_wait3A_358 = arith.constant 896 : i32
    %dma_wait3A_359 = tpu.memref_slice %arg12[%dma_wait3A_358] : memref<1024xi32, #tpu.memory_space<vmem>> -> memref<128xi32, #tpu.memory_space<vmem>>
    %dma_wait3A_360 = arith.constant 0 : i32
    %dma_wait3A_361 = arith.constant 0 : i32
    %dma_wait3A_362 = tpu.memref_slice %arg10[%dma_wait3A_360, %dma_wait3A_361] : memref<131072x32xbf16, #tpu.memory_space<hbm>> -> memref<131072x32xbf16, #tpu.memory_space<hbm>>
    tpu.wait_indirect_dma semaphore(%arg22 : memref<!tpu.dma_semaphore, #tpu.memory_space<semaphore_mem>>) src(%dma_wait3A_362 : memref<131072x32xbf16, #tpu.memory_space<hbm>>) dst(%dma_wait3A_357 : memref<128x32xbf16, #tpu.memory_space<vmem>>)
    %mul3A_363 = arith.constant 4096 : i32
    %mul3A_364 = arith.muli %add3A, %mul3A_363 : i32
    %min3A_365 = arith.constant 254 : i32
    %min3A_366 = arith.constant 255 : i32
    %min3A_367 = arith.minsi %min3A_365, %min3A_366 : i32
    %mul3A_368 = arith.constant 16 : i32
    %mul3A_369 = arith.muli %min3A_367, %mul3A_368 : i32
    %add3A_370 = arith.addi %mul3A_364, %mul3A_369 : i32
    %dma_wait3A_371 = arith.constant 0 : i32
    %dma_wait3A_372 = tpu.memref_slice %arg11[%add3A_370, %dma_wait3A_371] : memref<131072x32xf32, #tpu.memory_space<hbm>> -> memref<16x32xf32, #tpu.memory_space<hbm>>
    %dma_wait3A_373 = arith.constant 0 : i32
    %dma_wait3A_374 = tpu.memref_slice %arg11[%add3A_370, %dma_wait3A_373] : memref<131072x32xf32, #tpu.memory_space<hbm>> -> memref<16x32xf32, #tpu.memory_space<hbm>>
    tpu.wait_dma2 semaphore(%arg24 : memref<!tpu.dma_semaphore, #tpu.memory_space<semaphore_mem>>) src(%arg18 : memref<16x32xf32, #tpu.memory_space<vmem>>) dst(%dma_wait3A_374 : memref<16x32xf32, #tpu.memory_space<hbm>>)
    %mul3A_375 = arith.constant 4096 : i32
    %mul3A_376 = arith.muli %add3A, %mul3A_375 : i32
    %min3A_377 = arith.constant 255 : i32
    %min3A_378 = arith.constant 255 : i32
    %min3A_379 = arith.minsi %min3A_377, %min3A_378 : i32
    %mul3A_380 = arith.constant 16 : i32
    %mul3A_381 = arith.muli %min3A_379, %mul3A_380 : i32
    %add3A_382 = arith.addi %mul3A_376, %mul3A_381 : i32
    %dma_wait3A_383 = arith.constant 0 : i32
    %dma_wait3A_384 = tpu.memref_slice %arg11[%add3A_382, %dma_wait3A_383] : memref<131072x32xf32, #tpu.memory_space<hbm>> -> memref<16x32xf32, #tpu.memory_space<hbm>>
    %dma_wait3A_385 = arith.constant 0 : i32
    %dma_wait3A_386 = tpu.memref_slice %arg11[%add3A_382, %dma_wait3A_385] : memref<131072x32xf32, #tpu.memory_space<hbm>> -> memref<16x32xf32, #tpu.memory_space<hbm>>
    tpu.wait_dma2 semaphore(%arg25 : memref<!tpu.dma_semaphore, #tpu.memory_space<semaphore_mem>>) src(%arg19 : memref<16x32xf32, #tpu.memory_space<vmem>>) dst(%dma_wait3A_386 : memref<16x32xf32, #tpu.memory_space<hbm>>)
    return
  }
}

module attributes {stable_mosaic.version = 14 : i64} {
  func.func @_proj_body(%arg0: i32, %arg1: i32, %arg2: memref<1x2048x256xf32, #tpu.memory_space<vmem>>, %arg3: memref<1x256x96xf32, #tpu.memory_space<vmem>>, %arg4: memref<1x1x96xf32, #tpu.memory_space<vmem>>, %arg5: memref<1x2048x96xf32, #tpu.memory_space<vmem>>) attributes {dimension_semantics = [#tpu.dimension_semantics<arbitrary>, #tpu.dimension_semantics<arbitrary>], iteration_bounds = array<i64: 4, 8>, scalar_prefetch = 0 : i64, scratch_operands = 0 : i64, tpu.core_type = #tpu.core_type<tc>, window_params = [{transform_indices = @transform_0, window_bounds = array<i64: 1, 2048, 256>}, {transform_indices = @transform_1, window_bounds = array<i64: 1, 256, 96>}, {transform_indices = @transform_2, window_bounds = array<i64: 1, 1, 96>}, {transform_indices = @transform_3, window_bounds = array<i64: 1, 2048, 96>}]} {
    %get3A = arith.constant 0 : index
    %get3A_0 = arith.constant 0 : index
    %get3A_1 = arith.constant 0 : index
    %get3A_2 = vector.load %arg2[%get3A, %get3A_0, %get3A_1] : memref<1x2048x256xf32, #tpu.memory_space<vmem>>, vector<1x2048x256xf32>
    %get3A_3 = vector.shape_cast %get3A_2 : vector<1x2048x256xf32> to vector<2048x256xf32>
    %get3A_4 = arith.constant 0 : index
    %get3A_5 = arith.constant 0 : index
    %get3A_6 = arith.constant 0 : index
    %get3A_7 = vector.load %arg3[%get3A_4, %get3A_5, %get3A_6] : memref<1x256x96xf32, #tpu.memory_space<vmem>>, vector<1x256x96xf32>
    %get3A_8 = vector.shape_cast %get3A_7 : vector<1x256x96xf32> to vector<256x96xf32>
    %dot_general3A = arith.constant dense<0.000000e+00> : vector<2048x96xf32>
    %dot_general3A_9 = tpu.matmul %get3A_3, %get3A_8, %dot_general3A {dimension_numbers = #tpu.dot_dimension_numbers<[1], [0], [0], [1], [0, 0, 1, 1], [], []>, transpose_lhs_hint = false} : vector<2048x256xf32>, vector<256x96xf32>, vector<2048x96xf32> -> vector<2048x96xf32>
    %get3A_10 = arith.constant 0 : index
    %get3A_11 = arith.constant 0 : index
    %get3A_12 = arith.constant 0 : index
    %get3A_13 = vector.load %arg4[%get3A_10, %get3A_11, %get3A_12] : memref<1x1x96xf32, #tpu.memory_space<vmem>>, vector<1x1x96xf32>
    %get3A_14 = vector.shape_cast %get3A_13 : vector<1x1x96xf32> to vector<1x96xf32>
    %add3A = vector.broadcast %get3A_14 : vector<1x96xf32> to vector<2048x96xf32>
    %add3A_15 = arith.addf %dot_general3A_9, %add3A : vector<2048x96xf32>
    %swap3A = arith.constant 0 : index
    %swap3A_16 = arith.constant 0 : index
    %swap3A_17 = arith.constant 0 : index
    %swap3A_18 = vector.load %arg5[%swap3A, %swap3A_16, %swap3A_17] : memref<1x2048x96xf32, #tpu.memory_space<vmem>>, vector<1x2048x96xf32>
    %swap3A_19 = vector.shape_cast %swap3A_18 : vector<1x2048x96xf32> to vector<2048x96xf32>
    %swap3A_20 = vector.shape_cast %add3A_15 : vector<2048x96xf32> to vector<1x2048x96xf32>
    tpu.vector_store %arg5[%swap3A, %swap3A_16, %swap3A_17], %swap3A_20 {strides = array<i32>} : memref<1x2048x96xf32, #tpu.memory_space<vmem>>, vector<1x2048x96xf32>,
    return
  }
  func.func @transform_0(%arg0: i32, %arg1: i32) -> (i32, i32, i32) {
    %c0_i32 = arith.constant 0 : i32
    %c0_i32_0 = arith.constant 0 : i32
    return %arg0, %arg1, %c0_i32 : i32, i32, i32
  }
  func.func @transform_1(%arg0: i32, %arg1: i32) -> (i32, i32, i32) {
    %c0_i32 = arith.constant 0 : i32
    %c0_i32_0 = arith.constant 0 : i32
    %c0_i32_1 = arith.constant 0 : i32
    return %arg0, %c0_i32, %c0_i32_0 : i32, i32, i32
  }
  func.func @transform_2(%arg0: i32, %arg1: i32) -> (i32, i32, i32) {
    %c0_i32 = arith.constant 0 : i32
    %c0_i32_0 = arith.constant 0 : i32
    %c0_i32_1 = arith.constant 0 : i32
    return %arg0, %c0_i32, %c0_i32_0 : i32, i32, i32
  }
  func.func @transform_3(%arg0: i32, %arg1: i32) -> (i32, i32, i32) {
    %c0_i32 = arith.constant 0 : i32
    %c0_i32_0 = arith.constant 0 : i32
    return %arg0, %arg1, %c0_i32 : i32, i32, i32
  }
}

module attributes {stable_mosaic.version = 14 : i64} {
  func.func @_mm_body(%arg0: i32, %arg1: memref<2048x256xf32, #tpu.memory_space<vmem>>, %arg2: memref<256x256xf32, #tpu.memory_space<vmem>>, %arg3: memref<1x256xf32, #tpu.memory_space<vmem>>, %arg4: memref<2048x256xf32, #tpu.memory_space<vmem>>) attributes {dimension_semantics = [#tpu.dimension_semantics<arbitrary>], iteration_bounds = array<i64: 8>, scalar_prefetch = 0 : i64, scratch_operands = 0 : i64, tpu.core_type = #tpu.core_type<tc>, window_params = [{transform_indices = @transform_0, window_bounds = array<i64: 2048, 256>}, {pipeline_mode = #tpu.pipeline_mode<synchronous>, transform_indices = @transform_1, window_bounds = array<i64: 256, 256>}, {pipeline_mode = #tpu.pipeline_mode<synchronous>, transform_indices = @transform_2, window_bounds = array<i64: 1, 256>}, {transform_indices = @transform_3, window_bounds = array<i64: 2048, 256>}]} {
    %get3A = arith.constant 0 : index
    %get3A_0 = arith.constant 0 : index
    %get3A_1 = vector.load %arg1[%get3A, %get3A_0] : memref<2048x256xf32, #tpu.memory_space<vmem>>, vector<2048x256xf32>
    %get3A_2 = arith.constant 0 : index
    %get3A_3 = arith.constant 0 : index
    %get3A_4 = vector.load %arg2[%get3A_2, %get3A_3] : memref<256x256xf32, #tpu.memory_space<vmem>>, vector<256x256xf32>
    %dot_general3A = arith.constant dense<0.000000e+00> : vector<2048x256xf32>
    %dot_general3A_5 = tpu.matmul %get3A_1, %get3A_4, %dot_general3A {dimension_numbers = #tpu.dot_dimension_numbers<[1], [0], [0], [1], [0, 0, 1, 1], [], []>, transpose_lhs_hint = false} : vector<2048x256xf32>, vector<256x256xf32>, vector<2048x256xf32> -> vector<2048x256xf32>
    %get3A_6 = arith.constant 0 : index
    %get3A_7 = arith.constant 0 : index
    %get3A_8 = vector.load %arg3[%get3A_6, %get3A_7] : memref<1x256xf32, #tpu.memory_space<vmem>>, vector<1x256xf32>
    %add3A = vector.broadcast %get3A_8 : vector<1x256xf32> to vector<2048x256xf32>
    %add3A_9 = arith.addf %dot_general3A_5, %add3A : vector<2048x256xf32>
    %swap3A = arith.constant 0 : index
    %swap3A_10 = arith.constant 0 : index
    %swap3A_11 = vector.load %arg4[%swap3A, %swap3A_10] : memref<2048x256xf32, #tpu.memory_space<vmem>>, vector<2048x256xf32>
    tpu.vector_store %arg4[%swap3A, %swap3A_10], %add3A_9 {strides = array<i32>} : memref<2048x256xf32, #tpu.memory_space<vmem>>, vector<2048x256xf32>,
    return
  }
  func.func @transform_0(%arg0: i32) -> (i32, i32) {
    %c0_i32 = arith.constant 0 : i32
    %c0_i32_0 = arith.constant 0 : i32
    return %arg0, %c0_i32 : i32, i32
  }
  func.func @transform_1(%arg0: i32) -> (i32, i32) {
    %c0_i32 = arith.constant 0 : i32
    %c0_i32_0 = arith.constant 0 : i32
    %c0_i32_1 = arith.constant 0 : i32
    return %c0_i32, %c0_i32_0 : i32, i32
  }
  func.func @transform_2(%arg0: i32) -> (i32, i32) {
    %c0_i32 = arith.constant 0 : i32
    %c0_i32_0 = arith.constant 0 : i32
    %c0_i32_1 = arith.constant 0 : i32
    return %c0_i32, %c0_i32_0 : i32, i32
  }
  func.func @transform_3(%arg0: i32) -> (i32, i32) {
    %c0_i32 = arith.constant 0 : i32
    %c0_i32_0 = arith.constant 0 : i32
    return %arg0, %c0_i32 : i32, i32
  }
}

module attributes {stable_mosaic.version = 14 : i64} {
  func.func @_idxw_body(%arg0: i32, %arg1: memref<1024x128xf32, #tpu.memory_space<vmem>>, %arg2: memref<1024x128xf32, #tpu.memory_space<vmem>>, %arg3: memref<1024x128xf32, #tpu.memory_space<vmem>>, %arg4: memref<1024x128xf32, #tpu.memory_space<vmem>>, %arg5: memref<1024x128xf32, #tpu.memory_space<vmem>>, %arg6: memref<131072xi32, #tpu.memory_space<vmem>>, %arg7: memref<131072xi32, #tpu.memory_space<vmem>>, %arg8: memref<131072xi32, #tpu.memory_space<vmem>>, %arg9: memref<131072xi32, #tpu.memory_space<vmem>>, %arg10: memref<131072xf32, #tpu.memory_space<vmem>>, %arg11: memref<131072xf32, #tpu.memory_space<vmem>>, %arg12: memref<131072xf32, #tpu.memory_space<vmem>>, %arg13: memref<131072xf32, #tpu.memory_space<vmem>>) attributes {dimension_semantics = [#tpu.dimension_semantics<arbitrary>], iteration_bounds = array<i64: 16>, scalar_prefetch = 0 : i64, scratch_operands = 0 : i64, tpu.core_type = #tpu.core_type<tc>, window_params = [{transform_indices = @transform_0, window_bounds = array<i64: 1024, 128>}, {transform_indices = @transform_1, window_bounds = array<i64: 1024, 128>}, {transform_indices = @transform_2, window_bounds = array<i64: 1024, 128>}, {transform_indices = @transform_3, window_bounds = array<i64: 1024, 128>}, {transform_indices = @transform_4, window_bounds = array<i64: 1024, 128>}, {transform_indices = @transform_5, window_bounds = array<i64: 131072>}, {transform_indices = @transform_6, window_bounds = array<i64: 131072>}, {transform_indices = @transform_7, window_bounds = array<i64: 131072>}, {transform_indices = @transform_8, window_bounds = array<i64: 131072>}, {transform_indices = @transform_9, window_bounds = array<i64: 131072>}, {transform_indices = @transform_10, window_bounds = array<i64: 131072>}, {transform_indices = @transform_11, window_bounds = array<i64: 131072>}, {transform_indices = @transform_12, window_bounds = array<i64: 131072>}]} {
    %get3A = arith.constant 0 : index
    %get3A_0 = arith.constant 0 : index
    %get3A_1 = vector.load %arg4[%get3A, %get3A_0] : memref<1024x128xf32, #tpu.memory_space<vmem>>, vector<1024x128xf32>
    %mul3A = arith.constant 6.400000e+01 : f32
    %mul3A_2 = vector.broadcast %mul3A : f32 to vector<1024x128xf32>
    %mul3A_3 = arith.mulf %get3A_1, %mul3A_2 : vector<1024x128xf32>
    %get3A_4 = arith.constant 0 : index
    %get3A_5 = arith.constant 0 : index
    %get3A_6 = vector.load %arg1[%get3A_4, %get3A_5] : memref<1024x128xf32, #tpu.memory_space<vmem>>, vector<1024x128xf32>
    %add3A = arith.addf %mul3A_3, %get3A_6 : vector<1024x128xf32>
    %sub3A = arith.constant 5.000000e-01 : f32
    %sub3A_7 = vector.broadcast %sub3A : f32 to vector<1024x128xf32>
    %sub3A_8 = arith.subf %add3A, %sub3A_7 : vector<1024x128xf32>
    %get3A_9 = arith.constant 0 : index
    %get3A_10 = arith.constant 0 : index
    %get3A_11 = vector.load %arg5[%get3A_9, %get3A_10] : memref<1024x128xf32, #tpu.memory_space<vmem>>, vector<1024x128xf32>
    %mul3A_12 = arith.constant 6.400000e+01 : f32
    %mul3A_13 = vector.broadcast %mul3A_12 : f32 to vector<1024x128xf32>
    %mul3A_14 = arith.mulf %get3A_11, %mul3A_13 : vector<1024x128xf32>
    %get3A_15 = arith.constant 0 : index
    %get3A_16 = arith.constant 0 : index
    %get3A_17 = vector.load %arg2[%get3A_15, %get3A_16] : memref<1024x128xf32, #tpu.memory_space<vmem>>, vector<1024x128xf32>
    %add3A_18 = arith.addf %mul3A_14, %get3A_17 : vector<1024x128xf32>
    %sub3A_19 = arith.constant 5.000000e-01 : f32
    %sub3A_20 = vector.broadcast %sub3A_19 : f32 to vector<1024x128xf32>
    %sub3A_21 = arith.subf %add3A_18, %sub3A_20 : vector<1024x128xf32>
    %floor3A = math.floor %sub3A_8 : vector<1024x128xf32>
    %floor3A_22 = math.floor %sub3A_21 : vector<1024x128xf32>
    %sub3A_23 = arith.subf %sub3A_8, %floor3A : vector<1024x128xf32>
    %sub3A_24 = arith.subf %sub3A_21, %floor3A_22 : vector<1024x128xf32>
    %convert_element_type3A = arith.fptosi %floor3A : vector<1024x128xf32> to vector<1024x128xi32>
    %convert_element_type3A_25 = arith.fptosi %floor3A_22 : vector<1024x128xf32> to vector<1024x128xi32>
    %add3A_26 = arith.constant 1 : i32
    %add3A_27 = vector.broadcast %add3A_26 : i32 to vector<1024x128xi32>
    %add3A_28 = arith.addi %convert_element_type3A, %add3A_27 : vector<1024x128xi32>
    %add3A_29 = arith.constant 1 : i32
    %add3A_30 = vector.broadcast %add3A_29 : i32 to vector<1024x128xi32>
    %add3A_31 = arith.addi %convert_element_type3A_25, %add3A_30 : vector<1024x128xi32>
    %ge3A = arith.constant 0 : i32
    %ge3A_32 = vector.broadcast %ge3A : i32 to vector<1024x128xi32>
    %ge3A_33 = arith.cmpi sge, %convert_element_type3A, %ge3A_32 : vector<1024x128xi32>
    %lt3A = arith.constant 64 : i32
    %lt3A_34 = vector.broadcast %lt3A : i32 to vector<1024x128xi32>
    %lt3A_35 = arith.cmpi slt, %convert_element_type3A, %lt3A_34 : vector<1024x128xi32>
    %and3A = arith.andi %ge3A_33, %lt3A_35 : vector<1024x128xi1>
    %convert_element_type3A_36 = arith.extui %and3A : vector<1024x128xi1> to vector<1024x128xi32>
    %convert_element_type3A_37 = arith.sitofp %convert_element_type3A_36 : vector<1024x128xi32> to vector<1024x128xf32>
    %ge3A_38 = arith.constant 0 : i32
    %ge3A_39 = vector.broadcast %ge3A_38 : i32 to vector<1024x128xi32>
    %ge3A_40 = arith.cmpi sge, %add3A_28, %ge3A_39 : vector<1024x128xi32>
    %lt3A_41 = arith.constant 64 : i32
    %lt3A_42 = vector.broadcast %lt3A_41 : i32 to vector<1024x128xi32>
    %lt3A_43 = arith.cmpi slt, %add3A_28, %lt3A_42 : vector<1024x128xi32>
    %and3A_44 = arith.andi %ge3A_40, %lt3A_43 : vector<1024x128xi1>
    %convert_element_type3A_45 = arith.extui %and3A_44 : vector<1024x128xi1> to vector<1024x128xi32>
    %convert_element_type3A_46 = arith.sitofp %convert_element_type3A_45 : vector<1024x128xi32> to vector<1024x128xf32>
    %ge3A_47 = arith.constant 0 : i32
    %ge3A_48 = vector.broadcast %ge3A_47 : i32 to vector<1024x128xi32>
    %ge3A_49 = arith.cmpi sge, %convert_element_type3A_25, %ge3A_48 : vector<1024x128xi32>
    %lt3A_50 = arith.constant 64 : i32
    %lt3A_51 = vector.broadcast %lt3A_50 : i32 to vector<1024x128xi32>
    %lt3A_52 = arith.cmpi slt, %convert_element_type3A_25, %lt3A_51 : vector<1024x128xi32>
    %and3A_53 = arith.andi %ge3A_49, %lt3A_52 : vector<1024x128xi1>
    %convert_element_type3A_54 = arith.extui %and3A_53 : vector<1024x128xi1> to vector<1024x128xi32>
    %convert_element_type3A_55 = arith.sitofp %convert_element_type3A_54 : vector<1024x128xi32> to vector<1024x128xf32>
    %ge3A_56 = arith.constant 0 : i32
    %ge3A_57 = vector.broadcast %ge3A_56 : i32 to vector<1024x128xi32>
    %ge3A_58 = arith.cmpi sge, %add3A_31, %ge3A_57 : vector<1024x128xi32>
    %lt3A_59 = arith.constant 64 : i32
    %lt3A_60 = vector.broadcast %lt3A_59 : i32 to vector<1024x128xi32>
    %lt3A_61 = arith.cmpi slt, %add3A_31, %lt3A_60 : vector<1024x128xi32>
    %and3A_62 = arith.andi %ge3A_58, %lt3A_61 : vector<1024x128xi1>
    %convert_element_type3A_63 = arith.extui %and3A_62 : vector<1024x128xi1> to vector<1024x128xi32>
    %convert_element_type3A_64 = arith.sitofp %convert_element_type3A_63 : vector<1024x128xi32> to vector<1024x128xf32>
    %jit3A = arith.constant 0 : i32
    %jit3A_65 = arith.constant 63 : i32
    %max3A = vector.broadcast %jit3A : i32 to vector<1024x128xi32>
    %max3A_66 = arith.maxsi %max3A, %convert_element_type3A : vector<1024x128xi32>
    %min3A = vector.broadcast %jit3A_65 : i32 to vector<1024x128xi32>
    %min3A_67 = arith.minsi %min3A, %max3A_66 : vector<1024x128xi32>
    %jit3A_68 = arith.constant 0 : i32
    %jit3A_69 = arith.constant 63 : i32
    %max3A_70 = vector.broadcast %jit3A_68 : i32 to vector<1024x128xi32>
    %max3A_71 = arith.maxsi %max3A_70, %add3A_28 : vector<1024x128xi32>
    %min3A_72 = vector.broadcast %jit3A_69 : i32 to vector<1024x128xi32>
    %min3A_73 = arith.minsi %min3A_72, %max3A_71 : vector<1024x128xi32>
    %jit3A_74 = arith.constant 0 : i32
    %jit3A_75 = arith.constant 63 : i32
    %max3A_76 = vector.broadcast %jit3A_74 : i32 to vector<1024x128xi32>
    %max3A_77 = arith.maxsi %max3A_76, %convert_element_type3A_25 : vector<1024x128xi32>
    %min3A_78 = vector.broadcast %jit3A_75 : i32 to vector<1024x128xi32>
    %min3A_79 = arith.minsi %min3A_78, %max3A_77 : vector<1024x128xi32>
    %jit3A_80 = arith.constant 0 : i32
    %jit3A_81 = arith.constant 63 : i32
    %max3A_82 = vector.broadcast %jit3A_80 : i32 to vector<1024x128xi32>
    %max3A_83 = arith.maxsi %max3A_82, %add3A_31 : vector<1024x128xi32>
    %min3A_84 = vector.broadcast %jit3A_81 : i32 to vector<1024x128xi32>
    %min3A_85 = arith.minsi %min3A_84, %max3A_83 : vector<1024x128xi32>
    %get3A_86 = arith.constant 0 : index
    %get3A_87 = arith.constant 0 : index
    %get3A_88 = vector.load %arg3[%get3A_86, %get3A_87] : memref<1024x128xf32, #tpu.memory_space<vmem>>, vector<1024x128xf32>
    %reshape3A = vector.shape_cast %get3A_88 : vector<1024x128xf32> to vector<1024x8x16xf32>
    %reduce_max3A = arith.constant dense<0xFF800000> : vector<1024x8xf32>
    %reduce_max3A_89 = vector.multi_reduction <maximumf>, %reshape3A, %reduce_max3A [2] : vector<1024x8x16xf32> to vector<1024x8xf32>
    %broadcast_in_dim3A = vector.shape_cast %reduce_max3A_89 : vector<1024x8xf32> to vector<1024x8x1xf32>
    %sub3A_90 = vector.broadcast %broadcast_in_dim3A : vector<1024x8x1xf32> to vector<1024x8x16xf32>
    %sub3A_91 = arith.subf %reshape3A, %sub3A_90 : vector<1024x8x16xf32>
    %exp3A = math.exp %sub3A_91 : vector<1024x8x16xf32>
    %reduce_sum3A = arith.constant dense<0.000000e+00> : vector<1024x8xf32>
    %reduce_sum3A_92 = vector.multi_reduction <add>, %exp3A, %reduce_sum3A [2] : vector<1024x8x16xf32> to vector<1024x8xf32>
    %broadcast_in_dim3A_93 = vector.shape_cast %reduce_sum3A_92 : vector<1024x8xf32> to vector<1024x8x1xf32>
    %div3A = vector.broadcast %broadcast_in_dim3A_93 : vector<1024x8x1xf32> to vector<1024x8x16xf32>
    %div3A_94 = arith.divf %exp3A, %div3A : vector<1024x8x16xf32>
    %reshape3A_95 = vector.shape_cast %div3A_94 : vector<1024x8x16xf32> to vector<1024x128xf32>
    %iota3A = tpu.iota {dimensions = array<i32: 1>} : vector<1024x128xi32>
    %jit3A_96 = arith.constant 16 : i32
    %div3A_97 = vector.broadcast %jit3A_96 : i32 to vector<1024x128xi32>
    %div3A_98 = arith.divsi %iota3A, %div3A_97 : vector<1024x128xi32>
    %sign3A = arith.constant 0 : i32
    %sign3A_99 = vector.broadcast %sign3A : i32 to vector<1024x128xi32>
    %sign3A_100 = arith.cmpi sgt, %iota3A, %sign3A_99 : vector<1024x128xi32>
    %sign3A_101 = arith.extui %sign3A_100 : vector<1024x128xi1> to vector<1024x128xi32>
    %sign3A_102 = arith.constant 0 : i32
    %sign3A_103 = vector.broadcast %sign3A_102 : i32 to vector<1024x128xi32>
    %sign3A_104 = arith.cmpi slt, %iota3A, %sign3A_103 : vector<1024x128xi32>
    %sign3A_105 = arith.extui %sign3A_104 : vector<1024x128xi1> to vector<1024x128xi32>
    %sign3A_106 = arith.subi %sign3A_101, %sign3A_105 : vector<1024x128xi32>
    %sign3A_107 = arith.constant 0 : i32
    %sign3A_108 = arith.cmpi sgt, %jit3A_96, %sign3A_107 : i32
    %sign3A_109 = arith.extui %sign3A_108 : i1 to i32
    %sign3A_110 = arith.constant 0 : i32
    %sign3A_111 = arith.cmpi slt, %jit3A_96, %sign3A_110 : i32
    %sign3A_112 = arith.extui %sign3A_111 : i1 to i32
    %sign3A_113 = arith.subi %sign3A_109, %sign3A_112 : i32
    %ne3A = vector.broadcast %sign3A_113 : i32 to vector<1024x128xi32>
    %ne3A_114 = arith.cmpi ne, %sign3A_106, %ne3A : vector<1024x128xi32>
    %rem3A = vector.broadcast %jit3A_96 : i32 to vector<1024x128xi32>
    %rem3A_115 = arith.remsi %iota3A, %rem3A : vector<1024x128xi32>
    %ne3A_116 = arith.constant 0 : i32
    %ne3A_117 = vector.broadcast %ne3A_116 : i32 to vector<1024x128xi32>
    %ne3A_118 = arith.cmpi ne, %rem3A_115, %ne3A_117 : vector<1024x128xi32>
    %and3A_119 = arith.andi %ne3A_114, %ne3A_118 : vector<1024x128xi1>
    %sub3A_120 = arith.constant 1 : i32
    %sub3A_121 = vector.broadcast %sub3A_120 : i32 to vector<1024x128xi32>
    %sub3A_122 = arith.subi %div3A_98, %sub3A_121 : vector<1024x128xi32>
    %select_n3A = arith.select %and3A_119, %sub3A_122, %div3A_98 : vector<1024x128xi1>, vector<1024x128xi32>
    %jit3A_123 = arith.constant 4 : i32
    %div3A_124 = vector.broadcast %jit3A_123 : i32 to vector<1024x128xi32>
    %div3A_125 = arith.divsi %iota3A, %div3A_124 : vector<1024x128xi32>
    %sign3A_126 = arith.constant 0 : i32
    %sign3A_127 = vector.broadcast %sign3A_126 : i32 to vector<1024x128xi32>
    %sign3A_128 = arith.cmpi sgt, %iota3A, %sign3A_127 : vector<1024x128xi32>
    %sign3A_129 = arith.extui %sign3A_128 : vector<1024x128xi1> to vector<1024x128xi32>
    %sign3A_130 = arith.constant 0 : i32
    %sign3A_131 = vector.broadcast %sign3A_130 : i32 to vector<1024x128xi32>
    %sign3A_132 = arith.cmpi slt, %iota3A, %sign3A_131 : vector<1024x128xi32>
    %sign3A_133 = arith.extui %sign3A_132 : vector<1024x128xi1> to vector<1024x128xi32>
    %sign3A_134 = arith.subi %sign3A_129, %sign3A_133 : vector<1024x128xi32>
    %sign3A_135 = arith.constant 0 : i32
    %sign3A_136 = arith.cmpi sgt, %jit3A_123, %sign3A_135 : i32
    %sign3A_137 = arith.extui %sign3A_136 : i1 to i32
    %sign3A_138 = arith.constant 0 : i32
    %sign3A_139 = arith.cmpi slt, %jit3A_123, %sign3A_138 : i32
    %sign3A_140 = arith.extui %sign3A_139 : i1 to i32
    %sign3A_141 = arith.subi %sign3A_137, %sign3A_140 : i32
    %ne3A_142 = vector.broadcast %sign3A_141 : i32 to vector<1024x128xi32>
    %ne3A_143 = arith.cmpi ne, %sign3A_134, %ne3A_142 : vector<1024x128xi32>
    %rem3A_144 = vector.broadcast %jit3A_123 : i32 to vector<1024x128xi32>
    %rem3A_145 = arith.remsi %iota3A, %rem3A_144 : vector<1024x128xi32>
    %ne3A_146 = arith.constant 0 : i32
    %ne3A_147 = vector.broadcast %ne3A_146 : i32 to vector<1024x128xi32>
    %ne3A_148 = arith.cmpi ne, %rem3A_145, %ne3A_147 : vector<1024x128xi32>
    %and3A_149 = arith.andi %ne3A_143, %ne3A_148 : vector<1024x128xi1>
    %sub3A_150 = arith.constant 1 : i32
    %sub3A_151 = vector.broadcast %sub3A_150 : i32 to vector<1024x128xi32>
    %sub3A_152 = arith.subi %div3A_125, %sub3A_151 : vector<1024x128xi32>
    %select_n3A_153 = arith.select %and3A_149, %sub3A_152, %div3A_125 : vector<1024x128xi1>, vector<1024x128xi32>
    %jit3A_154 = arith.constant 4 : i32
    %eq3A = arith.constant 0 : i32
    %eq3A_155 = arith.cmpi eq, %jit3A_154, %eq3A : i32
    %jit3A_156 = arith.constant 1 : i32
    %select_n3A_157 = arith.select %eq3A_155, %jit3A_156, %jit3A_154 : i32
    %rem3A_158 = vector.broadcast %select_n3A_157 : i32 to vector<1024x128xi32>
    %rem3A_159 = arith.remsi %select_n3A_153, %rem3A_158 : vector<1024x128xi32>
    %ne3A_160 = arith.constant 0 : i32
    %ne3A_161 = vector.broadcast %ne3A_160 : i32 to vector<1024x128xi32>
    %ne3A_162 = arith.cmpi ne, %rem3A_159, %ne3A_161 : vector<1024x128xi32>
    %lt3A_163 = arith.constant 0 : i32
    %lt3A_164 = vector.broadcast %lt3A_163 : i32 to vector<1024x128xi32>
    %lt3A_165 = arith.cmpi slt, %rem3A_159, %lt3A_164 : vector<1024x128xi32>
    %lt3A_166 = arith.constant 0 : i32
    %lt3A_167 = arith.cmpi slt, %select_n3A_157, %lt3A_166 : i32
    %ne3A_168 = vector.broadcast %lt3A_167 : i1 to vector<1024x128xi1>
    %ne3A_169 = vector.broadcast %ne3A_168 : vector<1024x128xi1> to vector<1024x128xi1>
    %ne3A_170 = arith.xori %lt3A_165, %ne3A_169 : vector<1024x128xi1>
    %and3A_171 = arith.andi %ne3A_170, %ne3A_162 : vector<1024x128xi1>
    %add3A_172 = vector.broadcast %select_n3A_157 : i32 to vector<1024x128xi32>
    %add3A_173 = arith.addi %rem3A_159, %add3A_172 : vector<1024x128xi32>
    %select_n3A_174 = arith.select %and3A_171, %add3A_173, %rem3A_159 : vector<1024x128xi1>, vector<1024x128xi32>
    %mul3A_175 = arith.constant 4096 : i32
    %mul3A_176 = vector.broadcast %mul3A_175 : i32 to vector<1024x128xi32>
    %mul3A_177 = arith.muli %select_n3A_174, %mul3A_176 : vector<1024x128xi32>
    %mul3A_178 = arith.constant 64 : i32
    %mul3A_179 = vector.broadcast %mul3A_178 : i32 to vector<1024x128xi32>
    %mul3A_180 = arith.muli %min3A_79, %mul3A_179 : vector<1024x128xi32>
    %add3A_181 = arith.addi %mul3A_177, %mul3A_180 : vector<1024x128xi32>
    %add3A_182 = arith.addi %add3A_181, %min3A_67 : vector<1024x128xi32>
    %mul3A_183 = arith.constant 8 : i32
    %mul3A_184 = vector.broadcast %mul3A_183 : i32 to vector<1024x128xi32>
    %mul3A_185 = arith.muli %add3A_182, %mul3A_184 : vector<1024x128xi32>
    %add3A_186 = arith.addi %mul3A_185, %select_n3A : vector<1024x128xi32>
    %reshape3A_187 = vector.shape_cast %add3A_186 : vector<1024x128xi32> to vector<131072xi32>
    %swap3A = arith.constant 0 : index
    %swap3A_188 = vector.load %arg6[%swap3A] : memref<131072xi32, #tpu.memory_space<vmem>>, vector<131072xi32>
    tpu.vector_store %arg6[%swap3A], %reshape3A_187 {strides = array<i32>} : memref<131072xi32, #tpu.memory_space<vmem>>, vector<131072xi32>,
    %mul3A_189 = arith.constant 64 : i32
    %mul3A_190 = vector.broadcast %mul3A_189 : i32 to vector<1024x128xi32>
    %mul3A_191 = arith.muli %min3A_79, %mul3A_190 : vector<1024x128xi32>
    %add3A_192 = arith.addi %mul3A_177, %mul3A_191 : vector<1024x128xi32>
    %add3A_193 = arith.addi %add3A_192, %min3A_73 : vector<1024x128xi32>
    %mul3A_194 = arith.constant 8 : i32
    %mul3A_195 = vector.broadcast %mul3A_194 : i32 to vector<1024x128xi32>
    %mul3A_196 = arith.muli %add3A_193, %mul3A_195 : vector<1024x128xi32>
    %add3A_197 = arith.addi %mul3A_196, %select_n3A : vector<1024x128xi32>
    %reshape3A_198 = vector.shape_cast %add3A_197 : vector<1024x128xi32> to vector<131072xi32>
    %swap3A_199 = arith.constant 0 : index
    %swap3A_200 = vector.load %arg7[%swap3A_199] : memref<131072xi32, #tpu.memory_space<vmem>>, vector<131072xi32>
    tpu.vector_store %arg7[%swap3A_199], %reshape3A_198 {strides = array<i32>} : memref<131072xi32, #tpu.memory_space<vmem>>, vector<131072xi32>,
    %mul3A_201 = arith.constant 64 : i32
    %mul3A_202 = vector.broadcast %mul3A_201 : i32 to vector<1024x128xi32>
    %mul3A_203 = arith.muli %min3A_85, %mul3A_202 : vector<1024x128xi32>
    %add3A_204 = arith.addi %mul3A_177, %mul3A_203 : vector<1024x128xi32>
    %add3A_205 = arith.addi %add3A_204, %min3A_67 : vector<1024x128xi32>
    %mul3A_206 = arith.constant 8 : i32
    %mul3A_207 = vector.broadcast %mul3A_206 : i32 to vector<1024x128xi32>
    %mul3A_208 = arith.muli %add3A_205, %mul3A_207 : vector<1024x128xi32>
    %add3A_209 = arith.addi %mul3A_208, %select_n3A : vector<1024x128xi32>
    %reshape3A_210 = vector.shape_cast %add3A_209 : vector<1024x128xi32> to vector<131072xi32>
    %swap3A_211 = arith.constant 0 : index
    %swap3A_212 = vector.load %arg8[%swap3A_211] : memref<131072xi32, #tpu.memory_space<vmem>>, vector<131072xi32>
    tpu.vector_store %arg8[%swap3A_211], %reshape3A_210 {strides = array<i32>} : memref<131072xi32, #tpu.memory_space<vmem>>, vector<131072xi32>,
    %mul3A_213 = arith.constant 64 : i32
    %mul3A_214 = vector.broadcast %mul3A_213 : i32 to vector<1024x128xi32>
    %mul3A_215 = arith.muli %min3A_85, %mul3A_214 : vector<1024x128xi32>
    %add3A_216 = arith.addi %mul3A_177, %mul3A_215 : vector<1024x128xi32>
    %add3A_217 = arith.addi %add3A_216, %min3A_73 : vector<1024x128xi32>
    %mul3A_218 = arith.constant 8 : i32
    %mul3A_219 = vector.broadcast %mul3A_218 : i32 to vector<1024x128xi32>
    %mul3A_220 = arith.muli %add3A_217, %mul3A_219 : vector<1024x128xi32>
    %add3A_221 = arith.addi %mul3A_220, %select_n3A : vector<1024x128xi32>
    %reshape3A_222 = vector.shape_cast %add3A_221 : vector<1024x128xi32> to vector<131072xi32>
    %swap3A_223 = arith.constant 0 : index
    %swap3A_224 = vector.load %arg9[%swap3A_223] : memref<131072xi32, #tpu.memory_space<vmem>>, vector<131072xi32>
    tpu.vector_store %arg9[%swap3A_223], %reshape3A_222 {strides = array<i32>} : memref<131072xi32, #tpu.memory_space<vmem>>, vector<131072xi32>,
    %sub3A_225 = arith.constant 1.000000e+00 : f32
    %sub3A_226 = vector.broadcast %sub3A_225 : f32 to vector<1024x128xf32>
    %sub3A_227 = arith.subf %sub3A_226, %sub3A_23 : vector<1024x128xf32>
    %mul3A_228 = arith.mulf %sub3A_227, %convert_element_type3A_37 : vector<1024x128xf32>
    %mul3A_229 = arith.mulf %sub3A_23, %convert_element_type3A_46 : vector<1024x128xf32>
    %sub3A_230 = arith.constant 1.000000e+00 : f32
    %sub3A_231 = vector.broadcast %sub3A_230 : f32 to vector<1024x128xf32>
    %sub3A_232 = arith.subf %sub3A_231, %sub3A_24 : vector<1024x128xf32>
    %mul3A_233 = arith.mulf %sub3A_232, %convert_element_type3A_55 : vector<1024x128xf32>
    %mul3A_234 = arith.mulf %sub3A_24, %convert_element_type3A_64 : vector<1024x128xf32>
    %mul3A_235 = arith.mulf %reshape3A_95, %mul3A_233 : vector<1024x128xf32>
    %mul3A_236 = arith.mulf %mul3A_235, %mul3A_228 : vector<1024x128xf32>
    %reshape3A_237 = vector.shape_cast %mul3A_236 : vector<1024x128xf32> to vector<131072xf32>
    %swap3A_238 = arith.constant 0 : index
    %swap3A_239 = vector.load %arg10[%swap3A_238] : memref<131072xf32, #tpu.memory_space<vmem>>, vector<131072xf32>
    tpu.vector_store %arg10[%swap3A_238], %reshape3A_237 {strides = array<i32>} : memref<131072xf32, #tpu.memory_space<vmem>>, vector<131072xf32>,
    %mul3A_240 = arith.mulf %reshape3A_95, %mul3A_233 : vector<1024x128xf32>
    %mul3A_241 = arith.mulf %mul3A_240, %mul3A_229 : vector<1024x128xf32>
    %reshape3A_242 = vector.shape_cast %mul3A_241 : vector<1024x128xf32> to vector<131072xf32>
    %swap3A_243 = arith.constant 0 : index
    %swap3A_244 = vector.load %arg11[%swap3A_243] : memref<131072xf32, #tpu.memory_space<vmem>>, vector<131072xf32>
    tpu.vector_store %arg11[%swap3A_243], %reshape3A_242 {strides = array<i32>} : memref<131072xf32, #tpu.memory_space<vmem>>, vector<131072xf32>,
    %mul3A_245 = arith.mulf %reshape3A_95, %mul3A_234 : vector<1024x128xf32>
    %mul3A_246 = arith.mulf %mul3A_245, %mul3A_228 : vector<1024x128xf32>
    %reshape3A_247 = vector.shape_cast %mul3A_246 : vector<1024x128xf32> to vector<131072xf32>
    %swap3A_248 = arith.constant 0 : index
    %swap3A_249 = vector.load %arg12[%swap3A_248] : memref<131072xf32, #tpu.memory_space<vmem>>, vector<131072xf32>
    tpu.vector_store %arg12[%swap3A_248], %reshape3A_247 {strides = array<i32>} : memref<131072xf32, #tpu.memory_space<vmem>>, vector<131072xf32>,
    %mul3A_250 = arith.mulf %reshape3A_95, %mul3A_234 : vector<1024x128xf32>
    %mul3A_251 = arith.mulf %mul3A_250, %mul3A_229 : vector<1024x128xf32>
    %reshape3A_252 = vector.shape_cast %mul3A_251 : vector<1024x128xf32> to vector<131072xf32>
    %swap3A_253 = arith.constant 0 : index
    %swap3A_254 = vector.load %arg13[%swap3A_253] : memref<131072xf32, #tpu.memory_space<vmem>>, vector<131072xf32>
    tpu.vector_store %arg13[%swap3A_253], %reshape3A_252 {strides = array<i32>} : memref<131072xf32, #tpu.memory_space<vmem>>, vector<131072xf32>,
    return
  }
  func.func @transform_0(%arg0: i32) -> (i32, i32) {
    %c0_i32 = arith.constant 0 : i32
    %c0_i32_0 = arith.constant 0 : i32
    return %arg0, %c0_i32 : i32, i32
  }
  func.func @transform_1(%arg0: i32) -> (i32, i32) {
    %c0_i32 = arith.constant 0 : i32
    %c0_i32_0 = arith.constant 0 : i32
    return %arg0, %c0_i32 : i32, i32
  }
  func.func @transform_2(%arg0: i32) -> (i32, i32) {
    %c0_i32 = arith.constant 0 : i32
    %c0_i32_0 = arith.constant 0 : i32
    return %arg0, %c0_i32 : i32, i32
  }
  func.func @transform_3(%arg0: i32) -> (i32, i32) {
    %c0_i32 = arith.constant 0 : i32
    %c0_i32_0 = arith.constant 0 : i32
    return %arg0, %c0_i32 : i32, i32
  }
  func.func @transform_4(%arg0: i32) -> (i32, i32) {
    %c0_i32 = arith.constant 0 : i32
    %c0_i32_0 = arith.constant 0 : i32
    return %arg0, %c0_i32 : i32, i32
  }
  func.func @transform_5(%arg0: i32) -> i32 {
    %c0_i32 = arith.constant 0 : i32
    return %arg0 : i32
  }
  func.func @transform_6(%arg0: i32) -> i32 {
    %c0_i32 = arith.constant 0 : i32
    return %arg0 : i32
  }
  func.func @transform_7(%arg0: i32) -> i32 {
    %c0_i32 = arith.constant 0 : i32
    return %arg0 : i32
  }
  func.func @transform_8(%arg0: i32) -> i32 {
    %c0_i32 = arith.constant 0 : i32
    return %arg0 : i32
  }
  func.func @transform_9(%arg0: i32) -> i32 {
    %c0_i32 = arith.constant 0 : i32
    return %arg0 : i32
  }
  func.func @transform_10(%arg0: i32) -> i32 {
    %c0_i32 = arith.constant 0 : i32
    return %arg0 : i32
  }
  func.func @transform_11(%arg0: i32) -> i32 {
    %c0_i32 = arith.constant 0 : i32
    return %arg0 : i32
  }
  func.func @transform_12(%arg0: i32) -> i32 {
    %c0_i32 = arith.constant 0 : i32
    return %arg0 : i32
  }
}

module attributes {stable_mosaic.version = 14 : i64} {
  func.func @_mm_body(%arg0: i32, %arg1: memref<2048x256xf32, #tpu.memory_space<vmem>>, %arg2: memref<256x256xf32, #tpu.memory_space<vmem>>, %arg3: memref<1x256xf32, #tpu.memory_space<vmem>>, %arg4: memref<2048x256xf32, #tpu.memory_space<vmem>>) attributes {dimension_semantics = [#tpu.dimension_semantics<arbitrary>], iteration_bounds = array<i64: 8>, scalar_prefetch = 0 : i64, scratch_operands = 0 : i64, tpu.core_type = #tpu.core_type<tc>, window_params = [{transform_indices = @transform_0, window_bounds = array<i64: 2048, 256>}, {pipeline_mode = #tpu.pipeline_mode<synchronous>, transform_indices = @transform_1, window_bounds = array<i64: 256, 256>}, {pipeline_mode = #tpu.pipeline_mode<synchronous>, transform_indices = @transform_2, window_bounds = array<i64: 1, 256>}, {transform_indices = @transform_3, window_bounds = array<i64: 2048, 256>}]} {
    %get3A = arith.constant 0 : index
    %get3A_0 = arith.constant 0 : index
    %get3A_1 = vector.load %arg1[%get3A, %get3A_0] : memref<2048x256xf32, #tpu.memory_space<vmem>>, vector<2048x256xf32>
    %get3A_2 = arith.constant 0 : index
    %get3A_3 = arith.constant 0 : index
    %get3A_4 = vector.load %arg2[%get3A_2, %get3A_3] : memref<256x256xf32, #tpu.memory_space<vmem>>, vector<256x256xf32>
    %dot_general3A = arith.constant dense<0.000000e+00> : vector<2048x256xf32>
    %dot_general3A_5 = tpu.matmul %get3A_1, %get3A_4, %dot_general3A {dimension_numbers = #tpu.dot_dimension_numbers<[1], [0], [0], [1], [0, 0, 1, 1], [], []>, transpose_lhs_hint = false} : vector<2048x256xf32>, vector<256x256xf32>, vector<2048x256xf32> -> vector<2048x256xf32>
    %get3A_6 = arith.constant 0 : index
    %get3A_7 = arith.constant 0 : index
    %get3A_8 = vector.load %arg3[%get3A_6, %get3A_7] : memref<1x256xf32, #tpu.memory_space<vmem>>, vector<1x256xf32>
    %add3A = vector.broadcast %get3A_8 : vector<1x256xf32> to vector<2048x256xf32>
    %add3A_9 = arith.addf %dot_general3A_5, %add3A : vector<2048x256xf32>
    %swap3A = arith.constant 0 : index
    %swap3A_10 = arith.constant 0 : index
    %swap3A_11 = vector.load %arg4[%swap3A, %swap3A_10] : memref<2048x256xf32, #tpu.memory_space<vmem>>, vector<2048x256xf32>
    tpu.vector_store %arg4[%swap3A, %swap3A_10], %add3A_9 {strides = array<i32>} : memref<2048x256xf32, #tpu.memory_space<vmem>>, vector<2048x256xf32>,
    return
  }
  func.func @transform_0(%arg0: i32) -> (i32, i32) {
    %c0_i32 = arith.constant 0 : i32
    %c0_i32_0 = arith.constant 0 : i32
    return %arg0, %c0_i32 : i32, i32
  }
  func.func @transform_1(%arg0: i32) -> (i32, i32) {
    %c0_i32 = arith.constant 0 : i32
    %c0_i32_0 = arith.constant 0 : i32
    %c0_i32_1 = arith.constant 0 : i32
    return %c0_i32, %c0_i32_0 : i32, i32
  }
  func.func @transform_2(%arg0: i32) -> (i32, i32) {
    %c0_i32 = arith.constant 0 : i32
    %c0_i32_0 = arith.constant 0 : i32
    %c0_i32_1 = arith.constant 0 : i32
    return %c0_i32, %c0_i32_0 : i32, i32
  }
  func.func @transform_3(%arg0: i32) -> (i32, i32) {
    %c0_i32 = arith.constant 0 : i32
    %c0_i32_0 = arith.constant 0 : i32
    return %arg0, %c0_i32 : i32, i32
  }
}

</mosaic_0001>

<sc_bundles>
// kernel: kernel.7.cloned.1.call-start
scs
__scs_entry_jumppad:
0x0: {  	(pc) =	sbr.rel $0x88, $3  }
0x1: {  	(tag) =	ssettag $0x0;
	lr =	simm.s32 $0x1  }
0x2: {  	[smem:$0x3F96] =	sst lr;
	_ =	strace $0xD0000000  }
0x3: {  	_ = 	snop  }
0x4: {  	_ = 	snop  }
0x5: {  	_ = 	snop  }
0x6: {  	_ = 	snop  }
0x7: {  	_ = 	snop  }
__scs_overlays_trampoline_lowered:
0x8: {  	[smem:$0x3FA5] =	sst s0  }
0x9: {  	[smem:$0x3FA6] =	sst s1  }
0xa: {  	[smem:$0x3FA7] =	sst s2  }
0xb: {  	[smem:$0x3FA8] =	sst s3  }
0xc: {  	[smem:$0x3FA9] =	sst s4  }
0xd: {  	[smem:$0x3FAA] =	sst s5  }
0xe: {  	[smem:$0x3FAB] =	sst s6  }
0xf: {  	[smem:$0x3FAC] =	sst s7  }
0x10: {  	[smem:$0x3FAD] =	sst s8  }
0x11: {  	[smem:$0x3FAE] =	sst s9;
	s0 =	simm.s32 @!p0 $0x0  }
0x12: {  	s1 =	sld [smem:$0x3F94];
	s0 =	simm.s32 @p0 $0x1  }
0x13: {  	[smem:$0x3FAF] =	sst s0;
	s0 =	simm.s32 @!p1 $0x0  }
0x14: {  	s2 =	sld [smem:$0x3F93];
	s0 =	simm.s32 @p1 $0x1  }
0x15: {  	[smem:$0x3FB0] =	sst s0;
	s0 =	simm.s32 @!p2 $0x0  }
0x16: {  	s3 =	sld [smem:$0x3FDB];
	s0 =	simm.s32 @p2 $0x1  }
0x17: {  	s4 =	simm.s32 $0x1BF5;
	[smem:$0x3FB2] =	sst s0  }
0x18: {  	s0 =	sld [smem:$0x3F95];
	_ =	swait.ge [sflag:s4], $0x0  }
0x19: {  	s7 =	sld [smem:$0x3F96]  }
0x1a: {  	s8 =	sadd.s32 $0xFFFFE003, lr  }
0x1b: {  	s9 =	sadd.s32 $0xFFFFFEF7, lr;
	s5 =	simm.s32 $0xFFFFFFFF;
	p2 =	slt.u32 s8, $0xFFFFF086  }
0x1c: {  	p1 =	slt.u32 s9, $0xF7A;
	s5 =	simm.s32 @!p2 $0x0  }
0x1d: {  	s5 =	simm.s32 @p1 $0x1;
	p0 =	seq.s32 s7, s2  }
0x1e: {  	s7 =	smul.u32 @!p0 $0xF7A, s2;
	p2 =	seq.s32 @!p0 s5, $0x0  }
0x1f: {  	s9 =	smul.u32 $0xF7A, s1;
	s8 =	simm.s32 @!p0 $0x1BF5;
	p2 =	por !p2, p0  }
0x20: {  	[sflag:s8] =	ssyncset.s32 @!p0 $0xFFFFF086;
	s6 =	sadd.s32 @!p0 s3, s7;
	s7 =	simm.s32 @!p0 $0x108  }
0x21: {  	s3 =	sadd.s32 s3, s9;
	s6 =	sadd.s32 @!p0 $0x88, s6;
	s7 =	simm.s32 @p2 $0x1082  }
0x22: {  	[simem:s7], [sflag:s8] =	dma.local @!p0 [hbm:s6], $0xF7A  }
0x23: {  	s9 =	sor.u32 $0xD0000000, s2;
	s6 =	simm.s32 $0x108;
	_ =	swait.ge @!p0 [sflag:s8], $0x0  }
0x24: {  	s3 =	sadd.s32 $0x88, s3;
	s6 =	simm.s32 @!p1 $0x1082;
	[sflag:s4] =	ssyncset.s32 $0xFFFFF086  }
0x25: {  	[simem:s6], [sflag:s4] =	dma.local [hbm:s3], $0xF7A  }
0x26: {  	[smem:$0x3F96] =	sst s1;
	(tag) =	ssettag s2;
	_ =	strace s9  }
0x27: {  	s1 =	sld [smem:$0x3FA6]  }
0x28: {  	s2 =	sld [smem:$0x3FA7]  }
0x29: {  	s4 =	sld [smem:$0x3FA9]  }
0x2a: {  	p0 =	seq.s32 s5, $0x0;
	s5 =	sld [smem:$0x3FAA]  }
0x2b: {  	s6 =	sld [smem:$0x3FAB]  }
0x2c: {  	s7 =	sld [smem:$0x3FAC]  }
0x2d: {  	s3 =	simm.s32 $0x108;
	s8 =	sld [smem:$0x3FAD]  }
0x2e: {  	s3 =	simm.s32 @!p0 $0x1082;
	s9 =	sld [smem:$0x3FAE]  }
0x2f: {  	lr =	sadd.s32 s0, s3;
	s0 =	sld [smem:$0x3FA5]  }
0x30: {  	s3 =	sld [smem:$0x3FA8]  }
0x31: {  	[smem:$0x3FB1] =	sst s10  }
0x32: {  	s10 =	sld [smem:$0x3FAF];
	_ =	sdelay $0x3  }
0x33: {  	p0 =	seq.s32 s10, $0x1;
	s10 =	sld [smem:$0x3FB1];
	_ =	sdelay $0x3  }
0x34: {  	[smem:$0x3FB1] =	sst s10  }
0x35: {  	s10 =	sld [smem:$0x3FB0];
	_ =	sdelay $0x3  }
0x36: {  	p1 =	seq.s32 s10, $0x1;
	s10 =	sld [smem:$0x3FB1];
	_ =	sdelay $0x3  }
0x37: {  	[smem:$0x3FB1] =	sst s10  }
0x38: {  	s10 =	sld [smem:$0x3FB2]  }
0x39: {  	_ = 	snop;
	(pc) =	sbr.ind lr, $3  }
0x3a: {  	_ = 	snop  }
0x3b: {  	_ = 	snop  }
0x3c: {  	p2 =	seq.s32 s10, $0x1;
	s10 =	sld [smem:$0x3FB1]  }
0x3d: {  	_ =	shalt  }
0x3e: {  	_ =	shalt  }
0x3f: {  	_ =	shalt  }
0x40: {  	_ =	shalt  }
0x41: {  	_ =	shalt  }
0x42: {  	_ =	shalt  }
0x43: {  	_ =	shalt  }
0x44: {  	_ =	shalt  }
0x45: {  	_ =	shalt  }
0x46: {  	_ =	shalt  }
0x47: {  	_ =	shalt  }
0x48: {  	_ =	shalt  }
0x49: {  	_ =	shalt  }
0x4a: {  	_ =	shalt  }
0x4b: {  	_ =	shalt  }
0x4c: {  	_ =	shalt  }
0x4d: {  	_ =	shalt  }
0x4e: {  	_ =	shalt  }
0x4f: {  	_ =	shalt  }
0x50: {  	_ =	shalt  }
0x51: {  	_ =	shalt  }
0x52: {  	_ =	shalt  }
0x53: {  	_ =	shalt  }
0x54: {  	_ =	shalt  }
0x55: {  	_ =	shalt  }
0x56: {  	_ =	shalt  }
0x57: {  	_ =	shalt  }
0x58: {  	_ =	shalt  }
0x59: {  	_ =	shalt  }
0x5a: {  	_ =	shalt  }
0x5b: {  	_ =	shalt  }
0x5c: {  	_ =	shalt  }
0x5d: {  	_ =	shalt  }
0x5e: {  	_ =	shalt  }
0x5f: {  	_ =	shalt  }
0x60: {  	_ =	shalt  }
0x61: {  	_ =	shalt  }
0x62: {  	_ =	shalt  }
0x63: {  	_ =	shalt  }
0x64: {  	_ =	shalt  }
0x65: {  	_ =	shalt  }
0x66: {  	_ =	shalt  }
0x67: {  	_ =	shalt  }
0x68: {  	_ =	shalt  }
0x69: {  	_ =	shalt  }
0x6a: {  	_ =	shalt  }
0x6b: {  	_ =	shalt  }
0x6c: {  	_ =	shalt  }
0x6d: {  	_ =	shalt  }
0x6e: {  	_ =	shalt  }
0x6f: {  	_ =	shalt  }
0x70: {  	_ =	shalt  }
0x71: {  	_ =	shalt  }
0x72: {  	_ =	shalt  }
0x73: {  	_ =	shalt  }
0x74: {  	_ =	shalt  }
0x75: {  	_ =	shalt  }
0x76: {  	_ =	shalt  }
0x77: {  	_ =	shalt  }
0x78: {  	_ =	shalt  }
0x79: {  	_ =	shalt  }
0x7a: {  	_ =	shalt  }
0x7b: {  	_ =	shalt  }
0x7c: {  	_ =	shalt  }
0x7d: {  	_ =	shalt  }
0x7e: {  	_ =	shalt  }
0x7f: {  	_ =	shalt  }
0x80: {  	_ =	shalt  }
0x81: {  	_ =	shalt  }
0x82: {  	_ =	shalt  }
0x83: {  	_ =	shalt  }
0x84: {  	_ =	shalt  }
0x85: {  	_ =	shalt  }
0x86: {  	_ =	shalt  }
0x87: {  	_ =	shalt  }
.Lfunc_end0:
.L_simem_size_0:
called_computation_lowered:
.L_overlay_start_0:
0x88: {  	s2 =	sld [smem:$0x3FD9]  }
0x89: {  	s3 =	sld [smem:$0x3FFE];
	_ =	sdelay $0x1  }
0x8a: {  	s1 =	srdreg.scid  }
0x8b: {  	s0 =	sand.u32 $0x1, s1  }
0x8c: {  	s17 =	sshll.u32 s0, $0xA;
	s2 =	sadd.s32 s3, s2  }
0x8d: {  	s2 =	sadd.s32 s2, s17  }
0x8e: {  	[smem:$0x3FBD] =	sst s2  }
0x8f: {  	_ = 	snop  }
0x90: {  	s2 =	sld [smem:$0x3FD0];
	(tm) =	ssettm $0x1  }
0x91: {  	s18 =	sld [smem:$0x3FFB];
	_ =	sdelay $0x3  }
0x92: {  	_ =	strace s18  }
0x93: {  	s3 =	sld [smem:$0x3FFC];
	_ =	sdelay $0x3  }
0x94: {  	_ =	strace s3  }
0x95: {  	s3 =	sld [smem:$0x3FFD];
	_ =	sdelay $0x3  }
0x96: {  	_ =	strace s3  }
0x97: {  	_ =	strace $0x8FFFFFFF  }
0x98: {  	s19 =	sld [smem:$0x3FDB];
	_ =	sdelay $0x1  }
0x99: {  	s4 =	simm.s32 $_scs_section_size  }
0x9a: {  	s5 =	simm.s32 $_size__tile_overlayer_lowered;
	s6 =	simm.s32 $_tile_overlayer_lowered  }
0x9b: {  	s22 =	simm.s32 $0x1BFF;
	s21 =	sshll.u32 s6, $0x1;
	s3 =	sadd.s32 s4, s19  }
0x9c: {  	s7 =	simm.s32 $0x0;
	s20 =	sshll.u32 s5, $0x1;
	s5 =	sadd.s32 s21, s3  }
0x9d: {  	[timem:s7], [sflag:s22] =	dma.local [hbm:s5], s20  }
0x9e: {  	_ =	swait.ge [sflag:s22], s20  }
0x9f: {  	s4 =	ssub.s32 $0x0, s20;
	[sflag:s22] =	ssyncset.done $0x0  }
0xa0: {  	[sflag:s22] =	ssyncadd.s32 s4;
	_ =	sdelay $0x1  }
0xa1: {  	s23 =	simm.s32 $0x1B8B  }
0xa2: {  	_ =	swait.ge [sflag:s23], $0x1  }
0xa3: {  	[sflag:s23] =	ssyncset.done $0x0  }
0xa4: {  	s25 =	simm.s32 $0x1B8E;
	s24 =	sld [smem:$0x3FFE];
	[sflag:s23] =	ssyncadd.s32 $0xFFFFFFFF  }
0xa5: {  	s26 =	simm.s32 $execute0_lowered;
	[smem:$0x3FD2] =	sst s25  }
0xa6: {  	s5 =	sshll.u32 s26, $0x1;
	_ =	strace $0x80000046;
	[dreg:$0x1] =	wrdreg $0xFFFFFFFF  }
0xa7: {  	s28 =	simm.s32 $_size_execute0_lowered;
	s3 =	sadd.s32 s3, s5;
	[dreg:$0x0] =	wrdreg $0x0  }
0xa8: {  	s5 =	sshll.u32 s28, $0x1;
	[dreg:$0x2] =	wrdreg s3  }
0xa9: {  	[dreg:$0x3] =	wrdreg s5  }
0xaa: {  	[dreg:$0x4] =	wrdreg $0xC0  }
0xab: {  	_ =	task [dreg:s7], $0x5FFFF  }
0xac: {  	[dreg:$0x1] =	wrdreg $0xFFFFFFFF  }
0xad: {  	[dreg:$0x0] =	wrdreg $0x60  }
0xae: {  	[dreg:$0x2] =	wrdreg s24  }
0xaf: {  	[dreg:$0x3] =	wrdreg s2  }
0xb0: {  	[dreg:$0x4] =	wrdreg $0x9  }
0xb1: {  	_ =	task.clear_ibuf [dreg:s7], $0x5FFFF;
	_ =	strace $0x90000046  }
0xb2: {  	s29 =	simm.s32 $0x9;
	_ =	strace $0x80000048  }
0xb3: {  	_ =	swait.ge [sflag:s29], $0x1  }
0xb4: {  	[sflag:s29] =	ssyncadd.s32 $0xFFFFFFFF  }
0xb5: {  	_ =	strace $0x90000048  }
0xb6: {  	_ =	sfence  }
0xb7: {  	s30 =	sld [smem:$0x0];
	_ =	sdelay $0x2  }
0xb8: {  	s31 =	sshll.u32 s1, $0xD;
	s1 =	sshrl.u32 s1, $0x2  }
0xb9: {  	s3 =	sand.u32 $0x4000, s31;
	s1 =	sadd.s32 s1, s30  }
0xba: {  	s0 =	sor.u32 s3, s0;
	s1 =	sshll.u32 s1, $0x11  }
0xbb: {  	s0 =	sor.u32 s1, s0  }
0xbc: {  	s0 =	sadd.s32 $0x8F2B, s0  }
0xbd: {  	[sflag:s0] =	ssyncadd.remote.s32 $0x1  }
0xbe: {  	_ =	sfence.sel $0xFFFF  }
0xbf: {  	[dreg:$0x0] =	wrdreg $0xFFFFFFFF;
	(pc) =	sbr.abs _section_cstart, $3  }
0xc0: {  	[dreg:$0x1] =	wrdreg $0xFFFFFFFF  }
0xc1: {  	_ =	task.clear_ibuf [dreg:s7], $0x2FFFF;
	_ =	strace $0x9FFFFFFF  }
0xc2: {  	(tm) =	ssettm $0x7FFFFFFF  }
0xc3: {  	_ =	shalt  }
tec
execute0_lowered:
.L_overlay_start_1:
0x0: {  	(tag) =	ssettag $0x1  }
0x1: {  	s0 =	rddreg [dreg:$0x0]  }
0x2: {  	s4 =	rddreg [dreg:$0x1]  }
0x3: {  	s1 =	simm.s32 $0x0;
	s9 =	srdreg.scid;
	s11 =	stileid.u32  }
0x4: {  	s28 =	simm.s32 $0x1;
	s10 =	sand.u32 $0x1, s9;
	s11 =	sshll.u32 s11, $0x1  }
0x5: {  	s29 =	simm.s32 $0x80;
	[smem:$0x7FF] =	sst s1;
	s13 =	sor.u32 s10, s11  }
0x6: {  	s2 =	sadd.s32 $0x42200, s0;
	s3 =	sadd.s32 $0x2200, s0;
	s15 =	sshll.u32 s13, $0xD  }
0x7: {  	s5 =	sadd.s32 $0x142200, s0;
	s7 =	sadd.s32 $0x1C2200, s0;
	s22 =	sadd.s32 s3, s15  }
0x8: {  	_ =	strace $0x80000047;
	s23 =	sadd.s32 s7, s15;
	[dreg:$0x3] =	wrdreg s22  }
0x9: {  	s24 =	sadd.s32 s2, s15;
	s25 =	sor.u32 $0x20, s15;
	[dreg:$0x4] =	wrdreg s23  }
0xa: {  	s6 =	sadd.s32 $0x182200, s0;
	[dreg:$0x5] =	wrdreg s24;
	s26 =	sadd.s32 s3, s25  }
0xb: {  	s8 =	sadd.s32 $0x202200, s0;
	s30 =	sadd.s32 s7, s25;
	[dreg:$0x6] =	wrdreg s26  }
0xc: {  	s9 =	sadd.s32 $0x242200, s0;
	s31 =	sadd.s32 s2, s25;
	[dreg:$0x7] =	wrdreg s30  }
0xd: {  	s12 =	ssub.s32 $0x2, s10;
	s16 =	sadd.s32 s8, s25;
	[dreg:$0x8] =	wrdreg s31  }
0xe: {  	s10 =	sadd.s32 $0x282200, s0;
	s17 =	sadd.s32 s5, s25;
	[dreg:$0x9] =	wrdreg s16  }
0xf: {  	s11 =	sadd.s32 $0x102200, s0;
	s18 =	sadd.s32 s9, s25;
	[dreg:$0xa] =	wrdreg s17  }
0x10: {  	s14 =	sshrl.u32 s12, $0x1;
	s19 =	sadd.s32 s6, s25;
	[dreg:$0xb] =	wrdreg s18  }
0x11: {  	s13 =	sshll.u32 s13, $0xE;
	s20 =	sadd.s32 s10, s25;
	[dreg:$0xc] =	wrdreg s19  }
0x12: {  	s0 =	ssub.s32 s12, s14;
	s22 =	sadd.s32 s8, s15;
	[dreg:$0xd] =	wrdreg s20  }
0x13: {  	s21 =	sadd.s32 s4, s13;
	s23 =	sadd.s32 s5, s15;
	[dreg:$0xe] =	wrdreg s22  }
0x14: {  	s12 =	simm.s32 $0x100;
	s24 =	sadd.s32 s9, s15;
	[dreg:$0xf] =	wrdreg s23  }
0x15: {  	s14 =	simm.s32 $0x200;
	s25 =	sadd.s32 s6, s15;
	[dreg:$0x10] =	wrdreg s24  }
0x16: {  	s13 =	simm.s32 $0x2;
	s0 =	smax.u32 s0, $0x1;
	[dreg:$0x11] =	wrdreg s25  }
0x17: {  	s26 =	sadd.s32 s10, s15;
	s30 =	sor.u32 $0x40, s15;
	s31 =	sor.u32 $0x60, s15  }
0x18: {  	[dreg:$0x15] =	wrdreg s0;
	s16 =	simm.s32 $0x300;
	s18 =	simm.s32 $0x400  }
0x19: {  	s20 =	simm.s32 $0x500;
	s23 =	simm.s32 $0x600;
	[dreg:$0x12] =	wrdreg s26  }
0x1a: {  	s25 =	simm.s32 $0x700;
	s15 =	simm.s32 $0x3;
	[dreg:$0x13] =	wrdreg s30  }
0x1b: {  	s17 =	simm.s32 $0x4;
	s19 =	simm.s32 $0x0;
	[dreg:$0x14] =	wrdreg s31  }
.LBB2_1:
0x1c: {  	[dreg:$0x16] =	wrdreg s19  }
0x1d: {  	s0 =	rddreg [dreg:$0x3]  }
0x1e: {  	[tilespmem:s1], [sflag:$0x1] =	stream.linear.gather [hbm4b:s0+s1], $0x100, $0x38;
	[tilespmem:$0x9400] =	vst v63  }
0x1f: {  	s31 =	rddreg [dreg:$0x4];
	s4 =	simm.s32 $0x800  }
0x20: {  	[tilespmem:s4], [sflag:$0x1] =	stream.linear.gather [hbm4b:s31+s1], $0x100, $0x38;
	[tilespmem:$0x9400] =	vst v63  }
0x21: {  	s19 =	rddreg [dreg:$0x5]  }
0x22: {  	[tilespmem:s12], [sflag:$0x1] =	stream.linear.gather [hbm4b:s19+s1], $0x100, $0x38;
	[tilespmem:$0x9400] =	vst v63  }
0x23: {  	s22 =	rddreg [dreg:$0xe];
	s24 =	simm.s32 $0x900  }
0x24: {  	[tilespmem:s24], [sflag:$0x1] =	stream.linear.gather [hbm4b:s22+s1], $0x100, $0x38;
	[tilespmem:$0x9400] =	vst v63  }
0x25: {  	s26 =	rddreg [dreg:$0xf]  }
0x26: {  	[tilespmem:s14], [sflag:$0x1] =	stream.linear.gather [hbm4b:s26+s1], $0x100, $0x38;
	[tilespmem:$0x9400] =	vst v63  }
0x27: {  	s30 =	rddreg [dreg:$0x10];
	s31 =	simm.s32 $0xA00  }
0x28: {  	[tilespmem:s31], [sflag:$0x1] =	stream.linear.gather [hbm4b:s30+s1], $0x100, $0x38;
	[tilespmem:$0x9400] =	vst v63  }
0x29: {  	s19 =	rddreg [dreg:$0x11]  }
0x2a: {  	[tilespmem:s16], [sflag:$0x1] =	stream.linear.gather [hbm4b:s19+s1], $0x100, $0x38;
	[tilespmem:$0x9400] =	vst v63  }
0x2b: {  	s22 =	rddreg [dreg:$0x12];
	s24 =	simm.s32 $0xB00  }
0x2c: {  	[tilespmem:s24], [sflag:$0x1] =	stream.linear.gather [hbm4b:s22+s1], $0x100, $0x38;
	[tilespmem:$0x9400] =	vst v63  }
0x2d: {  	s26 =	rddreg [dreg:$0x6]  }
0x2e: {  	[tilespmem:s18], [sflag:$0x2] =	stream.linear.gather [hbm4b:s26+s1], $0x100, $0x38;
	[tilespmem:$0x9400] =	vst v63  }
0x2f: {  	s30 =	rddreg [dreg:$0x7];
	s31 =	simm.s32 $0xC00  }
0x30: {  	[tilespmem:s31], [sflag:$0x2] =	stream.linear.gather [hbm4b:s30+s1], $0x100, $0x38;
	[tilespmem:$0x9400] =	vst v63  }
0x31: {  	s4 =	rddreg [dreg:$0x8]  }
0x32: {  	[tilespmem:s20], [sflag:$0x2] =	stream.linear.gather [hbm4b:s4+s1], $0x100, $0x38;
	[tilespmem:$0x9400] =	vst v63  }
0x33: {  	s19 =	rddreg [dreg:$0x9];
	s22 =	simm.s32 $0xD00  }
0x34: {  	[tilespmem:s22], [sflag:$0x2] =	stream.linear.gather [hbm4b:s19+s1], $0x100, $0x38;
	[tilespmem:$0x9400] =	vst v63  }
0x35: {  	s24 =	rddreg [dreg:$0xa]  }
0x36: {  	[tilespmem:s23], [sflag:$0x2] =	stream.linear.gather [hbm4b:s24+s1], $0x100, $0x38;
	[tilespmem:$0x9400] =	vst v63  }
0x37: {  	s26 =	rddreg [dreg:$0xb];
	s30 =	simm.s32 $0xE00  }
0x38: {  	[tilespmem:s30], [sflag:$0x2] =	stream.linear.gather [hbm4b:s26+s1], $0x100, $0x38;
	[tilespmem:$0x9400] =	vst v63  }
0x39: {  	s31 =	rddreg [dreg:$0xc]  }
0x3a: {  	[tilespmem:s25], [sflag:$0x2] =	stream.linear.gather [hbm4b:s31+s1], $0x100, $0x38;
	[tilespmem:$0x9400] =	vst v63  }
0x3b: {  	s4 =	rddreg [dreg:$0xd];
	s19 =	simm.s32 $0xF00  }
0x3c: {  	[tilespmem:s19], [sflag:$0x2] =	stream.linear.gather [hbm4b:s4+s1], $0x100, $0x38;
	[tilespmem:$0x9400] =	vst v63  }
0x3d: {  	_ =	swait.ge [sflag:s28], $0x100  }
0x3e: {  	[sflag:s28] =	ssyncset.done $0x0  }
0x3f: {  	[sflag:s28] =	ssyncadd.s32 $0xFFFFFF00  }
0x40: {  	_ =	swait.ge [sflag:s28], $0x100  }
0x41: {  	[sflag:s28] =	ssyncset.done $0x0  }
0x42: {  	[sflag:s28] =	ssyncadd.s32 $0xFFFFFF00  }
0x43: {  	_ =	swait.ge [sflag:s28], $0x100  }
0x44: {  	[sflag:s28] =	ssyncset.done $0x0  }
0x45: {  	[sflag:s28] =	ssyncadd.s32 $0xFFFFFF00  }
0x46: {  	_ =	swait.ge [sflag:s28], $0x100  }
0x47: {  	[sflag:s28] =	ssyncset.done $0x0  }
0x48: {  	[sflag:s28] =	ssyncadd.s32 $0xFFFFFF00  }
0x49: {  	_ =	swait.ge [sflag:s28], $0x100  }
0x4a: {  	[sflag:s28] =	ssyncset.done $0x0  }
0x4b: {  	[sflag:s28] =	ssyncadd.s32 $0xFFFFFF00  }
0x4c: {  	_ =	swait.ge [sflag:s28], $0x100  }
0x4d: {  	[sflag:s28] =	ssyncset.done $0x0  }
0x4e: {  	[sflag:s28] =	ssyncadd.s32 $0xFFFFFF00  }
0x4f: {  	_ =	swait.ge [sflag:s28], $0x100  }
0x50: {  	[sflag:s28] =	ssyncset.done $0x0  }
0x51: {  	[sflag:s28] =	ssyncadd.s32 $0xFFFFFF00  }
0x52: {  	_ =	swait.ge [sflag:s28], $0x100  }
0x53: {  	[sflag:s28] =	ssyncset.done $0x0  }
0x54: {  	s22 =	simm.s32 $0x1000;
	[sflag:s28] =	ssyncadd.s32 $0xFFFFFF00  }
0x55: {  	[tilespmem:s22], [sflag:$0x3] =	stream.indirect.gather [hbm4b:s11+s29], $0x10, s1, s29, $0xb8;
	[tilespmem:$0x9400] =	vst v63  }
0x56: {  	s24 =	simm.s32 $0x1800  }
0x57: {  	[tilespmem:s24], [sflag:$0x3] =	stream.indirect.gather [hbm4b:s11+s29], $0x10, s29, s29, $0xb8;
	[tilespmem:$0x9400] =	vst v63  }
0x58: {  	s26 =	simm.s32 $0x2000  }
0x59: {  	[tilespmem:s26], [sflag:$0x3] =	stream.indirect.gather [hbm4b:s11+s29], $0x10, s12, s29, $0xb8;
	[tilespmem:$0x9400] =	vst v63  }
0x5a: {  	s30 =	simm.s32 $0x180;
	s31 =	simm.s32 $0x2800  }
0x5b: {  	[tilespmem:s31], [sflag:$0x3] =	stream.indirect.gather [hbm4b:s11+s29], $0x10, s30, s29, $0xb8;
	[tilespmem:$0x9400] =	vst v63  }
0x5c: {  	s19 =	simm.s32 $0x3000  }
0x5d: {  	[tilespmem:s19], [sflag:$0x3] =	stream.indirect.gather [hbm4b:s11+s29], $0x10, s14, s29, $0xb8;
	[tilespmem:$0x9400] =	vst v63  }
0x5e: {  	s22 =	simm.s32 $0x280;
	s24 =	simm.s32 $0x3800  }
0x5f: {  	[tilespmem:s24], [sflag:$0x3] =	stream.indirect.gather [hbm4b:s11+s29], $0x10, s22, s29, $0xb8;
	[tilespmem:$0x9400] =	vst v63  }
0x60: {  	s26 =	simm.s32 $0x4000  }
0x61: {  	[tilespmem:s26], [sflag:$0x3] =	stream.indirect.gather [hbm4b:s11+s29], $0x10, s16, s29, $0xb8;
	[tilespmem:$0x9400] =	vst v63  }
0x62: {  	s30 =	simm.s32 $0x380;
	s31 =	simm.s32 $0x4800;
	s19 =	simm.s32 $0x0  }
0x63: {  	[tilespmem:s31], [sflag:$0x3] =	stream.indirect.gather [hbm4b:s11+s29], $0x10, s30, s29, $0xb8;
	[tilespmem:$0x9400] =	vst v63  }
.LBB2_2:
0x64: {  	_ =	swait.ge [sflag:s13], $0x100  }
0x65: {  	[sflag:s13] =	ssyncset.done $0x0  }
0x66: {  	[sflag:s13] =	ssyncadd.s32 $0xFFFFFF00  }
0x67: {  	_ =	swait.ge [sflag:s13], $0x100  }
0x68: {  	[sflag:s13] =	ssyncset.done $0x0  }
0x69: {  	[sflag:s13] =	ssyncadd.s32 $0xFFFFFF00  }
0x6a: {  	_ =	swait.ge [sflag:s13], $0x100  }
0x6b: {  	[sflag:s13] =	ssyncset.done $0x0  }
0x6c: {  	[sflag:s13] =	ssyncadd.s32 $0xFFFFFF00  }
0x6d: {  	_ =	swait.ge [sflag:s13], $0x100  }
0x6e: {  	[sflag:s13] =	ssyncset.done $0x0  }
0x6f: {  	[sflag:s13] =	ssyncadd.s32 $0xFFFFFF00  }
0x70: {  	_ =	swait.ge [sflag:s13], $0x100  }
0x71: {  	[sflag:s13] =	ssyncset.done $0x0  }
0x72: {  	[sflag:s13] =	ssyncadd.s32 $0xFFFFFF00  }
0x73: {  	_ =	swait.ge [sflag:s13], $0x100  }
0x74: {  	[sflag:s13] =	ssyncset.done $0x0  }
0x75: {  	[sflag:s13] =	ssyncadd.s32 $0xFFFFFF00  }
0x76: {  	_ =	swait.ge [sflag:s13], $0x100  }
0x77: {  	[sflag:s13] =	ssyncset.done $0x0  }
0x78: {  	[sflag:s13] =	ssyncadd.s32 $0xFFFFFF00  }
0x79: {  	_ =	swait.ge [sflag:s13], $0x100  }
0x7a: {  	[sflag:s13] =	ssyncset.done $0x0  }
0x7b: {  	s0 =	simm.s32 $0x5000;
	[sflag:s13] =	ssyncadd.s32 $0xFFFFFF00  }
0x7c: {  	[tilespmem:s0], [sflag:$0x4] =	stream.indirect.gather [hbm4b:s11+s29], $0x10, s18, s29, $0xb8;
	[tilespmem:$0x9400] =	vst v63  }
0x7d: {  	s31 =	simm.s32 $0x480;
	s4 =	simm.s32 $0x5800  }
0x7e: {  	[tilespmem:s4], [sflag:$0x4] =	stream.indirect.gather [hbm4b:s11+s29], $0x10, s31, s29, $0xb8;
	[tilespmem:$0x9400] =	vst v63  }
0x7f: {  	s22 =	simm.s32 $0x6000  }
0x80: {  	[tilespmem:s22], [sflag:$0x4] =	stream.indirect.gather [hbm4b:s11+s29], $0x10, s20, s29, $0xb8;
	[tilespmem:$0x9400] =	vst v63  }
0x81: {  	s24 =	simm.s32 $0x580;
	s26 =	simm.s32 $0x6800  }
0x82: {  	[tilespmem:s26], [sflag:$0x4] =	stream.indirect.gather [hbm4b:s11+s29], $0x10, s24, s29, $0xb8;
	[tilespmem:$0x9400] =	vst v63  }
0x83: {  	s31 =	simm.s32 $0x7000  }
0x84: {  	[tilespmem:s31], [sflag:$0x4] =	stream.indirect.gather [hbm4b:s11+s29], $0x10, s23, s29, $0xb8;
	[tilespmem:$0x9400] =	vst v63  }
0x85: {  	s4 =	simm.s32 $0x680;
	s22 =	simm.s32 $0x7800  }
0x86: {  	[tilespmem:s22], [sflag:$0x4] =	stream.indirect.gather [hbm4b:s11+s29], $0x10, s4, s29, $0xb8;
	[tilespmem:$0x9400] =	vst v63  }
0x87: {  	s24 =	simm.s32 $0x8000  }
0x88: {  	[tilespmem:s24], [sflag:$0x4] =	stream.indirect.gather [hbm4b:s11+s29], $0x10, s25, s29, $0xb8;
	[tilespmem:$0x9400] =	vst v63  }
0x89: {  	s26 =	simm.s32 $0x780;
	s31 =	simm.s32 $0x8800  }
0x8a: {  	[tilespmem:s31], [sflag:$0x4] =	stream.indirect.gather [hbm4b:s11+s29], $0x10, s26, s29, $0xb8;
	[tilespmem:$0x9400] =	vst v63  }
0x8b: {  	_ =	swait.ge [sflag:s15], $0x800  }
0x8c: {  	[sflag:s15] =	ssyncset.done $0x0  }
0x8d: {  	[sflag:s15] =	ssyncadd.s32 $0xFFFFF800  }
0x8e: {  	_ =	swait.ge [sflag:s15], $0x800  }
0x8f: {  	[sflag:s15] =	ssyncset.done $0x0  }
0x90: {  	[sflag:s15] =	ssyncadd.s32 $0xFFFFF800  }
0x91: {  	_ =	swait.ge [sflag:s15], $0x800  }
0x92: {  	[sflag:s15] =	ssyncset.done $0x0  }
0x93: {  	[sflag:s15] =	ssyncadd.s32 $0xFFFFF800  }
0x94: {  	_ =	swait.ge [sflag:s15], $0x800  }
0x95: {  	[sflag:s15] =	ssyncset.done $0x0  }
0x96: {  	[sflag:s15] =	ssyncadd.s32 $0xFFFFF800  }
0x97: {  	_ =	swait.ge [sflag:s15], $0x800  }
0x98: {  	[sflag:s15] =	ssyncset.done $0x0  }
0x99: {  	[sflag:s15] =	ssyncadd.s32 $0xFFFFF800  }
0x9a: {  	_ =	swait.ge [sflag:s15], $0x800  }
0x9b: {  	[sflag:s15] =	ssyncset.done $0x0  }
0x9c: {  	[sflag:s15] =	ssyncadd.s32 $0xFFFFF800  }
0x9d: {  	_ =	swait.ge [sflag:s15], $0x800  }
0x9e: {  	[sflag:s15] =	ssyncset.done $0x0  }
0x9f: {  	[sflag:s15] =	ssyncadd.s32 $0xFFFFF800  }
0xa0: {  	_ =	swait.ge [sflag:s15], $0x800  }
0xa1: {  	p0 =	seq.s32 s19, $0x0;
	[sflag:s15] =	ssyncset.done $0x0  }
0xa2: {  	s0 =	simm.s32 @!p0 $0x5;
	[sflag:s15] =	ssyncadd.s32 $0xFFFFF800  }
0xa3: {  	s30 =	simm.s32 $0xA00;
	s4 =	simm.s32 $0x9010;
	_ =	swait.ge @!p0 [sflag:s0], $0x200  }
0xa4: {  	s24 =	sshll.u32 s19, $0x1;
	s26 =	sshll.u32 s19, $0x7;
	[sflag:s0] =	ssyncset.done @!p0 $0x0  }
0xa5: {  	s22 =	sor.u32 $0x40, s26;
	[sflag:s0] =	ssyncadd.s32 @!p0 $0xFFFFFE00;
	s0 =	simm.s32 $0x0  }
.LBB2_3:
0xa6: {  	v1 =	vld [tilespmem:s30+$0xFFFFFE00]  }
0xa7: {  	s31 =	sshra.s32 s0, $0x2  }
0xa8: {  	v0 =	vld [tilespmem:s31+$0x1000]  }
0xa9: {  	v2 =	vld [tilespmem:s31+$0x1010]  }
0xaa: {  	v5 =	vld [tilespmem:s31+$0x1020]  }
0xab: {  	v7 =	vld [tilespmem:s31+$0x1030];
	v3 =	vbroadcast v1, $0x0;
	v6 =	vbroadcast v1, $0x1  }
0xac: {  	v51 =	vld [tilespmem:s31+$0x1040];
	v8 =	vbroadcast v1, $0x2;
	v9 =	vbroadcast v1, $0x3  }
0xad: {  	v54 =	vld [tilespmem:s31+$0x1050];
	v57 =	vbroadcast v1, $0x4;
	v60 =	vbroadcast v1, $0x5  }
0xae: {  	v59 =	vld [tilespmem:s31+$0x1060];
	v14 =	vbroadcast v1, $0x6;
	v17 =	vbroadcast v1, $0x7  }
0xaf: {  	v63 =	vld [tilespmem:s31+$0x1070];
	v23 =	vbroadcast v1, $0x8;
	v26 =	vbroadcast v1, $0x9  }
0xb0: {  	v16 =	vld [tilespmem:s31+$0x1080];
	v32 =	vbroadcast v1, $0xA;
	v35 =	vbroadcast v1, $0xB  }
0xb1: {  	v20 =	vld [tilespmem:s31+$0x1090];
	v41 =	vbroadcast v1, $0xC;
	v44 =	vbroadcast v1, $0xD;
	v4 =	vunpack.i.l.bf16.f32 v0  }
0xb2: {  	v25 =	vld [tilespmem:s31+$0x10A0];
	v0 =	vunpack.i.u.bf16.f32 v0;
	v49 =	vunpack.i.l.bf16.f32 v2;
	v2 =	vunpack.i.u.bf16.f32 v2  }
0xb3: {  	v29 =	vld [tilespmem:s31+$0x10B0];
	v50 =	vunpack.i.l.bf16.f32 v5;
	v5 =	vunpack.i.u.bf16.f32 v5;
	v53 =	vunpack.i.l.bf16.f32 v7  }
0xb4: {  	v34 =	vld [tilespmem:s31+$0x10C0];
	v56 =	vunpack.i.u.bf16.f32 v7;
	v58 =	vunpack.i.l.bf16.f32 v51;
	v62 =	vunpack.i.l.bf16.f32 v54  }
0xb5: {  	v38 =	vld [tilespmem:s31+$0x10D0];
	v13 =	vunpack.i.u.bf16.f32 v54;
	v15 =	vunpack.i.l.bf16.f32 v59;
	v7 =	vunpack.i.u.bf16.f32 v59  }
0xb6: {  	v19 =	vunpack.i.l.bf16.f32 v63;
	v22 =	vunpack.i.u.bf16.f32 v63;
	v24 =	vunpack.i.l.bf16.f32 v16  }
0xb7: {  	v28 =	vunpack.i.l.bf16.f32 v20;
	v31 =	vunpack.i.u.bf16.f32 v20;
	v0 =	vmul.f32 v0, v3  }
0xb8: {  	v33 =	vunpack.i.l.bf16.f32 v25;
	v37 =	vunpack.i.l.bf16.f32 v29;
	v40 =	vunpack.i.u.bf16.f32 v29  }
0xb9: {  	v42 =	vunpack.i.l.bf16.f32 v34;
	v2 =	vmul.f32 v2, v6;
	v0 =	vadd.f32 $0.0e+00, v0  }
0xba: {  	v46 =	vunpack.i.l.bf16.f32 v38;
	v4 =	vmul.f32 v4, v3;
	v3 =	vmul.f32 v49, v6  }
0xbb: {  	v52 =	vmul.f32 v5, v8;
	v55 =	vmul.f32 v53, v9;
	v0 =	vadd.f32 v2, v0  }
0xbc: {  	v6 =	vunpack.i.u.bf16.f32 v51;
	v12 =	vmul.f32 v62, v60;
	v4 =	vadd.f32 $0.0e+00, v4  }
0xbd: {  	v18 =	vmul.f32 v7, v14;
	v2 =	vmul.f32 v56, v9;
	v0 =	vadd.f32 v52, v0  }
0xbe: {  	v21 =	vmul.f32 v19, v17;
	v3 =	vadd.f32 v3, v4;
	v4 =	vmul.f32 v50, v8  }
0xbf: {  	v30 =	vmul.f32 v28, v26;
	v61 =	vmul.f32 v6, v57;
	v0 =	vadd.f32 v2, v0  }
0xc0: {  	v39 =	vmul.f32 v37, v35;
	v7 =	vunpack.i.u.bf16.f32 v34;
	v3 =	vadd.f32 v4, v3  }
0xc1: {  	v48 =	vmul.f32 v46, v44;
	v2 =	vmul.f32 v13, v60;
	v0 =	vadd.f32 v61, v0  }
0xc2: {  	v43 =	vld [tilespmem:s31+$0x10E0];
	v49 =	vunpack.i.u.bf16.f32 v38;
	v4 =	vmul.f32 v58, v57;
	v3 =	vadd.f32 v55, v3  }
0xc3: {  	v53 =	vld [tilespmem:s31+$0x2000];
	v6 =	vunpack.i.u.bf16.f32 v25;
	v45 =	vmul.f32 v7, v41;
	v0 =	vadd.f32 v2, v0  }
0xc4: {  	v51 =	vmul.f32 v49, v44;
	v36 =	vmul.f32 v6, v32;
	v3 =	vadd.f32 v4, v3  }
0xc5: {  	v8 =	vunpack.i.u.bf16.f32 v16;
	v2 =	vmul.f32 v22, v17;
	v0 =	vadd.f32 v18, v0  }
0xc6: {  	v47 =	vld [tilespmem:s31+$0x10F0];
	v50 =	vbroadcast v1, $0xE;
	v4 =	vmul.f32 v15, v14;
	v3 =	vadd.f32 v12, v3  }
0xc7: {  	v44 =	vld [tilespmem:s31+$0x20A0];
	v1 =	vbroadcast v1, $0xF;
	v27 =	vmul.f32 v8, v23;
	v0 =	vadd.f32 v2, v0  }
0xc8: {  	v8 =	vunpack.i.u.bf16.f32 v43;
	v62 =	vunpack.i.u.bf16.f32 v53;
	v3 =	vadd.f32 v4, v3  }
0xc9: {  	v56 =	vld [tilespmem:s31+$0x2010];
	v52 =	vunpack.i.l.bf16.f32 v43;
	v2 =	vmul.f32 v31, v26;
	v0 =	vadd.f32 v27, v0  }
0xca: {  	v54 =	vmul.f32 v8, v50;
	v61 =	vld [tilespmem:s31+$0x2020];
	v4 =	vmul.f32 v24, v23;
	v3 =	vadd.f32 v21, v3  }
0xcb: {  	v58 =	vunpack.i.u.bf16.f32 v47;
	v5 =	vmul.f32 v52, v50;
	v12 =	vld [tilespmem:s31+$0x2030];
	v0 =	vadd.f32 v2, v0  }
0xcc: {  	v52 =	vunpack.i.l.bf16.f32 v44;
	v55 =	vunpack.i.l.bf16.f32 v47;
	v17 =	vld [tilespmem:s31+$0x2040];
	v3 =	vadd.f32 v4, v3  }
0xcd: {  	v60 =	vunpack.i.l.bf16.f32 v53;
	v21 =	vld [tilespmem:s31+$0x2050];
	v2 =	vmul.f32 v40, v35;
	v0 =	vadd.f32 v36, v0  }
0xce: {  	v57 =	vmul.f32 v55, v1;
	v26 =	vld [tilespmem:s31+$0x2060];
	v4 =	vmul.f32 v33, v32;
	v3 =	vadd.f32 v30, v3  }
0xcf: {  	v1 =	vmul.f32 v58, v1;
	v11 =	vunpack.i.l.bf16.f32 v56;
	v30 =	vld [tilespmem:s31+$0x2070];
	v0 =	vadd.f32 v2, v0  }
0xd0: {  	v14 =	vunpack.i.u.bf16.f32 v56;
	v16 =	vunpack.i.l.bf16.f32 v61;
	v35 =	vld [tilespmem:s31+$0x2080];
	v3 =	vadd.f32 v4, v3  }
0xd1: {  	v20 =	vunpack.i.l.bf16.f32 v12;
	v23 =	vunpack.i.u.bf16.f32 v12;
	v2 =	vadd.f32 v45, v0;
	v0 =	vld [tilespmem:s30+$0xFFFFFF00]  }
0xd2: {  	v25 =	vunpack.i.l.bf16.f32 v17;
	v4 =	vmul.f32 v42, v41;
	v3 =	vadd.f32 v39, v3  }
0xd3: {  	v8 =	vunpack.i.u.bf16.f32 v17;
	v29 =	vunpack.i.l.bf16.f32 v21;
	v32 =	vunpack.i.u.bf16.f32 v21;
	v39 =	vld [tilespmem:s31+$0x2090]  }
0xd4: {  	v34 =	vunpack.i.l.bf16.f32 v26;
	v7 =	vunpack.i.u.bf16.f32 v26;
	v3 =	vadd.f32 v4, v3  }
0xd5: {  	v38 =	vunpack.i.l.bf16.f32 v30;
	v41 =	vunpack.i.u.bf16.f32 v30;
	v43 =	vunpack.i.l.bf16.f32 v35  }
0xd6: {  	v6 =	vunpack.i.u.bf16.f32 v35;
	v3 =	vadd.f32 v48, v3;
	v59 =	vbroadcast v0, $0x0  }
0xd7: {  	v2 =	vadd.f32 v51, v2;
	v63 =	vbroadcast v0, $0x1;
	v15 =	vbroadcast v0, $0x2  }
0xd8: {  	v53 =	vld [tilespmem:s31+$0x20C0];
	v47 =	vunpack.i.l.bf16.f32 v39;
	v18 =	vbroadcast v0, $0x3;
	v24 =	vbroadcast v0, $0x4  }
0xd9: {  	v50 =	vunpack.i.u.bf16.f32 v39;
	v27 =	vbroadcast v0, $0x5;
	v33 =	vbroadcast v0, $0x6  }
0xda: {  	v3 =	vadd.f32 v5, v3;
	v36 =	vbroadcast v0, $0x7;
	v42 =	vbroadcast v0, $0x8  }
0xdb: {  	v2 =	vadd.f32 v54, v2;
	v45 =	vbroadcast v0, $0x9;
	v51 =	vbroadcast v0, $0xA  }
0xdc: {  	v5 =	vunpack.i.u.bf16.f32 v61;
	v54 =	vbroadcast v0, $0xB;
	v17 =	vbroadcast v0, $0xE  }
0xdd: {  	v61 =	vunpack.i.l.bf16.f32 v53;
	v4 =	vmul.f32 v60, v59;
	v10 =	vmul.f32 v62, v59  }
0xde: {  	v1 =	vadd.f32 v1, v2;
	v13 =	vmul.f32 v11, v63;
	v2 =	vmul.f32 v14, v63  }
0xdf: {  	v48 =	vld [tilespmem:s31+$0x20B0];
	v3 =	vadd.f32 v57, v3;
	v19 =	vmul.f32 v5, v15;
	v22 =	vmul.f32 v20, v18  }
0xe0: {  	v28 =	vmul.f32 v8, v24;
	v31 =	vmul.f32 v29, v27;
	v1 =	vadd.f32 v10, v1  }
0xe1: {  	v37 =	vmul.f32 v7, v33;
	v40 =	vmul.f32 v38, v36;
	v3 =	vadd.f32 v4, v3  }
0xe2: {  	v46 =	vmul.f32 v6, v42;
	v49 =	vmul.f32 v47, v45;
	v1 =	vadd.f32 v2, v1  }
0xe3: {  	v8 =	vunpack.i.u.bf16.f32 v44;
	v4 =	vmul.f32 v16, v15;
	v3 =	vadd.f32 v13, v3  }
0xe4: {  	v56 =	vunpack.i.l.bf16.f32 v48;
	v2 =	vmul.f32 v23, v18;
	v1 =	vadd.f32 v19, v1  }
0xe5: {  	v57 =	vld [tilespmem:s31+$0x20D0];
	v59 =	vunpack.i.u.bf16.f32 v48;
	v60 =	vbroadcast v0, $0xC;
	v3 =	vadd.f32 v4, v3  }
0xe6: {  	v62 =	vld [tilespmem:s31+$0x20E0];
	v7 =	vunpack.i.u.bf16.f32 v53;
	v63 =	vbroadcast v0, $0xD;
	v1 =	vadd.f32 v2, v1  }
0xe7: {  	v20 =	vld [tilespmem:s31+$0x3000];
	v0 =	vbroadcast v0, $0xF;
	v4 =	vmul.f32 v25, v24;
	v3 =	vadd.f32 v22, v3  }
0xe8: {  	v38 =	vld [tilespmem:s31+$0x3040];
	v55 =	vmul.f32 v8, v51;
	v2 =	vmul.f32 v32, v27;
	v1 =	vadd.f32 v28, v1  }
0xe9: {  	v47 =	vld [tilespmem:s31+$0x3060];
	v58 =	vmul.f32 v56, v54;
	v12 =	vmul.f32 v7, v60;
	v3 =	vadd.f32 v4, v3  }
0xea: {  	v13 =	vunpack.i.l.bf16.f32 v57;
	v16 =	vunpack.i.u.bf16.f32 v57;
	v1 =	vadd.f32 v2, v1  }
0xeb: {  	v15 =	vmul.f32 v13, v63;
	v4 =	vmul.f32 v34, v33;
	v3 =	vadd.f32 v31, v3  }
0xec: {  	v14 =	vld [tilespmem:s31+$0x20F0];
	v18 =	vmul.f32 v16, v63;
	v2 =	vmul.f32 v41, v36;
	v1 =	vadd.f32 v37, v1  }
0xed: {  	v56 =	vld [tilespmem:s31+$0x3080];
	v6 =	vunpack.i.u.bf16.f32 v62;
	v29 =	vunpack.i.u.bf16.f32 v20;
	v3 =	vadd.f32 v4, v3  }
0xee: {  	v8 =	vunpack.i.u.bf16.f32 v38;
	v7 =	vunpack.i.u.bf16.f32 v47;
	v1 =	vadd.f32 v2, v1  }
0xef: {  	v19 =	vunpack.i.l.bf16.f32 v62;
	v4 =	vmul.f32 v43, v42;
	v3 =	vadd.f32 v40, v3  }
0xf0: {  	v23 =	vld [tilespmem:s31+$0x3010];
	v21 =	vmul.f32 v6, v17;
	v2 =	vmul.f32 v50, v45;
	v1 =	vadd.f32 v46, v1  }
0xf1: {  	v25 =	vunpack.i.u.bf16.f32 v14;
	v5 =	vmul.f32 v19, v17;
	v17 =	vld [tilespmem:s31+$0x30B0];
	v3 =	vadd.f32 v4, v3  }
0xf2: {  	v6 =	vunpack.i.u.bf16.f32 v56;
	v22 =	vunpack.i.l.bf16.f32 v14;
	v28 =	vld [tilespmem:s31+$0x3020];
	v1 =	vadd.f32 v2, v1  }
0xf3: {  	v27 =	vunpack.i.l.bf16.f32 v20;
	v33 =	vld [tilespmem:s31+$0x3030];
	v4 =	vmul.f32 v52, v51;
	v3 =	vadd.f32 v49, v3  }
0xf4: {  	v24 =	vmul.f32 v22, v0;
	v42 =	vld [tilespmem:s31+$0x3050];
	v2 =	vmul.f32 v59, v54;
	v1 =	vadd.f32 v55, v1  }
0xf5: {  	v0 =	vmul.f32 v25, v0;
	v32 =	vunpack.i.l.bf16.f32 v23;
	v51 =	vld [tilespmem:s31+$0x3070];
	v3 =	vadd.f32 v4, v3  }
0xf6: {  	v35 =	vunpack.i.u.bf16.f32 v23;
	v25 =	vunpack.i.l.bf16.f32 v17;
	v1 =	vadd.f32 v2, v1  }
0xf7: {  	v37 =	vunpack.i.l.bf16.f32 v28;
	v4 =	vmul.f32 v61, v60;
	v60 =	vld [tilespmem:s31+$0x3090];
	v3 =	vadd.f32 v58, v3  }
0xf8: {  	v41 =	vunpack.i.l.bf16.f32 v33;
	v44 =	vunpack.i.u.bf16.f32 v33;
	v2 =	vadd.f32 v12, v1;
	v1 =	vld [tilespmem:s30+$0x0]  }
0xf9: {  	v46 =	vunpack.i.l.bf16.f32 v38;
	v50 =	vunpack.i.l.bf16.f32 v42;
	v3 =	vadd.f32 v4, v3  }
0xfa: {  	v13 =	vld [tilespmem:s31+$0x30A0];
	v53 =	vunpack.i.u.bf16.f32 v42;
	v55 =	vunpack.i.l.bf16.f32 v47;
	v59 =	vunpack.i.l.bf16.f32 v51  }
0xfb: {  	v62 =	vunpack.i.u.bf16.f32 v51;
	v3 =	vadd.f32 v15, v3;
	v2 =	vadd.f32 v18, v2  }
0xfc: {  	v12 =	vunpack.i.l.bf16.f32 v56;
	v16 =	vunpack.i.l.bf16.f32 v60;
	v19 =	vunpack.i.u.bf16.f32 v60  }
0xfd: {  	v3 =	vadd.f32 v5, v3;
	v2 =	vadd.f32 v21, v2;
	v26 =	vbroadcast v1, $0x0  }
0xfe: {  	v5 =	vunpack.i.u.bf16.f32 v28;
	v30 =	vbroadcast v1, $0x1;
	v36 =	vbroadcast v1, $0x2  }
0xff: {  	v21 =	vunpack.i.l.bf16.f32 v13;
	v39 =	vbroadcast v1, $0x3;
	v45 =	vbroadcast v1, $0x4  }
0x100: {  	v28 =	vunpack.i.u.bf16.f32 v17;
	v48 =	vbroadcast v1, $0x5;
	v54 =	vbroadcast v1, $0x6  }
0x101: {  	v57 =	vbroadcast v1, $0x7;
	v0 =	vadd.f32 v0, v2;
	v31 =	vmul.f32 v29, v26  }
0x102: {  	v63 =	vbroadcast v1, $0x8;
	v3 =	vadd.f32 v24, v3;
	v4 =	vmul.f32 v27, v26  }
0x103: {  	v14 =	vbroadcast v1, $0x9;
	v2 =	vmul.f32 v35, v30;
	v0 =	vadd.f32 v31, v0  }
0x104: {  	v20 =	vbroadcast v1, $0xA;
	v34 =	vmul.f32 v32, v30;
	v3 =	vadd.f32 v4, v3  }
0x105: {  	v23 =	vbroadcast v1, $0xB;
	v40 =	vmul.f32 v5, v36;
	v0 =	vadd.f32 v2, v0  }
0x106: {  	v38 =	vbroadcast v1, $0xE;
	v4 =	vmul.f32 v37, v36;
	v3 =	vadd.f32 v34, v3  }
0x107: {  	v43 =	vmul.f32 v41, v39;
	v2 =	vmul.f32 v44, v39;
	v0 =	vadd.f32 v40, v0  }
0x108: {  	v22 =	vld [tilespmem:s31+$0x30C0];
	v49 =	vmul.f32 v8, v45;
	v52 =	vmul.f32 v50, v48;
	v3 =	vadd.f32 v4, v3  }
0x109: {  	v58 =	vmul.f32 v7, v54;
	v61 =	vmul.f32 v59, v57;
	v0 =	vadd.f32 v2, v0  }
0x10a: {  	v15 =	vmul.f32 v6, v63;
	v4 =	vmul.f32 v46, v45;
	v3 =	vadd.f32 v43, v3  }
0x10b: {  	v18 =	vmul.f32 v16, v14;
	v2 =	vmul.f32 v53, v48;
	v0 =	vadd.f32 v49, v0  }
0x10c: {  	v8 =	vunpack.i.u.bf16.f32 v13;
	v26 =	vld [tilespmem:s31+$0x30D0];
	v27 =	vmul.f32 v25, v23;
	v3 =	vadd.f32 v4, v3  }
0x10d: {  	v29 =	vbroadcast v1, $0xC;
	v30 =	vunpack.i.l.bf16.f32 v22;
	v0 =	vadd.f32 v2, v0  }
0x10e: {  	v7 =	vunpack.i.u.bf16.f32 v22;
	v41 =	vld [tilespmem:s31+$0x4000];
	v4 =	vmul.f32 v55, v54;
	v3 =	vadd.f32 v52, v3  }
0x10f: {  	v32 =	vbroadcast v1, $0xD;
	v35 =	vld [tilespmem:s31+$0x30F0];
	v2 =	vmul.f32 v62, v57;
	v0 =	vadd.f32 v58, v0  }
0x110: {  	v1 =	vbroadcast v1, $0xF;
	v24 =	vmul.f32 v8, v20;
	v3 =	vadd.f32 v4, v3  }
0x111: {  	v59 =	vld [tilespmem:s31+$0x4040];
	v33 =	vmul.f32 v7, v29;
	v34 =	vunpack.i.l.bf16.f32 v26;
	v0 =	vadd.f32 v2, v0  }
0x112: {  	v37 =	vunpack.i.u.bf16.f32 v26;
	v4 =	vmul.f32 v12, v63;
	v3 =	vadd.f32 v61, v3  }
0x113: {  	v31 =	vld [tilespmem:s31+$0x30E0];
	v50 =	vunpack.i.u.bf16.f32 v41;
	v2 =	vmul.f32 v19, v14;
	v0 =	vadd.f32 v15, v0  }
0x114: {  	v44 =	vld [tilespmem:s31+$0x4010];
	v46 =	vunpack.i.u.bf16.f32 v35;
	v43 =	vunpack.i.l.bf16.f32 v35;
	v3 =	vadd.f32 v4, v3  }
0x115: {  	v45 =	vmul.f32 v43, v1;
	v1 =	vmul.f32 v46, v1;
	v46 =	vld [tilespmem:s31+$0x40D0];
	v0 =	vadd.f32 v2, v0  }
0x116: {  	v8 =	vunpack.i.u.bf16.f32 v59;
	v49 =	vld [tilespmem:s31+$0x4020];
	v4 =	vmul.f32 v21, v20;
	v3 =	vadd.f32 v18, v3  }
0x117: {  	v36 =	vmul.f32 v34, v32;
	v54 =	vld [tilespmem:s31+$0x4030];
	v2 =	vmul.f32 v28, v23;
	v0 =	vadd.f32 v24, v0  }
0x118: {  	v39 =	vmul.f32 v37, v32;
	v40 =	vunpack.i.l.bf16.f32 v31;
	v63 =	vld [tilespmem:s31+$0x4050];
	v3 =	vadd.f32 v4, v3  }
0x119: {  	v6 =	vunpack.i.u.bf16.f32 v31;
	v5 =	vmul.f32 v40, v38;
	v19 =	vld [tilespmem:s31+$0x4070];
	v0 =	vadd.f32 v2, v0  }
0x11a: {  	v42 =	vmul.f32 v6, v38;
	v15 =	vld [tilespmem:s31+$0x4060];
	v4 =	vmul.f32 v30, v29;
	v3 =	vadd.f32 v27, v3  }
0x11b: {  	v48 =	vunpack.i.l.bf16.f32 v41;
	v53 =	vunpack.i.l.bf16.f32 v44;
	v2 =	vadd.f32 v33, v0;
	v0 =	vld [tilespmem:s30+$0x100]  }
0x11c: {  	v56 =	vunpack.i.u.bf16.f32 v44;
	v58 =	vunpack.i.l.bf16.f32 v49;
	v3 =	vadd.f32 v4, v3  }
0x11d: {  	v62 =	vunpack.i.l.bf16.f32 v54;
	v12 =	vunpack.i.u.bf16.f32 v54;
	v54 =	vunpack.i.l.bf16.f32 v46  }
0x11e: {  	v14 =	vunpack.i.l.bf16.f32 v59;
	v21 =	vunpack.i.u.bf16.f32 v63;
	v24 =	vld [tilespmem:s31+$0x4080];
	v3 =	vadd.f32 v36, v3  }
0x11f: {  	v18 =	vunpack.i.l.bf16.f32 v63;
	v30 =	vunpack.i.u.bf16.f32 v19;
	v2 =	vadd.f32 v39, v2  }
0x120: {  	v23 =	vunpack.i.l.bf16.f32 v15;
	v3 =	vadd.f32 v5, v3;
	v47 =	vbroadcast v0, $0x0  }
0x121: {  	v7 =	vunpack.i.u.bf16.f32 v15;
	v27 =	vunpack.i.l.bf16.f32 v19;
	v2 =	vadd.f32 v42, v2  }
0x122: {  	v51 =	vbroadcast v0, $0x1;
	v3 =	vadd.f32 v45, v3;
	v4 =	vmul.f32 v48, v47  }
0x123: {  	v32 =	vunpack.i.l.bf16.f32 v24;
	v1 =	vadd.f32 v1, v2;
	v52 =	vmul.f32 v50, v47  }
0x124: {  	v28 =	vld [tilespmem:s31+$0x4090];
	v57 =	vbroadcast v0, $0x2;
	v55 =	vmul.f32 v53, v51;
	v3 =	vadd.f32 v4, v3  }
0x125: {  	v5 =	vunpack.i.u.bf16.f32 v49;
	v2 =	vmul.f32 v56, v51;
	v1 =	vadd.f32 v52, v1  }
0x126: {  	v60 =	vbroadcast v0, $0x3;
	v4 =	vmul.f32 v58, v57;
	v3 =	vadd.f32 v55, v3  }
0x127: {  	v6 =	vunpack.i.u.bf16.f32 v24;
	v61 =	vmul.f32 v5, v57;
	v1 =	vadd.f32 v2, v1  }
0x128: {  	v13 =	vbroadcast v0, $0x4;
	v11 =	vmul.f32 v62, v60;
	v3 =	vadd.f32 v4, v3  }
0x129: {  	v36 =	vunpack.i.l.bf16.f32 v28;
	v2 =	vmul.f32 v12, v60;
	v1 =	vadd.f32 v61, v1  }
0x12a: {  	v16 =	vbroadcast v0, $0x5;
	v4 =	vmul.f32 v14, v13;
	v3 =	vadd.f32 v11, v3  }
0x12b: {  	v39 =	vunpack.i.u.bf16.f32 v28;
	v17 =	vmul.f32 v8, v13;
	v1 =	vadd.f32 v2, v1  }
0x12c: {  	v33 =	vld [tilespmem:s31+$0x40A0];
	v22 =	vbroadcast v0, $0x6;
	v20 =	vmul.f32 v18, v16;
	v3 =	vadd.f32 v4, v3  }
0x12d: {  	v25 =	vbroadcast v0, $0x7;
	v2 =	vmul.f32 v21, v16;
	v1 =	vadd.f32 v17, v1  }
0x12e: {  	v31 =	vbroadcast v0, $0x8;
	v4 =	vmul.f32 v23, v22;
	v3 =	vadd.f32 v20, v3  }
0x12f: {  	v37 =	vld [tilespmem:s31+$0x40B0];
	v34 =	vbroadcast v0, $0x9;
	v26 =	vmul.f32 v7, v22;
	v1 =	vadd.f32 v2, v1  }
0x130: {  	v40 =	vbroadcast v0, $0xA;
	v29 =	vmul.f32 v27, v25;
	v3 =	vadd.f32 v4, v3  }
0x131: {  	v41 =	vunpack.i.l.bf16.f32 v33;
	v2 =	vmul.f32 v30, v25;
	v1 =	vadd.f32 v26, v1  }
0x132: {  	v43 =	vbroadcast v0, $0xB;
	v4 =	vmul.f32 v32, v31;
	v3 =	vadd.f32 v29, v3  }
0x133: {  	v42 =	vld [tilespmem:s31+$0x40C0];
	v49 =	vbroadcast v0, $0xC;
	v35 =	vmul.f32 v6, v31;
	v1 =	vadd.f32 v2, v1  }
0x134: {  	v45 =	vunpack.i.l.bf16.f32 v37;
	v38 =	vmul.f32 v36, v34;
	v3 =	vadd.f32 v4, v3  }
0x135: {  	v8 =	vunpack.i.u.bf16.f32 v33;
	v2 =	vmul.f32 v39, v34;
	v1 =	vadd.f32 v35, v1  }
0x136: {  	v47 =	vmul.f32 v45, v43;
	v4 =	vmul.f32 v41, v40;
	v3 =	vadd.f32 v38, v3  }
0x137: {  	v48 =	vunpack.i.u.bf16.f32 v37;
	v44 =	vmul.f32 v8, v40;
	v1 =	vadd.f32 v2, v1  }
0x138: {  	v51 =	vld [tilespmem:s31+$0x40E0];
	v50 =	vunpack.i.l.bf16.f32 v42;
	v7 =	vunpack.i.u.bf16.f32 v42;
	v3 =	vadd.f32 v4, v3  }
0x139: {  	v52 =	vbroadcast v0, $0xD;
	v2 =	vmul.f32 v48, v43;
	v1 =	vadd.f32 v44, v1  }
0x13a: {  	v57 =	vunpack.i.u.bf16.f32 v46;
	v55 =	vld [tilespmem:s31+$0x40F0];
	v4 =	vmul.f32 v50, v49;
	v3 =	vadd.f32 v47, v3  }
0x13b: {  	v58 =	vbroadcast v0, $0xE;
	v53 =	vmul.f32 v7, v49;
	v1 =	vadd.f32 v2, v1  }
0x13c: {  	v0 =	vbroadcast v0, $0xF;
	v56 =	vmul.f32 v54, v52;
	v3 =	vadd.f32 v4, v3  }
0x13d: {  	v59 =	vunpack.i.l.bf16.f32 v51;
	v2 =	vmul.f32 v57, v52;
	v1 =	vadd.f32 v53, v1  }
0x13e: {  	v6 =	vunpack.i.u.bf16.f32 v51;
	v4 =	vmul.f32 v59, v58;
	v3 =	vadd.f32 v56, v3  }
0x13f: {  	v60 =	vmul.f32 v6, v58;
	v61 =	vunpack.i.l.bf16.f32 v55;
	v1 =	vadd.f32 v2, v1  }
0x140: {  	p1 =	sne.s32 s0, $0x3C00;
	v62 =	vunpack.i.u.bf16.f32 v55;
	v5 =	vmul.f32 v61, v0;
	v3 =	vadd.f32 v4, v3  }
.Ltmp0:
0x141: {  	v0 =	vmul.f32 v62, v0;
	v1 =	vadd.f32 v60, v1;
	(pc) =	sbr.rel @p1 .LBB2_3-.Ltmp0, $4  }
0x142: {  	v63 =	vadd.f32 v5, v3  }
0x143: {  	v0 =	vadd.f32 v0, v1  }
0x144: {  	[tilespmem:s4+$0xFFFFFFF0] =	vst v63  }
0x145: {  	s0 =	sadd.s32 $0x400, s0;
	s30 =	sadd.s32 $0x10, s30;
	[tilespmem:s4+$0x0] =	vst v0;
	s4 =	sadd.s32 $0x20, s4  }
0x146: {  	s0 =	smin.u32 s24, $0xFD  }
0x147: {  	s4 =	rddreg [dreg:$0x13];
	s0 =	sshll.u32 s0, $0x5  }
0x148: {  	s0 =	sadd.s32 s0, s4  }
0x149: {  	s4 =	sadd.s32 s3, s0  }
0x14a: {  	[tilespmem:s1], [sflag:$0x1] =	stream.linear.gather [hbm4b:s4+s1], $0x100, $0x38;
	[tilespmem:$0x9400] =	vst v63  }
0x14b: {  	s30 =	simm.s32 $0x800;
	s31 =	sadd.s32 s7, s0  }
0x14c: {  	[tilespmem:s30], [sflag:$0x1] =	stream.linear.gather [hbm4b:s31+s1], $0x100, $0x38;
	[tilespmem:$0x9400] =	vst v63  }
0x14d: {  	s30 =	sadd.s32 s2, s0  }
0x14e: {  	[tilespmem:s12], [sflag:$0x1] =	stream.linear.gather [hbm4b:s30+s1], $0x100, $0x38;
	[tilespmem:$0x9400] =	vst v63  }
0x14f: {  	s4 =	sadd.s32 s8, s0;
	s31 =	simm.s32 $0x900  }
0x150: {  	[tilespmem:s31], [sflag:$0x1] =	stream.linear.gather [hbm4b:s4+s1], $0x100, $0x38;
	[tilespmem:$0x9400] =	vst v63  }
0x151: {  	s30 =	sadd.s32 s5, s0  }
0x152: {  	[tilespmem:s14], [sflag:$0x1] =	stream.linear.gather [hbm4b:s30+s1], $0x100, $0x38;
	[tilespmem:$0x9400] =	vst v63  }
0x153: {  	s4 =	sadd.s32 s9, s0;
	s31 =	simm.s32 $0xA00  }
0x154: {  	[tilespmem:s31], [sflag:$0x1] =	stream.linear.gather [hbm4b:s4+s1], $0x100, $0x38;
	[tilespmem:$0x9400] =	vst v63  }
0x155: {  	s30 =	sadd.s32 s6, s0  }
0x156: {  	[tilespmem:s16], [sflag:$0x1] =	stream.linear.gather [hbm4b:s30+s1], $0x100, $0x38;
	[tilespmem:$0x9400] =	vst v63  }
0x157: {  	s0 =	sadd.s32 s10, s0;
	s31 =	simm.s32 $0xB00  }
0x158: {  	[tilespmem:s31], [sflag:$0x1] =	stream.linear.gather [hbm4b:s0+s1], $0x100, $0x38;
	[tilespmem:$0x9400] =	vst v63  }
0x159: {  	s26 =	sadd.s32 s26, s21;
	s30 =	simm.s32 $0x9000  }
0x15a: {  	[hbm4b:s26+s1] =	stream.linear.scatter [tilespmem:s30], [sflag:$0x5], $0x200, $0x38;
	[tilespmem:$0x9400] =	vst v63  }
0x15b: {  	_ =	swait.ge [sflag:s28], $0x100  }
0x15c: {  	[sflag:s28] =	ssyncset.done $0x0  }
0x15d: {  	[sflag:s28] =	ssyncadd.s32 $0xFFFFFF00  }
0x15e: {  	_ =	swait.ge [sflag:s28], $0x100  }
0x15f: {  	[sflag:s28] =	ssyncset.done $0x0  }
0x160: {  	[sflag:s28] =	ssyncadd.s32 $0xFFFFFF00  }
0x161: {  	_ =	swait.ge [sflag:s28], $0x100  }
0x162: {  	[sflag:s28] =	ssyncset.done $0x0  }
0x163: {  	[sflag:s28] =	ssyncadd.s32 $0xFFFFFF00  }
0x164: {  	_ =	swait.ge [sflag:s28], $0x100  }
0x165: {  	[sflag:s28] =	ssyncset.done $0x0  }
0x166: {  	[sflag:s28] =	ssyncadd.s32 $0xFFFFFF00  }
0x167: {  	_ =	swait.ge [sflag:s28], $0x100  }
0x168: {  	[sflag:s28] =	ssyncset.done $0x0  }
0x169: {  	[sflag:s28] =	ssyncadd.s32 $0xFFFFFF00  }
0x16a: {  	_ =	swait.ge [sflag:s28], $0x100  }
0x16b: {  	[sflag:s28] =	ssyncset.done $0x0  }
0x16c: {  	[sflag:s28] =	ssyncadd.s32 $0xFFFFFF00  }
0x16d: {  	_ =	swait.ge [sflag:s28], $0x100  }
0x16e: {  	[sflag:s28] =	ssyncset.done $0x0  }
0x16f: {  	[sflag:s28] =	ssyncadd.s32 $0xFFFFFF00  }
0x170: {  	_ =	swait.ge [sflag:s28], $0x100  }
0x171: {  	[sflag:s28] =	ssyncset.done $0x0  }
0x172: {  	s31 =	simm.s32 $0x1000;
	[sflag:s28] =	ssyncadd.s32 $0xFFFFFF00  }
0x173: {  	[tilespmem:s31], [sflag:$0x3] =	stream.indirect.gather [hbm4b:s11+s29], $0x10, s1, s29, $0xb8;
	[tilespmem:$0x9400] =	vst v63  }
0x174: {  	s4 =	simm.s32 $0x1800  }
0x175: {  	[tilespmem:s4], [sflag:$0x3] =	stream.indirect.gather [hbm4b:s11+s29], $0x10, s29, s29, $0xb8;
	[tilespmem:$0x9400] =	vst v63  }
0x176: {  	s26 =	simm.s32 $0x2000  }
0x177: {  	[tilespmem:s26], [sflag:$0x3] =	stream.indirect.gather [hbm4b:s11+s29], $0x10, s12, s29, $0xb8;
	[tilespmem:$0x9400] =	vst v63  }
0x178: {  	s30 =	simm.s32 $0x180;
	s31 =	simm.s32 $0x2800  }
0x179: {  	[tilespmem:s31], [sflag:$0x3] =	stream.indirect.gather [hbm4b:s11+s29], $0x10, s30, s29, $0xb8;
	[tilespmem:$0x9400] =	vst v63  }
0x17a: {  	s26 =	simm.s32 $0x3000  }
0x17b: {  	[tilespmem:s26], [sflag:$0x3] =	stream.indirect.gather [hbm4b:s11+s29], $0x10, s14, s29, $0xb8;
	[tilespmem:$0x9400] =	vst v63  }
0x17c: {  	s30 =	simm.s32 $0x280;
	s31 =	simm.s32 $0x3800  }
0x17d: {  	[tilespmem:s31], [sflag:$0x3] =	stream.indirect.gather [hbm4b:s11+s29], $0x10, s30, s29, $0xb8;
	[tilespmem:$0x9400] =	vst v63  }
0x17e: {  	s26 =	simm.s32 $0x4000  }
0x17f: {  	[tilespmem:s26], [sflag:$0x3] =	stream.indirect.gather [hbm4b:s11+s29], $0x10, s16, s29, $0xb8;
	[tilespmem:$0x9400] =	vst v63  }
0x180: {  	s30 =	simm.s32 $0x380;
	s31 =	simm.s32 $0x4800  }
0x181: {  	[tilespmem:s31], [sflag:$0x3] =	stream.indirect.gather [hbm4b:s11+s29], $0x10, s30, s29, $0xb8;
	[tilespmem:$0x9400] =	vst v63  }
0x182: {  	_ =	swait.ge [sflag:s17], $0x800  }
0x183: {  	[sflag:s17] =	ssyncset.done $0x0  }
0x184: {  	[sflag:s17] =	ssyncadd.s32 $0xFFFFF800  }
0x185: {  	_ =	swait.ge [sflag:s17], $0x800  }
0x186: {  	[sflag:s17] =	ssyncset.done $0x0  }
0x187: {  	[sflag:s17] =	ssyncadd.s32 $0xFFFFF800  }
0x188: {  	_ =	swait.ge [sflag:s17], $0x800  }
0x189: {  	[sflag:s17] =	ssyncset.done $0x0  }
0x18a: {  	[sflag:s17] =	ssyncadd.s32 $0xFFFFF800  }
0x18b: {  	_ =	swait.ge [sflag:s17], $0x800  }
0x18c: {  	[sflag:s17] =	ssyncset.done $0x0  }
0x18d: {  	[sflag:s17] =	ssyncadd.s32 $0xFFFFF800  }
0x18e: {  	_ =	swait.ge [sflag:s17], $0x800  }
0x18f: {  	[sflag:s17] =	ssyncset.done $0x0  }
0x190: {  	[sflag:s17] =	ssyncadd.s32 $0xFFFFF800  }
0x191: {  	_ =	swait.ge [sflag:s17], $0x800  }
0x192: {  	[sflag:s17] =	ssyncset.done $0x0  }
0x193: {  	[sflag:s17] =	ssyncadd.s32 $0xFFFFF800  }
0x194: {  	_ =	swait.ge [sflag:s17], $0x800  }
0x195: {  	[sflag:s17] =	ssyncset.done $0x0  }
0x196: {  	[sflag:s17] =	ssyncadd.s32 $0xFFFFF800  }
0x197: {  	_ =	swait.ge [sflag:s17], $0x800  }
0x198: {  	[sflag:s17] =	ssyncset.done $0x0  }
0x199: {  	s0 =	simm.s32 @!p0 $0x6;
	[sflag:s17] =	ssyncadd.s32 $0xFFFFF800  }
0x19a: {  	_ =	swait.ge @!p0 [sflag:s0], $0x200  }
0x19b: {  	s4 =	simm.s32 $0x9210;
	[sflag:s0] =	ssyncset.done @!p0 $0x0  }
0x19c: {  	s26 =	simm.s32 $0xE00;
	[sflag:s0] =	ssyncadd.s32 @!p0 $0xFFFFFE00;
	s0 =	simm.s32 $0x0  }
.LBB2_5:
0x19d: {  	v1 =	vld [tilespmem:s26+$0xFFFFFE00]  }
0x19e: {  	s30 =	sshra.s32 s0, $0x2  }
0x19f: {  	v0 =	vld [tilespmem:s30+$0x5000]  }
0x1a0: {  	v2 =	vld [tilespmem:s30+$0x5010]  }
0x1a1: {  	v5 =	vld [tilespmem:s30+$0x5020]  }
0x1a2: {  	v7 =	vld [tilespmem:s30+$0x5030];
	v3 =	vbroadcast v1, $0x0;
	v6 =	vbroadcast v1, $0x1  }
0x1a3: {  	v51 =	vld [tilespmem:s30+$0x5040];
	v8 =	vbroadcast v1, $0x2;
	v9 =	vbroadcast v1, $0x3  }
0x1a4: {  	v54 =	vld [tilespmem:s30+$0x5050];
	v57 =	vbroadcast v1, $0x4;
	v60 =	vbroadcast v1, $0x5  }
0x1a5: {  	v59 =	vld [tilespmem:s30+$0x5060];
	v14 =	vbroadcast v1, $0x6;
	v17 =	vbroadcast v1, $0x7  }
0x1a6: {  	v63 =	vld [tilespmem:s30+$0x5070];
	v23 =	vbroadcast v1, $0x8;
	v26 =	vbroadcast v1, $0x9  }
0x1a7: {  	v16 =	vld [tilespmem:s30+$0x5080];
	v32 =	vbroadcast v1, $0xA;
	v35 =	vbroadcast v1, $0xB  }
0x1a8: {  	v20 =	vld [tilespmem:s30+$0x5090];
	v41 =	vbroadcast v1, $0xC;
	v44 =	vbroadcast v1, $0xD;
	v4 =	vunpack.i.l.bf16.f32 v0  }
0x1a9: {  	v25 =	vld [tilespmem:s30+$0x50A0];
	v0 =	vunpack.i.u.bf16.f32 v0;
	v49 =	vunpack.i.l.bf16.f32 v2;
	v2 =	vunpack.i.u.bf16.f32 v2  }
0x1aa: {  	v29 =	vld [tilespmem:s30+$0x50B0];
	v50 =	vunpack.i.l.bf16.f32 v5;
	v5 =	vunpack.i.u.bf16.f32 v5;
	v53 =	vunpack.i.l.bf16.f32 v7  }
0x1ab: {  	v34 =	vld [tilespmem:s30+$0x50C0];
	v56 =	vunpack.i.u.bf16.f32 v7;
	v58 =	vunpack.i.l.bf16.f32 v51;
	v62 =	vunpack.i.l.bf16.f32 v54  }
0x1ac: {  	v38 =	vld [tilespmem:s30+$0x50D0];
	v13 =	vunpack.i.u.bf16.f32 v54;
	v15 =	vunpack.i.l.bf16.f32 v59;
	v7 =	vunpack.i.u.bf16.f32 v59  }
0x1ad: {  	v19 =	vunpack.i.l.bf16.f32 v63;
	v22 =	vunpack.i.u.bf16.f32 v63;
	v24 =	vunpack.i.l.bf16.f32 v16  }
0x1ae: {  	v28 =	vunpack.i.l.bf16.f32 v20;
	v31 =	vunpack.i.u.bf16.f32 v20;
	v0 =	vmul.f32 v0, v3  }
0x1af: {  	v33 =	vunpack.i.l.bf16.f32 v25;
	v37 =	vunpack.i.l.bf16.f32 v29;
	v40 =	vunpack.i.u.bf16.f32 v29  }
0x1b0: {  	v42 =	vunpack.i.l.bf16.f32 v34;
	v2 =	vmul.f32 v2, v6;
	v0 =	vadd.f32 $0.0e+00, v0  }
0x1b1: {  	v46 =	vunpack.i.l.bf16.f32 v38;
	v4 =	vmul.f32 v4, v3;
	v3 =	vmul.f32 v49, v6  }
0x1b2: {  	v52 =	vmul.f32 v5, v8;
	v55 =	vmul.f32 v53, v9;
	v0 =	vadd.f32 v2, v0  }
0x1b3: {  	v6 =	vunpack.i.u.bf16.f32 v51;
	v12 =	vmul.f32 v62, v60;
	v4 =	vadd.f32 $0.0e+00, v4  }
0x1b4: {  	v18 =	vmul.f32 v7, v14;
	v2 =	vmul.f32 v56, v9;
	v0 =	vadd.f32 v52, v0  }
0x1b5: {  	v21 =	vmul.f32 v19, v17;
	v3 =	vadd.f32 v3, v4;
	v4 =	vmul.f32 v50, v8  }
0x1b6: {  	v30 =	vmul.f32 v28, v26;
	v61 =	vmul.f32 v6, v57;
	v0 =	vadd.f32 v2, v0  }
0x1b7: {  	v39 =	vmul.f32 v37, v35;
	v7 =	vunpack.i.u.bf16.f32 v34;
	v3 =	vadd.f32 v4, v3  }
0x1b8: {  	v48 =	vmul.f32 v46, v44;
	v2 =	vmul.f32 v13, v60;
	v0 =	vadd.f32 v61, v0  }
0x1b9: {  	v43 =	vld [tilespmem:s30+$0x50E0];
	v49 =	vunpack.i.u.bf16.f32 v38;
	v4 =	vmul.f32 v58, v57;
	v3 =	vadd.f32 v55, v3  }
0x1ba: {  	v53 =	vld [tilespmem:s30+$0x6000];
	v6 =	vunpack.i.u.bf16.f32 v25;
	v45 =	vmul.f32 v7, v41;
	v0 =	vadd.f32 v2, v0  }
0x1bb: {  	v51 =	vmul.f32 v49, v44;
	v36 =	vmul.f32 v6, v32;
	v3 =	vadd.f32 v4, v3  }
0x1bc: {  	v8 =	vunpack.i.u.bf16.f32 v16;
	v2 =	vmul.f32 v22, v17;
	v0 =	vadd.f32 v18, v0  }
0x1bd: {  	v47 =	vld [tilespmem:s30+$0x50F0];
	v50 =	vbroadcast v1, $0xE;
	v4 =	vmul.f32 v15, v14;
	v3 =	vadd.f32 v12, v3  }
0x1be: {  	v44 =	vld [tilespmem:s30+$0x60A0];
	v1 =	vbroadcast v1, $0xF;
	v27 =	vmul.f32 v8, v23;
	v0 =	vadd.f32 v2, v0  }
0x1bf: {  	v8 =	vunpack.i.u.bf16.f32 v43;
	v62 =	vunpack.i.u.bf16.f32 v53;
	v3 =	vadd.f32 v4, v3  }
0x1c0: {  	v56 =	vld [tilespmem:s30+$0x6010];
	v52 =	vunpack.i.l.bf16.f32 v43;
	v2 =	vmul.f32 v31, v26;
	v0 =	vadd.f32 v27, v0  }
0x1c1: {  	v54 =	vmul.f32 v8, v50;
	v61 =	vld [tilespmem:s30+$0x6020];
	v4 =	vmul.f32 v24, v23;
	v3 =	vadd.f32 v21, v3  }
0x1c2: {  	v58 =	vunpack.i.u.bf16.f32 v47;
	v5 =	vmul.f32 v52, v50;
	v12 =	vld [tilespmem:s30+$0x6030];
	v0 =	vadd.f32 v2, v0  }
0x1c3: {  	v52 =	vunpack.i.l.bf16.f32 v44;
	v55 =	vunpack.i.l.bf16.f32 v47;
	v17 =	vld [tilespmem:s30+$0x6040];
	v3 =	vadd.f32 v4, v3  }
0x1c4: {  	v60 =	vunpack.i.l.bf16.f32 v53;
	v21 =	vld [tilespmem:s30+$0x6050];
	v2 =	vmul.f32 v40, v35;
	v0 =	vadd.f32 v36, v0  }
0x1c5: {  	v57 =	vmul.f32 v55, v1;
	v26 =	vld [tilespmem:s30+$0x6060];
	v4 =	vmul.f32 v33, v32;
	v3 =	vadd.f32 v30, v3  }
0x1c6: {  	v1 =	vmul.f32 v58, v1;
	v11 =	vunpack.i.l.bf16.f32 v56;
	v30 =	vld [tilespmem:s30+$0x6070];
	v0 =	vadd.f32 v2, v0  }
0x1c7: {  	v14 =	vunpack.i.u.bf16.f32 v56;
	v16 =	vunpack.i.l.bf16.f32 v61;
	v35 =	vld [tilespmem:s30+$0x6080];
	v3 =	vadd.f32 v4, v3  }
0x1c8: {  	v20 =	vunpack.i.l.bf16.f32 v12;
	v23 =	vunpack.i.u.bf16.f32 v12;
	v2 =	vadd.f32 v45, v0;
	v0 =	vld [tilespmem:s26+$0xFFFFFF00]  }
0x1c9: {  	v25 =	vunpack.i.l.bf16.f32 v17;
	v4 =	vmul.f32 v42, v41;
	v3 =	vadd.f32 v39, v3  }
0x1ca: {  	v8 =	vunpack.i.u.bf16.f32 v17;
	v29 =	vunpack.i.l.bf16.f32 v21;
	v32 =	vunpack.i.u.bf16.f32 v21;
	v39 =	vld [tilespmem:s30+$0x6090]  }
0x1cb: {  	v34 =	vunpack.i.l.bf16.f32 v26;
	v7 =	vunpack.i.u.bf16.f32 v26;
	v3 =	vadd.f32 v4, v3  }
0x1cc: {  	v38 =	vunpack.i.l.bf16.f32 v30;
	v41 =	vunpack.i.u.bf16.f32 v30;
	v43 =	vunpack.i.l.bf16.f32 v35  }
0x1cd: {  	v6 =	vunpack.i.u.bf16.f32 v35;
	v3 =	vadd.f32 v48, v3;
	v59 =	vbroadcast v0, $0x0  }
0x1ce: {  	v2 =	vadd.f32 v51, v2;
	v63 =	vbroadcast v0, $0x1;
	v15 =	vbroadcast v0, $0x2  }
0x1cf: {  	v53 =	vld [tilespmem:s30+$0x60C0];
	v47 =	vunpack.i.l.bf16.f32 v39;
	v18 =	vbroadcast v0, $0x3;
	v24 =	vbroadcast v0, $0x4  }
0x1d0: {  	v50 =	vunpack.i.u.bf16.f32 v39;
	v27 =	vbroadcast v0, $0x5;
	v33 =	vbroadcast v0, $0x6  }
0x1d1: {  	v3 =	vadd.f32 v5, v3;
	v36 =	vbroadcast v0, $0x7;
	v42 =	vbroadcast v0, $0x8  }
0x1d2: {  	v2 =	vadd.f32 v54, v2;
	v45 =	vbroadcast v0, $0x9;
	v51 =	vbroadcast v0, $0xA  }
0x1d3: {  	v5 =	vunpack.i.u.bf16.f32 v61;
	v54 =	vbroadcast v0, $0xB;
	v17 =	vbroadcast v0, $0xE  }
0x1d4: {  	v61 =	vunpack.i.l.bf16.f32 v53;
	v4 =	vmul.f32 v60, v59;
	v10 =	vmul.f32 v62, v59  }
0x1d5: {  	v1 =	vadd.f32 v1, v2;
	v13 =	vmul.f32 v11, v63;
	v2 =	vmul.f32 v14, v63  }
0x1d6: {  	v48 =	vld [tilespmem:s30+$0x60B0];
	v3 =	vadd.f32 v57, v3;
	v19 =	vmul.f32 v5, v15;
	v22 =	vmul.f32 v20, v18  }
0x1d7: {  	v28 =	vmul.f32 v8, v24;
	v31 =	vmul.f32 v29, v27;
	v1 =	vadd.f32 v10, v1  }
0x1d8: {  	v37 =	vmul.f32 v7, v33;
	v40 =	vmul.f32 v38, v36;
	v3 =	vadd.f32 v4, v3  }
0x1d9: {  	v46 =	vmul.f32 v6, v42;
	v49 =	vmul.f32 v47, v45;
	v1 =	vadd.f32 v2, v1  }
0x1da: {  	v8 =	vunpack.i.u.bf16.f32 v44;
	v4 =	vmul.f32 v16, v15;
	v3 =	vadd.f32 v13, v3  }
0x1db: {  	v56 =	vunpack.i.l.bf16.f32 v48;
	v2 =	vmul.f32 v23, v18;
	v1 =	vadd.f32 v19, v1  }
0x1dc: {  	v57 =	vld [tilespmem:s30+$0x60D0];
	v59 =	vunpack.i.u.bf16.f32 v48;
	v60 =	vbroadcast v0, $0xC;
	v3 =	vadd.f32 v4, v3  }
0x1dd: {  	v62 =	vld [tilespmem:s30+$0x60E0];
	v7 =	vunpack.i.u.bf16.f32 v53;
	v63 =	vbroadcast v0, $0xD;
	v1 =	vadd.f32 v2, v1  }
0x1de: {  	v20 =	vld [tilespmem:s30+$0x7000];
	v0 =	vbroadcast v0, $0xF;
	v4 =	vmul.f32 v25, v24;
	v3 =	vadd.f32 v22, v3  }
0x1df: {  	v38 =	vld [tilespmem:s30+$0x7040];
	v55 =	vmul.f32 v8, v51;
	v2 =	vmul.f32 v32, v27;
	v1 =	vadd.f32 v28, v1  }
0x1e0: {  	v47 =	vld [tilespmem:s30+$0x7060];
	v58 =	vmul.f32 v56, v54;
	v12 =	vmul.f32 v7, v60;
	v3 =	vadd.f32 v4, v3  }
0x1e1: {  	v13 =	vunpack.i.l.bf16.f32 v57;
	v16 =	vunpack.i.u.bf16.f32 v57;
	v1 =	vadd.f32 v2, v1  }
0x1e2: {  	v15 =	vmul.f32 v13, v63;
	v4 =	vmul.f32 v34, v33;
	v3 =	vadd.f32 v31, v3  }
0x1e3: {  	v14 =	vld [tilespmem:s30+$0x60F0];
	v18 =	vmul.f32 v16, v63;
	v2 =	vmul.f32 v41, v36;
	v1 =	vadd.f32 v37, v1  }
0x1e4: {  	v56 =	vld [tilespmem:s30+$0x7080];
	v6 =	vunpack.i.u.bf16.f32 v62;
	v29 =	vunpack.i.u.bf16.f32 v20;
	v3 =	vadd.f32 v4, v3  }
0x1e5: {  	v8 =	vunpack.i.u.bf16.f32 v38;
	v7 =	vunpack.i.u.bf16.f32 v47;
	v1 =	vadd.f32 v2, v1  }
0x1e6: {  	v19 =	vunpack.i.l.bf16.f32 v62;
	v4 =	vmul.f32 v43, v42;
	v3 =	vadd.f32 v40, v3  }
0x1e7: {  	v23 =	vld [tilespmem:s30+$0x7010];
	v21 =	vmul.f32 v6, v17;
	v2 =	vmul.f32 v50, v45;
	v1 =	vadd.f32 v46, v1  }
0x1e8: {  	v25 =	vunpack.i.u.bf16.f32 v14;
	v5 =	vmul.f32 v19, v17;
	v17 =	vld [tilespmem:s30+$0x70B0];
	v3 =	vadd.f32 v4, v3  }
0x1e9: {  	v6 =	vunpack.i.u.bf16.f32 v56;
	v22 =	vunpack.i.l.bf16.f32 v14;
	v28 =	vld [tilespmem:s30+$0x7020];
	v1 =	vadd.f32 v2, v1  }
0x1ea: {  	v27 =	vunpack.i.l.bf16.f32 v20;
	v33 =	vld [tilespmem:s30+$0x7030];
	v4 =	vmul.f32 v52, v51;
	v3 =	vadd.f32 v49, v3  }
0x1eb: {  	v24 =	vmul.f32 v22, v0;
	v42 =	vld [tilespmem:s30+$0x7050];
	v2 =	vmul.f32 v59, v54;
	v1 =	vadd.f32 v55, v1  }
0x1ec: {  	v0 =	vmul.f32 v25, v0;
	v32 =	vunpack.i.l.bf16.f32 v23;
	v51 =	vld [tilespmem:s30+$0x7070];
	v3 =	vadd.f32 v4, v3  }
0x1ed: {  	v35 =	vunpack.i.u.bf16.f32 v23;
	v25 =	vunpack.i.l.bf16.f32 v17;
	v1 =	vadd.f32 v2, v1  }
0x1ee: {  	v37 =	vunpack.i.l.bf16.f32 v28;
	v4 =	vmul.f32 v61, v60;
	v60 =	vld [tilespmem:s30+$0x7090];
	v3 =	vadd.f32 v58, v3  }
0x1ef: {  	v41 =	vunpack.i.l.bf16.f32 v33;
	v44 =	vunpack.i.u.bf16.f32 v33;
	v2 =	vadd.f32 v12, v1;
	v1 =	vld [tilespmem:s26+$0x0]  }
0x1f0: {  	v46 =	vunpack.i.l.bf16.f32 v38;
	v50 =	vunpack.i.l.bf16.f32 v42;
	v3 =	vadd.f32 v4, v3  }
0x1f1: {  	v13 =	vld [tilespmem:s30+$0x70A0];
	v53 =	vunpack.i.u.bf16.f32 v42;
	v55 =	vunpack.i.l.bf16.f32 v47;
	v59 =	vunpack.i.l.bf16.f32 v51  }
0x1f2: {  	v62 =	vunpack.i.u.bf16.f32 v51;
	v3 =	vadd.f32 v15, v3;
	v2 =	vadd.f32 v18, v2  }
0x1f3: {  	v12 =	vunpack.i.l.bf16.f32 v56;
	v16 =	vunpack.i.l.bf16.f32 v60;
	v19 =	vunpack.i.u.bf16.f32 v60  }
0x1f4: {  	v3 =	vadd.f32 v5, v3;
	v2 =	vadd.f32 v21, v2;
	v26 =	vbroadcast v1, $0x0  }
0x1f5: {  	v5 =	vunpack.i.u.bf16.f32 v28;
	v30 =	vbroadcast v1, $0x1;
	v36 =	vbroadcast v1, $0x2  }
0x1f6: {  	v21 =	vunpack.i.l.bf16.f32 v13;
	v39 =	vbroadcast v1, $0x3;
	v45 =	vbroadcast v1, $0x4  }
0x1f7: {  	v28 =	vunpack.i.u.bf16.f32 v17;
	v48 =	vbroadcast v1, $0x5;
	v54 =	vbroadcast v1, $0x6  }
0x1f8: {  	v57 =	vbroadcast v1, $0x7;
	v0 =	vadd.f32 v0, v2;
	v31 =	vmul.f32 v29, v26  }
0x1f9: {  	v63 =	vbroadcast v1, $0x8;
	v3 =	vadd.f32 v24, v3;
	v4 =	vmul.f32 v27, v26  }
0x1fa: {  	v14 =	vbroadcast v1, $0x9;
	v2 =	vmul.f32 v35, v30;
	v0 =	vadd.f32 v31, v0  }
0x1fb: {  	v20 =	vbroadcast v1, $0xA;
	v34 =	vmul.f32 v32, v30;
	v3 =	vadd.f32 v4, v3  }
0x1fc: {  	v23 =	vbroadcast v1, $0xB;
	v40 =	vmul.f32 v5, v36;
	v0 =	vadd.f32 v2, v0  }
0x1fd: {  	v38 =	vbroadcast v1, $0xE;
	v4 =	vmul.f32 v37, v36;
	v3 =	vadd.f32 v34, v3  }
0x1fe: {  	v43 =	vmul.f32 v41, v39;
	v2 =	vmul.f32 v44, v39;
	v0 =	vadd.f32 v40, v0  }
0x1ff: {  	v22 =	vld [tilespmem:s30+$0x70C0];
	v49 =	vmul.f32 v8, v45;
	v52 =	vmul.f32 v50, v48;
	v3 =	vadd.f32 v4, v3  }
0x200: {  	v58 =	vmul.f32 v7, v54;
	v61 =	vmul.f32 v59, v57;
	v0 =	vadd.f32 v2, v0  }
0x201: {  	v15 =	vmul.f32 v6, v63;
	v4 =	vmul.f32 v46, v45;
	v3 =	vadd.f32 v43, v3  }
0x202: {  	v18 =	vmul.f32 v16, v14;
	v2 =	vmul.f32 v53, v48;
	v0 =	vadd.f32 v49, v0  }
0x203: {  	v8 =	vunpack.i.u.bf16.f32 v13;
	v26 =	vld [tilespmem:s30+$0x70D0];
	v27 =	vmul.f32 v25, v23;
	v3 =	vadd.f32 v4, v3  }
0x204: {  	v29 =	vbroadcast v1, $0xC;
	v30 =	vunpack.i.l.bf16.f32 v22;
	v0 =	vadd.f32 v2, v0  }
0x205: {  	v7 =	vunpack.i.u.bf16.f32 v22;
	v41 =	vld [tilespmem:s30+$0x8000];
	v4 =	vmul.f32 v55, v54;
	v3 =	vadd.f32 v52, v3  }
0x206: {  	v32 =	vbroadcast v1, $0xD;
	v35 =	vld [tilespmem:s30+$0x70F0];
	v2 =	vmul.f32 v62, v57;
	v0 =	vadd.f32 v58, v0  }
0x207: {  	v1 =	vbroadcast v1, $0xF;
	v24 =	vmul.f32 v8, v20;
	v3 =	vadd.f32 v4, v3  }
0x208: {  	v59 =	vld [tilespmem:s30+$0x8040];
	v33 =	vmul.f32 v7, v29;
	v34 =	vunpack.i.l.bf16.f32 v26;
	v0 =	vadd.f32 v2, v0  }
0x209: {  	v37 =	vunpack.i.u.bf16.f32 v26;
	v4 =	vmul.f32 v12, v63;
	v3 =	vadd.f32 v61, v3  }
0x20a: {  	v31 =	vld [tilespmem:s30+$0x70E0];
	v50 =	vunpack.i.u.bf16.f32 v41;
	v2 =	vmul.f32 v19, v14;
	v0 =	vadd.f32 v15, v0  }
0x20b: {  	v44 =	vld [tilespmem:s30+$0x8010];
	v46 =	vunpack.i.u.bf16.f32 v35;
	v43 =	vunpack.i.l.bf16.f32 v35;
	v3 =	vadd.f32 v4, v3  }
0x20c: {  	v45 =	vmul.f32 v43, v1;
	v1 =	vmul.f32 v46, v1;
	v46 =	vld [tilespmem:s30+$0x80D0];
	v0 =	vadd.f32 v2, v0  }
0x20d: {  	v8 =	vunpack.i.u.bf16.f32 v59;
	v49 =	vld [tilespmem:s30+$0x8020];
	v4 =	vmul.f32 v21, v20;
	v3 =	vadd.f32 v18, v3  }
0x20e: {  	v36 =	vmul.f32 v34, v32;
	v54 =	vld [tilespmem:s30+$0x8030];
	v2 =	vmul.f32 v28, v23;
	v0 =	vadd.f32 v24, v0  }
0x20f: {  	v39 =	vmul.f32 v37, v32;
	v40 =	vunpack.i.l.bf16.f32 v31;
	v63 =	vld [tilespmem:s30+$0x8050];
	v3 =	vadd.f32 v4, v3  }
0x210: {  	v6 =	vunpack.i.u.bf16.f32 v31;
	v5 =	vmul.f32 v40, v38;
	v19 =	vld [tilespmem:s30+$0x8070];
	v0 =	vadd.f32 v2, v0  }
0x211: {  	v42 =	vmul.f32 v6, v38;
	v15 =	vld [tilespmem:s30+$0x8060];
	v4 =	vmul.f32 v30, v29;
	v3 =	vadd.f32 v27, v3  }
0x212: {  	v48 =	vunpack.i.l.bf16.f32 v41;
	v53 =	vunpack.i.l.bf16.f32 v44;
	v2 =	vadd.f32 v33, v0;
	v0 =	vld [tilespmem:s26+$0x100]  }
0x213: {  	v56 =	vunpack.i.u.bf16.f32 v44;
	v58 =	vunpack.i.l.bf16.f32 v49;
	v3 =	vadd.f32 v4, v3  }
0x214: {  	v62 =	vunpack.i.l.bf16.f32 v54;
	v12 =	vunpack.i.u.bf16.f32 v54;
	v54 =	vunpack.i.l.bf16.f32 v46  }
0x215: {  	v14 =	vunpack.i.l.bf16.f32 v59;
	v21 =	vunpack.i.u.bf16.f32 v63;
	v24 =	vld [tilespmem:s30+$0x8080];
	v3 =	vadd.f32 v36, v3  }
0x216: {  	v18 =	vunpack.i.l.bf16.f32 v63;
	v30 =	vunpack.i.u.bf16.f32 v19;
	v2 =	vadd.f32 v39, v2  }
0x217: {  	v23 =	vunpack.i.l.bf16.f32 v15;
	v3 =	vadd.f32 v5, v3;
	v47 =	vbroadcast v0, $0x0  }
0x218: {  	v7 =	vunpack.i.u.bf16.f32 v15;
	v27 =	vunpack.i.l.bf16.f32 v19;
	v2 =	vadd.f32 v42, v2  }
0x219: {  	v51 =	vbroadcast v0, $0x1;
	v3 =	vadd.f32 v45, v3;
	v4 =	vmul.f32 v48, v47  }
0x21a: {  	v32 =	vunpack.i.l.bf16.f32 v24;
	v1 =	vadd.f32 v1, v2;
	v52 =	vmul.f32 v50, v47  }
0x21b: {  	v28 =	vld [tilespmem:s30+$0x8090];
	v57 =	vbroadcast v0, $0x2;
	v55 =	vmul.f32 v53, v51;
	v3 =	vadd.f32 v4, v3  }
0x21c: {  	v5 =	vunpack.i.u.bf16.f32 v49;
	v2 =	vmul.f32 v56, v51;
	v1 =	vadd.f32 v52, v1  }
0x21d: {  	v60 =	vbroadcast v0, $0x3;
	v4 =	vmul.f32 v58, v57;
	v3 =	vadd.f32 v55, v3  }
0x21e: {  	v6 =	vunpack.i.u.bf16.f32 v24;
	v61 =	vmul.f32 v5, v57;
	v1 =	vadd.f32 v2, v1  }
0x21f: {  	v13 =	vbroadcast v0, $0x4;
	v11 =	vmul.f32 v62, v60;
	v3 =	vadd.f32 v4, v3  }
0x220: {  	v36 =	vunpack.i.l.bf16.f32 v28;
	v2 =	vmul.f32 v12, v60;
	v1 =	vadd.f32 v61, v1  }
0x221: {  	v16 =	vbroadcast v0, $0x5;
	v4 =	vmul.f32 v14, v13;
	v3 =	vadd.f32 v11, v3  }
0x222: {  	v39 =	vunpack.i.u.bf16.f32 v28;
	v17 =	vmul.f32 v8, v13;
	v1 =	vadd.f32 v2, v1  }
0x223: {  	v33 =	vld [tilespmem:s30+$0x80A0];
	v22 =	vbroadcast v0, $0x6;
	v20 =	vmul.f32 v18, v16;
	v3 =	vadd.f32 v4, v3  }
0x224: {  	v25 =	vbroadcast v0, $0x7;
	v2 =	vmul.f32 v21, v16;
	v1 =	vadd.f32 v17, v1  }
0x225: {  	v31 =	vbroadcast v0, $0x8;
	v4 =	vmul.f32 v23, v22;
	v3 =	vadd.f32 v20, v3  }
0x226: {  	v37 =	vld [tilespmem:s30+$0x80B0];
	v34 =	vbroadcast v0, $0x9;
	v26 =	vmul.f32 v7, v22;
	v1 =	vadd.f32 v2, v1  }
0x227: {  	v40 =	vbroadcast v0, $0xA;
	v29 =	vmul.f32 v27, v25;
	v3 =	vadd.f32 v4, v3  }
0x228: {  	v41 =	vunpack.i.l.bf16.f32 v33;
	v2 =	vmul.f32 v30, v25;
	v1 =	vadd.f32 v26, v1  }
0x229: {  	v43 =	vbroadcast v0, $0xB;
	v4 =	vmul.f32 v32, v31;
	v3 =	vadd.f32 v29, v3  }
0x22a: {  	v42 =	vld [tilespmem:s30+$0x80C0];
	v49 =	vbroadcast v0, $0xC;
	v35 =	vmul.f32 v6, v31;
	v1 =	vadd.f32 v2, v1  }
0x22b: {  	v45 =	vunpack.i.l.bf16.f32 v37;
	v38 =	vmul.f32 v36, v34;
	v3 =	vadd.f32 v4, v3  }
0x22c: {  	v8 =	vunpack.i.u.bf16.f32 v33;
	v2 =	vmul.f32 v39, v34;
	v1 =	vadd.f32 v35, v1  }
0x22d: {  	v47 =	vmul.f32 v45, v43;
	v4 =	vmul.f32 v41, v40;
	v3 =	vadd.f32 v38, v3  }
0x22e: {  	v48 =	vunpack.i.u.bf16.f32 v37;
	v44 =	vmul.f32 v8, v40;
	v1 =	vadd.f32 v2, v1  }
0x22f: {  	v51 =	vld [tilespmem:s30+$0x80E0];
	v50 =	vunpack.i.l.bf16.f32 v42;
	v7 =	vunpack.i.u.bf16.f32 v42;
	v3 =	vadd.f32 v4, v3  }
0x230: {  	v52 =	vbroadcast v0, $0xD;
	v2 =	vmul.f32 v48, v43;
	v1 =	vadd.f32 v44, v1  }
0x231: {  	v57 =	vunpack.i.u.bf16.f32 v46;
	v55 =	vld [tilespmem:s30+$0x80F0];
	v4 =	vmul.f32 v50, v49;
	v3 =	vadd.f32 v47, v3  }
0x232: {  	v58 =	vbroadcast v0, $0xE;
	v53 =	vmul.f32 v7, v49;
	v1 =	vadd.f32 v2, v1  }
0x233: {  	v0 =	vbroadcast v0, $0xF;
	v56 =	vmul.f32 v54, v52;
	v3 =	vadd.f32 v4, v3  }
0x234: {  	v59 =	vunpack.i.l.bf16.f32 v51;
	v2 =	vmul.f32 v57, v52;
	v1 =	vadd.f32 v53, v1  }
0x235: {  	v6 =	vunpack.i.u.bf16.f32 v51;
	v4 =	vmul.f32 v59, v58;
	v3 =	vadd.f32 v56, v3  }
0x236: {  	v60 =	vmul.f32 v6, v58;
	v61 =	vunpack.i.l.bf16.f32 v55;
	v1 =	vadd.f32 v2, v1  }
0x237: {  	p0 =	sne.s32 s0, $0x3C00;
	v62 =	vunpack.i.u.bf16.f32 v55;
	v5 =	vmul.f32 v61, v0;
	v3 =	vadd.f32 v4, v3  }
.Ltmp1:
0x238: {  	v0 =	vmul.f32 v62, v0;
	v1 =	vadd.f32 v60, v1;
	(pc) =	sbr.rel @p0 .LBB2_5-.Ltmp1, $4  }
0x239: {  	v63 =	vadd.f32 v5, v3  }
0x23a: {  	v0 =	vadd.f32 v0, v1  }
0x23b: {  	[tilespmem:s4+$0xFFFFFFF0] =	vst v63  }
0x23c: {  	s0 =	sadd.s32 $0x400, s0;
	s26 =	sadd.s32 $0x10, s26;
	[tilespmem:s4+$0x0] =	vst v0;
	s4 =	sadd.s32 $0x20, s4  }
0x23d: {  	s0 =	smin.u32 s24, $0xFC  }
0x23e: {  	s4 =	rddreg [dreg:$0x14];
	s0 =	sshll.u32 s0, $0x5  }
0x23f: {  	s0 =	sadd.s32 s0, s4  }
0x240: {  	s4 =	sadd.s32 s3, s0  }
0x241: {  	[tilespmem:s18], [sflag:$0x2] =	stream.linear.gather [hbm4b:s4+s1], $0x100, $0x38;
	[tilespmem:$0x9400] =	vst v63  }
0x242: {  	s31 =	simm.s32 $0xC00;
	s30 =	sadd.s32 s7, s0  }
0x243: {  	[tilespmem:s31], [sflag:$0x2] =	stream.linear.gather [hbm4b:s30+s1], $0x100, $0x38;
	[tilespmem:$0x9400] =	vst v63  }
0x244: {  	s26 =	sadd.s32 s2, s0  }
0x245: {  	[tilespmem:s20], [sflag:$0x2] =	stream.linear.gather [hbm4b:s26+s1], $0x100, $0x38;
	[tilespmem:$0x9400] =	vst v63  }
0x246: {  	s30 =	sadd.s32 s8, s0;
	s31 =	simm.s32 $0xD00  }
0x247: {  	[tilespmem:s31], [sflag:$0x2] =	stream.linear.gather [hbm4b:s30+s1], $0x100, $0x38;
	[tilespmem:$0x9400] =	vst v63  }
0x248: {  	s26 =	sadd.s32 s5, s0  }
0x249: {  	[tilespmem:s23], [sflag:$0x2] =	stream.linear.gather [hbm4b:s26+s1], $0x100, $0x38;
	[tilespmem:$0x9400] =	vst v63  }
0x24a: {  	s19 =	sadd.s32 $0x1, s19;
	s30 =	sadd.s32 s9, s0;
	s31 =	simm.s32 $0xE00  }
0x24b: {  	[tilespmem:s31], [sflag:$0x2] =	stream.linear.gather [hbm4b:s30+s1], $0x100, $0x38;
	[tilespmem:$0x9400] =	vst v63  }
0x24c: {  	p0 =	sne.s32 s19, $0x80;
	s24 =	sadd.s32 s6, s0  }
0x24d: {  	[tilespmem:s25], [sflag:$0x2] =	stream.linear.gather [hbm4b:s24+s1], $0x100, $0x38;
	[tilespmem:$0x9400] =	vst v63  }
.Ltmp2:
0x24e: {  	_ = 	snop;
	(pc) =	sbr.rel @p0 .LBB2_2-.Ltmp2, $4  }
0x24f: {  	s0 =	sadd.s32 s10, s0;
	s26 =	simm.s32 $0xF00  }
0x250: {  	[tilespmem:s26], [sflag:$0x2] =	stream.linear.gather [hbm4b:s0+s1], $0x100, $0x38;
	[tilespmem:$0x9400] =	vst v63  }
0x251: {  	s30 =	sadd.s32 s22, s21;
	s31 =	simm.s32 $0x9200  }
0x252: {  	[hbm4b:s30+s1] =	stream.linear.scatter [tilespmem:s31], [sflag:$0x6], $0x200, $0x38;
	[tilespmem:$0x9400] =	vst v63  }
0x253: {  	_ =	swait.ge [sflag:s13], $0x100  }
0x254: {  	[sflag:s13] =	ssyncset.done $0x0  }
0x255: {  	[sflag:s13] =	ssyncadd.s32 $0xFFFFFF00  }
0x256: {  	_ =	swait.ge [sflag:s13], $0x100  }
0x257: {  	[sflag:s13] =	ssyncset.done $0x0  }
0x258: {  	[sflag:s13] =	ssyncadd.s32 $0xFFFFFF00  }
0x259: {  	_ =	swait.ge [sflag:s13], $0x100  }
0x25a: {  	[sflag:s13] =	ssyncset.done $0x0  }
0x25b: {  	[sflag:s13] =	ssyncadd.s32 $0xFFFFFF00  }
0x25c: {  	_ =	swait.ge [sflag:s13], $0x100  }
0x25d: {  	[sflag:s13] =	ssyncset.done $0x0  }
0x25e: {  	[sflag:s13] =	ssyncadd.s32 $0xFFFFFF00  }
0x25f: {  	_ =	swait.ge [sflag:s13], $0x100  }
0x260: {  	[sflag:s13] =	ssyncset.done $0x0  }
0x261: {  	[sflag:s13] =	ssyncadd.s32 $0xFFFFFF00  }
0x262: {  	_ =	swait.ge [sflag:s13], $0x100  }
0x263: {  	[sflag:s13] =	ssyncset.done $0x0  }
0x264: {  	[sflag:s13] =	ssyncadd.s32 $0xFFFFFF00  }
0x265: {  	_ =	swait.ge [sflag:s13], $0x100  }
0x266: {  	[sflag:s13] =	ssyncset.done $0x0  }
0x267: {  	[sflag:s13] =	ssyncadd.s32 $0xFFFFFF00  }
0x268: {  	_ =	swait.ge [sflag:s13], $0x100  }
0x269: {  	[sflag:s13] =	ssyncset.done $0x0  }
0x26a: {  	[sflag:s13] =	ssyncadd.s32 $0xFFFFFF00  }
0x26b: {  	_ =	swait.ge [sflag:s15], $0x800  }
0x26c: {  	[sflag:s15] =	ssyncset.done $0x0  }
0x26d: {  	[sflag:s15] =	ssyncadd.s32 $0xFFFFF800  }
0x26e: {  	_ =	swait.ge [sflag:s15], $0x800  }
0x26f: {  	[sflag:s15] =	ssyncset.done $0x0  }
0x270: {  	[sflag:s15] =	ssyncadd.s32 $0xFFFFF800  }
0x271: {  	_ =	swait.ge [sflag:s15], $0x800  }
0x272: {  	[sflag:s15] =	ssyncset.done $0x0  }
0x273: {  	[sflag:s15] =	ssyncadd.s32 $0xFFFFF800  }
0x274: {  	_ =	swait.ge [sflag:s15], $0x800  }
0x275: {  	[sflag:s15] =	ssyncset.done $0x0  }
0x276: {  	[sflag:s15] =	ssyncadd.s32 $0xFFFFF800  }
0x277: {  	_ =	swait.ge [sflag:s15], $0x800  }
0x278: {  	[sflag:s15] =	ssyncset.done $0x0  }
0x279: {  	[sflag:s15] =	ssyncadd.s32 $0xFFFFF800  }
0x27a: {  	_ =	swait.ge [sflag:s15], $0x800  }
0x27b: {  	[sflag:s15] =	ssyncset.done $0x0  }
0x27c: {  	[sflag:s15] =	ssyncadd.s32 $0xFFFFF800  }
0x27d: {  	_ =	swait.ge [sflag:s15], $0x800  }
0x27e: {  	[sflag:s15] =	ssyncset.done $0x0  }
0x27f: {  	[sflag:s15] =	ssyncadd.s32 $0xFFFFF800  }
0x280: {  	_ =	swait.ge [sflag:s15], $0x800  }
0x281: {  	[sflag:s15] =	ssyncset.done $0x0  }
0x282: {  	s0 =	simm.s32 $0x5;
	[sflag:s15] =	ssyncadd.s32 $0xFFFFF800  }
0x283: {  	_ =	swait.ge [sflag:s0], $0x200  }
0x284: {  	[sflag:s0] =	ssyncset.done $0x0  }
0x285: {  	s4 =	simm.s32 $0x6;
	[sflag:s0] =	ssyncadd.s32 $0xFFFFFE00  }
0x286: {  	_ =	swait.ge [sflag:s4], $0x200  }
0x287: {  	s19 =	rddreg [dreg:$0x16]  }
0x288: {  	s31 =	rddreg [dreg:$0x15];
	s19 =	sadd.s32 $0x1, s19  }
0x289: {  	p0 =	sne.s32 s19, s31  }
.Ltmp3:
0x28a: {  	_ = 	snop;
	(pc) =	sbr.rel @p0 .LBB2_1-.Ltmp3, $3  }
0x28b: {  	_ =	sdelay $0x1  }
0x28c: {  	[sflag:s4] =	ssyncset.done $0x0  }
0x28d: {  	[sflag:s4] =	ssyncadd.s32 $0xFFFFFE00  }
0x28e: {  	_ =	sfence.sel $0x180000  }
0x28f: {  	[bflag:$0x0] =	sbarrier.arrive $0xFFFF  }
0x290: {  	_ =	strace $0x90000047  }
0x291: {  	s0 =	stileid.u32;
	[bflag:$0x2] =	sbarrier.arrive $0xFFFF  }
0x292: {  	p0 =	sne.s32 s0, $0x0;
	s0 =	rddreg [dreg:$0x2]  }
0x293: {  	s0 =	sadd.s32 @!p0 $0x100000, s0  }
0x294: {  	[sflag:s0] =	ssyncadd.tile.s32 @!p0 $0x1;
	_ =	shalt  }
.Lfunc_end2:
_tile_overlayer_lowered:
.L_overlay_start_2:
0x295: {  	(tag) =	ssettag $0x2  }
0x296: {  	s0 =	rddreg [dreg:$0x0];
	s2 =	stileid.u32  }
0x297: {  	s1 =	rddreg [dreg:$0x1];
	p0 =	sne.s32 s2, $0x0  }
0x298: {  	s3 =	rddreg [dreg:$0x2];
	[bflag:$0x3] =	sbarrier.arrive $0xFFFF;
	s2 =	simm.s32 @!p0 $0x1C07  }
0x299: {  	[timem:s3], [sflag:s2] =	dma.local @!p0 [hbm:s0], s1  }
0x29a: {  	s0 =	simm.s32 @!p0 $0x7  }
0x29b: {  	_ =	swait.ge @!p0 [sflag:s0], s1  }
0x29c: {  	s1 =	ssub.s32 @!p0 $0x0, s1;
	[sflag:s0] =	ssyncset.done @!p0 $0x0  }
0x29d: {  	[sflag:s0] =	ssyncadd.s32 @!p0 s1  }
0x29e: {  	[bflag:$0x3] =	sbarrier.arrive $0xFFFF  }
0x29f: {  	_ =	shalt  }

</sc_bundles>
